<compile_context>
chip_gen: v7x
topology: tpu7x:2x2x1
jax: 0.10.2.dev20260603
libtpu: 0.0.44.dev20260713+nightly
codegen_flags: <defaults>
</compile_context>

<pallas_src>
import dataclasses
import functools

import jax
import jax.numpy as jnp
from jax import lax
from jax.experimental import pallas as pl
from jax.experimental.pallas import tpu as pltpu
from jax.experimental.pallas import tpu_sc as plsc

NC = 2
NS = 16
NW = NC * NS
GRP = 128


def _pack_bf16_pair(lo, hi):
    lo_b = lax.bitcast_convert_type(lo.astype(jnp.bfloat16).astype(jnp.float32),
                                    jnp.int32)
    hi_b = lax.bitcast_convert_type(hi.astype(jnp.bfloat16).astype(jnp.float32),
                                    jnp.int32)
    return lax.shift_right_logical(lo_b, 16) | (hi_b & jnp.int32(-65536))


def _tables_body(src_ref, dst_ref, wst_ref, wdt_ref, b_ref, ts_ref, td_ref):
    Hh = ts_ref.shape[1]
    ts = jnp.dot(src_ref[...], wst_ref[...], preferred_element_type=jnp.float32)
    ts_ref[...] = _pack_bf16_pair(ts[:, :Hh], ts[:, Hh:])
    td = jnp.dot(dst_ref[...], wdt_ref[...],
                 preferred_element_type=jnp.float32) + b_ref[...]
    td_ref[...] = _pack_bf16_pair(td[:, :Hh], td[:, Hh:])


def _edge_body(ef_ref, g_ref, wet_ref, wot_ref, bo_ref, gam_ref, bet_ref,
               out_ref):
    g32 = g_ref[...]
    g_lo = lax.bitcast_convert_type(lax.shift_left(g32, 16), jnp.float32)
    g_hi = lax.bitcast_convert_type(g32 & jnp.int32(-65536), jnp.float32)
    g = jnp.concatenate([g_lo, g_hi], axis=1)
    s = lax.dot_general(ef_ref[...], wet_ref[...],
                        dimension_numbers=(((0,), (0,)), ((), ())),
                        preferred_element_type=jnp.float32) + g
    h = s * jax.nn.sigmoid(s)
    o = jnp.dot(h.astype(jnp.bfloat16), wot_ref[...],
                preferred_element_type=jnp.float32)
    o = o + bo_ref[...]
    mu = jnp.mean(o, axis=-1, keepdims=True)
    var = jnp.mean((o - mu) ** 2, axis=-1, keepdims=True)
    out_ref[...] = ((o - mu) * lax.rsqrt(var + 1e-5)) * gam_ref[...] + bet_ref[...]


def _sc_gather_sum(R_pad, H, steps):
    mesh = plsc.VectorSubcoreMesh(core_axis_name="c", subcore_axis_name="s")
    assert steps % 2 == 0
    cp = pltpu.CompilerParams()
    if "needs_layout_passes" in pltpu.CompilerParams.__dataclass_fields__:
        cp = dataclasses.replace(cp, needs_layout_passes=False,
                                 use_tc_tiling_on_sc=False)

    @functools.partial(
        pl.kernel,
        mesh=mesh,
        compiler_params=cp,
        out_type=jax.ShapeDtypeStruct((R_pad * GRP, H // 2), jnp.int32),
        scratch_types=[
            pltpu.VMEM((steps, GRP), jnp.int32),
            pltpu.VMEM((steps, GRP), jnp.int32),
            pltpu.VMEM((2, GRP, H // 2), jnp.int32),
            pltpu.VMEM((2, GRP, H // 2), jnp.int32),
            pltpu.SemaphoreType.DMA,
            pltpu.SemaphoreType.DMA,
            pltpu.SemaphoreType.DMA,
            pltpu.SemaphoreType.DMA,
            pltpu.SemaphoreType.DMA,
            pltpu.SemaphoreType.DMA,
        ],
    )
    def gather_sum(ts_hbm, td_hbm, si_hbm, di_hbm, g_hbm,
                   si_v, di_v, rs_v, rd_v,
                   gs0, gd0, gs1, gd1, w0, w1):
        wid = lax.axis_index("c") * NS + lax.axis_index("s")
        base = wid * steps
        gsem = (gs0, gs1)
        dsem = (gd0, gd1)
        wsem = (w0, w1)

        pltpu.sync_copy(si_hbm.at[pl.ds(base, steps)], si_v)
        pltpu.sync_copy(di_hbm.at[pl.ds(base, steps)], di_v)

        def issue_gather(t, p):
            pltpu.async_copy(ts_hbm.at[si_v.at[t]], rs_v.at[p], gsem[p])
            pltpu.async_copy(td_hbm.at[di_v.at[t]], rd_v.at[p], dsem[p])

        def wait_gather(p):
            pltpu.make_async_copy(ts_hbm.at[si_v.at[0]], rs_v.at[p],
                                  gsem[p]).wait()
            pltpu.make_async_copy(td_hbm.at[di_v.at[0]], rd_v.at[p],
                                  dsem[p]).wait()

        def wait_write(p):
            pltpu.make_async_copy(rs_v.at[p], g_hbm.at[pl.ds(base * GRP, GRP)],
                                  wsem[p]).wait()

        def add_and_write(t, p):
            @pl.loop(0, GRP)
            def _(i):
                for j in range(H // 32):
                    sl = (p, i, pl.ds(j * 16, 16))
                    a = plsc.bitcast(rs_v[sl], jnp.bfloat16)
                    c = plsc.bitcast(rd_v[sl], jnp.bfloat16)
                    rs_v[sl] = plsc.bitcast(a + c, jnp.int32)

            pltpu.async_copy(rs_v.at[p],
                             g_hbm.at[pl.ds((base + t) * GRP, GRP)], wsem[p])

        issue_gather(0, 0)

        @pl.loop(0, steps, step=2)
        def _(t):
            @pl.when(t >= 2)
            def _():
                wait_write(1)

            issue_gather(t + 1, 1)
            wait_gather(0)
            add_and_write(t, 0)

            @pl.when(t + 2 < steps)
            def _():
                wait_write(0)
                issue_gather(t + 2, 0)

            wait_gather(1)
            add_and_write(t + 1, 1)

        wait_write(0)
        wait_write(1)

    return gather_sum


def kernel(efeat, src_feat, dst_feat, src_idx, dst_idx, W_e, W_s, W_d, b,
           W_out, b_out, gamma, beta):
    E, EF = efeat.shape
    N, D = src_feat.shape
    H = W_s.shape[0]
    OUT = W_out.shape[0]

    NB = 2000
    tables = pl.pallas_call(
        _tables_body,
        grid=(N // NB,),
        in_specs=[
            pl.BlockSpec((NB, D), lambda i: (i, 0)),
            pl.BlockSpec((NB, D), lambda i: (i, 0)),
            pl.BlockSpec((D, H), lambda i: (0, 0)),
            pl.BlockSpec((D, H), lambda i: (0, 0)),
            pl.BlockSpec((1, H), lambda i: (0, 0)),
        ],
        out_specs=[
            pl.BlockSpec((NB, H // 2), lambda i: (i, 0)),
            pl.BlockSpec((NB, H // 2), lambda i: (i, 0)),
        ],
        out_shape=[
            jax.ShapeDtypeStruct((N, H // 2), jnp.int32),
            jax.ShapeDtypeStruct((N, H // 2), jnp.int32),
        ],
    )
    T_s, T_d = tables(src_feat, dst_feat, W_s.T, W_d.T, b.reshape(1, H))

    K = 5
    EC = E // K
    RC = EC // GRP
    steps = 8 * ((RC + 8 * NW - 1) // (8 * NW))
    RCP = NW * steps
    si = src_idx.astype(jnp.int32)
    di = dst_idx.astype(jnp.int32)
    pad = jnp.arange((RCP - RC) * GRP, dtype=jnp.int32) % N

    BE = 3200
    BPC = EC // BE
    sc_call = _sc_gather_sum(RCP, H, steps)
    ef_t = efeat.T
    edge_in_specs = [
        pl.BlockSpec((EF, BE), lambda i: (0, i)),
        pl.BlockSpec((BE, H // 2), lambda i: (i, 0)),
        pl.BlockSpec((EF, H), lambda i: (0, 0)),
        pl.BlockSpec((H, OUT), lambda i: (0, 0)),
        pl.BlockSpec((1, OUT), lambda i: (0, 0)),
        pl.BlockSpec((1, OUT), lambda i: (0, 0)),
        pl.BlockSpec((1, OUT), lambda i: (0, 0)),
    ]
    consts = (W_e.T, W_out.T.astype(jnp.bfloat16), b_out.reshape(1, OUT),
              gamma.reshape(1, OUT), beta.reshape(1, OUT))

    gs = []
    for k in range(K):
        si_k = jnp.concatenate([si[k * EC:(k + 1) * EC], pad]).reshape(RCP, GRP)
        di_k = jnp.concatenate([di[k * EC:(k + 1) * EC], pad]).reshape(RCP, GRP)
        gs.append(sc_call(T_s, T_d, si_k, di_k))

    out = None
    for k in range(K):
        off = k * BPC

        def ef_map(i, off=off):
            return (i + off, 0)

        def ef_t_map(i, off=off):
            return (0, i + off)

        specs = list(edge_in_specs)
        specs[0] = pl.BlockSpec((EF, BE), ef_t_map)
        args = (ef_t, gs[k]) + consts
        if k == 0:
            out = pl.pallas_call(
                _edge_body,
                grid=(BPC,),
                in_specs=specs,
                out_specs=pl.BlockSpec((BE, OUT), ef_map),
                out_shape=jax.ShapeDtypeStruct((E, OUT), jnp.float32),
            )(*args)
        else:
            def edge_alias_body(o_in_ref, *refs):
                _edge_body(*refs)

            out = pl.pallas_call(
                edge_alias_body,
                grid=(BPC,),
                in_specs=[pl.BlockSpec(memory_space=pl.ANY)] + specs,
                out_specs=pl.BlockSpec((BE, OUT), ef_map),
                out_shape=jax.ShapeDtypeStruct((E, OUT), jnp.float32),
                input_output_aliases={0: 0},
            )(out, *args)
    return out

# --- scband reference (transcript-rebuilt; emitter-appended) ---
"""Pipeline reference for scband-truncated-mlp-71863392796798 (READ-ONLY COPY).

The authoritative reference and input builder live on the scoring server;
editing this copy changes nothing except your own understanding.
"""

import jax, jax.numpy as jnp
import numpy as np

E = 320000
N = 10000
EF = 16
D = 128
H = 128
OUT = 128


def setup_inputs(seed: int = 0) -> dict:
    key = jax.random.key(seed)
    ks = jax.random.split(key, 12)
    efeat = jax.random.normal(ks[0], (E, EF), dtype=jnp.float32)
    src_feat = jax.random.normal(ks[1], (N, D), dtype=jnp.float32)
    dst_feat = jax.random.normal(ks[2], (N, D), dtype=jnp.float32)
    src_idx = jax.random.randint(ks[3], (E,), 0, N, dtype=jnp.int64 if jax.config.jax_enable_x64 else jnp.int32)
    dst_idx = jax.random.randint(ks[4], (E,), 0, N, dtype=jnp.int64 if jax.config.jax_enable_x64 else jnp.int32)
    W_e = jax.random.normal(ks[5], (H, EF), dtype=jnp.float32) * 0.05
    W_s = jax.random.normal(ks[6], (H, D), dtype=jnp.float32) * 0.05
    W_d = jax.random.normal(ks[7], (H, D), dtype=jnp.float32) * 0.05
    b = jax.random.normal(ks[8], (H,), dtype=jnp.float32) * 0.05
    W_out = jax.random.normal(ks[9], (OUT, H), dtype=jnp.float32) * 0.05
    b_out = jax.random.normal(ks[10], (OUT,), dtype=jnp.float32) * 0.05
    gamma = jnp.ones((OUT,), dtype=jnp.float32)
    beta = jnp.zeros((OUT,), dtype=jnp.float32)
    return {"efeat": efeat, "src_feat": src_feat, "dst_feat": dst_feat,
            "src_idx": src_idx, "dst_idx": dst_idx,
            "W_e": W_e, "W_s": W_s, "W_d": W_d, "b": b,
            "W_out": W_out, "b_out": b_out, "gamma": gamma, "beta": beta}


def reference(efeat, src_feat, dst_feat, src_idx, dst_idx, W_e, W_s, W_d, b, W_out, b_out, gamma, beta):
    # Truncated MLP: project each input separately, then sum on the edge level
    mlp_efeat = efeat @ W_e.T                      # [E, H]
    mlp_src = src_feat @ W_s.T                     # [N, H]
    mlp_dst = dst_feat @ W_d.T + b                 # [N, H] (bias added once)
    mlp_sum = mlp_efeat + jnp.take(mlp_src, src_idx, axis=0) + jnp.take(mlp_dst, dst_idx, axis=0)
    # model: SiLU -> Linear(H, OUT) -> LayerNorm(OUT)
    h = jax.nn.silu(mlp_sum)
    out = h @ W_out.T + b_out
    mu = jnp.mean(out, axis=-1, keepdims=True)
    var = jnp.var(out, axis=-1, keepdims=True)
    out = (out - mu) / jnp.sqrt(var + 1e-5) * gamma + beta
    return out

if __name__ == "__main__":
    import jax
    _d = setup_inputs()
    print(jax.jit(kernel)(*tuple(_d.values())))

</pallas_src>

<mosaic_0001>
#map = affine_map<(d0, d1) -> (0, 0)>
module attributes {stable_mosaic.version = 14 : i64} {
  func.func @gather_sum(%arg0: i32, %arg1: i32, %arg2: memref<10000x64xi32, #tpu.memory_space<hbm>>, %arg3: memref<10000x64xi32, #tpu.memory_space<hbm>>, %arg4: memref<512x128xi32, #tpu.memory_space<hbm>>, %arg5: memref<512x128xi32, #tpu.memory_space<hbm>>, %arg6: memref<65536x64xi32, #tpu.memory_space<hbm>>, %arg7: memref<16x128xi32, #tpu.memory_space<vmem>>, %arg8: memref<16x128xi32, #tpu.memory_space<vmem>>, %arg9: memref<2x128x64xi32, #tpu.memory_space<vmem>>, %arg10: memref<2x128x64xi32, #tpu.memory_space<vmem>>, %arg11: memref<!tpu.dma_semaphore, #tpu.memory_space<semaphore_mem>>, %arg12: memref<!tpu.dma_semaphore, #tpu.memory_space<semaphore_mem>>, %arg13: memref<!tpu.dma_semaphore, #tpu.memory_space<semaphore_mem>>, %arg14: memref<!tpu.dma_semaphore, #tpu.memory_space<semaphore_mem>>, %arg15: memref<!tpu.dma_semaphore, #tpu.memory_space<semaphore_mem>>, %arg16: memref<!tpu.dma_semaphore, #tpu.memory_space<semaphore_mem>>) attributes {dimension_semantics = [#tpu.dimension_semantics<core_parallel>, #tpu.dimension_semantics<subcore_parallel>], iteration_bounds = array<i64: 2, 16>, scalar_prefetch = 0 : i64, scratch_operands = 10 : i64, tpu.core_type = #tpu.core_type<sc_vector_subcore>, window_params = [{transform_indices = #map}, {transform_indices = #map}, {transform_indices = #map}, {transform_indices = #map}, {transform_indices = #map}]} {
    %mul3A = arith.constant 16 : i32
    %mul3A_0 = arith.muli %arg0, %mul3A : i32
    %add3A = arith.addi %mul3A_0, %arg1 : i32
    %mul3A_1 = arith.constant 16 : i32
    %mul3A_2 = arith.muli %add3A, %mul3A_1 : i32
    "tpu.region"() ({
      %run_scoped3A = tpu.sem_alloc : memref<!tpu.dma_semaphore, #tpu.memory_space<semaphore_mem>>
      %dma_start3A_59 = arith.constant 0 : i32
      %dma_start3A_60 = tpu.memref_slice %arg4[%mul3A_2, %dma_start3A_59] : memref<512x128xi32, #tpu.memory_space<hbm>> -> memref<16x128xi32, #tpu.memory_space<hbm>>
      %dma_start3A_61 = arith.constant 0 : i32
      %dma_start3A_62 = tpu.memref_slice %arg4[%mul3A_2, %dma_start3A_61] : memref<512x128xi32, #tpu.memory_space<hbm>> -> memref<16x128xi32, #tpu.memory_space<hbm>>
      tpu.enqueue_dma source(%dma_start3A_62 : memref<16x128xi32, #tpu.memory_space<hbm>>) target(%arg7 : memref<16x128xi32, #tpu.memory_space<vmem>>) target_semaphore(%run_scoped3A : memref<!tpu.dma_semaphore, #tpu.memory_space<semaphore_mem>>)
      %dma_wait3A_63 = arith.constant 0 : i32
      %dma_wait3A_64 = tpu.memref_slice %arg4[%mul3A_2, %dma_wait3A_63] : memref<512x128xi32, #tpu.memory_space<hbm>> -> memref<16x128xi32, #tpu.memory_space<hbm>>
      %dma_wait3A_65 = arith.constant 0 : i32
      %dma_wait3A_66 = tpu.memref_slice %arg4[%mul3A_2, %dma_wait3A_65] : memref<512x128xi32, #tpu.memory_space<hbm>> -> memref<16x128xi32, #tpu.memory_space<hbm>>
      tpu.wait_dma2 semaphore(%run_scoped3A : memref<!tpu.dma_semaphore, #tpu.memory_space<semaphore_mem>>) src(%dma_wait3A_66 : memref<16x128xi32, #tpu.memory_space<hbm>>) dst(%arg7 : memref<16x128xi32, #tpu.memory_space<vmem>>)
      tpu.yield
    }) : () -> ()
    "tpu.region"() ({
      %run_scoped3A = tpu.sem_alloc : memref<!tpu.dma_semaphore, #tpu.memory_space<semaphore_mem>>
      %dma_start3A_59 = arith.constant 0 : i32
      %dma_start3A_60 = tpu.memref_slice %arg5[%mul3A_2, %dma_start3A_59] : memref<512x128xi32, #tpu.memory_space<hbm>> -> memref<16x128xi32, #tpu.memory_space<hbm>>
      %dma_start3A_61 = arith.constant 0 : i32
      %dma_start3A_62 = tpu.memref_slice %arg5[%mul3A_2, %dma_start3A_61] : memref<512x128xi32, #tpu.memory_space<hbm>> -> memref<16x128xi32, #tpu.memory_space<hbm>>
      tpu.enqueue_dma source(%dma_start3A_62 : memref<16x128xi32, #tpu.memory_space<hbm>>) target(%arg8 : memref<16x128xi32, #tpu.memory_space<vmem>>) target_semaphore(%run_scoped3A : memref<!tpu.dma_semaphore, #tpu.memory_space<semaphore_mem>>)
      %dma_wait3A_63 = arith.constant 0 : i32
      %dma_wait3A_64 = tpu.memref_slice %arg5[%mul3A_2, %dma_wait3A_63] : memref<512x128xi32, #tpu.memory_space<hbm>> -> memref<16x128xi32, #tpu.memory_space<hbm>>
      %dma_wait3A_65 = arith.constant 0 : i32
      %dma_wait3A_66 = tpu.memref_slice %arg5[%mul3A_2, %dma_wait3A_65] : memref<512x128xi32, #tpu.memory_space<hbm>> -> memref<16x128xi32, #tpu.memory_space<hbm>>
      tpu.wait_dma2 semaphore(%run_scoped3A : memref<!tpu.dma_semaphore, #tpu.memory_space<semaphore_mem>>) src(%dma_wait3A_66 : memref<16x128xi32, #tpu.memory_space<hbm>>) dst(%arg8 : memref<16x128xi32, #tpu.memory_space<vmem>>)
      tpu.yield
    }) : () -> ()
    %dma_start3A = arith.constant 0 : i32
    %dma_start3A_3 = arith.constant 0 : i32
    %dma_start3A_4 = arith.constant 0 : i32
    %dma_start3A_5 = arith.constant 0 : i32
    %dma_start3A_6 = tpu.memref_slice %arg9[%dma_start3A_3, %dma_start3A_4, %dma_start3A_5] : memref<2x128x64xi32, #tpu.memory_space<vmem>> -> memref<1x128x64xi32, #tpu.memory_space<vmem>>
    %dma_start3A_7 = tpu.memref_squeeze %dma_start3A_6 : memref<1x128x64xi32, #tpu.memory_space<vmem>> -> memref<128x64xi32, #tpu.memory_space<vmem>>
    %dma_start3A_8 = arith.constant 0 : i32
    %dma_start3A_9 = tpu.memref_slice %arg7[%dma_start3A, %dma_start3A_8] : memref<16x128xi32, #tpu.memory_space<vmem>> -> memref<1x128xi32, #tpu.memory_space<vmem>>
    %dma_start3A_10 = tpu.memref_squeeze %dma_start3A_9 : memref<1x128xi32, #tpu.memory_space<vmem>> -> memref<128xi32, #tpu.memory_space<vmem>>
    %dma_start3A_11 = arith.constant 0 : i32
    %dma_start3A_12 = arith.constant 0 : i32
    %dma_start3A_13 = tpu.memref_slice %arg2[%dma_start3A_11, %dma_start3A_12] : memref<10000x64xi32, #tpu.memory_space<hbm>> -> memref<10000x64xi32, #tpu.memory_space<hbm>>
    tpu.enqueue_indirect_dma source(%dma_start3A_13 : memref<10000x64xi32, #tpu.memory_space<hbm>>) target(%dma_start3A_7 : memref<128x64xi32, #tpu.memory_space<vmem>>) offsets(%dma_start3A_10 : memref<128xi32, #tpu.memory_space<vmem>>) semaphore(%arg11 : memref<!tpu.dma_semaphore, #tpu.memory_space<semaphore_mem>>)
    %dma_start3A_14 = arith.constant 0 : i32
    %dma_start3A_15 = arith.constant 0 : i32
    %dma_start3A_16 = arith.constant 0 : i32
    %dma_start3A_17 = arith.constant 0 : i32
    %dma_start3A_18 = tpu.memref_slice %arg10[%dma_start3A_15, %dma_start3A_16, %dma_start3A_17] : memref<2x128x64xi32, #tpu.memory_space<vmem>> -> memref<1x128x64xi32, #tpu.memory_space<vmem>>
    %dma_start3A_19 = tpu.memref_squeeze %dma_start3A_18 : memref<1x128x64xi32, #tpu.memory_space<vmem>> -> memref<128x64xi32, #tpu.memory_space<vmem>>
    %dma_start3A_20 = arith.constant 0 : i32
    %dma_start3A_21 = tpu.memref_slice %arg8[%dma_start3A_14, %dma_start3A_20] : memref<16x128xi32, #tpu.memory_space<vmem>> -> memref<1x128xi32, #tpu.memory_space<vmem>>
    %dma_start3A_22 = tpu.memref_squeeze %dma_start3A_21 : memref<1x128xi32, #tpu.memory_space<vmem>> -> memref<128xi32, #tpu.memory_space<vmem>>
    %dma_start3A_23 = arith.constant 0 : i32
    %dma_start3A_24 = arith.constant 0 : i32
    %dma_start3A_25 = tpu.memref_slice %arg3[%dma_start3A_23, %dma_start3A_24] : memref<10000x64xi32, #tpu.memory_space<hbm>> -> memref<10000x64xi32, #tpu.memory_space<hbm>>
    tpu.enqueue_indirect_dma source(%dma_start3A_25 : memref<10000x64xi32, #tpu.memory_space<hbm>>) target(%dma_start3A_19 : memref<128x64xi32, #tpu.memory_space<vmem>>) offsets(%dma_start3A_22 : memref<128xi32, #tpu.memory_space<vmem>>) semaphore(%arg12 : memref<!tpu.dma_semaphore, #tpu.memory_space<semaphore_mem>>)
    %scan3A = arith.constant 0 : i32
    %scan3A_26 = arith.constant 8 : i32
    %scan3A_27 = arith.addi %scan3A, %scan3A_26 : i32
    %scan3A_28 = arith.constant 1 : i32
    scf.for %scan3A_59 = %scan3A to %scan3A_27 step %scan3A_28  : i32 {
      %mul3A_60 = arith.constant 2 : i32
      %mul3A_61 = arith.muli %scan3A_59, %mul3A_60 : i32
      %add3A_62 = arith.constant 0 : i32
      %add3A_63 = arith.addi %add3A_62, %mul3A_61 : i32
      %ge3A = arith.constant 2 : i32
      %ge3A_64 = arith.cmpi sge, %add3A_63, %ge3A : i32
      %convert_element_type3A = arith.extui %ge3A_64 : i1 to i32
      %cond3A = arith.constant 0 : i32
      %cond3A_65 = arith.cmpi ne, %convert_element_type3A, %cond3A : i32
      scf.if %cond3A_65 {
        %mul3A_188 = arith.constant 128 : i32
        %mul3A_189 = arith.muli %mul3A_2, %mul3A_188 : i32
        %dma_wait3A_190 = arith.constant 1 : i32
        %dma_wait3A_191 = arith.constant 0 : i32
        %dma_wait3A_192 = arith.constant 0 : i32
        %dma_wait3A_193 = tpu.memref_slice %arg9[%dma_wait3A_190, %dma_wait3A_191, %dma_wait3A_192] : memref<2x128x64xi32, #tpu.memory_space<vmem>> -> memref<1x128x64xi32, #tpu.memory_space<vmem>>
        %dma_wait3A_194 = tpu.memref_squeeze %dma_wait3A_193 : memref<1x128x64xi32, #tpu.memory_space<vmem>> -> memref<128x64xi32, #tpu.memory_space<vmem>>
        %dma_wait3A_195 = arith.constant 0 : i32
        %dma_wait3A_196 = tpu.memref_slice %arg6[%mul3A_189, %dma_wait3A_195] : memref<65536x64xi32, #tpu.memory_space<hbm>> -> memref<128x64xi32, #tpu.memory_space<hbm>>
        %dma_wait3A_197 = arith.constant 0 : i32
        %dma_wait3A_198 = tpu.memref_slice %arg6[%mul3A_189, %dma_wait3A_197] : memref<65536x64xi32, #tpu.memory_space<hbm>> -> memref<128x64xi32, #tpu.memory_space<hbm>>
        %dma_wait3A_199 = arith.constant 0 : i32
        %dma_wait3A_200 = arith.constant 0 : i32
        %dma_wait3A_201 = tpu.memref_slice %arg9[%dma_wait3A_190, %dma_wait3A_199, %dma_wait3A_200] : memref<2x128x64xi32, #tpu.memory_space<vmem>> -> memref<1x128x64xi32, #tpu.memory_space<vmem>>
        %dma_wait3A_202 = tpu.memref_squeeze %dma_wait3A_201 : memref<1x128x64xi32, #tpu.memory_space<vmem>> -> memref<128x64xi32, #tpu.memory_space<vmem>>
        tpu.wait_dma2 semaphore(%arg16 : memref<!tpu.dma_semaphore, #tpu.memory_space<semaphore_mem>>) src(%dma_wait3A_202 : memref<128x64xi32, #tpu.memory_space<vmem>>) dst(%dma_wait3A_198 : memref<128x64xi32, #tpu.memory_space<hbm>>)
      } else {
      }
      %add3A_66 = arith.constant 1 : i32
      %add3A_67 = arith.addi %add3A_63, %add3A_66 : i32
      %dma_start3A_68 = arith.constant 1 : i32
      %dma_start3A_69 = arith.constant 0 : i32
      %dma_start3A_70 = arith.constant 0 : i32
      %dma_start3A_71 = tpu.memref_slice %arg9[%dma_start3A_68, %dma_start3A_69, %dma_start3A_70] : memref<2x128x64xi32, #tpu.memory_space<vmem>> -> memref<1x128x64xi32, #tpu.memory_space<vmem>>
      %dma_start3A_72 = tpu.memref_squeeze %dma_start3A_71 : memref<1x128x64xi32, #tpu.memory_space<vmem>> -> memref<128x64xi32, #tpu.memory_space<vmem>>
      %dma_start3A_73 = arith.constant 0 : i32
      %dma_start3A_74 = tpu.memref_slice %arg7[%add3A_67, %dma_start3A_73] : memref<16x128xi32, #tpu.memory_space<vmem>> -> memref<1x128xi32, #tpu.memory_space<vmem>>
      %dma_start3A_75 = tpu.memref_squeeze %dma_start3A_74 : memref<1x128xi32, #tpu.memory_space<vmem>> -> memref<128xi32, #tpu.memory_space<vmem>>
      %dma_start3A_76 = arith.constant 0 : i32
      %dma_start3A_77 = arith.constant 0 : i32
      %dma_start3A_78 = tpu.memref_slice %arg2[%dma_start3A_76, %dma_start3A_77] : memref<10000x64xi32, #tpu.memory_space<hbm>> -> memref<10000x64xi32, #tpu.memory_space<hbm>>
      tpu.enqueue_indirect_dma source(%dma_start3A_78 : memref<10000x64xi32, #tpu.memory_space<hbm>>) target(%dma_start3A_72 : memref<128x64xi32, #tpu.memory_space<vmem>>) offsets(%dma_start3A_75 : memref<128xi32, #tpu.memory_space<vmem>>) semaphore(%arg13 : memref<!tpu.dma_semaphore, #tpu.memory_space<semaphore_mem>>)
      %dma_start3A_79 = arith.constant 1 : i32
      %dma_start3A_80 = arith.constant 0 : i32
      %dma_start3A_81 = arith.constant 0 : i32
      %dma_start3A_82 = tpu.memref_slice %arg10[%dma_start3A_79, %dma_start3A_80, %dma_start3A_81] : memref<2x128x64xi32, #tpu.memory_space<vmem>> -> memref<1x128x64xi32, #tpu.memory_space<vmem>>
      %dma_start3A_83 = tpu.memref_squeeze %dma_start3A_82 : memref<1x128x64xi32, #tpu.memory_space<vmem>> -> memref<128x64xi32, #tpu.memory_space<vmem>>
      %dma_start3A_84 = arith.constant 0 : i32
      %dma_start3A_85 = tpu.memref_slice %arg8[%add3A_67, %dma_start3A_84] : memref<16x128xi32, #tpu.memory_space<vmem>> -> memref<1x128xi32, #tpu.memory_space<vmem>>
      %dma_start3A_86 = tpu.memref_squeeze %dma_start3A_85 : memref<1x128xi32, #tpu.memory_space<vmem>> -> memref<128xi32, #tpu.memory_space<vmem>>
      %dma_start3A_87 = arith.constant 0 : i32
      %dma_start3A_88 = arith.constant 0 : i32
      %dma_start3A_89 = tpu.memref_slice %arg3[%dma_start3A_87, %dma_start3A_88] : memref<10000x64xi32, #tpu.memory_space<hbm>> -> memref<10000x64xi32, #tpu.memory_space<hbm>>
      tpu.enqueue_indirect_dma source(%dma_start3A_89 : memref<10000x64xi32, #tpu.memory_space<hbm>>) target(%dma_start3A_83 : memref<128x64xi32, #tpu.memory_space<vmem>>) offsets(%dma_start3A_86 : memref<128xi32, #tpu.memory_space<vmem>>) semaphore(%arg14 : memref<!tpu.dma_semaphore, #tpu.memory_space<semaphore_mem>>)
      %dma_wait3A_90 = arith.constant 0 : i32
      %dma_wait3A_91 = arith.constant 0 : i32
      %dma_wait3A_92 = arith.constant 0 : i32
      %dma_wait3A_93 = arith.constant 0 : i32
      %dma_wait3A_94 = tpu.memref_slice %arg9[%dma_wait3A_91, %dma_wait3A_92, %dma_wait3A_93] : memref<2x128x64xi32, #tpu.memory_space<vmem>> -> memref<1x128x64xi32, #tpu.memory_space<vmem>>
      %dma_wait3A_95 = tpu.memref_squeeze %dma_wait3A_94 : memref<1x128x64xi32, #tpu.memory_space<vmem>> -> memref<128x64xi32, #tpu.memory_space<vmem>>
      %dma_wait3A_96 = arith.constant 0 : i32
      %dma_wait3A_97 = tpu.memref_slice %arg7[%dma_wait3A_90, %dma_wait3A_96] : memref<16x128xi32, #tpu.memory_space<vmem>> -> memref<1x128xi32, #tpu.memory_space<vmem>>
      %dma_wait3A_98 = tpu.memref_squeeze %dma_wait3A_97 : memref<1x128xi32, #tpu.memory_space<vmem>> -> memref<128xi32, #tpu.memory_space<vmem>>
      %dma_wait3A_99 = arith.constant 0 : i32
      %dma_wait3A_100 = arith.constant 0 : i32
      %dma_wait3A_101 = tpu.memref_slice %arg2[%dma_wait3A_99, %dma_wait3A_100] : memref<10000x64xi32, #tpu.memory_space<hbm>> -> memref<10000x64xi32, #tpu.memory_space<hbm>>
      tpu.wait_indirect_dma semaphore(%arg11 : memref<!tpu.dma_semaphore, #tpu.memory_space<semaphore_mem>>) src(%dma_wait3A_101 : memref<10000x64xi32, #tpu.memory_space<hbm>>) dst(%dma_wait3A_95 : memref<128x64xi32, #tpu.memory_space<vmem>>)
      %dma_wait3A_102 = arith.constant 0 : i32
      %dma_wait3A_103 = arith.constant 0 : i32
      %dma_wait3A_104 = arith.constant 0 : i32
      %dma_wait3A_105 = arith.constant 0 : i32
      %dma_wait3A_106 = tpu.memref_slice %arg10[%dma_wait3A_103, %dma_wait3A_104, %dma_wait3A_105] : memref<2x128x64xi32, #tpu.memory_space<vmem>> -> memref<1x128x64xi32, #tpu.memory_space<vmem>>
      %dma_wait3A_107 = tpu.memref_squeeze %dma_wait3A_106 : memref<1x128x64xi32, #tpu.memory_space<vmem>> -> memref<128x64xi32, #tpu.memory_space<vmem>>
      %dma_wait3A_108 = arith.constant 0 : i32
      %dma_wait3A_109 = tpu.memref_slice %arg8[%dma_wait3A_102, %dma_wait3A_108] : memref<16x128xi32, #tpu.memory_space<vmem>> -> memref<1x128xi32, #tpu.memory_space<vmem>>
      %dma_wait3A_110 = tpu.memref_squeeze %dma_wait3A_109 : memref<1x128xi32, #tpu.memory_space<vmem>> -> memref<128xi32, #tpu.memory_space<vmem>>
      %dma_wait3A_111 = arith.constant 0 : i32
      %dma_wait3A_112 = arith.constant 0 : i32
      %dma_wait3A_113 = tpu.memref_slice %arg3[%dma_wait3A_111, %dma_wait3A_112] : memref<10000x64xi32, #tpu.memory_space<hbm>> -> memref<10000x64xi32, #tpu.memory_space<hbm>>
      tpu.wait_indirect_dma semaphore(%arg12 : memref<!tpu.dma_semaphore, #tpu.memory_space<semaphore_mem>>) src(%dma_wait3A_113 : memref<10000x64xi32, #tpu.memory_space<hbm>>) dst(%dma_wait3A_107 : memref<128x64xi32, #tpu.memory_space<vmem>>)
      %scan3A_114 = arith.constant 0 : i32
      %scan3A_115 = arith.constant 128 : i32
      %scan3A_116 = arith.addi %scan3A_114, %scan3A_115 : i32
      %scan3A_117 = arith.constant 1 : i32
      scf.for %scan3A_188 = %scan3A_114 to %scan3A_116 step %scan3A_117  : i32 {
        %mul3A_189 = arith.constant 1 : i32
        %mul3A_190 = arith.muli %scan3A_188, %mul3A_189 : i32
        %add3A_191 = arith.constant 0 : i32
        %add3A_192 = arith.addi %add3A_191, %mul3A_190 : i32
        %get3A = arith.constant 0 : i32
        %get3A_193 = arith.index_cast %get3A : i32 to index
        %get3A_194 = arith.index_cast %add3A_192 : i32 to index
        %get3A_195 = arith.constant 0 : index
        %get3A_196 = tpu.vector_load %arg9[%get3A_193, %get3A_194, %get3A_195] {strides = array<i32>} : memref<2x128x64xi32, #tpu.memory_space<vmem>>, vector<16xi32>,
        %bitcast3A = vector.bitcast %get3A_196 : vector<16xi32> to vector<32xbf16>
        %get3A_197 = arith.constant 0 : i32
        %get3A_198 = arith.index_cast %get3A_197 : i32 to index
        %get3A_199 = arith.index_cast %add3A_192 : i32 to index
        %get3A_200 = arith.constant 0 : index
        %get3A_201 = tpu.vector_load %arg10[%get3A_198, %get3A_199, %get3A_200] {strides = array<i32>} : memref<2x128x64xi32, #tpu.memory_space<vmem>>, vector<16xi32>,
        %bitcast3A_202 = vector.bitcast %get3A_201 : vector<16xi32> to vector<32xbf16>
        %add3A_203 = arith.addf %bitcast3A, %bitcast3A_202 : vector<32xbf16>
        %bitcast3A_204 = vector.bitcast %add3A_203 : vector<32xbf16> to vector<16xi32>
        %swap3A = arith.constant 0 : i32
        %swap3A_205 = arith.index_cast %swap3A : i32 to index
        %swap3A_206 = arith.index_cast %add3A_192 : i32 to index
        %swap3A_207 = arith.constant 0 : index
        %swap3A_208 = tpu.vector_load %arg9[%swap3A_205, %swap3A_206, %swap3A_207] {strides = array<i32>} : memref<2x128x64xi32, #tpu.memory_space<vmem>>, vector<16xi32>,
        tpu.vector_store %arg9[%swap3A_205, %swap3A_206, %swap3A_207], %bitcast3A_204 {strides = array<i32>} : memref<2x128x64xi32, #tpu.memory_space<vmem>>, vector<16xi32>,
        %get3A_209 = arith.constant 0 : i32
        %get3A_210 = arith.index_cast %get3A_209 : i32 to index
        %get3A_211 = arith.index_cast %add3A_192 : i32 to index
        %get3A_212 = arith.constant 16 : index
        %get3A_213 = tpu.vector_load %arg9[%get3A_210, %get3A_211, %get3A_212] {strides = array<i32>} : memref<2x128x64xi32, #tpu.memory_space<vmem>>, vector<16xi32>,
        %bitcast3A_214 = vector.bitcast %get3A_213 : vector<16xi32> to vector<32xbf16>
        %get3A_215 = arith.constant 0 : i32
        %get3A_216 = arith.index_cast %get3A_215 : i32 to index
        %get3A_217 = arith.index_cast %add3A_192 : i32 to index
        %get3A_218 = arith.constant 16 : index
        %get3A_219 = tpu.vector_load %arg10[%get3A_216, %get3A_217, %get3A_218] {strides = array<i32>} : memref<2x128x64xi32, #tpu.memory_space<vmem>>, vector<16xi32>,
        %bitcast3A_220 = vector.bitcast %get3A_219 : vector<16xi32> to vector<32xbf16>
        %add3A_221 = arith.addf %bitcast3A_214, %bitcast3A_220 : vector<32xbf16>
        %bitcast3A_222 = vector.bitcast %add3A_221 : vector<32xbf16> to vector<16xi32>
        %swap3A_223 = arith.constant 0 : i32
        %swap3A_224 = arith.index_cast %swap3A_223 : i32 to index
        %swap3A_225 = arith.index_cast %add3A_192 : i32 to index
        %swap3A_226 = arith.constant 16 : index
        %swap3A_227 = tpu.vector_load %arg9[%swap3A_224, %swap3A_225, %swap3A_226] {strides = array<i32>} : memref<2x128x64xi32, #tpu.memory_space<vmem>>, vector<16xi32>,
        tpu.vector_store %arg9[%swap3A_224, %swap3A_225, %swap3A_226], %bitcast3A_222 {strides = array<i32>} : memref<2x128x64xi32, #tpu.memory_space<vmem>>, vector<16xi32>,
        %get3A_228 = arith.constant 0 : i32
        %get3A_229 = arith.index_cast %get3A_228 : i32 to index
        %get3A_230 = arith.index_cast %add3A_192 : i32 to index
        %get3A_231 = arith.constant 32 : index
        %get3A_232 = tpu.vector_load %arg9[%get3A_229, %get3A_230, %get3A_231] {strides = array<i32>} : memref<2x128x64xi32, #tpu.memory_space<vmem>>, vector<16xi32>,
        %bitcast3A_233 = vector.bitcast %get3A_232 : vector<16xi32> to vector<32xbf16>
        %get3A_234 = arith.constant 0 : i32
        %get3A_235 = arith.index_cast %get3A_234 : i32 to index
        %get3A_236 = arith.index_cast %add3A_192 : i32 to index
        %get3A_237 = arith.constant 32 : index
        %get3A_238 = tpu.vector_load %arg10[%get3A_235, %get3A_236, %get3A_237] {strides = array<i32>} : memref<2x128x64xi32, #tpu.memory_space<vmem>>, vector<16xi32>,
        %bitcast3A_239 = vector.bitcast %get3A_238 : vector<16xi32> to vector<32xbf16>
        %add3A_240 = arith.addf %bitcast3A_233, %bitcast3A_239 : vector<32xbf16>
        %bitcast3A_241 = vector.bitcast %add3A_240 : vector<32xbf16> to vector<16xi32>
        %swap3A_242 = arith.constant 0 : i32
        %swap3A_243 = arith.index_cast %swap3A_242 : i32 to index
        %swap3A_244 = arith.index_cast %add3A_192 : i32 to index
        %swap3A_245 = arith.constant 32 : index
        %swap3A_246 = tpu.vector_load %arg9[%swap3A_243, %swap3A_244, %swap3A_245] {strides = array<i32>} : memref<2x128x64xi32, #tpu.memory_space<vmem>>, vector<16xi32>,
        tpu.vector_store %arg9[%swap3A_243, %swap3A_244, %swap3A_245], %bitcast3A_241 {strides = array<i32>} : memref<2x128x64xi32, #tpu.memory_space<vmem>>, vector<16xi32>,
        %get3A_247 = arith.constant 0 : i32
        %get3A_248 = arith.index_cast %get3A_247 : i32 to index
        %get3A_249 = arith.index_cast %add3A_192 : i32 to index
        %get3A_250 = arith.constant 48 : index
        %get3A_251 = tpu.vector_load %arg9[%get3A_248, %get3A_249, %get3A_250] {strides = array<i32>} : memref<2x128x64xi32, #tpu.memory_space<vmem>>, vector<16xi32>,
        %bitcast3A_252 = vector.bitcast %get3A_251 : vector<16xi32> to vector<32xbf16>
        %get3A_253 = arith.constant 0 : i32
        %get3A_254 = arith.index_cast %get3A_253 : i32 to index
        %get3A_255 = arith.index_cast %add3A_192 : i32 to index
        %get3A_256 = arith.constant 48 : index
        %get3A_257 = tpu.vector_load %arg10[%get3A_254, %get3A_255, %get3A_256] {strides = array<i32>} : memref<2x128x64xi32, #tpu.memory_space<vmem>>, vector<16xi32>,
        %bitcast3A_258 = vector.bitcast %get3A_257 : vector<16xi32> to vector<32xbf16>
        %add3A_259 = arith.addf %bitcast3A_252, %bitcast3A_258 : vector<32xbf16>
        %bitcast3A_260 = vector.bitcast %add3A_259 : vector<32xbf16> to vector<16xi32>
        %swap3A_261 = arith.constant 0 : i32
        %swap3A_262 = arith.index_cast %swap3A_261 : i32 to index
        %swap3A_263 = arith.index_cast %add3A_192 : i32 to index
        %swap3A_264 = arith.constant 48 : index
        %swap3A_265 = tpu.vector_load %arg9[%swap3A_262, %swap3A_263, %swap3A_264] {strides = array<i32>} : memref<2x128x64xi32, #tpu.memory_space<vmem>>, vector<16xi32>,
        tpu.vector_store %arg9[%swap3A_262, %swap3A_263, %swap3A_264], %bitcast3A_260 {strides = array<i32>} : memref<2x128x64xi32, #tpu.memory_space<vmem>>, vector<16xi32>,
      }
      %scan3A_118 = arith.constant 128 : i32
      %add3A_119 = arith.addi %mul3A_2, %add3A_63 : i32
      %mul3A_120 = arith.constant 128 : i32
      %mul3A_121 = arith.muli %add3A_119, %mul3A_120 : i32
      %dma_start3A_122 = arith.constant 0 : i32
      %dma_start3A_123 = arith.constant 0 : i32
      %dma_start3A_124 = arith.constant 0 : i32
      %dma_start3A_125 = tpu.memref_slice %arg9[%dma_start3A_122, %dma_start3A_123, %dma_start3A_124] : memref<2x128x64xi32, #tpu.memory_space<vmem>> -> memref<1x128x64xi32, #tpu.memory_space<vmem>>
      %dma_start3A_126 = tpu.memref_squeeze %dma_start3A_125 : memref<1x128x64xi32, #tpu.memory_space<vmem>> -> memref<128x64xi32, #tpu.memory_space<vmem>>
      %dma_start3A_127 = arith.constant 0 : i32
      %dma_start3A_128 = tpu.memref_slice %arg6[%mul3A_121, %dma_start3A_127] : memref<65536x64xi32, #tpu.memory_space<hbm>> -> memref<128x64xi32, #tpu.memory_space<hbm>>
      %dma_start3A_129 = arith.constant 0 : i32
      %dma_start3A_130 = tpu.memref_slice %arg6[%mul3A_121, %dma_start3A_129] : memref<65536x64xi32, #tpu.memory_space<hbm>> -> memref<128x64xi32, #tpu.memory_space<hbm>>
      %dma_start3A_131 = arith.constant 0 : i32
      %dma_start3A_132 = arith.constant 0 : i32
      %dma_start3A_133 = tpu.memref_slice %arg9[%dma_start3A_122, %dma_start3A_131, %dma_start3A_132] : memref<2x128x64xi32, #tpu.memory_space<vmem>> -> memref<1x128x64xi32, #tpu.memory_space<vmem>>
      %dma_start3A_134 = tpu.memref_squeeze %dma_start3A_133 : memref<1x128x64xi32, #tpu.memory_space<vmem>> -> memref<128x64xi32, #tpu.memory_space<vmem>>
      tpu.enqueue_dma source(%dma_start3A_134 : memref<128x64xi32, #tpu.memory_space<vmem>>) target(%dma_start3A_130 : memref<128x64xi32, #tpu.memory_space<hbm>>) target_semaphore(%arg15 : memref<!tpu.dma_semaphore, #tpu.memory_space<semaphore_mem>>)
      %add3A_135 = arith.constant 2 : i32
      %add3A_136 = arith.addi %add3A_63, %add3A_135 : i32
      %lt3A = arith.constant 16 : i32
      %lt3A_137 = arith.cmpi slt, %add3A_136, %lt3A : i32
      %convert_element_type3A_138 = arith.extui %lt3A_137 : i1 to i32
      %cond3A_139 = arith.constant 0 : i32
      %cond3A_140 = arith.cmpi ne, %convert_element_type3A_138, %cond3A_139 : i32
      scf.if %cond3A_140 {
        %mul3A_188 = arith.constant 128 : i32
        %mul3A_189 = arith.muli %mul3A_2, %mul3A_188 : i32
        %dma_wait3A_190 = arith.constant 0 : i32
        %dma_wait3A_191 = arith.constant 0 : i32
        %dma_wait3A_192 = arith.constant 0 : i32
        %dma_wait3A_193 = tpu.memref_slice %arg9[%dma_wait3A_190, %dma_wait3A_191, %dma_wait3A_192] : memref<2x128x64xi32, #tpu.memory_space<vmem>> -> memref<1x128x64xi32, #tpu.memory_space<vmem>>
        %dma_wait3A_194 = tpu.memref_squeeze %dma_wait3A_193 : memref<1x128x64xi32, #tpu.memory_space<vmem>> -> memref<128x64xi32, #tpu.memory_space<vmem>>
        %dma_wait3A_195 = arith.constant 0 : i32
        %dma_wait3A_196 = tpu.memref_slice %arg6[%mul3A_189, %dma_wait3A_195] : memref<65536x64xi32, #tpu.memory_space<hbm>> -> memref<128x64xi32, #tpu.memory_space<hbm>>
        %dma_wait3A_197 = arith.constant 0 : i32
        %dma_wait3A_198 = tpu.memref_slice %arg6[%mul3A_189, %dma_wait3A_197] : memref<65536x64xi32, #tpu.memory_space<hbm>> -> memref<128x64xi32, #tpu.memory_space<hbm>>
        %dma_wait3A_199 = arith.constant 0 : i32
        %dma_wait3A_200 = arith.constant 0 : i32
        %dma_wait3A_201 = tpu.memref_slice %arg9[%dma_wait3A_190, %dma_wait3A_199, %dma_wait3A_200] : memref<2x128x64xi32, #tpu.memory_space<vmem>> -> memref<1x128x64xi32, #tpu.memory_space<vmem>>
        %dma_wait3A_202 = tpu.memref_squeeze %dma_wait3A_201 : memref<1x128x64xi32, #tpu.memory_space<vmem>> -> memref<128x64xi32, #tpu.memory_space<vmem>>
        tpu.wait_dma2 semaphore(%arg15 : memref<!tpu.dma_semaphore, #tpu.memory_space<semaphore_mem>>) src(%dma_wait3A_202 : memref<128x64xi32, #tpu.memory_space<vmem>>) dst(%dma_wait3A_198 : memref<128x64xi32, #tpu.memory_space<hbm>>)
        %add3A_203 = arith.constant 2 : i32
        %add3A_204 = arith.addi %add3A_63, %add3A_203 : i32
        %dma_start3A_205 = arith.constant 0 : i32
        %dma_start3A_206 = arith.constant 0 : i32
        %dma_start3A_207 = arith.constant 0 : i32
        %dma_start3A_208 = tpu.memref_slice %arg9[%dma_start3A_205, %dma_start3A_206, %dma_start3A_207] : memref<2x128x64xi32, #tpu.memory_space<vmem>> -> memref<1x128x64xi32, #tpu.memory_space<vmem>>
        %dma_start3A_209 = tpu.memref_squeeze %dma_start3A_208 : memref<1x128x64xi32, #tpu.memory_space<vmem>> -> memref<128x64xi32, #tpu.memory_space<vmem>>
        %dma_start3A_210 = arith.constant 0 : i32
        %dma_start3A_211 = tpu.memref_slice %arg7[%add3A_204, %dma_start3A_210] : memref<16x128xi32, #tpu.memory_space<vmem>> -> memref<1x128xi32, #tpu.memory_space<vmem>>
        %dma_start3A_212 = tpu.memref_squeeze %dma_start3A_211 : memref<1x128xi32, #tpu.memory_space<vmem>> -> memref<128xi32, #tpu.memory_space<vmem>>
        %dma_start3A_213 = arith.constant 0 : i32
        %dma_start3A_214 = arith.constant 0 : i32
        %dma_start3A_215 = tpu.memref_slice %arg2[%dma_start3A_213, %dma_start3A_214] : memref<10000x64xi32, #tpu.memory_space<hbm>> -> memref<10000x64xi32, #tpu.memory_space<hbm>>
        tpu.enqueue_indirect_dma source(%dma_start3A_215 : memref<10000x64xi32, #tpu.memory_space<hbm>>) target(%dma_start3A_209 : memref<128x64xi32, #tpu.memory_space<vmem>>) offsets(%dma_start3A_212 : memref<128xi32, #tpu.memory_space<vmem>>) semaphore(%arg11 : memref<!tpu.dma_semaphore, #tpu.memory_space<semaphore_mem>>)
        %dma_start3A_216 = arith.constant 0 : i32
        %dma_start3A_217 = arith.constant 0 : i32
        %dma_start3A_218 = arith.constant 0 : i32
        %dma_start3A_219 = tpu.memref_slice %arg10[%dma_start3A_216, %dma_start3A_217, %dma_start3A_218] : memref<2x128x64xi32, #tpu.memory_space<vmem>> -> memref<1x128x64xi32, #tpu.memory_space<vmem>>
        %dma_start3A_220 = tpu.memref_squeeze %dma_start3A_219 : memref<1x128x64xi32, #tpu.memory_space<vmem>> -> memref<128x64xi32, #tpu.memory_space<vmem>>
        %dma_start3A_221 = arith.constant 0 : i32
        %dma_start3A_222 = tpu.memref_slice %arg8[%add3A_204, %dma_start3A_221] : memref<16x128xi32, #tpu.memory_space<vmem>> -> memref<1x128xi32, #tpu.memory_space<vmem>>
        %dma_start3A_223 = tpu.memref_squeeze %dma_start3A_222 : memref<1x128xi32, #tpu.memory_space<vmem>> -> memref<128xi32, #tpu.memory_space<vmem>>
        %dma_start3A_224 = arith.constant 0 : i32
        %dma_start3A_225 = arith.constant 0 : i32
        %dma_start3A_226 = tpu.memref_slice %arg3[%dma_start3A_224, %dma_start3A_225] : memref<10000x64xi32, #tpu.memory_space<hbm>> -> memref<10000x64xi32, #tpu.memory_space<hbm>>
        tpu.enqueue_indirect_dma source(%dma_start3A_226 : memref<10000x64xi32, #tpu.memory_space<hbm>>) target(%dma_start3A_220 : memref<128x64xi32, #tpu.memory_space<vmem>>) offsets(%dma_start3A_223 : memref<128xi32, #tpu.memory_space<vmem>>) semaphore(%arg12 : memref<!tpu.dma_semaphore, #tpu.memory_space<semaphore_mem>>)
      } else {
      }
      %dma_wait3A_141 = arith.constant 0 : i32
      %dma_wait3A_142 = arith.constant 1 : i32
      %dma_wait3A_143 = arith.constant 0 : i32
      %dma_wait3A_144 = arith.constant 0 : i32
      %dma_wait3A_145 = tpu.memref_slice %arg9[%dma_wait3A_142, %dma_wait3A_143, %dma_wait3A_144] : memref<2x128x64xi32, #tpu.memory_space<vmem>> -> memref<1x128x64xi32, #tpu.memory_space<vmem>>
      %dma_wait3A_146 = tpu.memref_squeeze %dma_wait3A_145 : memref<1x128x64xi32, #tpu.memory_space<vmem>> -> memref<128x64xi32, #tpu.memory_space<vmem>>
      %dma_wait3A_147 = arith.constant 0 : i32
      %dma_wait3A_148 = tpu.memref_slice %arg7[%dma_wait3A_141, %dma_wait3A_147] : memref<16x128xi32, #tpu.memory_space<vmem>> -> memref<1x128xi32, #tpu.memory_space<vmem>>
      %dma_wait3A_149 = tpu.memref_squeeze %dma_wait3A_148 : memref<1x128xi32, #tpu.memory_space<vmem>> -> memref<128xi32, #tpu.memory_space<vmem>>
      %dma_wait3A_150 = arith.constant 0 : i32
      %dma_wait3A_151 = arith.constant 0 : i32
      %dma_wait3A_152 = tpu.memref_slice %arg2[%dma_wait3A_150, %dma_wait3A_151] : memref<10000x64xi32, #tpu.memory_space<hbm>> -> memref<10000x64xi32, #tpu.memory_space<hbm>>
      tpu.wait_indirect_dma semaphore(%arg13 : memref<!tpu.dma_semaphore, #tpu.memory_space<semaphore_mem>>) src(%dma_wait3A_152 : memref<10000x64xi32, #tpu.memory_space<hbm>>) dst(%dma_wait3A_146 : memref<128x64xi32, #tpu.memory_space<vmem>>)
      %dma_wait3A_153 = arith.constant 0 : i32
      %dma_wait3A_154 = arith.constant 1 : i32
      %dma_wait3A_155 = arith.constant 0 : i32
      %dma_wait3A_156 = arith.constant 0 : i32
      %dma_wait3A_157 = tpu.memref_slice %arg10[%dma_wait3A_154, %dma_wait3A_155, %dma_wait3A_156] : memref<2x128x64xi32, #tpu.memory_space<vmem>> -> memref<1x128x64xi32, #tpu.memory_space<vmem>>
      %dma_wait3A_158 = tpu.memref_squeeze %dma_wait3A_157 : memref<1x128x64xi32, #tpu.memory_space<vmem>> -> memref<128x64xi32, #tpu.memory_space<vmem>>
      %dma_wait3A_159 = arith.constant 0 : i32
      %dma_wait3A_160 = tpu.memref_slice %arg8[%dma_wait3A_153, %dma_wait3A_159] : memref<16x128xi32, #tpu.memory_space<vmem>> -> memref<1x128xi32, #tpu.memory_space<vmem>>
      %dma_wait3A_161 = tpu.memref_squeeze %dma_wait3A_160 : memref<1x128xi32, #tpu.memory_space<vmem>> -> memref<128xi32, #tpu.memory_space<vmem>>
      %dma_wait3A_162 = arith.constant 0 : i32
      %dma_wait3A_163 = arith.constant 0 : i32
      %dma_wait3A_164 = tpu.memref_slice %arg3[%dma_wait3A_162, %dma_wait3A_163] : memref<10000x64xi32, #tpu.memory_space<hbm>> -> memref<10000x64xi32, #tpu.memory_space<hbm>>
      tpu.wait_indirect_dma semaphore(%arg14 : memref<!tpu.dma_semaphore, #tpu.memory_space<semaphore_mem>>) src(%dma_wait3A_164 : memref<10000x64xi32, #tpu.memory_space<hbm>>) dst(%dma_wait3A_158 : memref<128x64xi32, #tpu.memory_space<vmem>>)
      %add3A_165 = arith.constant 1 : i32
      %add3A_166 = arith.addi %add3A_63, %add3A_165 : i32
      %scan3A_167 = arith.constant 0 : i32
      %scan3A_168 = arith.constant 128 : i32
      %scan3A_169 = arith.addi %scan3A_167, %scan3A_168 : i32
      %scan3A_170 = arith.constant 1 : i32
      scf.for %scan3A_188 = %scan3A_167 to %scan3A_169 step %scan3A_170  : i32 {
        %mul3A_189 = arith.constant 1 : i32
        %mul3A_190 = arith.muli %scan3A_188, %mul3A_189 : i32
        %add3A_191 = arith.constant 0 : i32
        %add3A_192 = arith.addi %add3A_191, %mul3A_190 : i32
        %get3A = arith.constant 1 : i32
        %get3A_193 = arith.index_cast %get3A : i32 to index
        %get3A_194 = arith.index_cast %add3A_192 : i32 to index
        %get3A_195 = arith.constant 0 : index
        %get3A_196 = tpu.vector_load %arg9[%get3A_193, %get3A_194, %get3A_195] {strides = array<i32>} : memref<2x128x64xi32, #tpu.memory_space<vmem>>, vector<16xi32>,
        %bitcast3A = vector.bitcast %get3A_196 : vector<16xi32> to vector<32xbf16>
        %get3A_197 = arith.constant 1 : i32
        %get3A_198 = arith.index_cast %get3A_197 : i32 to index
        %get3A_199 = arith.index_cast %add3A_192 : i32 to index
        %get3A_200 = arith.constant 0 : index
        %get3A_201 = tpu.vector_load %arg10[%get3A_198, %get3A_199, %get3A_200] {strides = array<i32>} : memref<2x128x64xi32, #tpu.memory_space<vmem>>, vector<16xi32>,
        %bitcast3A_202 = vector.bitcast %get3A_201 : vector<16xi32> to vector<32xbf16>
        %add3A_203 = arith.addf %bitcast3A, %bitcast3A_202 : vector<32xbf16>
        %bitcast3A_204 = vector.bitcast %add3A_203 : vector<32xbf16> to vector<16xi32>
        %swap3A = arith.constant 1 : i32
        %swap3A_205 = arith.index_cast %swap3A : i32 to index
        %swap3A_206 = arith.index_cast %add3A_192 : i32 to index
        %swap3A_207 = arith.constant 0 : index
        %swap3A_208 = tpu.vector_load %arg9[%swap3A_205, %swap3A_206, %swap3A_207] {strides = array<i32>} : memref<2x128x64xi32, #tpu.memory_space<vmem>>, vector<16xi32>,
        tpu.vector_store %arg9[%swap3A_205, %swap3A_206, %swap3A_207], %bitcast3A_204 {strides = array<i32>} : memref<2x128x64xi32, #tpu.memory_space<vmem>>, vector<16xi32>,
        %get3A_209 = arith.constant 1 : i32
        %get3A_210 = arith.index_cast %get3A_209 : i32 to index
        %get3A_211 = arith.index_cast %add3A_192 : i32 to index
        %get3A_212 = arith.constant 16 : index
        %get3A_213 = tpu.vector_load %arg9[%get3A_210, %get3A_211, %get3A_212] {strides = array<i32>} : memref<2x128x64xi32, #tpu.memory_space<vmem>>, vector<16xi32>,
        %bitcast3A_214 = vector.bitcast %get3A_213 : vector<16xi32> to vector<32xbf16>
        %get3A_215 = arith.constant 1 : i32
        %get3A_216 = arith.index_cast %get3A_215 : i32 to index
        %get3A_217 = arith.index_cast %add3A_192 : i32 to index
        %get3A_218 = arith.constant 16 : index
        %get3A_219 = tpu.vector_load %arg10[%get3A_216, %get3A_217, %get3A_218] {strides = array<i32>} : memref<2x128x64xi32, #tpu.memory_space<vmem>>, vector<16xi32>,
        %bitcast3A_220 = vector.bitcast %get3A_219 : vector<16xi32> to vector<32xbf16>
        %add3A_221 = arith.addf %bitcast3A_214, %bitcast3A_220 : vector<32xbf16>
        %bitcast3A_222 = vector.bitcast %add3A_221 : vector<32xbf16> to vector<16xi32>
        %swap3A_223 = arith.constant 1 : i32
        %swap3A_224 = arith.index_cast %swap3A_223 : i32 to index
        %swap3A_225 = arith.index_cast %add3A_192 : i32 to index
        %swap3A_226 = arith.constant 16 : index
        %swap3A_227 = tpu.vector_load %arg9[%swap3A_224, %swap3A_225, %swap3A_226] {strides = array<i32>} : memref<2x128x64xi32, #tpu.memory_space<vmem>>, vector<16xi32>,
        tpu.vector_store %arg9[%swap3A_224, %swap3A_225, %swap3A_226], %bitcast3A_222 {strides = array<i32>} : memref<2x128x64xi32, #tpu.memory_space<vmem>>, vector<16xi32>,
        %get3A_228 = arith.constant 1 : i32
        %get3A_229 = arith.index_cast %get3A_228 : i32 to index
        %get3A_230 = arith.index_cast %add3A_192 : i32 to index
        %get3A_231 = arith.constant 32 : index
        %get3A_232 = tpu.vector_load %arg9[%get3A_229, %get3A_230, %get3A_231] {strides = array<i32>} : memref<2x128x64xi32, #tpu.memory_space<vmem>>, vector<16xi32>,
        %bitcast3A_233 = vector.bitcast %get3A_232 : vector<16xi32> to vector<32xbf16>
        %get3A_234 = arith.constant 1 : i32
        %get3A_235 = arith.index_cast %get3A_234 : i32 to index
        %get3A_236 = arith.index_cast %add3A_192 : i32 to index
        %get3A_237 = arith.constant 32 : index
        %get3A_238 = tpu.vector_load %arg10[%get3A_235, %get3A_236, %get3A_237] {strides = array<i32>} : memref<2x128x64xi32, #tpu.memory_space<vmem>>, vector<16xi32>,
        %bitcast3A_239 = vector.bitcast %get3A_238 : vector<16xi32> to vector<32xbf16>
        %add3A_240 = arith.addf %bitcast3A_233, %bitcast3A_239 : vector<32xbf16>
        %bitcast3A_241 = vector.bitcast %add3A_240 : vector<32xbf16> to vector<16xi32>
        %swap3A_242 = arith.constant 1 : i32
        %swap3A_243 = arith.index_cast %swap3A_242 : i32 to index
        %swap3A_244 = arith.index_cast %add3A_192 : i32 to index
        %swap3A_245 = arith.constant 32 : index
        %swap3A_246 = tpu.vector_load %arg9[%swap3A_243, %swap3A_244, %swap3A_245] {strides = array<i32>} : memref<2x128x64xi32, #tpu.memory_space<vmem>>, vector<16xi32>,
        tpu.vector_store %arg9[%swap3A_243, %swap3A_244, %swap3A_245], %bitcast3A_241 {strides = array<i32>} : memref<2x128x64xi32, #tpu.memory_space<vmem>>, vector<16xi32>,
        %get3A_247 = arith.constant 1 : i32
        %get3A_248 = arith.index_cast %get3A_247 : i32 to index
        %get3A_249 = arith.index_cast %add3A_192 : i32 to index
        %get3A_250 = arith.constant 48 : index
        %get3A_251 = tpu.vector_load %arg9[%get3A_248, %get3A_249, %get3A_250] {strides = array<i32>} : memref<2x128x64xi32, #tpu.memory_space<vmem>>, vector<16xi32>,
        %bitcast3A_252 = vector.bitcast %get3A_251 : vector<16xi32> to vector<32xbf16>
        %get3A_253 = arith.constant 1 : i32
        %get3A_254 = arith.index_cast %get3A_253 : i32 to index
        %get3A_255 = arith.index_cast %add3A_192 : i32 to index
        %get3A_256 = arith.constant 48 : index
        %get3A_257 = tpu.vector_load %arg10[%get3A_254, %get3A_255, %get3A_256] {strides = array<i32>} : memref<2x128x64xi32, #tpu.memory_space<vmem>>, vector<16xi32>,
        %bitcast3A_258 = vector.bitcast %get3A_257 : vector<16xi32> to vector<32xbf16>
        %add3A_259 = arith.addf %bitcast3A_252, %bitcast3A_258 : vector<32xbf16>
        %bitcast3A_260 = vector.bitcast %add3A_259 : vector<32xbf16> to vector<16xi32>
        %swap3A_261 = arith.constant 1 : i32
        %swap3A_262 = arith.index_cast %swap3A_261 : i32 to index
        %swap3A_263 = arith.index_cast %add3A_192 : i32 to index
        %swap3A_264 = arith.constant 48 : index
        %swap3A_265 = tpu.vector_load %arg9[%swap3A_262, %swap3A_263, %swap3A_264] {strides = array<i32>} : memref<2x128x64xi32, #tpu.memory_space<vmem>>, vector<16xi32>,
        tpu.vector_store %arg9[%swap3A_262, %swap3A_263, %swap3A_264], %bitcast3A_260 {strides = array<i32>} : memref<2x128x64xi32, #tpu.memory_space<vmem>>, vector<16xi32>,
      }
      %scan3A_171 = arith.constant 128 : i32
      %add3A_172 = arith.addi %mul3A_2, %add3A_166 : i32
      %mul3A_173 = arith.constant 128 : i32
      %mul3A_174 = arith.muli %add3A_172, %mul3A_173 : i32
      %dma_start3A_175 = arith.constant 1 : i32
      %dma_start3A_176 = arith.constant 0 : i32
      %dma_start3A_177 = arith.constant 0 : i32
      %dma_start3A_178 = tpu.memref_slice %arg9[%dma_start3A_175, %dma_start3A_176, %dma_start3A_177] : memref<2x128x64xi32, #tpu.memory_space<vmem>> -> memref<1x128x64xi32, #tpu.memory_space<vmem>>
      %dma_start3A_179 = tpu.memref_squeeze %dma_start3A_178 : memref<1x128x64xi32, #tpu.memory_space<vmem>> -> memref<128x64xi32, #tpu.memory_space<vmem>>
      %dma_start3A_180 = arith.constant 0 : i32
      %dma_start3A_181 = tpu.memref_slice %arg6[%mul3A_174, %dma_start3A_180] : memref<65536x64xi32, #tpu.memory_space<hbm>> -> memref<128x64xi32, #tpu.memory_space<hbm>>
      %dma_start3A_182 = arith.constant 0 : i32
      %dma_start3A_183 = tpu.memref_slice %arg6[%mul3A_174, %dma_start3A_182] : memref<65536x64xi32, #tpu.memory_space<hbm>> -> memref<128x64xi32, #tpu.memory_space<hbm>>
      %dma_start3A_184 = arith.constant 0 : i32
      %dma_start3A_185 = arith.constant 0 : i32
      %dma_start3A_186 = tpu.memref_slice %arg9[%dma_start3A_175, %dma_start3A_184, %dma_start3A_185] : memref<2x128x64xi32, #tpu.memory_space<vmem>> -> memref<1x128x64xi32, #tpu.memory_space<vmem>>
      %dma_start3A_187 = tpu.memref_squeeze %dma_start3A_186 : memref<1x128x64xi32, #tpu.memory_space<vmem>> -> memref<128x64xi32, #tpu.memory_space<vmem>>
      tpu.enqueue_dma source(%dma_start3A_187 : memref<128x64xi32, #tpu.memory_space<vmem>>) target(%dma_start3A_183 : memref<128x64xi32, #tpu.memory_space<hbm>>) target_semaphore(%arg16 : memref<!tpu.dma_semaphore, #tpu.memory_space<semaphore_mem>>)
    }
    %scan3A_29 = arith.constant 8 : i32
    %mul3A_30 = arith.constant 128 : i32
    %mul3A_31 = arith.muli %mul3A_2, %mul3A_30 : i32
    %dma_wait3A = arith.constant 0 : i32
    %dma_wait3A_32 = arith.constant 0 : i32
    %dma_wait3A_33 = arith.constant 0 : i32
    %dma_wait3A_34 = tpu.memref_slice %arg9[%dma_wait3A, %dma_wait3A_32, %dma_wait3A_33] : memref<2x128x64xi32, #tpu.memory_space<vmem>> -> memref<1x128x64xi32, #tpu.memory_space<vmem>>
    %dma_wait3A_35 = tpu.memref_squeeze %dma_wait3A_34 : memref<1x128x64xi32, #tpu.memory_space<vmem>> -> memref<128x64xi32, #tpu.memory_space<vmem>>
    %dma_wait3A_36 = arith.constant 0 : i32
    %dma_wait3A_37 = tpu.memref_slice %arg6[%mul3A_31, %dma_wait3A_36] : memref<65536x64xi32, #tpu.memory_space<hbm>> -> memref<128x64xi32, #tpu.memory_space<hbm>>
    %dma_wait3A_38 = arith.constant 0 : i32
    %dma_wait3A_39 = tpu.memref_slice %arg6[%mul3A_31, %dma_wait3A_38] : memref<65536x64xi32, #tpu.memory_space<hbm>> -> memref<128x64xi32, #tpu.memory_space<hbm>>
    %dma_wait3A_40 = arith.constant 0 : i32
    %dma_wait3A_41 = arith.constant 0 : i32
    %dma_wait3A_42 = tpu.memref_slice %arg9[%dma_wait3A, %dma_wait3A_40, %dma_wait3A_41] : memref<2x128x64xi32, #tpu.memory_space<vmem>> -> memref<1x128x64xi32, #tpu.memory_space<vmem>>
    %dma_wait3A_43 = tpu.memref_squeeze %dma_wait3A_42 : memref<1x128x64xi32, #tpu.memory_space<vmem>> -> memref<128x64xi32, #tpu.memory_space<vmem>>
    tpu.wait_dma2 semaphore(%arg15 : memref<!tpu.dma_semaphore, #tpu.memory_space<semaphore_mem>>) src(%dma_wait3A_43 : memref<128x64xi32, #tpu.memory_space<vmem>>) dst(%dma_wait3A_39 : memref<128x64xi32, #tpu.memory_space<hbm>>)
    %mul3A_44 = arith.constant 128 : i32
    %mul3A_45 = arith.muli %mul3A_2, %mul3A_44 : i32
    %dma_wait3A_46 = arith.constant 1 : i32
    %dma_wait3A_47 = arith.constant 0 : i32
    %dma_wait3A_48 = arith.constant 0 : i32
    %dma_wait3A_49 = tpu.memref_slice %arg9[%dma_wait3A_46, %dma_wait3A_47, %dma_wait3A_48] : memref<2x128x64xi32, #tpu.memory_space<vmem>> -> memref<1x128x64xi32, #tpu.memory_space<vmem>>
    %dma_wait3A_50 = tpu.memref_squeeze %dma_wait3A_49 : memref<1x128x64xi32, #tpu.memory_space<vmem>> -> memref<128x64xi32, #tpu.memory_space<vmem>>
    %dma_wait3A_51 = arith.constant 0 : i32
    %dma_wait3A_52 = tpu.memref_slice %arg6[%mul3A_45, %dma_wait3A_51] : memref<65536x64xi32, #tpu.memory_space<hbm>> -> memref<128x64xi32, #tpu.memory_space<hbm>>
    %dma_wait3A_53 = arith.constant 0 : i32
    %dma_wait3A_54 = tpu.memref_slice %arg6[%mul3A_45, %dma_wait3A_53] : memref<65536x64xi32, #tpu.memory_space<hbm>> -> memref<128x64xi32, #tpu.memory_space<hbm>>
    %dma_wait3A_55 = arith.constant 0 : i32
    %dma_wait3A_56 = arith.constant 0 : i32
    %dma_wait3A_57 = tpu.memref_slice %arg9[%dma_wait3A_46, %dma_wait3A_55, %dma_wait3A_56] : memref<2x128x64xi32, #tpu.memory_space<vmem>> -> memref<1x128x64xi32, #tpu.memory_space<vmem>>
    %dma_wait3A_58 = tpu.memref_squeeze %dma_wait3A_57 : memref<1x128x64xi32, #tpu.memory_space<vmem>> -> memref<128x64xi32, #tpu.memory_space<vmem>>
    tpu.wait_dma2 semaphore(%arg16 : memref<!tpu.dma_semaphore, #tpu.memory_space<semaphore_mem>>) src(%dma_wait3A_58 : memref<128x64xi32, #tpu.memory_space<vmem>>) dst(%dma_wait3A_54 : memref<128x64xi32, #tpu.memory_space<hbm>>)
    return
  }
}

#map = affine_map<(d0, d1) -> (0, 0)>
module attributes {stable_mosaic.version = 14 : i64} {
  func.func @gather_sum(%arg0: i32, %arg1: i32, %arg2: memref<10000x64xi32, #tpu.memory_space<hbm>>, %arg3: memref<10000x64xi32, #tpu.memory_space<hbm>>, %arg4: memref<512x128xi32, #tpu.memory_space<hbm>>, %arg5: memref<512x128xi32, #tpu.memory_space<hbm>>, %arg6: memref<65536x64xi32, #tpu.memory_space<hbm>>, %arg7: memref<16x128xi32, #tpu.memory_space<vmem>>, %arg8: memref<16x128xi32, #tpu.memory_space<vmem>>, %arg9: memref<2x128x64xi32, #tpu.memory_space<vmem>>, %arg10: memref<2x128x64xi32, #tpu.memory_space<vmem>>, %arg11: memref<!tpu.dma_semaphore, #tpu.memory_space<semaphore_mem>>, %arg12: memref<!tpu.dma_semaphore, #tpu.memory_space<semaphore_mem>>, %arg13: memref<!tpu.dma_semaphore, #tpu.memory_space<semaphore_mem>>, %arg14: memref<!tpu.dma_semaphore, #tpu.memory_space<semaphore_mem>>, %arg15: memref<!tpu.dma_semaphore, #tpu.memory_space<semaphore_mem>>, %arg16: memref<!tpu.dma_semaphore, #tpu.memory_space<semaphore_mem>>) attributes {dimension_semantics = [#tpu.dimension_semantics<core_parallel>, #tpu.dimension_semantics<subcore_parallel>], iteration_bounds = array<i64: 2, 16>, scalar_prefetch = 0 : i64, scratch_operands = 10 : i64, tpu.core_type = #tpu.core_type<sc_vector_subcore>, window_params = [{transform_indices = #map}, {transform_indices = #map}, {transform_indices = #map}, {transform_indices = #map}, {transform_indices = #map}]} {
    %mul3A = arith.constant 16 : i32
    %mul3A_0 = arith.muli %arg0, %mul3A : i32
    %add3A = arith.addi %mul3A_0, %arg1 : i32
    %mul3A_1 = arith.constant 16 : i32
    %mul3A_2 = arith.muli %add3A, %mul3A_1 : i32
    "tpu.region"() ({
      %run_scoped3A = tpu.sem_alloc : memref<!tpu.dma_semaphore, #tpu.memory_space<semaphore_mem>>
      %dma_start3A_59 = arith.constant 0 : i32
      %dma_start3A_60 = tpu.memref_slice %arg4[%mul3A_2, %dma_start3A_59] : memref<512x128xi32, #tpu.memory_space<hbm>> -> memref<16x128xi32, #tpu.memory_space<hbm>>
      %dma_start3A_61 = arith.constant 0 : i32
      %dma_start3A_62 = tpu.memref_slice %arg4[%mul3A_2, %dma_start3A_61] : memref<512x128xi32, #tpu.memory_space<hbm>> -> memref<16x128xi32, #tpu.memory_space<hbm>>
      tpu.enqueue_dma source(%dma_start3A_62 : memref<16x128xi32, #tpu.memory_space<hbm>>) target(%arg7 : memref<16x128xi32, #tpu.memory_space<vmem>>) target_semaphore(%run_scoped3A : memref<!tpu.dma_semaphore, #tpu.memory_space<semaphore_mem>>)
      %dma_wait3A_63 = arith.constant 0 : i32
      %dma_wait3A_64 = tpu.memref_slice %arg4[%mul3A_2, %dma_wait3A_63] : memref<512x128xi32, #tpu.memory_space<hbm>> -> memref<16x128xi32, #tpu.memory_space<hbm>>
      %dma_wait3A_65 = arith.constant 0 : i32
      %dma_wait3A_66 = tpu.memref_slice %arg4[%mul3A_2, %dma_wait3A_65] : memref<512x128xi32, #tpu.memory_space<hbm>> -> memref<16x128xi32, #tpu.memory_space<hbm>>
      tpu.wait_dma2 semaphore(%run_scoped3A : memref<!tpu.dma_semaphore, #tpu.memory_space<semaphore_mem>>) src(%dma_wait3A_66 : memref<16x128xi32, #tpu.memory_space<hbm>>) dst(%arg7 : memref<16x128xi32, #tpu.memory_space<vmem>>)
      tpu.yield
    }) : () -> ()
    "tpu.region"() ({
      %run_scoped3A = tpu.sem_alloc : memref<!tpu.dma_semaphore, #tpu.memory_space<semaphore_mem>>
      %dma_start3A_59 = arith.constant 0 : i32
      %dma_start3A_60 = tpu.memref_slice %arg5[%mul3A_2, %dma_start3A_59] : memref<512x128xi32, #tpu.memory_space<hbm>> -> memref<16x128xi32, #tpu.memory_space<hbm>>
      %dma_start3A_61 = arith.constant 0 : i32
      %dma_start3A_62 = tpu.memref_slice %arg5[%mul3A_2, %dma_start3A_61] : memref<512x128xi32, #tpu.memory_space<hbm>> -> memref<16x128xi32, #tpu.memory_space<hbm>>
      tpu.enqueue_dma source(%dma_start3A_62 : memref<16x128xi32, #tpu.memory_space<hbm>>) target(%arg8 : memref<16x128xi32, #tpu.memory_space<vmem>>) target_semaphore(%run_scoped3A : memref<!tpu.dma_semaphore, #tpu.memory_space<semaphore_mem>>)
      %dma_wait3A_63 = arith.constant 0 : i32
      %dma_wait3A_64 = tpu.memref_slice %arg5[%mul3A_2, %dma_wait3A_63] : memref<512x128xi32, #tpu.memory_space<hbm>> -> memref<16x128xi32, #tpu.memory_space<hbm>>
      %dma_wait3A_65 = arith.constant 0 : i32
      %dma_wait3A_66 = tpu.memref_slice %arg5[%mul3A_2, %dma_wait3A_65] : memref<512x128xi32, #tpu.memory_space<hbm>> -> memref<16x128xi32, #tpu.memory_space<hbm>>
      tpu.wait_dma2 semaphore(%run_scoped3A : memref<!tpu.dma_semaphore, #tpu.memory_space<semaphore_mem>>) src(%dma_wait3A_66 : memref<16x128xi32, #tpu.memory_space<hbm>>) dst(%arg8 : memref<16x128xi32, #tpu.memory_space<vmem>>)
      tpu.yield
    }) : () -> ()
    %dma_start3A = arith.constant 0 : i32
    %dma_start3A_3 = arith.constant 0 : i32
    %dma_start3A_4 = arith.constant 0 : i32
    %dma_start3A_5 = arith.constant 0 : i32
    %dma_start3A_6 = tpu.memref_slice %arg9[%dma_start3A_3, %dma_start3A_4, %dma_start3A_5] : memref<2x128x64xi32, #tpu.memory_space<vmem>> -> memref<1x128x64xi32, #tpu.memory_space<vmem>>
    %dma_start3A_7 = tpu.memref_squeeze %dma_start3A_6 : memref<1x128x64xi32, #tpu.memory_space<vmem>> -> memref<128x64xi32, #tpu.memory_space<vmem>>
    %dma_start3A_8 = arith.constant 0 : i32
    %dma_start3A_9 = tpu.memref_slice %arg7[%dma_start3A, %dma_start3A_8] : memref<16x128xi32, #tpu.memory_space<vmem>> -> memref<1x128xi32, #tpu.memory_space<vmem>>
    %dma_start3A_10 = tpu.memref_squeeze %dma_start3A_9 : memref<1x128xi32, #tpu.memory_space<vmem>> -> memref<128xi32, #tpu.memory_space<vmem>>
    %dma_start3A_11 = arith.constant 0 : i32
    %dma_start3A_12 = arith.constant 0 : i32
    %dma_start3A_13 = tpu.memref_slice %arg2[%dma_start3A_11, %dma_start3A_12] : memref<10000x64xi32, #tpu.memory_space<hbm>> -> memref<10000x64xi32, #tpu.memory_space<hbm>>
    tpu.enqueue_indirect_dma source(%dma_start3A_13 : memref<10000x64xi32, #tpu.memory_space<hbm>>) target(%dma_start3A_7 : memref<128x64xi32, #tpu.memory_space<vmem>>) offsets(%dma_start3A_10 : memref<128xi32, #tpu.memory_space<vmem>>) semaphore(%arg11 : memref<!tpu.dma_semaphore, #tpu.memory_space<semaphore_mem>>)
    %dma_start3A_14 = arith.constant 0 : i32
    %dma_start3A_15 = arith.constant 0 : i32
    %dma_start3A_16 = arith.constant 0 : i32
    %dma_start3A_17 = arith.constant 0 : i32
    %dma_start3A_18 = tpu.memref_slice %arg10[%dma_start3A_15, %dma_start3A_16, %dma_start3A_17] : memref<2x128x64xi32, #tpu.memory_space<vmem>> -> memref<1x128x64xi32, #tpu.memory_space<vmem>>
    %dma_start3A_19 = tpu.memref_squeeze %dma_start3A_18 : memref<1x128x64xi32, #tpu.memory_space<vmem>> -> memref<128x64xi32, #tpu.memory_space<vmem>>
    %dma_start3A_20 = arith.constant 0 : i32
    %dma_start3A_21 = tpu.memref_slice %arg8[%dma_start3A_14, %dma_start3A_20] : memref<16x128xi32, #tpu.memory_space<vmem>> -> memref<1x128xi32, #tpu.memory_space<vmem>>
    %dma_start3A_22 = tpu.memref_squeeze %dma_start3A_21 : memref<1x128xi32, #tpu.memory_space<vmem>> -> memref<128xi32, #tpu.memory_space<vmem>>
    %dma_start3A_23 = arith.constant 0 : i32
    %dma_start3A_24 = arith.constant 0 : i32
    %dma_start3A_25 = tpu.memref_slice %arg3[%dma_start3A_23, %dma_start3A_24] : memref<10000x64xi32, #tpu.memory_space<hbm>> -> memref<10000x64xi32, #tpu.memory_space<hbm>>
    tpu.enqueue_indirect_dma source(%dma_start3A_25 : memref<10000x64xi32, #tpu.memory_space<hbm>>) target(%dma_start3A_19 : memref<128x64xi32, #tpu.memory_space<vmem>>) offsets(%dma_start3A_22 : memref<128xi32, #tpu.memory_space<vmem>>) semaphore(%arg12 : memref<!tpu.dma_semaphore, #tpu.memory_space<semaphore_mem>>)
    %scan3A = arith.constant 0 : i32
    %scan3A_26 = arith.constant 8 : i32
    %scan3A_27 = arith.addi %scan3A, %scan3A_26 : i32
    %scan3A_28 = arith.constant 1 : i32
    scf.for %scan3A_59 = %scan3A to %scan3A_27 step %scan3A_28  : i32 {
      %mul3A_60 = arith.constant 2 : i32
      %mul3A_61 = arith.muli %scan3A_59, %mul3A_60 : i32
      %add3A_62 = arith.constant 0 : i32
      %add3A_63 = arith.addi %add3A_62, %mul3A_61 : i32
      %ge3A = arith.constant 2 : i32
      %ge3A_64 = arith.cmpi sge, %add3A_63, %ge3A : i32
      %convert_element_type3A = arith.extui %ge3A_64 : i1 to i32
      %cond3A = arith.constant 0 : i32
      %cond3A_65 = arith.cmpi ne, %convert_element_type3A, %cond3A : i32
      scf.if %cond3A_65 {
        %mul3A_188 = arith.constant 128 : i32
        %mul3A_189 = arith.muli %mul3A_2, %mul3A_188 : i32
        %dma_wait3A_190 = arith.constant 1 : i32
        %dma_wait3A_191 = arith.constant 0 : i32
        %dma_wait3A_192 = arith.constant 0 : i32
        %dma_wait3A_193 = tpu.memref_slice %arg9[%dma_wait3A_190, %dma_wait3A_191, %dma_wait3A_192] : memref<2x128x64xi32, #tpu.memory_space<vmem>> -> memref<1x128x64xi32, #tpu.memory_space<vmem>>
        %dma_wait3A_194 = tpu.memref_squeeze %dma_wait3A_193 : memref<1x128x64xi32, #tpu.memory_space<vmem>> -> memref<128x64xi32, #tpu.memory_space<vmem>>
        %dma_wait3A_195 = arith.constant 0 : i32
        %dma_wait3A_196 = tpu.memref_slice %arg6[%mul3A_189, %dma_wait3A_195] : memref<65536x64xi32, #tpu.memory_space<hbm>> -> memref<128x64xi32, #tpu.memory_space<hbm>>
        %dma_wait3A_197 = arith.constant 0 : i32
        %dma_wait3A_198 = tpu.memref_slice %arg6[%mul3A_189, %dma_wait3A_197] : memref<65536x64xi32, #tpu.memory_space<hbm>> -> memref<128x64xi32, #tpu.memory_space<hbm>>
        %dma_wait3A_199 = arith.constant 0 : i32
        %dma_wait3A_200 = arith.constant 0 : i32
        %dma_wait3A_201 = tpu.memref_slice %arg9[%dma_wait3A_190, %dma_wait3A_199, %dma_wait3A_200] : memref<2x128x64xi32, #tpu.memory_space<vmem>> -> memref<1x128x64xi32, #tpu.memory_space<vmem>>
        %dma_wait3A_202 = tpu.memref_squeeze %dma_wait3A_201 : memref<1x128x64xi32, #tpu.memory_space<vmem>> -> memref<128x64xi32, #tpu.memory_space<vmem>>
        tpu.wait_dma2 semaphore(%arg16 : memref<!tpu.dma_semaphore, #tpu.memory_space<semaphore_mem>>) src(%dma_wait3A_202 : memref<128x64xi32, #tpu.memory_space<vmem>>) dst(%dma_wait3A_198 : memref<128x64xi32, #tpu.memory_space<hbm>>)
      } else {
      }
      %add3A_66 = arith.constant 1 : i32
      %add3A_67 = arith.addi %add3A_63, %add3A_66 : i32
      %dma_start3A_68 = arith.constant 1 : i32
      %dma_start3A_69 = arith.constant 0 : i32
      %dma_start3A_70 = arith.constant 0 : i32
      %dma_start3A_71 = tpu.memref_slice %arg9[%dma_start3A_68, %dma_start3A_69, %dma_start3A_70] : memref<2x128x64xi32, #tpu.memory_space<vmem>> -> memref<1x128x64xi32, #tpu.memory_space<vmem>>
      %dma_start3A_72 = tpu.memref_squeeze %dma_start3A_71 : memref<1x128x64xi32, #tpu.memory_space<vmem>> -> memref<128x64xi32, #tpu.memory_space<vmem>>
      %dma_start3A_73 = arith.constant 0 : i32
      %dma_start3A_74 = tpu.memref_slice %arg7[%add3A_67, %dma_start3A_73] : memref<16x128xi32, #tpu.memory_space<vmem>> -> memref<1x128xi32, #tpu.memory_space<vmem>>
      %dma_start3A_75 = tpu.memref_squeeze %dma_start3A_74 : memref<1x128xi32, #tpu.memory_space<vmem>> -> memref<128xi32, #tpu.memory_space<vmem>>
      %dma_start3A_76 = arith.constant 0 : i32
      %dma_start3A_77 = arith.constant 0 : i32
      %dma_start3A_78 = tpu.memref_slice %arg2[%dma_start3A_76, %dma_start3A_77] : memref<10000x64xi32, #tpu.memory_space<hbm>> -> memref<10000x64xi32, #tpu.memory_space<hbm>>
      tpu.enqueue_indirect_dma source(%dma_start3A_78 : memref<10000x64xi32, #tpu.memory_space<hbm>>) target(%dma_start3A_72 : memref<128x64xi32, #tpu.memory_space<vmem>>) offsets(%dma_start3A_75 : memref<128xi32, #tpu.memory_space<vmem>>) semaphore(%arg13 : memref<!tpu.dma_semaphore, #tpu.memory_space<semaphore_mem>>)
      %dma_start3A_79 = arith.constant 1 : i32
      %dma_start3A_80 = arith.constant 0 : i32
      %dma_start3A_81 = arith.constant 0 : i32
      %dma_start3A_82 = tpu.memref_slice %arg10[%dma_start3A_79, %dma_start3A_80, %dma_start3A_81] : memref<2x128x64xi32, #tpu.memory_space<vmem>> -> memref<1x128x64xi32, #tpu.memory_space<vmem>>
      %dma_start3A_83 = tpu.memref_squeeze %dma_start3A_82 : memref<1x128x64xi32, #tpu.memory_space<vmem>> -> memref<128x64xi32, #tpu.memory_space<vmem>>
      %dma_start3A_84 = arith.constant 0 : i32
      %dma_start3A_85 = tpu.memref_slice %arg8[%add3A_67, %dma_start3A_84] : memref<16x128xi32, #tpu.memory_space<vmem>> -> memref<1x128xi32, #tpu.memory_space<vmem>>
      %dma_start3A_86 = tpu.memref_squeeze %dma_start3A_85 : memref<1x128xi32, #tpu.memory_space<vmem>> -> memref<128xi32, #tpu.memory_space<vmem>>
      %dma_start3A_87 = arith.constant 0 : i32
      %dma_start3A_88 = arith.constant 0 : i32
      %dma_start3A_89 = tpu.memref_slice %arg3[%dma_start3A_87, %dma_start3A_88] : memref<10000x64xi32, #tpu.memory_space<hbm>> -> memref<10000x64xi32, #tpu.memory_space<hbm>>
      tpu.enqueue_indirect_dma source(%dma_start3A_89 : memref<10000x64xi32, #tpu.memory_space<hbm>>) target(%dma_start3A_83 : memref<128x64xi32, #tpu.memory_space<vmem>>) offsets(%dma_start3A_86 : memref<128xi32, #tpu.memory_space<vmem>>) semaphore(%arg14 : memref<!tpu.dma_semaphore, #tpu.memory_space<semaphore_mem>>)
      %dma_wait3A_90 = arith.constant 0 : i32
      %dma_wait3A_91 = arith.constant 0 : i32
      %dma_wait3A_92 = arith.constant 0 : i32
      %dma_wait3A_93 = arith.constant 0 : i32
      %dma_wait3A_94 = tpu.memref_slice %arg9[%dma_wait3A_91, %dma_wait3A_92, %dma_wait3A_93] : memref<2x128x64xi32, #tpu.memory_space<vmem>> -> memref<1x128x64xi32, #tpu.memory_space<vmem>>
      %dma_wait3A_95 = tpu.memref_squeeze %dma_wait3A_94 : memref<1x128x64xi32, #tpu.memory_space<vmem>> -> memref<128x64xi32, #tpu.memory_space<vmem>>
      %dma_wait3A_96 = arith.constant 0 : i32
      %dma_wait3A_97 = tpu.memref_slice %arg7[%dma_wait3A_90, %dma_wait3A_96] : memref<16x128xi32, #tpu.memory_space<vmem>> -> memref<1x128xi32, #tpu.memory_space<vmem>>
      %dma_wait3A_98 = tpu.memref_squeeze %dma_wait3A_97 : memref<1x128xi32, #tpu.memory_space<vmem>> -> memref<128xi32, #tpu.memory_space<vmem>>
      %dma_wait3A_99 = arith.constant 0 : i32
      %dma_wait3A_100 = arith.constant 0 : i32
      %dma_wait3A_101 = tpu.memref_slice %arg2[%dma_wait3A_99, %dma_wait3A_100] : memref<10000x64xi32, #tpu.memory_space<hbm>> -> memref<10000x64xi32, #tpu.memory_space<hbm>>
      tpu.wait_indirect_dma semaphore(%arg11 : memref<!tpu.dma_semaphore, #tpu.memory_space<semaphore_mem>>) src(%dma_wait3A_101 : memref<10000x64xi32, #tpu.memory_space<hbm>>) dst(%dma_wait3A_95 : memref<128x64xi32, #tpu.memory_space<vmem>>)
      %dma_wait3A_102 = arith.constant 0 : i32
      %dma_wait3A_103 = arith.constant 0 : i32
      %dma_wait3A_104 = arith.constant 0 : i32
      %dma_wait3A_105 = arith.constant 0 : i32
      %dma_wait3A_106 = tpu.memref_slice %arg10[%dma_wait3A_103, %dma_wait3A_104, %dma_wait3A_105] : memref<2x128x64xi32, #tpu.memory_space<vmem>> -> memref<1x128x64xi32, #tpu.memory_space<vmem>>
      %dma_wait3A_107 = tpu.memref_squeeze %dma_wait3A_106 : memref<1x128x64xi32, #tpu.memory_space<vmem>> -> memref<128x64xi32, #tpu.memory_space<vmem>>
      %dma_wait3A_108 = arith.constant 0 : i32
      %dma_wait3A_109 = tpu.memref_slice %arg8[%dma_wait3A_102, %dma_wait3A_108] : memref<16x128xi32, #tpu.memory_space<vmem>> -> memref<1x128xi32, #tpu.memory_space<vmem>>
      %dma_wait3A_110 = tpu.memref_squeeze %dma_wait3A_109 : memref<1x128xi32, #tpu.memory_space<vmem>> -> memref<128xi32, #tpu.memory_space<vmem>>
      %dma_wait3A_111 = arith.constant 0 : i32
      %dma_wait3A_112 = arith.constant 0 : i32
      %dma_wait3A_113 = tpu.memref_slice %arg3[%dma_wait3A_111, %dma_wait3A_112] : memref<10000x64xi32, #tpu.memory_space<hbm>> -> memref<10000x64xi32, #tpu.memory_space<hbm>>
      tpu.wait_indirect_dma semaphore(%arg12 : memref<!tpu.dma_semaphore, #tpu.memory_space<semaphore_mem>>) src(%dma_wait3A_113 : memref<10000x64xi32, #tpu.memory_space<hbm>>) dst(%dma_wait3A_107 : memref<128x64xi32, #tpu.memory_space<vmem>>)
      %scan3A_114 = arith.constant 0 : i32
      %scan3A_115 = arith.constant 128 : i32
      %scan3A_116 = arith.addi %scan3A_114, %scan3A_115 : i32
      %scan3A_117 = arith.constant 1 : i32
      scf.for %scan3A_188 = %scan3A_114 to %scan3A_116 step %scan3A_117  : i32 {
        %mul3A_189 = arith.constant 1 : i32
        %mul3A_190 = arith.muli %scan3A_188, %mul3A_189 : i32
        %add3A_191 = arith.constant 0 : i32
        %add3A_192 = arith.addi %add3A_191, %mul3A_190 : i32
        %get3A = arith.constant 0 : i32
        %get3A_193 = arith.index_cast %get3A : i32 to index
        %get3A_194 = arith.index_cast %add3A_192 : i32 to index
        %get3A_195 = arith.constant 0 : index
        %get3A_196 = tpu.vector_load %arg9[%get3A_193, %get3A_194, %get3A_195] {strides = array<i32>} : memref<2x128x64xi32, #tpu.memory_space<vmem>>, vector<16xi32>,
        %bitcast3A = vector.bitcast %get3A_196 : vector<16xi32> to vector<32xbf16>
        %get3A_197 = arith.constant 0 : i32
        %get3A_198 = arith.index_cast %get3A_197 : i32 to index
        %get3A_199 = arith.index_cast %add3A_192 : i32 to index
        %get3A_200 = arith.constant 0 : index
        %get3A_201 = tpu.vector_load %arg10[%get3A_198, %get3A_199, %get3A_200] {strides = array<i32>} : memref<2x128x64xi32, #tpu.memory_space<vmem>>, vector<16xi32>,
        %bitcast3A_202 = vector.bitcast %get3A_201 : vector<16xi32> to vector<32xbf16>
        %add3A_203 = arith.addf %bitcast3A, %bitcast3A_202 : vector<32xbf16>
        %bitcast3A_204 = vector.bitcast %add3A_203 : vector<32xbf16> to vector<16xi32>
        %swap3A = arith.constant 0 : i32
        %swap3A_205 = arith.index_cast %swap3A : i32 to index
        %swap3A_206 = arith.index_cast %add3A_192 : i32 to index
        %swap3A_207 = arith.constant 0 : index
        %swap3A_208 = tpu.vector_load %arg9[%swap3A_205, %swap3A_206, %swap3A_207] {strides = array<i32>} : memref<2x128x64xi32, #tpu.memory_space<vmem>>, vector<16xi32>,
        tpu.vector_store %arg9[%swap3A_205, %swap3A_206, %swap3A_207], %bitcast3A_204 {strides = array<i32>} : memref<2x128x64xi32, #tpu.memory_space<vmem>>, vector<16xi32>,
        %get3A_209 = arith.constant 0 : i32
        %get3A_210 = arith.index_cast %get3A_209 : i32 to index
        %get3A_211 = arith.index_cast %add3A_192 : i32 to index
        %get3A_212 = arith.constant 16 : index
        %get3A_213 = tpu.vector_load %arg9[%get3A_210, %get3A_211, %get3A_212] {strides = array<i32>} : memref<2x128x64xi32, #tpu.memory_space<vmem>>, vector<16xi32>,
        %bitcast3A_214 = vector.bitcast %get3A_213 : vector<16xi32> to vector<32xbf16>
        %get3A_215 = arith.constant 0 : i32
        %get3A_216 = arith.index_cast %get3A_215 : i32 to index
        %get3A_217 = arith.index_cast %add3A_192 : i32 to index
        %get3A_218 = arith.constant 16 : index
        %get3A_219 = tpu.vector_load %arg10[%get3A_216, %get3A_217, %get3A_218] {strides = array<i32>} : memref<2x128x64xi32, #tpu.memory_space<vmem>>, vector<16xi32>,
        %bitcast3A_220 = vector.bitcast %get3A_219 : vector<16xi32> to vector<32xbf16>
        %add3A_221 = arith.addf %bitcast3A_214, %bitcast3A_220 : vector<32xbf16>
        %bitcast3A_222 = vector.bitcast %add3A_221 : vector<32xbf16> to vector<16xi32>
        %swap3A_223 = arith.constant 0 : i32
        %swap3A_224 = arith.index_cast %swap3A_223 : i32 to index
        %swap3A_225 = arith.index_cast %add3A_192 : i32 to index
        %swap3A_226 = arith.constant 16 : index
        %swap3A_227 = tpu.vector_load %arg9[%swap3A_224, %swap3A_225, %swap3A_226] {strides = array<i32>} : memref<2x128x64xi32, #tpu.memory_space<vmem>>, vector<16xi32>,
        tpu.vector_store %arg9[%swap3A_224, %swap3A_225, %swap3A_226], %bitcast3A_222 {strides = array<i32>} : memref<2x128x64xi32, #tpu.memory_space<vmem>>, vector<16xi32>,
        %get3A_228 = arith.constant 0 : i32
        %get3A_229 = arith.index_cast %get3A_228 : i32 to index
        %get3A_230 = arith.index_cast %add3A_192 : i32 to index
        %get3A_231 = arith.constant 32 : index
        %get3A_232 = tpu.vector_load %arg9[%get3A_229, %get3A_230, %get3A_231] {strides = array<i32>} : memref<2x128x64xi32, #tpu.memory_space<vmem>>, vector<16xi32>,
        %bitcast3A_233 = vector.bitcast %get3A_232 : vector<16xi32> to vector<32xbf16>
        %get3A_234 = arith.constant 0 : i32
        %get3A_235 = arith.index_cast %get3A_234 : i32 to index
        %get3A_236 = arith.index_cast %add3A_192 : i32 to index
        %get3A_237 = arith.constant 32 : index
        %get3A_238 = tpu.vector_load %arg10[%get3A_235, %get3A_236, %get3A_237] {strides = array<i32>} : memref<2x128x64xi32, #tpu.memory_space<vmem>>, vector<16xi32>,
        %bitcast3A_239 = vector.bitcast %get3A_238 : vector<16xi32> to vector<32xbf16>
        %add3A_240 = arith.addf %bitcast3A_233, %bitcast3A_239 : vector<32xbf16>
        %bitcast3A_241 = vector.bitcast %add3A_240 : vector<32xbf16> to vector<16xi32>
        %swap3A_242 = arith.constant 0 : i32
        %swap3A_243 = arith.index_cast %swap3A_242 : i32 to index
        %swap3A_244 = arith.index_cast %add3A_192 : i32 to index
        %swap3A_245 = arith.constant 32 : index
        %swap3A_246 = tpu.vector_load %arg9[%swap3A_243, %swap3A_244, %swap3A_245] {strides = array<i32>} : memref<2x128x64xi32, #tpu.memory_space<vmem>>, vector<16xi32>,
        tpu.vector_store %arg9[%swap3A_243, %swap3A_244, %swap3A_245], %bitcast3A_241 {strides = array<i32>} : memref<2x128x64xi32, #tpu.memory_space<vmem>>, vector<16xi32>,
        %get3A_247 = arith.constant 0 : i32
        %get3A_248 = arith.index_cast %get3A_247 : i32 to index
        %get3A_249 = arith.index_cast %add3A_192 : i32 to index
        %get3A_250 = arith.constant 48 : index
        %get3A_251 = tpu.vector_load %arg9[%get3A_248, %get3A_249, %get3A_250] {strides = array<i32>} : memref<2x128x64xi32, #tpu.memory_space<vmem>>, vector<16xi32>,
        %bitcast3A_252 = vector.bitcast %get3A_251 : vector<16xi32> to vector<32xbf16>
        %get3A_253 = arith.constant 0 : i32
        %get3A_254 = arith.index_cast %get3A_253 : i32 to index
        %get3A_255 = arith.index_cast %add3A_192 : i32 to index
        %get3A_256 = arith.constant 48 : index
        %get3A_257 = tpu.vector_load %arg10[%get3A_254, %get3A_255, %get3A_256] {strides = array<i32>} : memref<2x128x64xi32, #tpu.memory_space<vmem>>, vector<16xi32>,
        %bitcast3A_258 = vector.bitcast %get3A_257 : vector<16xi32> to vector<32xbf16>
        %add3A_259 = arith.addf %bitcast3A_252, %bitcast3A_258 : vector<32xbf16>
        %bitcast3A_260 = vector.bitcast %add3A_259 : vector<32xbf16> to vector<16xi32>
        %swap3A_261 = arith.constant 0 : i32
        %swap3A_262 = arith.index_cast %swap3A_261 : i32 to index
        %swap3A_263 = arith.index_cast %add3A_192 : i32 to index
        %swap3A_264 = arith.constant 48 : index
        %swap3A_265 = tpu.vector_load %arg9[%swap3A_262, %swap3A_263, %swap3A_264] {strides = array<i32>} : memref<2x128x64xi32, #tpu.memory_space<vmem>>, vector<16xi32>,
        tpu.vector_store %arg9[%swap3A_262, %swap3A_263, %swap3A_264], %bitcast3A_260 {strides = array<i32>} : memref<2x128x64xi32, #tpu.memory_space<vmem>>, vector<16xi32>,
      }
      %scan3A_118 = arith.constant 128 : i32
      %add3A_119 = arith.addi %mul3A_2, %add3A_63 : i32
      %mul3A_120 = arith.constant 128 : i32
      %mul3A_121 = arith.muli %add3A_119, %mul3A_120 : i32
      %dma_start3A_122 = arith.constant 0 : i32
      %dma_start3A_123 = arith.constant 0 : i32
      %dma_start3A_124 = arith.constant 0 : i32
      %dma_start3A_125 = tpu.memref_slice %arg9[%dma_start3A_122, %dma_start3A_123, %dma_start3A_124] : memref<2x128x64xi32, #tpu.memory_space<vmem>> -> memref<1x128x64xi32, #tpu.memory_space<vmem>>
      %dma_start3A_126 = tpu.memref_squeeze %dma_start3A_125 : memref<1x128x64xi32, #tpu.memory_space<vmem>> -> memref<128x64xi32, #tpu.memory_space<vmem>>
      %dma_start3A_127 = arith.constant 0 : i32
      %dma_start3A_128 = tpu.memref_slice %arg6[%mul3A_121, %dma_start3A_127] : memref<65536x64xi32, #tpu.memory_space<hbm>> -> memref<128x64xi32, #tpu.memory_space<hbm>>
      %dma_start3A_129 = arith.constant 0 : i32
      %dma_start3A_130 = tpu.memref_slice %arg6[%mul3A_121, %dma_start3A_129] : memref<65536x64xi32, #tpu.memory_space<hbm>> -> memref<128x64xi32, #tpu.memory_space<hbm>>
      %dma_start3A_131 = arith.constant 0 : i32
      %dma_start3A_132 = arith.constant 0 : i32
      %dma_start3A_133 = tpu.memref_slice %arg9[%dma_start3A_122, %dma_start3A_131, %dma_start3A_132] : memref<2x128x64xi32, #tpu.memory_space<vmem>> -> memref<1x128x64xi32, #tpu.memory_space<vmem>>
      %dma_start3A_134 = tpu.memref_squeeze %dma_start3A_133 : memref<1x128x64xi32, #tpu.memory_space<vmem>> -> memref<128x64xi32, #tpu.memory_space<vmem>>
      tpu.enqueue_dma source(%dma_start3A_134 : memref<128x64xi32, #tpu.memory_space<vmem>>) target(%dma_start3A_130 : memref<128x64xi32, #tpu.memory_space<hbm>>) target_semaphore(%arg15 : memref<!tpu.dma_semaphore, #tpu.memory_space<semaphore_mem>>)
      %add3A_135 = arith.constant 2 : i32
      %add3A_136 = arith.addi %add3A_63, %add3A_135 : i32
      %lt3A = arith.constant 16 : i32
      %lt3A_137 = arith.cmpi slt, %add3A_136, %lt3A : i32
      %convert_element_type3A_138 = arith.extui %lt3A_137 : i1 to i32
      %cond3A_139 = arith.constant 0 : i32
      %cond3A_140 = arith.cmpi ne, %convert_element_type3A_138, %cond3A_139 : i32
      scf.if %cond3A_140 {
        %mul3A_188 = arith.constant 128 : i32
        %mul3A_189 = arith.muli %mul3A_2, %mul3A_188 : i32
        %dma_wait3A_190 = arith.constant 0 : i32
        %dma_wait3A_191 = arith.constant 0 : i32
        %dma_wait3A_192 = arith.constant 0 : i32
        %dma_wait3A_193 = tpu.memref_slice %arg9[%dma_wait3A_190, %dma_wait3A_191, %dma_wait3A_192] : memref<2x128x64xi32, #tpu.memory_space<vmem>> -> memref<1x128x64xi32, #tpu.memory_space<vmem>>
        %dma_wait3A_194 = tpu.memref_squeeze %dma_wait3A_193 : memref<1x128x64xi32, #tpu.memory_space<vmem>> -> memref<128x64xi32, #tpu.memory_space<vmem>>
        %dma_wait3A_195 = arith.constant 0 : i32
        %dma_wait3A_196 = tpu.memref_slice %arg6[%mul3A_189, %dma_wait3A_195] : memref<65536x64xi32, #tpu.memory_space<hbm>> -> memref<128x64xi32, #tpu.memory_space<hbm>>
        %dma_wait3A_197 = arith.constant 0 : i32
        %dma_wait3A_198 = tpu.memref_slice %arg6[%mul3A_189, %dma_wait3A_197] : memref<65536x64xi32, #tpu.memory_space<hbm>> -> memref<128x64xi32, #tpu.memory_space<hbm>>
        %dma_wait3A_199 = arith.constant 0 : i32
        %dma_wait3A_200 = arith.constant 0 : i32
        %dma_wait3A_201 = tpu.memref_slice %arg9[%dma_wait3A_190, %dma_wait3A_199, %dma_wait3A_200] : memref<2x128x64xi32, #tpu.memory_space<vmem>> -> memref<1x128x64xi32, #tpu.memory_space<vmem>>
        %dma_wait3A_202 = tpu.memref_squeeze %dma_wait3A_201 : memref<1x128x64xi32, #tpu.memory_space<vmem>> -> memref<128x64xi32, #tpu.memory_space<vmem>>
        tpu.wait_dma2 semaphore(%arg15 : memref<!tpu.dma_semaphore, #tpu.memory_space<semaphore_mem>>) src(%dma_wait3A_202 : memref<128x64xi32, #tpu.memory_space<vmem>>) dst(%dma_wait3A_198 : memref<128x64xi32, #tpu.memory_space<hbm>>)
        %add3A_203 = arith.constant 2 : i32
        %add3A_204 = arith.addi %add3A_63, %add3A_203 : i32
        %dma_start3A_205 = arith.constant 0 : i32
        %dma_start3A_206 = arith.constant 0 : i32
        %dma_start3A_207 = arith.constant 0 : i32
        %dma_start3A_208 = tpu.memref_slice %arg9[%dma_start3A_205, %dma_start3A_206, %dma_start3A_207] : memref<2x128x64xi32, #tpu.memory_space<vmem>> -> memref<1x128x64xi32, #tpu.memory_space<vmem>>
        %dma_start3A_209 = tpu.memref_squeeze %dma_start3A_208 : memref<1x128x64xi32, #tpu.memory_space<vmem>> -> memref<128x64xi32, #tpu.memory_space<vmem>>
        %dma_start3A_210 = arith.constant 0 : i32
        %dma_start3A_211 = tpu.memref_slice %arg7[%add3A_204, %dma_start3A_210] : memref<16x128xi32, #tpu.memory_space<vmem>> -> memref<1x128xi32, #tpu.memory_space<vmem>>
        %dma_start3A_212 = tpu.memref_squeeze %dma_start3A_211 : memref<1x128xi32, #tpu.memory_space<vmem>> -> memref<128xi32, #tpu.memory_space<vmem>>
        %dma_start3A_213 = arith.constant 0 : i32
        %dma_start3A_214 = arith.constant 0 : i32
        %dma_start3A_215 = tpu.memref_slice %arg2[%dma_start3A_213, %dma_start3A_214] : memref<10000x64xi32, #tpu.memory_space<hbm>> -> memref<10000x64xi32, #tpu.memory_space<hbm>>
        tpu.enqueue_indirect_dma source(%dma_start3A_215 : memref<10000x64xi32, #tpu.memory_space<hbm>>) target(%dma_start3A_209 : memref<128x64xi32, #tpu.memory_space<vmem>>) offsets(%dma_start3A_212 : memref<128xi32, #tpu.memory_space<vmem>>) semaphore(%arg11 : memref<!tpu.dma_semaphore, #tpu.memory_space<semaphore_mem>>)
        %dma_start3A_216 = arith.constant 0 : i32
        %dma_start3A_217 = arith.constant 0 : i32
        %dma_start3A_218 = arith.constant 0 : i32
        %dma_start3A_219 = tpu.memref_slice %arg10[%dma_start3A_216, %dma_start3A_217, %dma_start3A_218] : memref<2x128x64xi32, #tpu.memory_space<vmem>> -> memref<1x128x64xi32, #tpu.memory_space<vmem>>
        %dma_start3A_220 = tpu.memref_squeeze %dma_start3A_219 : memref<1x128x64xi32, #tpu.memory_space<vmem>> -> memref<128x64xi32, #tpu.memory_space<vmem>>
        %dma_start3A_221 = arith.constant 0 : i32
        %dma_start3A_222 = tpu.memref_slice %arg8[%add3A_204, %dma_start3A_221] : memref<16x128xi32, #tpu.memory_space<vmem>> -> memref<1x128xi32, #tpu.memory_space<vmem>>
        %dma_start3A_223 = tpu.memref_squeeze %dma_start3A_222 : memref<1x128xi32, #tpu.memory_space<vmem>> -> memref<128xi32, #tpu.memory_space<vmem>>
        %dma_start3A_224 = arith.constant 0 : i32
        %dma_start3A_225 = arith.constant 0 : i32
        %dma_start3A_226 = tpu.memref_slice %arg3[%dma_start3A_224, %dma_start3A_225] : memref<10000x64xi32, #tpu.memory_space<hbm>> -> memref<10000x64xi32, #tpu.memory_space<hbm>>
        tpu.enqueue_indirect_dma source(%dma_start3A_226 : memref<10000x64xi32, #tpu.memory_space<hbm>>) target(%dma_start3A_220 : memref<128x64xi32, #tpu.memory_space<vmem>>) offsets(%dma_start3A_223 : memref<128xi32, #tpu.memory_space<vmem>>) semaphore(%arg12 : memref<!tpu.dma_semaphore, #tpu.memory_space<semaphore_mem>>)
      } else {
      }
      %dma_wait3A_141 = arith.constant 0 : i32
      %dma_wait3A_142 = arith.constant 1 : i32
      %dma_wait3A_143 = arith.constant 0 : i32
      %dma_wait3A_144 = arith.constant 0 : i32
      %dma_wait3A_145 = tpu.memref_slice %arg9[%dma_wait3A_142, %dma_wait3A_143, %dma_wait3A_144] : memref<2x128x64xi32, #tpu.memory_space<vmem>> -> memref<1x128x64xi32, #tpu.memory_space<vmem>>
      %dma_wait3A_146 = tpu.memref_squeeze %dma_wait3A_145 : memref<1x128x64xi32, #tpu.memory_space<vmem>> -> memref<128x64xi32, #tpu.memory_space<vmem>>
      %dma_wait3A_147 = arith.constant 0 : i32
      %dma_wait3A_148 = tpu.memref_slice %arg7[%dma_wait3A_141, %dma_wait3A_147] : memref<16x128xi32, #tpu.memory_space<vmem>> -> memref<1x128xi32, #tpu.memory_space<vmem>>
      %dma_wait3A_149 = tpu.memref_squeeze %dma_wait3A_148 : memref<1x128xi32, #tpu.memory_space<vmem>> -> memref<128xi32, #tpu.memory_space<vmem>>
      %dma_wait3A_150 = arith.constant 0 : i32
      %dma_wait3A_151 = arith.constant 0 : i32
      %dma_wait3A_152 = tpu.memref_slice %arg2[%dma_wait3A_150, %dma_wait3A_151] : memref<10000x64xi32, #tpu.memory_space<hbm>> -> memref<10000x64xi32, #tpu.memory_space<hbm>>
      tpu.wait_indirect_dma semaphore(%arg13 : memref<!tpu.dma_semaphore, #tpu.memory_space<semaphore_mem>>) src(%dma_wait3A_152 : memref<10000x64xi32, #tpu.memory_space<hbm>>) dst(%dma_wait3A_146 : memref<128x64xi32, #tpu.memory_space<vmem>>)
      %dma_wait3A_153 = arith.constant 0 : i32
      %dma_wait3A_154 = arith.constant 1 : i32
      %dma_wait3A_155 = arith.constant 0 : i32
      %dma_wait3A_156 = arith.constant 0 : i32
      %dma_wait3A_157 = tpu.memref_slice %arg10[%dma_wait3A_154, %dma_wait3A_155, %dma_wait3A_156] : memref<2x128x64xi32, #tpu.memory_space<vmem>> -> memref<1x128x64xi32, #tpu.memory_space<vmem>>
      %dma_wait3A_158 = tpu.memref_squeeze %dma_wait3A_157 : memref<1x128x64xi32, #tpu.memory_space<vmem>> -> memref<128x64xi32, #tpu.memory_space<vmem>>
      %dma_wait3A_159 = arith.constant 0 : i32
      %dma_wait3A_160 = tpu.memref_slice %arg8[%dma_wait3A_153, %dma_wait3A_159] : memref<16x128xi32, #tpu.memory_space<vmem>> -> memref<1x128xi32, #tpu.memory_space<vmem>>
      %dma_wait3A_161 = tpu.memref_squeeze %dma_wait3A_160 : memref<1x128xi32, #tpu.memory_space<vmem>> -> memref<128xi32, #tpu.memory_space<vmem>>
      %dma_wait3A_162 = arith.constant 0 : i32
      %dma_wait3A_163 = arith.constant 0 : i32
      %dma_wait3A_164 = tpu.memref_slice %arg3[%dma_wait3A_162, %dma_wait3A_163] : memref<10000x64xi32, #tpu.memory_space<hbm>> -> memref<10000x64xi32, #tpu.memory_space<hbm>>
      tpu.wait_indirect_dma semaphore(%arg14 : memref<!tpu.dma_semaphore, #tpu.memory_space<semaphore_mem>>) src(%dma_wait3A_164 : memref<10000x64xi32, #tpu.memory_space<hbm>>) dst(%dma_wait3A_158 : memref<128x64xi32, #tpu.memory_space<vmem>>)
      %add3A_165 = arith.constant 1 : i32
      %add3A_166 = arith.addi %add3A_63, %add3A_165 : i32
      %scan3A_167 = arith.constant 0 : i32
      %scan3A_168 = arith.constant 128 : i32
      %scan3A_169 = arith.addi %scan3A_167, %scan3A_168 : i32
      %scan3A_170 = arith.constant 1 : i32
      scf.for %scan3A_188 = %scan3A_167 to %scan3A_169 step %scan3A_170  : i32 {
        %mul3A_189 = arith.constant 1 : i32
        %mul3A_190 = arith.muli %scan3A_188, %mul3A_189 : i32
        %add3A_191 = arith.constant 0 : i32
        %add3A_192 = arith.addi %add3A_191, %mul3A_190 : i32
        %get3A = arith.constant 1 : i32
        %get3A_193 = arith.index_cast %get3A : i32 to index
        %get3A_194 = arith.index_cast %add3A_192 : i32 to index
        %get3A_195 = arith.constant 0 : index
        %get3A_196 = tpu.vector_load %arg9[%get3A_193, %get3A_194, %get3A_195] {strides = array<i32>} : memref<2x128x64xi32, #tpu.memory_space<vmem>>, vector<16xi32>,
        %bitcast3A = vector.bitcast %get3A_196 : vector<16xi32> to vector<32xbf16>
        %get3A_197 = arith.constant 1 : i32
        %get3A_198 = arith.index_cast %get3A_197 : i32 to index
        %get3A_199 = arith.index_cast %add3A_192 : i32 to index
        %get3A_200 = arith.constant 0 : index
        %get3A_201 = tpu.vector_load %arg10[%get3A_198, %get3A_199, %get3A_200] {strides = array<i32>} : memref<2x128x64xi32, #tpu.memory_space<vmem>>, vector<16xi32>,
        %bitcast3A_202 = vector.bitcast %get3A_201 : vector<16xi32> to vector<32xbf16>
        %add3A_203 = arith.addf %bitcast3A, %bitcast3A_202 : vector<32xbf16>
        %bitcast3A_204 = vector.bitcast %add3A_203 : vector<32xbf16> to vector<16xi32>
        %swap3A = arith.constant 1 : i32
        %swap3A_205 = arith.index_cast %swap3A : i32 to index
        %swap3A_206 = arith.index_cast %add3A_192 : i32 to index
        %swap3A_207 = arith.constant 0 : index
        %swap3A_208 = tpu.vector_load %arg9[%swap3A_205, %swap3A_206, %swap3A_207] {strides = array<i32>} : memref<2x128x64xi32, #tpu.memory_space<vmem>>, vector<16xi32>,
        tpu.vector_store %arg9[%swap3A_205, %swap3A_206, %swap3A_207], %bitcast3A_204 {strides = array<i32>} : memref<2x128x64xi32, #tpu.memory_space<vmem>>, vector<16xi32>,
        %get3A_209 = arith.constant 1 : i32
        %get3A_210 = arith.index_cast %get3A_209 : i32 to index
        %get3A_211 = arith.index_cast %add3A_192 : i32 to index
        %get3A_212 = arith.constant 16 : index
        %get3A_213 = tpu.vector_load %arg9[%get3A_210, %get3A_211, %get3A_212] {strides = array<i32>} : memref<2x128x64xi32, #tpu.memory_space<vmem>>, vector<16xi32>,
        %bitcast3A_214 = vector.bitcast %get3A_213 : vector<16xi32> to vector<32xbf16>
        %get3A_215 = arith.constant 1 : i32
        %get3A_216 = arith.index_cast %get3A_215 : i32 to index
        %get3A_217 = arith.index_cast %add3A_192 : i32 to index
        %get3A_218 = arith.constant 16 : index
        %get3A_219 = tpu.vector_load %arg10[%get3A_216, %get3A_217, %get3A_218] {strides = array<i32>} : memref<2x128x64xi32, #tpu.memory_space<vmem>>, vector<16xi32>,
        %bitcast3A_220 = vector.bitcast %get3A_219 : vector<16xi32> to vector<32xbf16>
        %add3A_221 = arith.addf %bitcast3A_214, %bitcast3A_220 : vector<32xbf16>
        %bitcast3A_222 = vector.bitcast %add3A_221 : vector<32xbf16> to vector<16xi32>
        %swap3A_223 = arith.constant 1 : i32
        %swap3A_224 = arith.index_cast %swap3A_223 : i32 to index
        %swap3A_225 = arith.index_cast %add3A_192 : i32 to index
        %swap3A_226 = arith.constant 16 : index
        %swap3A_227 = tpu.vector_load %arg9[%swap3A_224, %swap3A_225, %swap3A_226] {strides = array<i32>} : memref<2x128x64xi32, #tpu.memory_space<vmem>>, vector<16xi32>,
        tpu.vector_store %arg9[%swap3A_224, %swap3A_225, %swap3A_226], %bitcast3A_222 {strides = array<i32>} : memref<2x128x64xi32, #tpu.memory_space<vmem>>, vector<16xi32>,
        %get3A_228 = arith.constant 1 : i32
        %get3A_229 = arith.index_cast %get3A_228 : i32 to index
        %get3A_230 = arith.index_cast %add3A_192 : i32 to index
        %get3A_231 = arith.constant 32 : index
        %get3A_232 = tpu.vector_load %arg9[%get3A_229, %get3A_230, %get3A_231] {strides = array<i32>} : memref<2x128x64xi32, #tpu.memory_space<vmem>>, vector<16xi32>,
        %bitcast3A_233 = vector.bitcast %get3A_232 : vector<16xi32> to vector<32xbf16>
        %get3A_234 = arith.constant 1 : i32
        %get3A_235 = arith.index_cast %get3A_234 : i32 to index
        %get3A_236 = arith.index_cast %add3A_192 : i32 to index
        %get3A_237 = arith.constant 32 : index
        %get3A_238 = tpu.vector_load %arg10[%get3A_235, %get3A_236, %get3A_237] {strides = array<i32>} : memref<2x128x64xi32, #tpu.memory_space<vmem>>, vector<16xi32>,
        %bitcast3A_239 = vector.bitcast %get3A_238 : vector<16xi32> to vector<32xbf16>
        %add3A_240 = arith.addf %bitcast3A_233, %bitcast3A_239 : vector<32xbf16>
        %bitcast3A_241 = vector.bitcast %add3A_240 : vector<32xbf16> to vector<16xi32>
        %swap3A_242 = arith.constant 1 : i32
        %swap3A_243 = arith.index_cast %swap3A_242 : i32 to index
        %swap3A_244 = arith.index_cast %add3A_192 : i32 to index
        %swap3A_245 = arith.constant 32 : index
        %swap3A_246 = tpu.vector_load %arg9[%swap3A_243, %swap3A_244, %swap3A_245] {strides = array<i32>} : memref<2x128x64xi32, #tpu.memory_space<vmem>>, vector<16xi32>,
        tpu.vector_store %arg9[%swap3A_243, %swap3A_244, %swap3A_245], %bitcast3A_241 {strides = array<i32>} : memref<2x128x64xi32, #tpu.memory_space<vmem>>, vector<16xi32>,
        %get3A_247 = arith.constant 1 : i32
        %get3A_248 = arith.index_cast %get3A_247 : i32 to index
        %get3A_249 = arith.index_cast %add3A_192 : i32 to index
        %get3A_250 = arith.constant 48 : index
        %get3A_251 = tpu.vector_load %arg9[%get3A_248, %get3A_249, %get3A_250] {strides = array<i32>} : memref<2x128x64xi32, #tpu.memory_space<vmem>>, vector<16xi32>,
        %bitcast3A_252 = vector.bitcast %get3A_251 : vector<16xi32> to vector<32xbf16>
        %get3A_253 = arith.constant 1 : i32
        %get3A_254 = arith.index_cast %get3A_253 : i32 to index
        %get3A_255 = arith.index_cast %add3A_192 : i32 to index
        %get3A_256 = arith.constant 48 : index
        %get3A_257 = tpu.vector_load %arg10[%get3A_254, %get3A_255, %get3A_256] {strides = array<i32>} : memref<2x128x64xi32, #tpu.memory_space<vmem>>, vector<16xi32>,
        %bitcast3A_258 = vector.bitcast %get3A_257 : vector<16xi32> to vector<32xbf16>
        %add3A_259 = arith.addf %bitcast3A_252, %bitcast3A_258 : vector<32xbf16>
        %bitcast3A_260 = vector.bitcast %add3A_259 : vector<32xbf16> to vector<16xi32>
        %swap3A_261 = arith.constant 1 : i32
        %swap3A_262 = arith.index_cast %swap3A_261 : i32 to index
        %swap3A_263 = arith.index_cast %add3A_192 : i32 to index
        %swap3A_264 = arith.constant 48 : index
        %swap3A_265 = tpu.vector_load %arg9[%swap3A_262, %swap3A_263, %swap3A_264] {strides = array<i32>} : memref<2x128x64xi32, #tpu.memory_space<vmem>>, vector<16xi32>,
        tpu.vector_store %arg9[%swap3A_262, %swap3A_263, %swap3A_264], %bitcast3A_260 {strides = array<i32>} : memref<2x128x64xi32, #tpu.memory_space<vmem>>, vector<16xi32>,
      }
      %scan3A_171 = arith.constant 128 : i32
      %add3A_172 = arith.addi %mul3A_2, %add3A_166 : i32
      %mul3A_173 = arith.constant 128 : i32
      %mul3A_174 = arith.muli %add3A_172, %mul3A_173 : i32
      %dma_start3A_175 = arith.constant 1 : i32
      %dma_start3A_176 = arith.constant 0 : i32
      %dma_start3A_177 = arith.constant 0 : i32
      %dma_start3A_178 = tpu.memref_slice %arg9[%dma_start3A_175, %dma_start3A_176, %dma_start3A_177] : memref<2x128x64xi32, #tpu.memory_space<vmem>> -> memref<1x128x64xi32, #tpu.memory_space<vmem>>
      %dma_start3A_179 = tpu.memref_squeeze %dma_start3A_178 : memref<1x128x64xi32, #tpu.memory_space<vmem>> -> memref<128x64xi32, #tpu.memory_space<vmem>>
      %dma_start3A_180 = arith.constant 0 : i32
      %dma_start3A_181 = tpu.memref_slice %arg6[%mul3A_174, %dma_start3A_180] : memref<65536x64xi32, #tpu.memory_space<hbm>> -> memref<128x64xi32, #tpu.memory_space<hbm>>
      %dma_start3A_182 = arith.constant 0 : i32
      %dma_start3A_183 = tpu.memref_slice %arg6[%mul3A_174, %dma_start3A_182] : memref<65536x64xi32, #tpu.memory_space<hbm>> -> memref<128x64xi32, #tpu.memory_space<hbm>>
      %dma_start3A_184 = arith.constant 0 : i32
      %dma_start3A_185 = arith.constant 0 : i32
      %dma_start3A_186 = tpu.memref_slice %arg9[%dma_start3A_175, %dma_start3A_184, %dma_start3A_185] : memref<2x128x64xi32, #tpu.memory_space<vmem>> -> memref<1x128x64xi32, #tpu.memory_space<vmem>>
      %dma_start3A_187 = tpu.memref_squeeze %dma_start3A_186 : memref<1x128x64xi32, #tpu.memory_space<vmem>> -> memref<128x64xi32, #tpu.memory_space<vmem>>
      tpu.enqueue_dma source(%dma_start3A_187 : memref<128x64xi32, #tpu.memory_space<vmem>>) target(%dma_start3A_183 : memref<128x64xi32, #tpu.memory_space<hbm>>) target_semaphore(%arg16 : memref<!tpu.dma_semaphore, #tpu.memory_space<semaphore_mem>>)
    }
    %scan3A_29 = arith.constant 8 : i32
    %mul3A_30 = arith.constant 128 : i32
    %mul3A_31 = arith.muli %mul3A_2, %mul3A_30 : i32
    %dma_wait3A = arith.constant 0 : i32
    %dma_wait3A_32 = arith.constant 0 : i32
    %dma_wait3A_33 = arith.constant 0 : i32
    %dma_wait3A_34 = tpu.memref_slice %arg9[%dma_wait3A, %dma_wait3A_32, %dma_wait3A_33] : memref<2x128x64xi32, #tpu.memory_space<vmem>> -> memref<1x128x64xi32, #tpu.memory_space<vmem>>
    %dma_wait3A_35 = tpu.memref_squeeze %dma_wait3A_34 : memref<1x128x64xi32, #tpu.memory_space<vmem>> -> memref<128x64xi32, #tpu.memory_space<vmem>>
    %dma_wait3A_36 = arith.constant 0 : i32
    %dma_wait3A_37 = tpu.memref_slice %arg6[%mul3A_31, %dma_wait3A_36] : memref<65536x64xi32, #tpu.memory_space<hbm>> -> memref<128x64xi32, #tpu.memory_space<hbm>>
    %dma_wait3A_38 = arith.constant 0 : i32
    %dma_wait3A_39 = tpu.memref_slice %arg6[%mul3A_31, %dma_wait3A_38] : memref<65536x64xi32, #tpu.memory_space<hbm>> -> memref<128x64xi32, #tpu.memory_space<hbm>>
    %dma_wait3A_40 = arith.constant 0 : i32
    %dma_wait3A_41 = arith.constant 0 : i32
    %dma_wait3A_42 = tpu.memref_slice %arg9[%dma_wait3A, %dma_wait3A_40, %dma_wait3A_41] : memref<2x128x64xi32, #tpu.memory_space<vmem>> -> memref<1x128x64xi32, #tpu.memory_space<vmem>>
    %dma_wait3A_43 = tpu.memref_squeeze %dma_wait3A_42 : memref<1x128x64xi32, #tpu.memory_space<vmem>> -> memref<128x64xi32, #tpu.memory_space<vmem>>
    tpu.wait_dma2 semaphore(%arg15 : memref<!tpu.dma_semaphore, #tpu.memory_space<semaphore_mem>>) src(%dma_wait3A_43 : memref<128x64xi32, #tpu.memory_space<vmem>>) dst(%dma_wait3A_39 : memref<128x64xi32, #tpu.memory_space<hbm>>)
    %mul3A_44 = arith.constant 128 : i32
    %mul3A_45 = arith.muli %mul3A_2, %mul3A_44 : i32
    %dma_wait3A_46 = arith.constant 1 : i32
    %dma_wait3A_47 = arith.constant 0 : i32
    %dma_wait3A_48 = arith.constant 0 : i32
    %dma_wait3A_49 = tpu.memref_slice %arg9[%dma_wait3A_46, %dma_wait3A_47, %dma_wait3A_48] : memref<2x128x64xi32, #tpu.memory_space<vmem>> -> memref<1x128x64xi32, #tpu.memory_space<vmem>>
    %dma_wait3A_50 = tpu.memref_squeeze %dma_wait3A_49 : memref<1x128x64xi32, #tpu.memory_space<vmem>> -> memref<128x64xi32, #tpu.memory_space<vmem>>
    %dma_wait3A_51 = arith.constant 0 : i32
    %dma_wait3A_52 = tpu.memref_slice %arg6[%mul3A_45, %dma_wait3A_51] : memref<65536x64xi32, #tpu.memory_space<hbm>> -> memref<128x64xi32, #tpu.memory_space<hbm>>
    %dma_wait3A_53 = arith.constant 0 : i32
    %dma_wait3A_54 = tpu.memref_slice %arg6[%mul3A_45, %dma_wait3A_53] : memref<65536x64xi32, #tpu.memory_space<hbm>> -> memref<128x64xi32, #tpu.memory_space<hbm>>
    %dma_wait3A_55 = arith.constant 0 : i32
    %dma_wait3A_56 = arith.constant 0 : i32
    %dma_wait3A_57 = tpu.memref_slice %arg9[%dma_wait3A_46, %dma_wait3A_55, %dma_wait3A_56] : memref<2x128x64xi32, #tpu.memory_space<vmem>> -> memref<1x128x64xi32, #tpu.memory_space<vmem>>
    %dma_wait3A_58 = tpu.memref_squeeze %dma_wait3A_57 : memref<1x128x64xi32, #tpu.memory_space<vmem>> -> memref<128x64xi32, #tpu.memory_space<vmem>>
    tpu.wait_dma2 semaphore(%arg16 : memref<!tpu.dma_semaphore, #tpu.memory_space<semaphore_mem>>) src(%dma_wait3A_58 : memref<128x64xi32, #tpu.memory_space<vmem>>) dst(%dma_wait3A_54 : memref<128x64xi32, #tpu.memory_space<hbm>>)
    return
  }
}

#map = affine_map<(d0, d1) -> (0, 0)>
module attributes {stable_mosaic.version = 14 : i64} {
  func.func @gather_sum(%arg0: i32, %arg1: i32, %arg2: memref<10000x64xi32, #tpu.memory_space<hbm>>, %arg3: memref<10000x64xi32, #tpu.memory_space<hbm>>, %arg4: memref<512x128xi32, #tpu.memory_space<hbm>>, %arg5: memref<512x128xi32, #tpu.memory_space<hbm>>, %arg6: memref<65536x64xi32, #tpu.memory_space<hbm>>, %arg7: memref<16x128xi32, #tpu.memory_space<vmem>>, %arg8: memref<16x128xi32, #tpu.memory_space<vmem>>, %arg9: memref<2x128x64xi32, #tpu.memory_space<vmem>>, %arg10: memref<2x128x64xi32, #tpu.memory_space<vmem>>, %arg11: memref<!tpu.dma_semaphore, #tpu.memory_space<semaphore_mem>>, %arg12: memref<!tpu.dma_semaphore, #tpu.memory_space<semaphore_mem>>, %arg13: memref<!tpu.dma_semaphore, #tpu.memory_space<semaphore_mem>>, %arg14: memref<!tpu.dma_semaphore, #tpu.memory_space<semaphore_mem>>, %arg15: memref<!tpu.dma_semaphore, #tpu.memory_space<semaphore_mem>>, %arg16: memref<!tpu.dma_semaphore, #tpu.memory_space<semaphore_mem>>) attributes {dimension_semantics = [#tpu.dimension_semantics<core_parallel>, #tpu.dimension_semantics<subcore_parallel>], iteration_bounds = array<i64: 2, 16>, scalar_prefetch = 0 : i64, scratch_operands = 10 : i64, tpu.core_type = #tpu.core_type<sc_vector_subcore>, window_params = [{transform_indices = #map}, {transform_indices = #map}, {transform_indices = #map}, {transform_indices = #map}, {transform_indices = #map}]} {
    %mul3A = arith.constant 16 : i32
    %mul3A_0 = arith.muli %arg0, %mul3A : i32
    %add3A = arith.addi %mul3A_0, %arg1 : i32
    %mul3A_1 = arith.constant 16 : i32
    %mul3A_2 = arith.muli %add3A, %mul3A_1 : i32
    "tpu.region"() ({
      %run_scoped3A = tpu.sem_alloc : memref<!tpu.dma_semaphore, #tpu.memory_space<semaphore_mem>>
      %dma_start3A_59 = arith.constant 0 : i32
      %dma_start3A_60 = tpu.memref_slice %arg4[%mul3A_2, %dma_start3A_59] : memref<512x128xi32, #tpu.memory_space<hbm>> -> memref<16x128xi32, #tpu.memory_space<hbm>>
      %dma_start3A_61 = arith.constant 0 : i32
      %dma_start3A_62 = tpu.memref_slice %arg4[%mul3A_2, %dma_start3A_61] : memref<512x128xi32, #tpu.memory_space<hbm>> -> memref<16x128xi32, #tpu.memory_space<hbm>>
      tpu.enqueue_dma source(%dma_start3A_62 : memref<16x128xi32, #tpu.memory_space<hbm>>) target(%arg7 : memref<16x128xi32, #tpu.memory_space<vmem>>) target_semaphore(%run_scoped3A : memref<!tpu.dma_semaphore, #tpu.memory_space<semaphore_mem>>)
      %dma_wait3A_63 = arith.constant 0 : i32
      %dma_wait3A_64 = tpu.memref_slice %arg4[%mul3A_2, %dma_wait3A_63] : memref<512x128xi32, #tpu.memory_space<hbm>> -> memref<16x128xi32, #tpu.memory_space<hbm>>
      %dma_wait3A_65 = arith.constant 0 : i32
      %dma_wait3A_66 = tpu.memref_slice %arg4[%mul3A_2, %dma_wait3A_65] : memref<512x128xi32, #tpu.memory_space<hbm>> -> memref<16x128xi32, #tpu.memory_space<hbm>>
      tpu.wait_dma2 semaphore(%run_scoped3A : memref<!tpu.dma_semaphore, #tpu.memory_space<semaphore_mem>>) src(%dma_wait3A_66 : memref<16x128xi32, #tpu.memory_space<hbm>>) dst(%arg7 : memref<16x128xi32, #tpu.memory_space<vmem>>)
      tpu.yield
    }) : () -> ()
    "tpu.region"() ({
      %run_scoped3A = tpu.sem_alloc : memref<!tpu.dma_semaphore, #tpu.memory_space<semaphore_mem>>
      %dma_start3A_59 = arith.constant 0 : i32
      %dma_start3A_60 = tpu.memref_slice %arg5[%mul3A_2, %dma_start3A_59] : memref<512x128xi32, #tpu.memory_space<hbm>> -> memref<16x128xi32, #tpu.memory_space<hbm>>
      %dma_start3A_61 = arith.constant 0 : i32
      %dma_start3A_62 = tpu.memref_slice %arg5[%mul3A_2, %dma_start3A_61] : memref<512x128xi32, #tpu.memory_space<hbm>> -> memref<16x128xi32, #tpu.memory_space<hbm>>
      tpu.enqueue_dma source(%dma_start3A_62 : memref<16x128xi32, #tpu.memory_space<hbm>>) target(%arg8 : memref<16x128xi32, #tpu.memory_space<vmem>>) target_semaphore(%run_scoped3A : memref<!tpu.dma_semaphore, #tpu.memory_space<semaphore_mem>>)
      %dma_wait3A_63 = arith.constant 0 : i32
      %dma_wait3A_64 = tpu.memref_slice %arg5[%mul3A_2, %dma_wait3A_63] : memref<512x128xi32, #tpu.memory_space<hbm>> -> memref<16x128xi32, #tpu.memory_space<hbm>>
      %dma_wait3A_65 = arith.constant 0 : i32
      %dma_wait3A_66 = tpu.memref_slice %arg5[%mul3A_2, %dma_wait3A_65] : memref<512x128xi32, #tpu.memory_space<hbm>> -> memref<16x128xi32, #tpu.memory_space<hbm>>
      tpu.wait_dma2 semaphore(%run_scoped3A : memref<!tpu.dma_semaphore, #tpu.memory_space<semaphore_mem>>) src(%dma_wait3A_66 : memref<16x128xi32, #tpu.memory_space<hbm>>) dst(%arg8 : memref<16x128xi32, #tpu.memory_space<vmem>>)
      tpu.yield
    }) : () -> ()
    %dma_start3A = arith.constant 0 : i32
    %dma_start3A_3 = arith.constant 0 : i32
    %dma_start3A_4 = arith.constant 0 : i32
    %dma_start3A_5 = arith.constant 0 : i32
    %dma_start3A_6 = tpu.memref_slice %arg9[%dma_start3A_3, %dma_start3A_4, %dma_start3A_5] : memref<2x128x64xi32, #tpu.memory_space<vmem>> -> memref<1x128x64xi32, #tpu.memory_space<vmem>>
    %dma_start3A_7 = tpu.memref_squeeze %dma_start3A_6 : memref<1x128x64xi32, #tpu.memory_space<vmem>> -> memref<128x64xi32, #tpu.memory_space<vmem>>
    %dma_start3A_8 = arith.constant 0 : i32
    %dma_start3A_9 = tpu.memref_slice %arg7[%dma_start3A, %dma_start3A_8] : memref<16x128xi32, #tpu.memory_space<vmem>> -> memref<1x128xi32, #tpu.memory_space<vmem>>
    %dma_start3A_10 = tpu.memref_squeeze %dma_start3A_9 : memref<1x128xi32, #tpu.memory_space<vmem>> -> memref<128xi32, #tpu.memory_space<vmem>>
    %dma_start3A_11 = arith.constant 0 : i32
    %dma_start3A_12 = arith.constant 0 : i32
    %dma_start3A_13 = tpu.memref_slice %arg2[%dma_start3A_11, %dma_start3A_12] : memref<10000x64xi32, #tpu.memory_space<hbm>> -> memref<10000x64xi32, #tpu.memory_space<hbm>>
    tpu.enqueue_indirect_dma source(%dma_start3A_13 : memref<10000x64xi32, #tpu.memory_space<hbm>>) target(%dma_start3A_7 : memref<128x64xi32, #tpu.memory_space<vmem>>) offsets(%dma_start3A_10 : memref<128xi32, #tpu.memory_space<vmem>>) semaphore(%arg11 : memref<!tpu.dma_semaphore, #tpu.memory_space<semaphore_mem>>)
    %dma_start3A_14 = arith.constant 0 : i32
    %dma_start3A_15 = arith.constant 0 : i32
    %dma_start3A_16 = arith.constant 0 : i32
    %dma_start3A_17 = arith.constant 0 : i32
    %dma_start3A_18 = tpu.memref_slice %arg10[%dma_start3A_15, %dma_start3A_16, %dma_start3A_17] : memref<2x128x64xi32, #tpu.memory_space<vmem>> -> memref<1x128x64xi32, #tpu.memory_space<vmem>>
    %dma_start3A_19 = tpu.memref_squeeze %dma_start3A_18 : memref<1x128x64xi32, #tpu.memory_space<vmem>> -> memref<128x64xi32, #tpu.memory_space<vmem>>
    %dma_start3A_20 = arith.constant 0 : i32
    %dma_start3A_21 = tpu.memref_slice %arg8[%dma_start3A_14, %dma_start3A_20] : memref<16x128xi32, #tpu.memory_space<vmem>> -> memref<1x128xi32, #tpu.memory_space<vmem>>
    %dma_start3A_22 = tpu.memref_squeeze %dma_start3A_21 : memref<1x128xi32, #tpu.memory_space<vmem>> -> memref<128xi32, #tpu.memory_space<vmem>>
    %dma_start3A_23 = arith.constant 0 : i32
    %dma_start3A_24 = arith.constant 0 : i32
    %dma_start3A_25 = tpu.memref_slice %arg3[%dma_start3A_23, %dma_start3A_24] : memref<10000x64xi32, #tpu.memory_space<hbm>> -> memref<10000x64xi32, #tpu.memory_space<hbm>>
    tpu.enqueue_indirect_dma source(%dma_start3A_25 : memref<10000x64xi32, #tpu.memory_space<hbm>>) target(%dma_start3A_19 : memref<128x64xi32, #tpu.memory_space<vmem>>) offsets(%dma_start3A_22 : memref<128xi32, #tpu.memory_space<vmem>>) semaphore(%arg12 : memref<!tpu.dma_semaphore, #tpu.memory_space<semaphore_mem>>)
    %scan3A = arith.constant 0 : i32
    %scan3A_26 = arith.constant 8 : i32
    %scan3A_27 = arith.addi %scan3A, %scan3A_26 : i32
    %scan3A_28 = arith.constant 1 : i32
    scf.for %scan3A_59 = %scan3A to %scan3A_27 step %scan3A_28  : i32 {
      %mul3A_60 = arith.constant 2 : i32
      %mul3A_61 = arith.muli %scan3A_59, %mul3A_60 : i32
      %add3A_62 = arith.constant 0 : i32
      %add3A_63 = arith.addi %add3A_62, %mul3A_61 : i32
      %ge3A = arith.constant 2 : i32
      %ge3A_64 = arith.cmpi sge, %add3A_63, %ge3A : i32
      %convert_element_type3A = arith.extui %ge3A_64 : i1 to i32
      %cond3A = arith.constant 0 : i32
      %cond3A_65 = arith.cmpi ne, %convert_element_type3A, %cond3A : i32
      scf.if %cond3A_65 {
        %mul3A_188 = arith.constant 128 : i32
        %mul3A_189 = arith.muli %mul3A_2, %mul3A_188 : i32
        %dma_wait3A_190 = arith.constant 1 : i32
        %dma_wait3A_191 = arith.constant 0 : i32
        %dma_wait3A_192 = arith.constant 0 : i32
        %dma_wait3A_193 = tpu.memref_slice %arg9[%dma_wait3A_190, %dma_wait3A_191, %dma_wait3A_192] : memref<2x128x64xi32, #tpu.memory_space<vmem>> -> memref<1x128x64xi32, #tpu.memory_space<vmem>>
        %dma_wait3A_194 = tpu.memref_squeeze %dma_wait3A_193 : memref<1x128x64xi32, #tpu.memory_space<vmem>> -> memref<128x64xi32, #tpu.memory_space<vmem>>
        %dma_wait3A_195 = arith.constant 0 : i32
        %dma_wait3A_196 = tpu.memref_slice %arg6[%mul3A_189, %dma_wait3A_195] : memref<65536x64xi32, #tpu.memory_space<hbm>> -> memref<128x64xi32, #tpu.memory_space<hbm>>
        %dma_wait3A_197 = arith.constant 0 : i32
        %dma_wait3A_198 = tpu.memref_slice %arg6[%mul3A_189, %dma_wait3A_197] : memref<65536x64xi32, #tpu.memory_space<hbm>> -> memref<128x64xi32, #tpu.memory_space<hbm>>
        %dma_wait3A_199 = arith.constant 0 : i32
        %dma_wait3A_200 = arith.constant 0 : i32
        %dma_wait3A_201 = tpu.memref_slice %arg9[%dma_wait3A_190, %dma_wait3A_199, %dma_wait3A_200] : memref<2x128x64xi32, #tpu.memory_space<vmem>> -> memref<1x128x64xi32, #tpu.memory_space<vmem>>
        %dma_wait3A_202 = tpu.memref_squeeze %dma_wait3A_201 : memref<1x128x64xi32, #tpu.memory_space<vmem>> -> memref<128x64xi32, #tpu.memory_space<vmem>>
        tpu.wait_dma2 semaphore(%arg16 : memref<!tpu.dma_semaphore, #tpu.memory_space<semaphore_mem>>) src(%dma_wait3A_202 : memref<128x64xi32, #tpu.memory_space<vmem>>) dst(%dma_wait3A_198 : memref<128x64xi32, #tpu.memory_space<hbm>>)
      } else {
      }
      %add3A_66 = arith.constant 1 : i32
      %add3A_67 = arith.addi %add3A_63, %add3A_66 : i32
      %dma_start3A_68 = arith.constant 1 : i32
      %dma_start3A_69 = arith.constant 0 : i32
      %dma_start3A_70 = arith.constant 0 : i32
      %dma_start3A_71 = tpu.memref_slice %arg9[%dma_start3A_68, %dma_start3A_69, %dma_start3A_70] : memref<2x128x64xi32, #tpu.memory_space<vmem>> -> memref<1x128x64xi32, #tpu.memory_space<vmem>>
      %dma_start3A_72 = tpu.memref_squeeze %dma_start3A_71 : memref<1x128x64xi32, #tpu.memory_space<vmem>> -> memref<128x64xi32, #tpu.memory_space<vmem>>
      %dma_start3A_73 = arith.constant 0 : i32
      %dma_start3A_74 = tpu.memref_slice %arg7[%add3A_67, %dma_start3A_73] : memref<16x128xi32, #tpu.memory_space<vmem>> -> memref<1x128xi32, #tpu.memory_space<vmem>>
      %dma_start3A_75 = tpu.memref_squeeze %dma_start3A_74 : memref<1x128xi32, #tpu.memory_space<vmem>> -> memref<128xi32, #tpu.memory_space<vmem>>
      %dma_start3A_76 = arith.constant 0 : i32
      %dma_start3A_77 = arith.constant 0 : i32
      %dma_start3A_78 = tpu.memref_slice %arg2[%dma_start3A_76, %dma_start3A_77] : memref<10000x64xi32, #tpu.memory_space<hbm>> -> memref<10000x64xi32, #tpu.memory_space<hbm>>
      tpu.enqueue_indirect_dma source(%dma_start3A_78 : memref<10000x64xi32, #tpu.memory_space<hbm>>) target(%dma_start3A_72 : memref<128x64xi32, #tpu.memory_space<vmem>>) offsets(%dma_start3A_75 : memref<128xi32, #tpu.memory_space<vmem>>) semaphore(%arg13 : memref<!tpu.dma_semaphore, #tpu.memory_space<semaphore_mem>>)
      %dma_start3A_79 = arith.constant 1 : i32
      %dma_start3A_80 = arith.constant 0 : i32
      %dma_start3A_81 = arith.constant 0 : i32
      %dma_start3A_82 = tpu.memref_slice %arg10[%dma_start3A_79, %dma_start3A_80, %dma_start3A_81] : memref<2x128x64xi32, #tpu.memory_space<vmem>> -> memref<1x128x64xi32, #tpu.memory_space<vmem>>
      %dma_start3A_83 = tpu.memref_squeeze %dma_start3A_82 : memref<1x128x64xi32, #tpu.memory_space<vmem>> -> memref<128x64xi32, #tpu.memory_space<vmem>>
      %dma_start3A_84 = arith.constant 0 : i32
      %dma_start3A_85 = tpu.memref_slice %arg8[%add3A_67, %dma_start3A_84] : memref<16x128xi32, #tpu.memory_space<vmem>> -> memref<1x128xi32, #tpu.memory_space<vmem>>
      %dma_start3A_86 = tpu.memref_squeeze %dma_start3A_85 : memref<1x128xi32, #tpu.memory_space<vmem>> -> memref<128xi32, #tpu.memory_space<vmem>>
      %dma_start3A_87 = arith.constant 0 : i32
      %dma_start3A_88 = arith.constant 0 : i32
      %dma_start3A_89 = tpu.memref_slice %arg3[%dma_start3A_87, %dma_start3A_88] : memref<10000x64xi32, #tpu.memory_space<hbm>> -> memref<10000x64xi32, #tpu.memory_space<hbm>>
      tpu.enqueue_indirect_dma source(%dma_start3A_89 : memref<10000x64xi32, #tpu.memory_space<hbm>>) target(%dma_start3A_83 : memref<128x64xi32, #tpu.memory_space<vmem>>) offsets(%dma_start3A_86 : memref<128xi32, #tpu.memory_space<vmem>>) semaphore(%arg14 : memref<!tpu.dma_semaphore, #tpu.memory_space<semaphore_mem>>)
      %dma_wait3A_90 = arith.constant 0 : i32
      %dma_wait3A_91 = arith.constant 0 : i32
      %dma_wait3A_92 = arith.constant 0 : i32
      %dma_wait3A_93 = arith.constant 0 : i32
      %dma_wait3A_94 = tpu.memref_slice %arg9[%dma_wait3A_91, %dma_wait3A_92, %dma_wait3A_93] : memref<2x128x64xi32, #tpu.memory_space<vmem>> -> memref<1x128x64xi32, #tpu.memory_space<vmem>>
      %dma_wait3A_95 = tpu.memref_squeeze %dma_wait3A_94 : memref<1x128x64xi32, #tpu.memory_space<vmem>> -> memref<128x64xi32, #tpu.memory_space<vmem>>
      %dma_wait3A_96 = arith.constant 0 : i32
      %dma_wait3A_97 = tpu.memref_slice %arg7[%dma_wait3A_90, %dma_wait3A_96] : memref<16x128xi32, #tpu.memory_space<vmem>> -> memref<1x128xi32, #tpu.memory_space<vmem>>
      %dma_wait3A_98 = tpu.memref_squeeze %dma_wait3A_97 : memref<1x128xi32, #tpu.memory_space<vmem>> -> memref<128xi32, #tpu.memory_space<vmem>>
      %dma_wait3A_99 = arith.constant 0 : i32
      %dma_wait3A_100 = arith.constant 0 : i32
      %dma_wait3A_101 = tpu.memref_slice %arg2[%dma_wait3A_99, %dma_wait3A_100] : memref<10000x64xi32, #tpu.memory_space<hbm>> -> memref<10000x64xi32, #tpu.memory_space<hbm>>
      tpu.wait_indirect_dma semaphore(%arg11 : memref<!tpu.dma_semaphore, #tpu.memory_space<semaphore_mem>>) src(%dma_wait3A_101 : memref<10000x64xi32, #tpu.memory_space<hbm>>) dst(%dma_wait3A_95 : memref<128x64xi32, #tpu.memory_space<vmem>>)
      %dma_wait3A_102 = arith.constant 0 : i32
      %dma_wait3A_103 = arith.constant 0 : i32
      %dma_wait3A_104 = arith.constant 0 : i32
      %dma_wait3A_105 = arith.constant 0 : i32
      %dma_wait3A_106 = tpu.memref_slice %arg10[%dma_wait3A_103, %dma_wait3A_104, %dma_wait3A_105] : memref<2x128x64xi32, #tpu.memory_space<vmem>> -> memref<1x128x64xi32, #tpu.memory_space<vmem>>
      %dma_wait3A_107 = tpu.memref_squeeze %dma_wait3A_106 : memref<1x128x64xi32, #tpu.memory_space<vmem>> -> memref<128x64xi32, #tpu.memory_space<vmem>>
      %dma_wait3A_108 = arith.constant 0 : i32
      %dma_wait3A_109 = tpu.memref_slice %arg8[%dma_wait3A_102, %dma_wait3A_108] : memref<16x128xi32, #tpu.memory_space<vmem>> -> memref<1x128xi32, #tpu.memory_space<vmem>>
      %dma_wait3A_110 = tpu.memref_squeeze %dma_wait3A_109 : memref<1x128xi32, #tpu.memory_space<vmem>> -> memref<128xi32, #tpu.memory_space<vmem>>
      %dma_wait3A_111 = arith.constant 0 : i32
      %dma_wait3A_112 = arith.constant 0 : i32
      %dma_wait3A_113 = tpu.memref_slice %arg3[%dma_wait3A_111, %dma_wait3A_112] : memref<10000x64xi32, #tpu.memory_space<hbm>> -> memref<10000x64xi32, #tpu.memory_space<hbm>>
      tpu.wait_indirect_dma semaphore(%arg12 : memref<!tpu.dma_semaphore, #tpu.memory_space<semaphore_mem>>) src(%dma_wait3A_113 : memref<10000x64xi32, #tpu.memory_space<hbm>>) dst(%dma_wait3A_107 : memref<128x64xi32, #tpu.memory_space<vmem>>)
      %scan3A_114 = arith.constant 0 : i32
      %scan3A_115 = arith.constant 128 : i32
      %scan3A_116 = arith.addi %scan3A_114, %scan3A_115 : i32
      %scan3A_117 = arith.constant 1 : i32
      scf.for %scan3A_188 = %scan3A_114 to %scan3A_116 step %scan3A_117  : i32 {
        %mul3A_189 = arith.constant 1 : i32
        %mul3A_190 = arith.muli %scan3A_188, %mul3A_189 : i32
        %add3A_191 = arith.constant 0 : i32
        %add3A_192 = arith.addi %add3A_191, %mul3A_190 : i32
        %get3A = arith.constant 0 : i32
        %get3A_193 = arith.index_cast %get3A : i32 to index
        %get3A_194 = arith.index_cast %add3A_192 : i32 to index
        %get3A_195 = arith.constant 0 : index
        %get3A_196 = tpu.vector_load %arg9[%get3A_193, %get3A_194, %get3A_195] {strides = array<i32>} : memref<2x128x64xi32, #tpu.memory_space<vmem>>, vector<16xi32>,
        %bitcast3A = vector.bitcast %get3A_196 : vector<16xi32> to vector<32xbf16>
        %get3A_197 = arith.constant 0 : i32
        %get3A_198 = arith.index_cast %get3A_197 : i32 to index
        %get3A_199 = arith.index_cast %add3A_192 : i32 to index
        %get3A_200 = arith.constant 0 : index
        %get3A_201 = tpu.vector_load %arg10[%get3A_198, %get3A_199, %get3A_200] {strides = array<i32>} : memref<2x128x64xi32, #tpu.memory_space<vmem>>, vector<16xi32>,
        %bitcast3A_202 = vector.bitcast %get3A_201 : vector<16xi32> to vector<32xbf16>
        %add3A_203 = arith.addf %bitcast3A, %bitcast3A_202 : vector<32xbf16>
        %bitcast3A_204 = vector.bitcast %add3A_203 : vector<32xbf16> to vector<16xi32>
        %swap3A = arith.constant 0 : i32
        %swap3A_205 = arith.index_cast %swap3A : i32 to index
        %swap3A_206 = arith.index_cast %add3A_192 : i32 to index
        %swap3A_207 = arith.constant 0 : index
        %swap3A_208 = tpu.vector_load %arg9[%swap3A_205, %swap3A_206, %swap3A_207] {strides = array<i32>} : memref<2x128x64xi32, #tpu.memory_space<vmem>>, vector<16xi32>,
        tpu.vector_store %arg9[%swap3A_205, %swap3A_206, %swap3A_207], %bitcast3A_204 {strides = array<i32>} : memref<2x128x64xi32, #tpu.memory_space<vmem>>, vector<16xi32>,
        %get3A_209 = arith.constant 0 : i32
        %get3A_210 = arith.index_cast %get3A_209 : i32 to index
        %get3A_211 = arith.index_cast %add3A_192 : i32 to index
        %get3A_212 = arith.constant 16 : index
        %get3A_213 = tpu.vector_load %arg9[%get3A_210, %get3A_211, %get3A_212] {strides = array<i32>} : memref<2x128x64xi32, #tpu.memory_space<vmem>>, vector<16xi32>,
        %bitcast3A_214 = vector.bitcast %get3A_213 : vector<16xi32> to vector<32xbf16>
        %get3A_215 = arith.constant 0 : i32
        %get3A_216 = arith.index_cast %get3A_215 : i32 to index
        %get3A_217 = arith.index_cast %add3A_192 : i32 to index
        %get3A_218 = arith.constant 16 : index
        %get3A_219 = tpu.vector_load %arg10[%get3A_216, %get3A_217, %get3A_218] {strides = array<i32>} : memref<2x128x64xi32, #tpu.memory_space<vmem>>, vector<16xi32>,
        %bitcast3A_220 = vector.bitcast %get3A_219 : vector<16xi32> to vector<32xbf16>
        %add3A_221 = arith.addf %bitcast3A_214, %bitcast3A_220 : vector<32xbf16>
        %bitcast3A_222 = vector.bitcast %add3A_221 : vector<32xbf16> to vector<16xi32>
        %swap3A_223 = arith.constant 0 : i32
        %swap3A_224 = arith.index_cast %swap3A_223 : i32 to index
        %swap3A_225 = arith.index_cast %add3A_192 : i32 to index
        %swap3A_226 = arith.constant 16 : index
        %swap3A_227 = tpu.vector_load %arg9[%swap3A_224, %swap3A_225, %swap3A_226] {strides = array<i32>} : memref<2x128x64xi32, #tpu.memory_space<vmem>>, vector<16xi32>,
        tpu.vector_store %arg9[%swap3A_224, %swap3A_225, %swap3A_226], %bitcast3A_222 {strides = array<i32>} : memref<2x128x64xi32, #tpu.memory_space<vmem>>, vector<16xi32>,
        %get3A_228 = arith.constant 0 : i32
        %get3A_229 = arith.index_cast %get3A_228 : i32 to index
        %get3A_230 = arith.index_cast %add3A_192 : i32 to index
        %get3A_231 = arith.constant 32 : index
        %get3A_232 = tpu.vector_load %arg9[%get3A_229, %get3A_230, %get3A_231] {strides = array<i32>} : memref<2x128x64xi32, #tpu.memory_space<vmem>>, vector<16xi32>,
        %bitcast3A_233 = vector.bitcast %get3A_232 : vector<16xi32> to vector<32xbf16>
        %get3A_234 = arith.constant 0 : i32
        %get3A_235 = arith.index_cast %get3A_234 : i32 to index
        %get3A_236 = arith.index_cast %add3A_192 : i32 to index
        %get3A_237 = arith.constant 32 : index
        %get3A_238 = tpu.vector_load %arg10[%get3A_235, %get3A_236, %get3A_237] {strides = array<i32>} : memref<2x128x64xi32, #tpu.memory_space<vmem>>, vector<16xi32>,
        %bitcast3A_239 = vector.bitcast %get3A_238 : vector<16xi32> to vector<32xbf16>
        %add3A_240 = arith.addf %bitcast3A_233, %bitcast3A_239 : vector<32xbf16>
        %bitcast3A_241 = vector.bitcast %add3A_240 : vector<32xbf16> to vector<16xi32>
        %swap3A_242 = arith.constant 0 : i32
        %swap3A_243 = arith.index_cast %swap3A_242 : i32 to index
        %swap3A_244 = arith.index_cast %add3A_192 : i32 to index
        %swap3A_245 = arith.constant 32 : index
        %swap3A_246 = tpu.vector_load %arg9[%swap3A_243, %swap3A_244, %swap3A_245] {strides = array<i32>} : memref<2x128x64xi32, #tpu.memory_space<vmem>>, vector<16xi32>,
        tpu.vector_store %arg9[%swap3A_243, %swap3A_244, %swap3A_245], %bitcast3A_241 {strides = array<i32>} : memref<2x128x64xi32, #tpu.memory_space<vmem>>, vector<16xi32>,
        %get3A_247 = arith.constant 0 : i32
        %get3A_248 = arith.index_cast %get3A_247 : i32 to index
        %get3A_249 = arith.index_cast %add3A_192 : i32 to index
        %get3A_250 = arith.constant 48 : index
        %get3A_251 = tpu.vector_load %arg9[%get3A_248, %get3A_249, %get3A_250] {strides = array<i32>} : memref<2x128x64xi32, #tpu.memory_space<vmem>>, vector<16xi32>,
        %bitcast3A_252 = vector.bitcast %get3A_251 : vector<16xi32> to vector<32xbf16>
        %get3A_253 = arith.constant 0 : i32
        %get3A_254 = arith.index_cast %get3A_253 : i32 to index
        %get3A_255 = arith.index_cast %add3A_192 : i32 to index
        %get3A_256 = arith.constant 48 : index
        %get3A_257 = tpu.vector_load %arg10[%get3A_254, %get3A_255, %get3A_256] {strides = array<i32>} : memref<2x128x64xi32, #tpu.memory_space<vmem>>, vector<16xi32>,
        %bitcast3A_258 = vector.bitcast %get3A_257 : vector<16xi32> to vector<32xbf16>
        %add3A_259 = arith.addf %bitcast3A_252, %bitcast3A_258 : vector<32xbf16>
        %bitcast3A_260 = vector.bitcast %add3A_259 : vector<32xbf16> to vector<16xi32>
        %swap3A_261 = arith.constant 0 : i32
        %swap3A_262 = arith.index_cast %swap3A_261 : i32 to index
        %swap3A_263 = arith.index_cast %add3A_192 : i32 to index
        %swap3A_264 = arith.constant 48 : index
        %swap3A_265 = tpu.vector_load %arg9[%swap3A_262, %swap3A_263, %swap3A_264] {strides = array<i32>} : memref<2x128x64xi32, #tpu.memory_space<vmem>>, vector<16xi32>,
        tpu.vector_store %arg9[%swap3A_262, %swap3A_263, %swap3A_264], %bitcast3A_260 {strides = array<i32>} : memref<2x128x64xi32, #tpu.memory_space<vmem>>, vector<16xi32>,
      }
      %scan3A_118 = arith.constant 128 : i32
      %add3A_119 = arith.addi %mul3A_2, %add3A_63 : i32
      %mul3A_120 = arith.constant 128 : i32
      %mul3A_121 = arith.muli %add3A_119, %mul3A_120 : i32
      %dma_start3A_122 = arith.constant 0 : i32
      %dma_start3A_123 = arith.constant 0 : i32
      %dma_start3A_124 = arith.constant 0 : i32
      %dma_start3A_125 = tpu.memref_slice %arg9[%dma_start3A_122, %dma_start3A_123, %dma_start3A_124] : memref<2x128x64xi32, #tpu.memory_space<vmem>> -> memref<1x128x64xi32, #tpu.memory_space<vmem>>
      %dma_start3A_126 = tpu.memref_squeeze %dma_start3A_125 : memref<1x128x64xi32, #tpu.memory_space<vmem>> -> memref<128x64xi32, #tpu.memory_space<vmem>>
      %dma_start3A_127 = arith.constant 0 : i32
      %dma_start3A_128 = tpu.memref_slice %arg6[%mul3A_121, %dma_start3A_127] : memref<65536x64xi32, #tpu.memory_space<hbm>> -> memref<128x64xi32, #tpu.memory_space<hbm>>
      %dma_start3A_129 = arith.constant 0 : i32
      %dma_start3A_130 = tpu.memref_slice %arg6[%mul3A_121, %dma_start3A_129] : memref<65536x64xi32, #tpu.memory_space<hbm>> -> memref<128x64xi32, #tpu.memory_space<hbm>>
      %dma_start3A_131 = arith.constant 0 : i32
      %dma_start3A_132 = arith.constant 0 : i32
      %dma_start3A_133 = tpu.memref_slice %arg9[%dma_start3A_122, %dma_start3A_131, %dma_start3A_132] : memref<2x128x64xi32, #tpu.memory_space<vmem>> -> memref<1x128x64xi32, #tpu.memory_space<vmem>>
      %dma_start3A_134 = tpu.memref_squeeze %dma_start3A_133 : memref<1x128x64xi32, #tpu.memory_space<vmem>> -> memref<128x64xi32, #tpu.memory_space<vmem>>
      tpu.enqueue_dma source(%dma_start3A_134 : memref<128x64xi32, #tpu.memory_space<vmem>>) target(%dma_start3A_130 : memref<128x64xi32, #tpu.memory_space<hbm>>) target_semaphore(%arg15 : memref<!tpu.dma_semaphore, #tpu.memory_space<semaphore_mem>>)
      %add3A_135 = arith.constant 2 : i32
      %add3A_136 = arith.addi %add3A_63, %add3A_135 : i32
      %lt3A = arith.constant 16 : i32
      %lt3A_137 = arith.cmpi slt, %add3A_136, %lt3A : i32
      %convert_element_type3A_138 = arith.extui %lt3A_137 : i1 to i32
      %cond3A_139 = arith.constant 0 : i32
      %cond3A_140 = arith.cmpi ne, %convert_element_type3A_138, %cond3A_139 : i32
      scf.if %cond3A_140 {
        %mul3A_188 = arith.constant 128 : i32
        %mul3A_189 = arith.muli %mul3A_2, %mul3A_188 : i32
        %dma_wait3A_190 = arith.constant 0 : i32
        %dma_wait3A_191 = arith.constant 0 : i32
        %dma_wait3A_192 = arith.constant 0 : i32
        %dma_wait3A_193 = tpu.memref_slice %arg9[%dma_wait3A_190, %dma_wait3A_191, %dma_wait3A_192] : memref<2x128x64xi32, #tpu.memory_space<vmem>> -> memref<1x128x64xi32, #tpu.memory_space<vmem>>
        %dma_wait3A_194 = tpu.memref_squeeze %dma_wait3A_193 : memref<1x128x64xi32, #tpu.memory_space<vmem>> -> memref<128x64xi32, #tpu.memory_space<vmem>>
        %dma_wait3A_195 = arith.constant 0 : i32
        %dma_wait3A_196 = tpu.memref_slice %arg6[%mul3A_189, %dma_wait3A_195] : memref<65536x64xi32, #tpu.memory_space<hbm>> -> memref<128x64xi32, #tpu.memory_space<hbm>>
        %dma_wait3A_197 = arith.constant 0 : i32
        %dma_wait3A_198 = tpu.memref_slice %arg6[%mul3A_189, %dma_wait3A_197] : memref<65536x64xi32, #tpu.memory_space<hbm>> -> memref<128x64xi32, #tpu.memory_space<hbm>>
        %dma_wait3A_199 = arith.constant 0 : i32
        %dma_wait3A_200 = arith.constant 0 : i32
        %dma_wait3A_201 = tpu.memref_slice %arg9[%dma_wait3A_190, %dma_wait3A_199, %dma_wait3A_200] : memref<2x128x64xi32, #tpu.memory_space<vmem>> -> memref<1x128x64xi32, #tpu.memory_space<vmem>>
        %dma_wait3A_202 = tpu.memref_squeeze %dma_wait3A_201 : memref<1x128x64xi32, #tpu.memory_space<vmem>> -> memref<128x64xi32, #tpu.memory_space<vmem>>
        tpu.wait_dma2 semaphore(%arg15 : memref<!tpu.dma_semaphore, #tpu.memory_space<semaphore_mem>>) src(%dma_wait3A_202 : memref<128x64xi32, #tpu.memory_space<vmem>>) dst(%dma_wait3A_198 : memref<128x64xi32, #tpu.memory_space<hbm>>)
        %add3A_203 = arith.constant 2 : i32
        %add3A_204 = arith.addi %add3A_63, %add3A_203 : i32
        %dma_start3A_205 = arith.constant 0 : i32
        %dma_start3A_206 = arith.constant 0 : i32
        %dma_start3A_207 = arith.constant 0 : i32
        %dma_start3A_208 = tpu.memref_slice %arg9[%dma_start3A_205, %dma_start3A_206, %dma_start3A_207] : memref<2x128x64xi32, #tpu.memory_space<vmem>> -> memref<1x128x64xi32, #tpu.memory_space<vmem>>
        %dma_start3A_209 = tpu.memref_squeeze %dma_start3A_208 : memref<1x128x64xi32, #tpu.memory_space<vmem>> -> memref<128x64xi32, #tpu.memory_space<vmem>>
        %dma_start3A_210 = arith.constant 0 : i32
        %dma_start3A_211 = tpu.memref_slice %arg7[%add3A_204, %dma_start3A_210] : memref<16x128xi32, #tpu.memory_space<vmem>> -> memref<1x128xi32, #tpu.memory_space<vmem>>
        %dma_start3A_212 = tpu.memref_squeeze %dma_start3A_211 : memref<1x128xi32, #tpu.memory_space<vmem>> -> memref<128xi32, #tpu.memory_space<vmem>>
        %dma_start3A_213 = arith.constant 0 : i32
        %dma_start3A_214 = arith.constant 0 : i32
        %dma_start3A_215 = tpu.memref_slice %arg2[%dma_start3A_213, %dma_start3A_214] : memref<10000x64xi32, #tpu.memory_space<hbm>> -> memref<10000x64xi32, #tpu.memory_space<hbm>>
        tpu.enqueue_indirect_dma source(%dma_start3A_215 : memref<10000x64xi32, #tpu.memory_space<hbm>>) target(%dma_start3A_209 : memref<128x64xi32, #tpu.memory_space<vmem>>) offsets(%dma_start3A_212 : memref<128xi32, #tpu.memory_space<vmem>>) semaphore(%arg11 : memref<!tpu.dma_semaphore, #tpu.memory_space<semaphore_mem>>)
        %dma_start3A_216 = arith.constant 0 : i32
        %dma_start3A_217 = arith.constant 0 : i32
        %dma_start3A_218 = arith.constant 0 : i32
        %dma_start3A_219 = tpu.memref_slice %arg10[%dma_start3A_216, %dma_start3A_217, %dma_start3A_218] : memref<2x128x64xi32, #tpu.memory_space<vmem>> -> memref<1x128x64xi32, #tpu.memory_space<vmem>>
        %dma_start3A_220 = tpu.memref_squeeze %dma_start3A_219 : memref<1x128x64xi32, #tpu.memory_space<vmem>> -> memref<128x64xi32, #tpu.memory_space<vmem>>
        %dma_start3A_221 = arith.constant 0 : i32
        %dma_start3A_222 = tpu.memref_slice %arg8[%add3A_204, %dma_start3A_221] : memref<16x128xi32, #tpu.memory_space<vmem>> -> memref<1x128xi32, #tpu.memory_space<vmem>>
        %dma_start3A_223 = tpu.memref_squeeze %dma_start3A_222 : memref<1x128xi32, #tpu.memory_space<vmem>> -> memref<128xi32, #tpu.memory_space<vmem>>
        %dma_start3A_224 = arith.constant 0 : i32
        %dma_start3A_225 = arith.constant 0 : i32
        %dma_start3A_226 = tpu.memref_slice %arg3[%dma_start3A_224, %dma_start3A_225] : memref<10000x64xi32, #tpu.memory_space<hbm>> -> memref<10000x64xi32, #tpu.memory_space<hbm>>
        tpu.enqueue_indirect_dma source(%dma_start3A_226 : memref<10000x64xi32, #tpu.memory_space<hbm>>) target(%dma_start3A_220 : memref<128x64xi32, #tpu.memory_space<vmem>>) offsets(%dma_start3A_223 : memref<128xi32, #tpu.memory_space<vmem>>) semaphore(%arg12 : memref<!tpu.dma_semaphore, #tpu.memory_space<semaphore_mem>>)
      } else {
      }
      %dma_wait3A_141 = arith.constant 0 : i32
      %dma_wait3A_142 = arith.constant 1 : i32
      %dma_wait3A_143 = arith.constant 0 : i32
      %dma_wait3A_144 = arith.constant 0 : i32
      %dma_wait3A_145 = tpu.memref_slice %arg9[%dma_wait3A_142, %dma_wait3A_143, %dma_wait3A_144] : memref<2x128x64xi32, #tpu.memory_space<vmem>> -> memref<1x128x64xi32, #tpu.memory_space<vmem>>
      %dma_wait3A_146 = tpu.memref_squeeze %dma_wait3A_145 : memref<1x128x64xi32, #tpu.memory_space<vmem>> -> memref<128x64xi32, #tpu.memory_space<vmem>>
      %dma_wait3A_147 = arith.constant 0 : i32
      %dma_wait3A_148 = tpu.memref_slice %arg7[%dma_wait3A_141, %dma_wait3A_147] : memref<16x128xi32, #tpu.memory_space<vmem>> -> memref<1x128xi32, #tpu.memory_space<vmem>>
      %dma_wait3A_149 = tpu.memref_squeeze %dma_wait3A_148 : memref<1x128xi32, #tpu.memory_space<vmem>> -> memref<128xi32, #tpu.memory_space<vmem>>
      %dma_wait3A_150 = arith.constant 0 : i32
      %dma_wait3A_151 = arith.constant 0 : i32
      %dma_wait3A_152 = tpu.memref_slice %arg2[%dma_wait3A_150, %dma_wait3A_151] : memref<10000x64xi32, #tpu.memory_space<hbm>> -> memref<10000x64xi32, #tpu.memory_space<hbm>>
      tpu.wait_indirect_dma semaphore(%arg13 : memref<!tpu.dma_semaphore, #tpu.memory_space<semaphore_mem>>) src(%dma_wait3A_152 : memref<10000x64xi32, #tpu.memory_space<hbm>>) dst(%dma_wait3A_146 : memref<128x64xi32, #tpu.memory_space<vmem>>)
      %dma_wait3A_153 = arith.constant 0 : i32
      %dma_wait3A_154 = arith.constant 1 : i32
      %dma_wait3A_155 = arith.constant 0 : i32
      %dma_wait3A_156 = arith.constant 0 : i32
      %dma_wait3A_157 = tpu.memref_slice %arg10[%dma_wait3A_154, %dma_wait3A_155, %dma_wait3A_156] : memref<2x128x64xi32, #tpu.memory_space<vmem>> -> memref<1x128x64xi32, #tpu.memory_space<vmem>>
      %dma_wait3A_158 = tpu.memref_squeeze %dma_wait3A_157 : memref<1x128x64xi32, #tpu.memory_space<vmem>> -> memref<128x64xi32, #tpu.memory_space<vmem>>
      %dma_wait3A_159 = arith.constant 0 : i32
      %dma_wait3A_160 = tpu.memref_slice %arg8[%dma_wait3A_153, %dma_wait3A_159] : memref<16x128xi32, #tpu.memory_space<vmem>> -> memref<1x128xi32, #tpu.memory_space<vmem>>
      %dma_wait3A_161 = tpu.memref_squeeze %dma_wait3A_160 : memref<1x128xi32, #tpu.memory_space<vmem>> -> memref<128xi32, #tpu.memory_space<vmem>>
      %dma_wait3A_162 = arith.constant 0 : i32
      %dma_wait3A_163 = arith.constant 0 : i32
      %dma_wait3A_164 = tpu.memref_slice %arg3[%dma_wait3A_162, %dma_wait3A_163] : memref<10000x64xi32, #tpu.memory_space<hbm>> -> memref<10000x64xi32, #tpu.memory_space<hbm>>
      tpu.wait_indirect_dma semaphore(%arg14 : memref<!tpu.dma_semaphore, #tpu.memory_space<semaphore_mem>>) src(%dma_wait3A_164 : memref<10000x64xi32, #tpu.memory_space<hbm>>) dst(%dma_wait3A_158 : memref<128x64xi32, #tpu.memory_space<vmem>>)
      %add3A_165 = arith.constant 1 : i32
      %add3A_166 = arith.addi %add3A_63, %add3A_165 : i32
      %scan3A_167 = arith.constant 0 : i32
      %scan3A_168 = arith.constant 128 : i32
      %scan3A_169 = arith.addi %scan3A_167, %scan3A_168 : i32
      %scan3A_170 = arith.constant 1 : i32
      scf.for %scan3A_188 = %scan3A_167 to %scan3A_169 step %scan3A_170  : i32 {
        %mul3A_189 = arith.constant 1 : i32
        %mul3A_190 = arith.muli %scan3A_188, %mul3A_189 : i32
        %add3A_191 = arith.constant 0 : i32
        %add3A_192 = arith.addi %add3A_191, %mul3A_190 : i32
        %get3A = arith.constant 1 : i32
        %get3A_193 = arith.index_cast %get3A : i32 to index
        %get3A_194 = arith.index_cast %add3A_192 : i32 to index
        %get3A_195 = arith.constant 0 : index
        %get3A_196 = tpu.vector_load %arg9[%get3A_193, %get3A_194, %get3A_195] {strides = array<i32>} : memref<2x128x64xi32, #tpu.memory_space<vmem>>, vector<16xi32>,
        %bitcast3A = vector.bitcast %get3A_196 : vector<16xi32> to vector<32xbf16>
        %get3A_197 = arith.constant 1 : i32
        %get3A_198 = arith.index_cast %get3A_197 : i32 to index
        %get3A_199 = arith.index_cast %add3A_192 : i32 to index
        %get3A_200 = arith.constant 0 : index
        %get3A_201 = tpu.vector_load %arg10[%get3A_198, %get3A_199, %get3A_200] {strides = array<i32>} : memref<2x128x64xi32, #tpu.memory_space<vmem>>, vector<16xi32>,
        %bitcast3A_202 = vector.bitcast %get3A_201 : vector<16xi32> to vector<32xbf16>
        %add3A_203 = arith.addf %bitcast3A, %bitcast3A_202 : vector<32xbf16>
        %bitcast3A_204 = vector.bitcast %add3A_203 : vector<32xbf16> to vector<16xi32>
        %swap3A = arith.constant 1 : i32
        %swap3A_205 = arith.index_cast %swap3A : i32 to index
        %swap3A_206 = arith.index_cast %add3A_192 : i32 to index
        %swap3A_207 = arith.constant 0 : index
        %swap3A_208 = tpu.vector_load %arg9[%swap3A_205, %swap3A_206, %swap3A_207] {strides = array<i32>} : memref<2x128x64xi32, #tpu.memory_space<vmem>>, vector<16xi32>,
        tpu.vector_store %arg9[%swap3A_205, %swap3A_206, %swap3A_207], %bitcast3A_204 {strides = array<i32>} : memref<2x128x64xi32, #tpu.memory_space<vmem>>, vector<16xi32>,
        %get3A_209 = arith.constant 1 : i32
        %get3A_210 = arith.index_cast %get3A_209 : i32 to index
        %get3A_211 = arith.index_cast %add3A_192 : i32 to index
        %get3A_212 = arith.constant 16 : index
        %get3A_213 = tpu.vector_load %arg9[%get3A_210, %get3A_211, %get3A_212] {strides = array<i32>} : memref<2x128x64xi32, #tpu.memory_space<vmem>>, vector<16xi32>,
        %bitcast3A_214 = vector.bitcast %get3A_213 : vector<16xi32> to vector<32xbf16>
        %get3A_215 = arith.constant 1 : i32
        %get3A_216 = arith.index_cast %get3A_215 : i32 to index
        %get3A_217 = arith.index_cast %add3A_192 : i32 to index
        %get3A_218 = arith.constant 16 : index
        %get3A_219 = tpu.vector_load %arg10[%get3A_216, %get3A_217, %get3A_218] {strides = array<i32>} : memref<2x128x64xi32, #tpu.memory_space<vmem>>, vector<16xi32>,
        %bitcast3A_220 = vector.bitcast %get3A_219 : vector<16xi32> to vector<32xbf16>
        %add3A_221 = arith.addf %bitcast3A_214, %bitcast3A_220 : vector<32xbf16>
        %bitcast3A_222 = vector.bitcast %add3A_221 : vector<32xbf16> to vector<16xi32>
        %swap3A_223 = arith.constant 1 : i32
        %swap3A_224 = arith.index_cast %swap3A_223 : i32 to index
        %swap3A_225 = arith.index_cast %add3A_192 : i32 to index
        %swap3A_226 = arith.constant 16 : index
        %swap3A_227 = tpu.vector_load %arg9[%swap3A_224, %swap3A_225, %swap3A_226] {strides = array<i32>} : memref<2x128x64xi32, #tpu.memory_space<vmem>>, vector<16xi32>,
        tpu.vector_store %arg9[%swap3A_224, %swap3A_225, %swap3A_226], %bitcast3A_222 {strides = array<i32>} : memref<2x128x64xi32, #tpu.memory_space<vmem>>, vector<16xi32>,
        %get3A_228 = arith.constant 1 : i32
        %get3A_229 = arith.index_cast %get3A_228 : i32 to index
        %get3A_230 = arith.index_cast %add3A_192 : i32 to index
        %get3A_231 = arith.constant 32 : index
        %get3A_232 = tpu.vector_load %arg9[%get3A_229, %get3A_230, %get3A_231] {strides = array<i32>} : memref<2x128x64xi32, #tpu.memory_space<vmem>>, vector<16xi32>,
        %bitcast3A_233 = vector.bitcast %get3A_232 : vector<16xi32> to vector<32xbf16>
        %get3A_234 = arith.constant 1 : i32
        %get3A_235 = arith.index_cast %get3A_234 : i32 to index
        %get3A_236 = arith.index_cast %add3A_192 : i32 to index
        %get3A_237 = arith.constant 32 : index
        %get3A_238 = tpu.vector_load %arg10[%get3A_235, %get3A_236, %get3A_237] {strides = array<i32>} : memref<2x128x64xi32, #tpu.memory_space<vmem>>, vector<16xi32>,
        %bitcast3A_239 = vector.bitcast %get3A_238 : vector<16xi32> to vector<32xbf16>
        %add3A_240 = arith.addf %bitcast3A_233, %bitcast3A_239 : vector<32xbf16>
        %bitcast3A_241 = vector.bitcast %add3A_240 : vector<32xbf16> to vector<16xi32>
        %swap3A_242 = arith.constant 1 : i32
        %swap3A_243 = arith.index_cast %swap3A_242 : i32 to index
        %swap3A_244 = arith.index_cast %add3A_192 : i32 to index
        %swap3A_245 = arith.constant 32 : index
        %swap3A_246 = tpu.vector_load %arg9[%swap3A_243, %swap3A_244, %swap3A_245] {strides = array<i32>} : memref<2x128x64xi32, #tpu.memory_space<vmem>>, vector<16xi32>,
        tpu.vector_store %arg9[%swap3A_243, %swap3A_244, %swap3A_245], %bitcast3A_241 {strides = array<i32>} : memref<2x128x64xi32, #tpu.memory_space<vmem>>, vector<16xi32>,
        %get3A_247 = arith.constant 1 : i32
        %get3A_248 = arith.index_cast %get3A_247 : i32 to index
        %get3A_249 = arith.index_cast %add3A_192 : i32 to index
        %get3A_250 = arith.constant 48 : index
        %get3A_251 = tpu.vector_load %arg9[%get3A_248, %get3A_249, %get3A_250] {strides = array<i32>} : memref<2x128x64xi32, #tpu.memory_space<vmem>>, vector<16xi32>,
        %bitcast3A_252 = vector.bitcast %get3A_251 : vector<16xi32> to vector<32xbf16>
        %get3A_253 = arith.constant 1 : i32
        %get3A_254 = arith.index_cast %get3A_253 : i32 to index
        %get3A_255 = arith.index_cast %add3A_192 : i32 to index
        %get3A_256 = arith.constant 48 : index
        %get3A_257 = tpu.vector_load %arg10[%get3A_254, %get3A_255, %get3A_256] {strides = array<i32>} : memref<2x128x64xi32, #tpu.memory_space<vmem>>, vector<16xi32>,
        %bitcast3A_258 = vector.bitcast %get3A_257 : vector<16xi32> to vector<32xbf16>
        %add3A_259 = arith.addf %bitcast3A_252, %bitcast3A_258 : vector<32xbf16>
        %bitcast3A_260 = vector.bitcast %add3A_259 : vector<32xbf16> to vector<16xi32>
        %swap3A_261 = arith.constant 1 : i32
        %swap3A_262 = arith.index_cast %swap3A_261 : i32 to index
        %swap3A_263 = arith.index_cast %add3A_192 : i32 to index
        %swap3A_264 = arith.constant 48 : index
        %swap3A_265 = tpu.vector_load %arg9[%swap3A_262, %swap3A_263, %swap3A_264] {strides = array<i32>} : memref<2x128x64xi32, #tpu.memory_space<vmem>>, vector<16xi32>,
        tpu.vector_store %arg9[%swap3A_262, %swap3A_263, %swap3A_264], %bitcast3A_260 {strides = array<i32>} : memref<2x128x64xi32, #tpu.memory_space<vmem>>, vector<16xi32>,
      }
      %scan3A_171 = arith.constant 128 : i32
      %add3A_172 = arith.addi %mul3A_2, %add3A_166 : i32
      %mul3A_173 = arith.constant 128 : i32
      %mul3A_174 = arith.muli %add3A_172, %mul3A_173 : i32
      %dma_start3A_175 = arith.constant 1 : i32
      %dma_start3A_176 = arith.constant 0 : i32
      %dma_start3A_177 = arith.constant 0 : i32
      %dma_start3A_178 = tpu.memref_slice %arg9[%dma_start3A_175, %dma_start3A_176, %dma_start3A_177] : memref<2x128x64xi32, #tpu.memory_space<vmem>> -> memref<1x128x64xi32, #tpu.memory_space<vmem>>
      %dma_start3A_179 = tpu.memref_squeeze %dma_start3A_178 : memref<1x128x64xi32, #tpu.memory_space<vmem>> -> memref<128x64xi32, #tpu.memory_space<vmem>>
      %dma_start3A_180 = arith.constant 0 : i32
      %dma_start3A_181 = tpu.memref_slice %arg6[%mul3A_174, %dma_start3A_180] : memref<65536x64xi32, #tpu.memory_space<hbm>> -> memref<128x64xi32, #tpu.memory_space<hbm>>
      %dma_start3A_182 = arith.constant 0 : i32
      %dma_start3A_183 = tpu.memref_slice %arg6[%mul3A_174, %dma_start3A_182] : memref<65536x64xi32, #tpu.memory_space<hbm>> -> memref<128x64xi32, #tpu.memory_space<hbm>>
      %dma_start3A_184 = arith.constant 0 : i32
      %dma_start3A_185 = arith.constant 0 : i32
      %dma_start3A_186 = tpu.memref_slice %arg9[%dma_start3A_175, %dma_start3A_184, %dma_start3A_185] : memref<2x128x64xi32, #tpu.memory_space<vmem>> -> memref<1x128x64xi32, #tpu.memory_space<vmem>>
      %dma_start3A_187 = tpu.memref_squeeze %dma_start3A_186 : memref<1x128x64xi32, #tpu.memory_space<vmem>> -> memref<128x64xi32, #tpu.memory_space<vmem>>
      tpu.enqueue_dma source(%dma_start3A_187 : memref<128x64xi32, #tpu.memory_space<vmem>>) target(%dma_start3A_183 : memref<128x64xi32, #tpu.memory_space<hbm>>) target_semaphore(%arg16 : memref<!tpu.dma_semaphore, #tpu.memory_space<semaphore_mem>>)
    }
    %scan3A_29 = arith.constant 8 : i32
    %mul3A_30 = arith.constant 128 : i32
    %mul3A_31 = arith.muli %mul3A_2, %mul3A_30 : i32
    %dma_wait3A = arith.constant 0 : i32
    %dma_wait3A_32 = arith.constant 0 : i32
    %dma_wait3A_33 = arith.constant 0 : i32
    %dma_wait3A_34 = tpu.memref_slice %arg9[%dma_wait3A, %dma_wait3A_32, %dma_wait3A_33] : memref<2x128x64xi32, #tpu.memory_space<vmem>> -> memref<1x128x64xi32, #tpu.memory_space<vmem>>
    %dma_wait3A_35 = tpu.memref_squeeze %dma_wait3A_34 : memref<1x128x64xi32, #tpu.memory_space<vmem>> -> memref<128x64xi32, #tpu.memory_space<vmem>>
    %dma_wait3A_36 = arith.constant 0 : i32
    %dma_wait3A_37 = tpu.memref_slice %arg6[%mul3A_31, %dma_wait3A_36] : memref<65536x64xi32, #tpu.memory_space<hbm>> -> memref<128x64xi32, #tpu.memory_space<hbm>>
    %dma_wait3A_38 = arith.constant 0 : i32
    %dma_wait3A_39 = tpu.memref_slice %arg6[%mul3A_31, %dma_wait3A_38] : memref<65536x64xi32, #tpu.memory_space<hbm>> -> memref<128x64xi32, #tpu.memory_space<hbm>>
    %dma_wait3A_40 = arith.constant 0 : i32
    %dma_wait3A_41 = arith.constant 0 : i32
    %dma_wait3A_42 = tpu.memref_slice %arg9[%dma_wait3A, %dma_wait3A_40, %dma_wait3A_41] : memref<2x128x64xi32, #tpu.memory_space<vmem>> -> memref<1x128x64xi32, #tpu.memory_space<vmem>>
    %dma_wait3A_43 = tpu.memref_squeeze %dma_wait3A_42 : memref<1x128x64xi32, #tpu.memory_space<vmem>> -> memref<128x64xi32, #tpu.memory_space<vmem>>
    tpu.wait_dma2 semaphore(%arg15 : memref<!tpu.dma_semaphore, #tpu.memory_space<semaphore_mem>>) src(%dma_wait3A_43 : memref<128x64xi32, #tpu.memory_space<vmem>>) dst(%dma_wait3A_39 : memref<128x64xi32, #tpu.memory_space<hbm>>)
    %mul3A_44 = arith.constant 128 : i32
    %mul3A_45 = arith.muli %mul3A_2, %mul3A_44 : i32
    %dma_wait3A_46 = arith.constant 1 : i32
    %dma_wait3A_47 = arith.constant 0 : i32
    %dma_wait3A_48 = arith.constant 0 : i32
    %dma_wait3A_49 = tpu.memref_slice %arg9[%dma_wait3A_46, %dma_wait3A_47, %dma_wait3A_48] : memref<2x128x64xi32, #tpu.memory_space<vmem>> -> memref<1x128x64xi32, #tpu.memory_space<vmem>>
    %dma_wait3A_50 = tpu.memref_squeeze %dma_wait3A_49 : memref<1x128x64xi32, #tpu.memory_space<vmem>> -> memref<128x64xi32, #tpu.memory_space<vmem>>
    %dma_wait3A_51 = arith.constant 0 : i32
    %dma_wait3A_52 = tpu.memref_slice %arg6[%mul3A_45, %dma_wait3A_51] : memref<65536x64xi32, #tpu.memory_space<hbm>> -> memref<128x64xi32, #tpu.memory_space<hbm>>
    %dma_wait3A_53 = arith.constant 0 : i32
    %dma_wait3A_54 = tpu.memref_slice %arg6[%mul3A_45, %dma_wait3A_53] : memref<65536x64xi32, #tpu.memory_space<hbm>> -> memref<128x64xi32, #tpu.memory_space<hbm>>
    %dma_wait3A_55 = arith.constant 0 : i32
    %dma_wait3A_56 = arith.constant 0 : i32
    %dma_wait3A_57 = tpu.memref_slice %arg9[%dma_wait3A_46, %dma_wait3A_55, %dma_wait3A_56] : memref<2x128x64xi32, #tpu.memory_space<vmem>> -> memref<1x128x64xi32, #tpu.memory_space<vmem>>
    %dma_wait3A_58 = tpu.memref_squeeze %dma_wait3A_57 : memref<1x128x64xi32, #tpu.memory_space<vmem>> -> memref<128x64xi32, #tpu.memory_space<vmem>>
    tpu.wait_dma2 semaphore(%arg16 : memref<!tpu.dma_semaphore, #tpu.memory_space<semaphore_mem>>) src(%dma_wait3A_58 : memref<128x64xi32, #tpu.memory_space<vmem>>) dst(%dma_wait3A_54 : memref<128x64xi32, #tpu.memory_space<hbm>>)
    return
  }
}

#map = affine_map<(d0, d1) -> (0, 0)>
module attributes {stable_mosaic.version = 14 : i64} {
  func.func @gather_sum(%arg0: i32, %arg1: i32, %arg2: memref<10000x64xi32, #tpu.memory_space<hbm>>, %arg3: memref<10000x64xi32, #tpu.memory_space<hbm>>, %arg4: memref<512x128xi32, #tpu.memory_space<hbm>>, %arg5: memref<512x128xi32, #tpu.memory_space<hbm>>, %arg6: memref<65536x64xi32, #tpu.memory_space<hbm>>, %arg7: memref<16x128xi32, #tpu.memory_space<vmem>>, %arg8: memref<16x128xi32, #tpu.memory_space<vmem>>, %arg9: memref<2x128x64xi32, #tpu.memory_space<vmem>>, %arg10: memref<2x128x64xi32, #tpu.memory_space<vmem>>, %arg11: memref<!tpu.dma_semaphore, #tpu.memory_space<semaphore_mem>>, %arg12: memref<!tpu.dma_semaphore, #tpu.memory_space<semaphore_mem>>, %arg13: memref<!tpu.dma_semaphore, #tpu.memory_space<semaphore_mem>>, %arg14: memref<!tpu.dma_semaphore, #tpu.memory_space<semaphore_mem>>, %arg15: memref<!tpu.dma_semaphore, #tpu.memory_space<semaphore_mem>>, %arg16: memref<!tpu.dma_semaphore, #tpu.memory_space<semaphore_mem>>) attributes {dimension_semantics = [#tpu.dimension_semantics<core_parallel>, #tpu.dimension_semantics<subcore_parallel>], iteration_bounds = array<i64: 2, 16>, scalar_prefetch = 0 : i64, scratch_operands = 10 : i64, tpu.core_type = #tpu.core_type<sc_vector_subcore>, window_params = [{transform_indices = #map}, {transform_indices = #map}, {transform_indices = #map}, {transform_indices = #map}, {transform_indices = #map}]} {
    %mul3A = arith.constant 16 : i32
    %mul3A_0 = arith.muli %arg0, %mul3A : i32
    %add3A = arith.addi %mul3A_0, %arg1 : i32
    %mul3A_1 = arith.constant 16 : i32
    %mul3A_2 = arith.muli %add3A, %mul3A_1 : i32
    "tpu.region"() ({
      %run_scoped3A = tpu.sem_alloc : memref<!tpu.dma_semaphore, #tpu.memory_space<semaphore_mem>>
      %dma_start3A_59 = arith.constant 0 : i32
      %dma_start3A_60 = tpu.memref_slice %arg4[%mul3A_2, %dma_start3A_59] : memref<512x128xi32, #tpu.memory_space<hbm>> -> memref<16x128xi32, #tpu.memory_space<hbm>>
      %dma_start3A_61 = arith.constant 0 : i32
      %dma_start3A_62 = tpu.memref_slice %arg4[%mul3A_2, %dma_start3A_61] : memref<512x128xi32, #tpu.memory_space<hbm>> -> memref<16x128xi32, #tpu.memory_space<hbm>>
      tpu.enqueue_dma source(%dma_start3A_62 : memref<16x128xi32, #tpu.memory_space<hbm>>) target(%arg7 : memref<16x128xi32, #tpu.memory_space<vmem>>) target_semaphore(%run_scoped3A : memref<!tpu.dma_semaphore, #tpu.memory_space<semaphore_mem>>)
      %dma_wait3A_63 = arith.constant 0 : i32
      %dma_wait3A_64 = tpu.memref_slice %arg4[%mul3A_2, %dma_wait3A_63] : memref<512x128xi32, #tpu.memory_space<hbm>> -> memref<16x128xi32, #tpu.memory_space<hbm>>
      %dma_wait3A_65 = arith.constant 0 : i32
      %dma_wait3A_66 = tpu.memref_slice %arg4[%mul3A_2, %dma_wait3A_65] : memref<512x128xi32, #tpu.memory_space<hbm>> -> memref<16x128xi32, #tpu.memory_space<hbm>>
      tpu.wait_dma2 semaphore(%run_scoped3A : memref<!tpu.dma_semaphore, #tpu.memory_space<semaphore_mem>>) src(%dma_wait3A_66 : memref<16x128xi32, #tpu.memory_space<hbm>>) dst(%arg7 : memref<16x128xi32, #tpu.memory_space<vmem>>)
      tpu.yield
    }) : () -> ()
    "tpu.region"() ({
      %run_scoped3A = tpu.sem_alloc : memref<!tpu.dma_semaphore, #tpu.memory_space<semaphore_mem>>
      %dma_start3A_59 = arith.constant 0 : i32
      %dma_start3A_60 = tpu.memref_slice %arg5[%mul3A_2, %dma_start3A_59] : memref<512x128xi32, #tpu.memory_space<hbm>> -> memref<16x128xi32, #tpu.memory_space<hbm>>
      %dma_start3A_61 = arith.constant 0 : i32
      %dma_start3A_62 = tpu.memref_slice %arg5[%mul3A_2, %dma_start3A_61] : memref<512x128xi32, #tpu.memory_space<hbm>> -> memref<16x128xi32, #tpu.memory_space<hbm>>
      tpu.enqueue_dma source(%dma_start3A_62 : memref<16x128xi32, #tpu.memory_space<hbm>>) target(%arg8 : memref<16x128xi32, #tpu.memory_space<vmem>>) target_semaphore(%run_scoped3A : memref<!tpu.dma_semaphore, #tpu.memory_space<semaphore_mem>>)
      %dma_wait3A_63 = arith.constant 0 : i32
      %dma_wait3A_64 = tpu.memref_slice %arg5[%mul3A_2, %dma_wait3A_63] : memref<512x128xi32, #tpu.memory_space<hbm>> -> memref<16x128xi32, #tpu.memory_space<hbm>>
      %dma_wait3A_65 = arith.constant 0 : i32
      %dma_wait3A_66 = tpu.memref_slice %arg5[%mul3A_2, %dma_wait3A_65] : memref<512x128xi32, #tpu.memory_space<hbm>> -> memref<16x128xi32, #tpu.memory_space<hbm>>
      tpu.wait_dma2 semaphore(%run_scoped3A : memref<!tpu.dma_semaphore, #tpu.memory_space<semaphore_mem>>) src(%dma_wait3A_66 : memref<16x128xi32, #tpu.memory_space<hbm>>) dst(%arg8 : memref<16x128xi32, #tpu.memory_space<vmem>>)
      tpu.yield
    }) : () -> ()
    %dma_start3A = arith.constant 0 : i32
    %dma_start3A_3 = arith.constant 0 : i32
    %dma_start3A_4 = arith.constant 0 : i32
    %dma_start3A_5 = arith.constant 0 : i32
    %dma_start3A_6 = tpu.memref_slice %arg9[%dma_start3A_3, %dma_start3A_4, %dma_start3A_5] : memref<2x128x64xi32, #tpu.memory_space<vmem>> -> memref<1x128x64xi32, #tpu.memory_space<vmem>>
    %dma_start3A_7 = tpu.memref_squeeze %dma_start3A_6 : memref<1x128x64xi32, #tpu.memory_space<vmem>> -> memref<128x64xi32, #tpu.memory_space<vmem>>
    %dma_start3A_8 = arith.constant 0 : i32
    %dma_start3A_9 = tpu.memref_slice %arg7[%dma_start3A, %dma_start3A_8] : memref<16x128xi32, #tpu.memory_space<vmem>> -> memref<1x128xi32, #tpu.memory_space<vmem>>
    %dma_start3A_10 = tpu.memref_squeeze %dma_start3A_9 : memref<1x128xi32, #tpu.memory_space<vmem>> -> memref<128xi32, #tpu.memory_space<vmem>>
    %dma_start3A_11 = arith.constant 0 : i32
    %dma_start3A_12 = arith.constant 0 : i32
    %dma_start3A_13 = tpu.memref_slice %arg2[%dma_start3A_11, %dma_start3A_12] : memref<10000x64xi32, #tpu.memory_space<hbm>> -> memref<10000x64xi32, #tpu.memory_space<hbm>>
    tpu.enqueue_indirect_dma source(%dma_start3A_13 : memref<10000x64xi32, #tpu.memory_space<hbm>>) target(%dma_start3A_7 : memref<128x64xi32, #tpu.memory_space<vmem>>) offsets(%dma_start3A_10 : memref<128xi32, #tpu.memory_space<vmem>>) semaphore(%arg11 : memref<!tpu.dma_semaphore, #tpu.memory_space<semaphore_mem>>)
    %dma_start3A_14 = arith.constant 0 : i32
    %dma_start3A_15 = arith.constant 0 : i32
    %dma_start3A_16 = arith.constant 0 : i32
    %dma_start3A_17 = arith.constant 0 : i32
    %dma_start3A_18 = tpu.memref_slice %arg10[%dma_start3A_15, %dma_start3A_16, %dma_start3A_17] : memref<2x128x64xi32, #tpu.memory_space<vmem>> -> memref<1x128x64xi32, #tpu.memory_space<vmem>>
    %dma_start3A_19 = tpu.memref_squeeze %dma_start3A_18 : memref<1x128x64xi32, #tpu.memory_space<vmem>> -> memref<128x64xi32, #tpu.memory_space<vmem>>
    %dma_start3A_20 = arith.constant 0 : i32
    %dma_start3A_21 = tpu.memref_slice %arg8[%dma_start3A_14, %dma_start3A_20] : memref<16x128xi32, #tpu.memory_space<vmem>> -> memref<1x128xi32, #tpu.memory_space<vmem>>
    %dma_start3A_22 = tpu.memref_squeeze %dma_start3A_21 : memref<1x128xi32, #tpu.memory_space<vmem>> -> memref<128xi32, #tpu.memory_space<vmem>>
    %dma_start3A_23 = arith.constant 0 : i32
    %dma_start3A_24 = arith.constant 0 : i32
    %dma_start3A_25 = tpu.memref_slice %arg3[%dma_start3A_23, %dma_start3A_24] : memref<10000x64xi32, #tpu.memory_space<hbm>> -> memref<10000x64xi32, #tpu.memory_space<hbm>>
    tpu.enqueue_indirect_dma source(%dma_start3A_25 : memref<10000x64xi32, #tpu.memory_space<hbm>>) target(%dma_start3A_19 : memref<128x64xi32, #tpu.memory_space<vmem>>) offsets(%dma_start3A_22 : memref<128xi32, #tpu.memory_space<vmem>>) semaphore(%arg12 : memref<!tpu.dma_semaphore, #tpu.memory_space<semaphore_mem>>)
    %scan3A = arith.constant 0 : i32
    %scan3A_26 = arith.constant 8 : i32
    %scan3A_27 = arith.addi %scan3A, %scan3A_26 : i32
    %scan3A_28 = arith.constant 1 : i32
    scf.for %scan3A_59 = %scan3A to %scan3A_27 step %scan3A_28  : i32 {
      %mul3A_60 = arith.constant 2 : i32
      %mul3A_61 = arith.muli %scan3A_59, %mul3A_60 : i32
      %add3A_62 = arith.constant 0 : i32
      %add3A_63 = arith.addi %add3A_62, %mul3A_61 : i32
      %ge3A = arith.constant 2 : i32
      %ge3A_64 = arith.cmpi sge, %add3A_63, %ge3A : i32
      %convert_element_type3A = arith.extui %ge3A_64 : i1 to i32
      %cond3A = arith.constant 0 : i32
      %cond3A_65 = arith.cmpi ne, %convert_element_type3A, %cond3A : i32
      scf.if %cond3A_65 {
        %mul3A_188 = arith.constant 128 : i32
        %mul3A_189 = arith.muli %mul3A_2, %mul3A_188 : i32
        %dma_wait3A_190 = arith.constant 1 : i32
        %dma_wait3A_191 = arith.constant 0 : i32
        %dma_wait3A_192 = arith.constant 0 : i32
        %dma_wait3A_193 = tpu.memref_slice %arg9[%dma_wait3A_190, %dma_wait3A_191, %dma_wait3A_192] : memref<2x128x64xi32, #tpu.memory_space<vmem>> -> memref<1x128x64xi32, #tpu.memory_space<vmem>>
        %dma_wait3A_194 = tpu.memref_squeeze %dma_wait3A_193 : memref<1x128x64xi32, #tpu.memory_space<vmem>> -> memref<128x64xi32, #tpu.memory_space<vmem>>
        %dma_wait3A_195 = arith.constant 0 : i32
        %dma_wait3A_196 = tpu.memref_slice %arg6[%mul3A_189, %dma_wait3A_195] : memref<65536x64xi32, #tpu.memory_space<hbm>> -> memref<128x64xi32, #tpu.memory_space<hbm>>
        %dma_wait3A_197 = arith.constant 0 : i32
        %dma_wait3A_198 = tpu.memref_slice %arg6[%mul3A_189, %dma_wait3A_197] : memref<65536x64xi32, #tpu.memory_space<hbm>> -> memref<128x64xi32, #tpu.memory_space<hbm>>
        %dma_wait3A_199 = arith.constant 0 : i32
        %dma_wait3A_200 = arith.constant 0 : i32
        %dma_wait3A_201 = tpu.memref_slice %arg9[%dma_wait3A_190, %dma_wait3A_199, %dma_wait3A_200] : memref<2x128x64xi32, #tpu.memory_space<vmem>> -> memref<1x128x64xi32, #tpu.memory_space<vmem>>
        %dma_wait3A_202 = tpu.memref_squeeze %dma_wait3A_201 : memref<1x128x64xi32, #tpu.memory_space<vmem>> -> memref<128x64xi32, #tpu.memory_space<vmem>>
        tpu.wait_dma2 semaphore(%arg16 : memref<!tpu.dma_semaphore, #tpu.memory_space<semaphore_mem>>) src(%dma_wait3A_202 : memref<128x64xi32, #tpu.memory_space<vmem>>) dst(%dma_wait3A_198 : memref<128x64xi32, #tpu.memory_space<hbm>>)
      } else {
      }
      %add3A_66 = arith.constant 1 : i32
      %add3A_67 = arith.addi %add3A_63, %add3A_66 : i32
      %dma_start3A_68 = arith.constant 1 : i32
      %dma_start3A_69 = arith.constant 0 : i32
      %dma_start3A_70 = arith.constant 0 : i32
      %dma_start3A_71 = tpu.memref_slice %arg9[%dma_start3A_68, %dma_start3A_69, %dma_start3A_70] : memref<2x128x64xi32, #tpu.memory_space<vmem>> -> memref<1x128x64xi32, #tpu.memory_space<vmem>>
      %dma_start3A_72 = tpu.memref_squeeze %dma_start3A_71 : memref<1x128x64xi32, #tpu.memory_space<vmem>> -> memref<128x64xi32, #tpu.memory_space<vmem>>
      %dma_start3A_73 = arith.constant 0 : i32
      %dma_start3A_74 = tpu.memref_slice %arg7[%add3A_67, %dma_start3A_73] : memref<16x128xi32, #tpu.memory_space<vmem>> -> memref<1x128xi32, #tpu.memory_space<vmem>>
      %dma_start3A_75 = tpu.memref_squeeze %dma_start3A_74 : memref<1x128xi32, #tpu.memory_space<vmem>> -> memref<128xi32, #tpu.memory_space<vmem>>
      %dma_start3A_76 = arith.constant 0 : i32
      %dma_start3A_77 = arith.constant 0 : i32
      %dma_start3A_78 = tpu.memref_slice %arg2[%dma_start3A_76, %dma_start3A_77] : memref<10000x64xi32, #tpu.memory_space<hbm>> -> memref<10000x64xi32, #tpu.memory_space<hbm>>
      tpu.enqueue_indirect_dma source(%dma_start3A_78 : memref<10000x64xi32, #tpu.memory_space<hbm>>) target(%dma_start3A_72 : memref<128x64xi32, #tpu.memory_space<vmem>>) offsets(%dma_start3A_75 : memref<128xi32, #tpu.memory_space<vmem>>) semaphore(%arg13 : memref<!tpu.dma_semaphore, #tpu.memory_space<semaphore_mem>>)
      %dma_start3A_79 = arith.constant 1 : i32
      %dma_start3A_80 = arith.constant 0 : i32
      %dma_start3A_81 = arith.constant 0 : i32
      %dma_start3A_82 = tpu.memref_slice %arg10[%dma_start3A_79, %dma_start3A_80, %dma_start3A_81] : memref<2x128x64xi32, #tpu.memory_space<vmem>> -> memref<1x128x64xi32, #tpu.memory_space<vmem>>
      %dma_start3A_83 = tpu.memref_squeeze %dma_start3A_82 : memref<1x128x64xi32, #tpu.memory_space<vmem>> -> memref<128x64xi32, #tpu.memory_space<vmem>>
      %dma_start3A_84 = arith.constant 0 : i32
      %dma_start3A_85 = tpu.memref_slice %arg8[%add3A_67, %dma_start3A_84] : memref<16x128xi32, #tpu.memory_space<vmem>> -> memref<1x128xi32, #tpu.memory_space<vmem>>
      %dma_start3A_86 = tpu.memref_squeeze %dma_start3A_85 : memref<1x128xi32, #tpu.memory_space<vmem>> -> memref<128xi32, #tpu.memory_space<vmem>>
      %dma_start3A_87 = arith.constant 0 : i32
      %dma_start3A_88 = arith.constant 0 : i32
      %dma_start3A_89 = tpu.memref_slice %arg3[%dma_start3A_87, %dma_start3A_88] : memref<10000x64xi32, #tpu.memory_space<hbm>> -> memref<10000x64xi32, #tpu.memory_space<hbm>>
      tpu.enqueue_indirect_dma source(%dma_start3A_89 : memref<10000x64xi32, #tpu.memory_space<hbm>>) target(%dma_start3A_83 : memref<128x64xi32, #tpu.memory_space<vmem>>) offsets(%dma_start3A_86 : memref<128xi32, #tpu.memory_space<vmem>>) semaphore(%arg14 : memref<!tpu.dma_semaphore, #tpu.memory_space<semaphore_mem>>)
      %dma_wait3A_90 = arith.constant 0 : i32
      %dma_wait3A_91 = arith.constant 0 : i32
      %dma_wait3A_92 = arith.constant 0 : i32
      %dma_wait3A_93 = arith.constant 0 : i32
      %dma_wait3A_94 = tpu.memref_slice %arg9[%dma_wait3A_91, %dma_wait3A_92, %dma_wait3A_93] : memref<2x128x64xi32, #tpu.memory_space<vmem>> -> memref<1x128x64xi32, #tpu.memory_space<vmem>>
      %dma_wait3A_95 = tpu.memref_squeeze %dma_wait3A_94 : memref<1x128x64xi32, #tpu.memory_space<vmem>> -> memref<128x64xi32, #tpu.memory_space<vmem>>
      %dma_wait3A_96 = arith.constant 0 : i32
      %dma_wait3A_97 = tpu.memref_slice %arg7[%dma_wait3A_90, %dma_wait3A_96] : memref<16x128xi32, #tpu.memory_space<vmem>> -> memref<1x128xi32, #tpu.memory_space<vmem>>
      %dma_wait3A_98 = tpu.memref_squeeze %dma_wait3A_97 : memref<1x128xi32, #tpu.memory_space<vmem>> -> memref<128xi32, #tpu.memory_space<vmem>>
      %dma_wait3A_99 = arith.constant 0 : i32
      %dma_wait3A_100 = arith.constant 0 : i32
      %dma_wait3A_101 = tpu.memref_slice %arg2[%dma_wait3A_99, %dma_wait3A_100] : memref<10000x64xi32, #tpu.memory_space<hbm>> -> memref<10000x64xi32, #tpu.memory_space<hbm>>
      tpu.wait_indirect_dma semaphore(%arg11 : memref<!tpu.dma_semaphore, #tpu.memory_space<semaphore_mem>>) src(%dma_wait3A_101 : memref<10000x64xi32, #tpu.memory_space<hbm>>) dst(%dma_wait3A_95 : memref<128x64xi32, #tpu.memory_space<vmem>>)
      %dma_wait3A_102 = arith.constant 0 : i32
      %dma_wait3A_103 = arith.constant 0 : i32
      %dma_wait3A_104 = arith.constant 0 : i32
      %dma_wait3A_105 = arith.constant 0 : i32
      %dma_wait3A_106 = tpu.memref_slice %arg10[%dma_wait3A_103, %dma_wait3A_104, %dma_wait3A_105] : memref<2x128x64xi32, #tpu.memory_space<vmem>> -> memref<1x128x64xi32, #tpu.memory_space<vmem>>
      %dma_wait3A_107 = tpu.memref_squeeze %dma_wait3A_106 : memref<1x128x64xi32, #tpu.memory_space<vmem>> -> memref<128x64xi32, #tpu.memory_space<vmem>>
      %dma_wait3A_108 = arith.constant 0 : i32
      %dma_wait3A_109 = tpu.memref_slice %arg8[%dma_wait3A_102, %dma_wait3A_108] : memref<16x128xi32, #tpu.memory_space<vmem>> -> memref<1x128xi32, #tpu.memory_space<vmem>>
      %dma_wait3A_110 = tpu.memref_squeeze %dma_wait3A_109 : memref<1x128xi32, #tpu.memory_space<vmem>> -> memref<128xi32, #tpu.memory_space<vmem>>
      %dma_wait3A_111 = arith.constant 0 : i32
      %dma_wait3A_112 = arith.constant 0 : i32
      %dma_wait3A_113 = tpu.memref_slice %arg3[%dma_wait3A_111, %dma_wait3A_112] : memref<10000x64xi32, #tpu.memory_space<hbm>> -> memref<10000x64xi32, #tpu.memory_space<hbm>>
      tpu.wait_indirect_dma semaphore(%arg12 : memref<!tpu.dma_semaphore, #tpu.memory_space<semaphore_mem>>) src(%dma_wait3A_113 : memref<10000x64xi32, #tpu.memory_space<hbm>>) dst(%dma_wait3A_107 : memref<128x64xi32, #tpu.memory_space<vmem>>)
      %scan3A_114 = arith.constant 0 : i32
      %scan3A_115 = arith.constant 128 : i32
      %scan3A_116 = arith.addi %scan3A_114, %scan3A_115 : i32
      %scan3A_117 = arith.constant 1 : i32
      scf.for %scan3A_188 = %scan3A_114 to %scan3A_116 step %scan3A_117  : i32 {
        %mul3A_189 = arith.constant 1 : i32
        %mul3A_190 = arith.muli %scan3A_188, %mul3A_189 : i32
        %add3A_191 = arith.constant 0 : i32
        %add3A_192 = arith.addi %add3A_191, %mul3A_190 : i32
        %get3A = arith.constant 0 : i32
        %get3A_193 = arith.index_cast %get3A : i32 to index
        %get3A_194 = arith.index_cast %add3A_192 : i32 to index
        %get3A_195 = arith.constant 0 : index
        %get3A_196 = tpu.vector_load %arg9[%get3A_193, %get3A_194, %get3A_195] {strides = array<i32>} : memref<2x128x64xi32, #tpu.memory_space<vmem>>, vector<16xi32>,
        %bitcast3A = vector.bitcast %get3A_196 : vector<16xi32> to vector<32xbf16>
        %get3A_197 = arith.constant 0 : i32
        %get3A_198 = arith.index_cast %get3A_197 : i32 to index
        %get3A_199 = arith.index_cast %add3A_192 : i32 to index
        %get3A_200 = arith.constant 0 : index
        %get3A_201 = tpu.vector_load %arg10[%get3A_198, %get3A_199, %get3A_200] {strides = array<i32>} : memref<2x128x64xi32, #tpu.memory_space<vmem>>, vector<16xi32>,
        %bitcast3A_202 = vector.bitcast %get3A_201 : vector<16xi32> to vector<32xbf16>
        %add3A_203 = arith.addf %bitcast3A, %bitcast3A_202 : vector<32xbf16>
        %bitcast3A_204 = vector.bitcast %add3A_203 : vector<32xbf16> to vector<16xi32>
        %swap3A = arith.constant 0 : i32
        %swap3A_205 = arith.index_cast %swap3A : i32 to index
        %swap3A_206 = arith.index_cast %add3A_192 : i32 to index
        %swap3A_207 = arith.constant 0 : index
        %swap3A_208 = tpu.vector_load %arg9[%swap3A_205, %swap3A_206, %swap3A_207] {strides = array<i32>} : memref<2x128x64xi32, #tpu.memory_space<vmem>>, vector<16xi32>,
        tpu.vector_store %arg9[%swap3A_205, %swap3A_206, %swap3A_207], %bitcast3A_204 {strides = array<i32>} : memref<2x128x64xi32, #tpu.memory_space<vmem>>, vector<16xi32>,
        %get3A_209 = arith.constant 0 : i32
        %get3A_210 = arith.index_cast %get3A_209 : i32 to index
        %get3A_211 = arith.index_cast %add3A_192 : i32 to index
        %get3A_212 = arith.constant 16 : index
        %get3A_213 = tpu.vector_load %arg9[%get3A_210, %get3A_211, %get3A_212] {strides = array<i32>} : memref<2x128x64xi32, #tpu.memory_space<vmem>>, vector<16xi32>,
        %bitcast3A_214 = vector.bitcast %get3A_213 : vector<16xi32> to vector<32xbf16>
        %get3A_215 = arith.constant 0 : i32
        %get3A_216 = arith.index_cast %get3A_215 : i32 to index
        %get3A_217 = arith.index_cast %add3A_192 : i32 to index
        %get3A_218 = arith.constant 16 : index
        %get3A_219 = tpu.vector_load %arg10[%get3A_216, %get3A_217, %get3A_218] {strides = array<i32>} : memref<2x128x64xi32, #tpu.memory_space<vmem>>, vector<16xi32>,
        %bitcast3A_220 = vector.bitcast %get3A_219 : vector<16xi32> to vector<32xbf16>
        %add3A_221 = arith.addf %bitcast3A_214, %bitcast3A_220 : vector<32xbf16>
        %bitcast3A_222 = vector.bitcast %add3A_221 : vector<32xbf16> to vector<16xi32>
        %swap3A_223 = arith.constant 0 : i32
        %swap3A_224 = arith.index_cast %swap3A_223 : i32 to index
        %swap3A_225 = arith.index_cast %add3A_192 : i32 to index
        %swap3A_226 = arith.constant 16 : index
        %swap3A_227 = tpu.vector_load %arg9[%swap3A_224, %swap3A_225, %swap3A_226] {strides = array<i32>} : memref<2x128x64xi32, #tpu.memory_space<vmem>>, vector<16xi32>,
        tpu.vector_store %arg9[%swap3A_224, %swap3A_225, %swap3A_226], %bitcast3A_222 {strides = array<i32>} : memref<2x128x64xi32, #tpu.memory_space<vmem>>, vector<16xi32>,
        %get3A_228 = arith.constant 0 : i32
        %get3A_229 = arith.index_cast %get3A_228 : i32 to index
        %get3A_230 = arith.index_cast %add3A_192 : i32 to index
        %get3A_231 = arith.constant 32 : index
        %get3A_232 = tpu.vector_load %arg9[%get3A_229, %get3A_230, %get3A_231] {strides = array<i32>} : memref<2x128x64xi32, #tpu.memory_space<vmem>>, vector<16xi32>,
        %bitcast3A_233 = vector.bitcast %get3A_232 : vector<16xi32> to vector<32xbf16>
        %get3A_234 = arith.constant 0 : i32
        %get3A_235 = arith.index_cast %get3A_234 : i32 to index
        %get3A_236 = arith.index_cast %add3A_192 : i32 to index
        %get3A_237 = arith.constant 32 : index
        %get3A_238 = tpu.vector_load %arg10[%get3A_235, %get3A_236, %get3A_237] {strides = array<i32>} : memref<2x128x64xi32, #tpu.memory_space<vmem>>, vector<16xi32>,
        %bitcast3A_239 = vector.bitcast %get3A_238 : vector<16xi32> to vector<32xbf16>
        %add3A_240 = arith.addf %bitcast3A_233, %bitcast3A_239 : vector<32xbf16>
        %bitcast3A_241 = vector.bitcast %add3A_240 : vector<32xbf16> to vector<16xi32>
        %swap3A_242 = arith.constant 0 : i32
        %swap3A_243 = arith.index_cast %swap3A_242 : i32 to index
        %swap3A_244 = arith.index_cast %add3A_192 : i32 to index
        %swap3A_245 = arith.constant 32 : index
        %swap3A_246 = tpu.vector_load %arg9[%swap3A_243, %swap3A_244, %swap3A_245] {strides = array<i32>} : memref<2x128x64xi32, #tpu.memory_space<vmem>>, vector<16xi32>,
        tpu.vector_store %arg9[%swap3A_243, %swap3A_244, %swap3A_245], %bitcast3A_241 {strides = array<i32>} : memref<2x128x64xi32, #tpu.memory_space<vmem>>, vector<16xi32>,
        %get3A_247 = arith.constant 0 : i32
        %get3A_248 = arith.index_cast %get3A_247 : i32 to index
        %get3A_249 = arith.index_cast %add3A_192 : i32 to index
        %get3A_250 = arith.constant 48 : index
        %get3A_251 = tpu.vector_load %arg9[%get3A_248, %get3A_249, %get3A_250] {strides = array<i32>} : memref<2x128x64xi32, #tpu.memory_space<vmem>>, vector<16xi32>,
        %bitcast3A_252 = vector.bitcast %get3A_251 : vector<16xi32> to vector<32xbf16>
        %get3A_253 = arith.constant 0 : i32
        %get3A_254 = arith.index_cast %get3A_253 : i32 to index
        %get3A_255 = arith.index_cast %add3A_192 : i32 to index
        %get3A_256 = arith.constant 48 : index
        %get3A_257 = tpu.vector_load %arg10[%get3A_254, %get3A_255, %get3A_256] {strides = array<i32>} : memref<2x128x64xi32, #tpu.memory_space<vmem>>, vector<16xi32>,
        %bitcast3A_258 = vector.bitcast %get3A_257 : vector<16xi32> to vector<32xbf16>
        %add3A_259 = arith.addf %bitcast3A_252, %bitcast3A_258 : vector<32xbf16>
        %bitcast3A_260 = vector.bitcast %add3A_259 : vector<32xbf16> to vector<16xi32>
        %swap3A_261 = arith.constant 0 : i32
        %swap3A_262 = arith.index_cast %swap3A_261 : i32 to index
        %swap3A_263 = arith.index_cast %add3A_192 : i32 to index
        %swap3A_264 = arith.constant 48 : index
        %swap3A_265 = tpu.vector_load %arg9[%swap3A_262, %swap3A_263, %swap3A_264] {strides = array<i32>} : memref<2x128x64xi32, #tpu.memory_space<vmem>>, vector<16xi32>,
        tpu.vector_store %arg9[%swap3A_262, %swap3A_263, %swap3A_264], %bitcast3A_260 {strides = array<i32>} : memref<2x128x64xi32, #tpu.memory_space<vmem>>, vector<16xi32>,
      }
      %scan3A_118 = arith.constant 128 : i32
      %add3A_119 = arith.addi %mul3A_2, %add3A_63 : i32
      %mul3A_120 = arith.constant 128 : i32
      %mul3A_121 = arith.muli %add3A_119, %mul3A_120 : i32
      %dma_start3A_122 = arith.constant 0 : i32
      %dma_start3A_123 = arith.constant 0 : i32
      %dma_start3A_124 = arith.constant 0 : i32
      %dma_start3A_125 = tpu.memref_slice %arg9[%dma_start3A_122, %dma_start3A_123, %dma_start3A_124] : memref<2x128x64xi32, #tpu.memory_space<vmem>> -> memref<1x128x64xi32, #tpu.memory_space<vmem>>
      %dma_start3A_126 = tpu.memref_squeeze %dma_start3A_125 : memref<1x128x64xi32, #tpu.memory_space<vmem>> -> memref<128x64xi32, #tpu.memory_space<vmem>>
      %dma_start3A_127 = arith.constant 0 : i32
      %dma_start3A_128 = tpu.memref_slice %arg6[%mul3A_121, %dma_start3A_127] : memref<65536x64xi32, #tpu.memory_space<hbm>> -> memref<128x64xi32, #tpu.memory_space<hbm>>
      %dma_start3A_129 = arith.constant 0 : i32
      %dma_start3A_130 = tpu.memref_slice %arg6[%mul3A_121, %dma_start3A_129] : memref<65536x64xi32, #tpu.memory_space<hbm>> -> memref<128x64xi32, #tpu.memory_space<hbm>>
      %dma_start3A_131 = arith.constant 0 : i32
      %dma_start3A_132 = arith.constant 0 : i32
      %dma_start3A_133 = tpu.memref_slice %arg9[%dma_start3A_122, %dma_start3A_131, %dma_start3A_132] : memref<2x128x64xi32, #tpu.memory_space<vmem>> -> memref<1x128x64xi32, #tpu.memory_space<vmem>>
      %dma_start3A_134 = tpu.memref_squeeze %dma_start3A_133 : memref<1x128x64xi32, #tpu.memory_space<vmem>> -> memref<128x64xi32, #tpu.memory_space<vmem>>
      tpu.enqueue_dma source(%dma_start3A_134 : memref<128x64xi32, #tpu.memory_space<vmem>>) target(%dma_start3A_130 : memref<128x64xi32, #tpu.memory_space<hbm>>) target_semaphore(%arg15 : memref<!tpu.dma_semaphore, #tpu.memory_space<semaphore_mem>>)
      %add3A_135 = arith.constant 2 : i32
      %add3A_136 = arith.addi %add3A_63, %add3A_135 : i32
      %lt3A = arith.constant 16 : i32
      %lt3A_137 = arith.cmpi slt, %add3A_136, %lt3A : i32
      %convert_element_type3A_138 = arith.extui %lt3A_137 : i1 to i32
      %cond3A_139 = arith.constant 0 : i32
      %cond3A_140 = arith.cmpi ne, %convert_element_type3A_138, %cond3A_139 : i32
      scf.if %cond3A_140 {
        %mul3A_188 = arith.constant 128 : i32
        %mul3A_189 = arith.muli %mul3A_2, %mul3A_188 : i32
        %dma_wait3A_190 = arith.constant 0 : i32
        %dma_wait3A_191 = arith.constant 0 : i32
        %dma_wait3A_192 = arith.constant 0 : i32
        %dma_wait3A_193 = tpu.memref_slice %arg9[%dma_wait3A_190, %dma_wait3A_191, %dma_wait3A_192] : memref<2x128x64xi32, #tpu.memory_space<vmem>> -> memref<1x128x64xi32, #tpu.memory_space<vmem>>
        %dma_wait3A_194 = tpu.memref_squeeze %dma_wait3A_193 : memref<1x128x64xi32, #tpu.memory_space<vmem>> -> memref<128x64xi32, #tpu.memory_space<vmem>>
        %dma_wait3A_195 = arith.constant 0 : i32
        %dma_wait3A_196 = tpu.memref_slice %arg6[%mul3A_189, %dma_wait3A_195] : memref<65536x64xi32, #tpu.memory_space<hbm>> -> memref<128x64xi32, #tpu.memory_space<hbm>>
        %dma_wait3A_197 = arith.constant 0 : i32
        %dma_wait3A_198 = tpu.memref_slice %arg6[%mul3A_189, %dma_wait3A_197] : memref<65536x64xi32, #tpu.memory_space<hbm>> -> memref<128x64xi32, #tpu.memory_space<hbm>>
        %dma_wait3A_199 = arith.constant 0 : i32
        %dma_wait3A_200 = arith.constant 0 : i32
        %dma_wait3A_201 = tpu.memref_slice %arg9[%dma_wait3A_190, %dma_wait3A_199, %dma_wait3A_200] : memref<2x128x64xi32, #tpu.memory_space<vmem>> -> memref<1x128x64xi32, #tpu.memory_space<vmem>>
        %dma_wait3A_202 = tpu.memref_squeeze %dma_wait3A_201 : memref<1x128x64xi32, #tpu.memory_space<vmem>> -> memref<128x64xi32, #tpu.memory_space<vmem>>
        tpu.wait_dma2 semaphore(%arg15 : memref<!tpu.dma_semaphore, #tpu.memory_space<semaphore_mem>>) src(%dma_wait3A_202 : memref<128x64xi32, #tpu.memory_space<vmem>>) dst(%dma_wait3A_198 : memref<128x64xi32, #tpu.memory_space<hbm>>)
        %add3A_203 = arith.constant 2 : i32
        %add3A_204 = arith.addi %add3A_63, %add3A_203 : i32
        %dma_start3A_205 = arith.constant 0 : i32
        %dma_start3A_206 = arith.constant 0 : i32
        %dma_start3A_207 = arith.constant 0 : i32
        %dma_start3A_208 = tpu.memref_slice %arg9[%dma_start3A_205, %dma_start3A_206, %dma_start3A_207] : memref<2x128x64xi32, #tpu.memory_space<vmem>> -> memref<1x128x64xi32, #tpu.memory_space<vmem>>
        %dma_start3A_209 = tpu.memref_squeeze %dma_start3A_208 : memref<1x128x64xi32, #tpu.memory_space<vmem>> -> memref<128x64xi32, #tpu.memory_space<vmem>>
        %dma_start3A_210 = arith.constant 0 : i32
        %dma_start3A_211 = tpu.memref_slice %arg7[%add3A_204, %dma_start3A_210] : memref<16x128xi32, #tpu.memory_space<vmem>> -> memref<1x128xi32, #tpu.memory_space<vmem>>
        %dma_start3A_212 = tpu.memref_squeeze %dma_start3A_211 : memref<1x128xi32, #tpu.memory_space<vmem>> -> memref<128xi32, #tpu.memory_space<vmem>>
        %dma_start3A_213 = arith.constant 0 : i32
        %dma_start3A_214 = arith.constant 0 : i32
        %dma_start3A_215 = tpu.memref_slice %arg2[%dma_start3A_213, %dma_start3A_214] : memref<10000x64xi32, #tpu.memory_space<hbm>> -> memref<10000x64xi32, #tpu.memory_space<hbm>>
        tpu.enqueue_indirect_dma source(%dma_start3A_215 : memref<10000x64xi32, #tpu.memory_space<hbm>>) target(%dma_start3A_209 : memref<128x64xi32, #tpu.memory_space<vmem>>) offsets(%dma_start3A_212 : memref<128xi32, #tpu.memory_space<vmem>>) semaphore(%arg11 : memref<!tpu.dma_semaphore, #tpu.memory_space<semaphore_mem>>)
        %dma_start3A_216 = arith.constant 0 : i32
        %dma_start3A_217 = arith.constant 0 : i32
        %dma_start3A_218 = arith.constant 0 : i32
        %dma_start3A_219 = tpu.memref_slice %arg10[%dma_start3A_216, %dma_start3A_217, %dma_start3A_218] : memref<2x128x64xi32, #tpu.memory_space<vmem>> -> memref<1x128x64xi32, #tpu.memory_space<vmem>>
        %dma_start3A_220 = tpu.memref_squeeze %dma_start3A_219 : memref<1x128x64xi32, #tpu.memory_space<vmem>> -> memref<128x64xi32, #tpu.memory_space<vmem>>
        %dma_start3A_221 = arith.constant 0 : i32
        %dma_start3A_222 = tpu.memref_slice %arg8[%add3A_204, %dma_start3A_221] : memref<16x128xi32, #tpu.memory_space<vmem>> -> memref<1x128xi32, #tpu.memory_space<vmem>>
        %dma_start3A_223 = tpu.memref_squeeze %dma_start3A_222 : memref<1x128xi32, #tpu.memory_space<vmem>> -> memref<128xi32, #tpu.memory_space<vmem>>
        %dma_start3A_224 = arith.constant 0 : i32
        %dma_start3A_225 = arith.constant 0 : i32
        %dma_start3A_226 = tpu.memref_slice %arg3[%dma_start3A_224, %dma_start3A_225] : memref<10000x64xi32, #tpu.memory_space<hbm>> -> memref<10000x64xi32, #tpu.memory_space<hbm>>
        tpu.enqueue_indirect_dma source(%dma_start3A_226 : memref<10000x64xi32, #tpu.memory_space<hbm>>) target(%dma_start3A_220 : memref<128x64xi32, #tpu.memory_space<vmem>>) offsets(%dma_start3A_223 : memref<128xi32, #tpu.memory_space<vmem>>) semaphore(%arg12 : memref<!tpu.dma_semaphore, #tpu.memory_space<semaphore_mem>>)
      } else {
      }
      %dma_wait3A_141 = arith.constant 0 : i32
      %dma_wait3A_142 = arith.constant 1 : i32
      %dma_wait3A_143 = arith.constant 0 : i32
      %dma_wait3A_144 = arith.constant 0 : i32
      %dma_wait3A_145 = tpu.memref_slice %arg9[%dma_wait3A_142, %dma_wait3A_143, %dma_wait3A_144] : memref<2x128x64xi32, #tpu.memory_space<vmem>> -> memref<1x128x64xi32, #tpu.memory_space<vmem>>
      %dma_wait3A_146 = tpu.memref_squeeze %dma_wait3A_145 : memref<1x128x64xi32, #tpu.memory_space<vmem>> -> memref<128x64xi32, #tpu.memory_space<vmem>>
      %dma_wait3A_147 = arith.constant 0 : i32
      %dma_wait3A_148 = tpu.memref_slice %arg7[%dma_wait3A_141, %dma_wait3A_147] : memref<16x128xi32, #tpu.memory_space<vmem>> -> memref<1x128xi32, #tpu.memory_space<vmem>>
      %dma_wait3A_149 = tpu.memref_squeeze %dma_wait3A_148 : memref<1x128xi32, #tpu.memory_space<vmem>> -> memref<128xi32, #tpu.memory_space<vmem>>
      %dma_wait3A_150 = arith.constant 0 : i32
      %dma_wait3A_151 = arith.constant 0 : i32
      %dma_wait3A_152 = tpu.memref_slice %arg2[%dma_wait3A_150, %dma_wait3A_151] : memref<10000x64xi32, #tpu.memory_space<hbm>> -> memref<10000x64xi32, #tpu.memory_space<hbm>>
      tpu.wait_indirect_dma semaphore(%arg13 : memref<!tpu.dma_semaphore, #tpu.memory_space<semaphore_mem>>) src(%dma_wait3A_152 : memref<10000x64xi32, #tpu.memory_space<hbm>>) dst(%dma_wait3A_146 : memref<128x64xi32, #tpu.memory_space<vmem>>)
      %dma_wait3A_153 = arith.constant 0 : i32
      %dma_wait3A_154 = arith.constant 1 : i32
      %dma_wait3A_155 = arith.constant 0 : i32
      %dma_wait3A_156 = arith.constant 0 : i32
      %dma_wait3A_157 = tpu.memref_slice %arg10[%dma_wait3A_154, %dma_wait3A_155, %dma_wait3A_156] : memref<2x128x64xi32, #tpu.memory_space<vmem>> -> memref<1x128x64xi32, #tpu.memory_space<vmem>>
      %dma_wait3A_158 = tpu.memref_squeeze %dma_wait3A_157 : memref<1x128x64xi32, #tpu.memory_space<vmem>> -> memref<128x64xi32, #tpu.memory_space<vmem>>
      %dma_wait3A_159 = arith.constant 0 : i32
      %dma_wait3A_160 = tpu.memref_slice %arg8[%dma_wait3A_153, %dma_wait3A_159] : memref<16x128xi32, #tpu.memory_space<vmem>> -> memref<1x128xi32, #tpu.memory_space<vmem>>
      %dma_wait3A_161 = tpu.memref_squeeze %dma_wait3A_160 : memref<1x128xi32, #tpu.memory_space<vmem>> -> memref<128xi32, #tpu.memory_space<vmem>>
      %dma_wait3A_162 = arith.constant 0 : i32
      %dma_wait3A_163 = arith.constant 0 : i32
      %dma_wait3A_164 = tpu.memref_slice %arg3[%dma_wait3A_162, %dma_wait3A_163] : memref<10000x64xi32, #tpu.memory_space<hbm>> -> memref<10000x64xi32, #tpu.memory_space<hbm>>
      tpu.wait_indirect_dma semaphore(%arg14 : memref<!tpu.dma_semaphore, #tpu.memory_space<semaphore_mem>>) src(%dma_wait3A_164 : memref<10000x64xi32, #tpu.memory_space<hbm>>) dst(%dma_wait3A_158 : memref<128x64xi32, #tpu.memory_space<vmem>>)
      %add3A_165 = arith.constant 1 : i32
      %add3A_166 = arith.addi %add3A_63, %add3A_165 : i32
      %scan3A_167 = arith.constant 0 : i32
      %scan3A_168 = arith.constant 128 : i32
      %scan3A_169 = arith.addi %scan3A_167, %scan3A_168 : i32
      %scan3A_170 = arith.constant 1 : i32
      scf.for %scan3A_188 = %scan3A_167 to %scan3A_169 step %scan3A_170  : i32 {
        %mul3A_189 = arith.constant 1 : i32
        %mul3A_190 = arith.muli %scan3A_188, %mul3A_189 : i32
        %add3A_191 = arith.constant 0 : i32
        %add3A_192 = arith.addi %add3A_191, %mul3A_190 : i32
        %get3A = arith.constant 1 : i32
        %get3A_193 = arith.index_cast %get3A : i32 to index
        %get3A_194 = arith.index_cast %add3A_192 : i32 to index
        %get3A_195 = arith.constant 0 : index
        %get3A_196 = tpu.vector_load %arg9[%get3A_193, %get3A_194, %get3A_195] {strides = array<i32>} : memref<2x128x64xi32, #tpu.memory_space<vmem>>, vector<16xi32>,
        %bitcast3A = vector.bitcast %get3A_196 : vector<16xi32> to vector<32xbf16>
        %get3A_197 = arith.constant 1 : i32
        %get3A_198 = arith.index_cast %get3A_197 : i32 to index
        %get3A_199 = arith.index_cast %add3A_192 : i32 to index
        %get3A_200 = arith.constant 0 : index
        %get3A_201 = tpu.vector_load %arg10[%get3A_198, %get3A_199, %get3A_200] {strides = array<i32>} : memref<2x128x64xi32, #tpu.memory_space<vmem>>, vector<16xi32>,
        %bitcast3A_202 = vector.bitcast %get3A_201 : vector<16xi32> to vector<32xbf16>
        %add3A_203 = arith.addf %bitcast3A, %bitcast3A_202 : vector<32xbf16>
        %bitcast3A_204 = vector.bitcast %add3A_203 : vector<32xbf16> to vector<16xi32>
        %swap3A = arith.constant 1 : i32
        %swap3A_205 = arith.index_cast %swap3A : i32 to index
        %swap3A_206 = arith.index_cast %add3A_192 : i32 to index
        %swap3A_207 = arith.constant 0 : index
        %swap3A_208 = tpu.vector_load %arg9[%swap3A_205, %swap3A_206, %swap3A_207] {strides = array<i32>} : memref<2x128x64xi32, #tpu.memory_space<vmem>>, vector<16xi32>,
        tpu.vector_store %arg9[%swap3A_205, %swap3A_206, %swap3A_207], %bitcast3A_204 {strides = array<i32>} : memref<2x128x64xi32, #tpu.memory_space<vmem>>, vector<16xi32>,
        %get3A_209 = arith.constant 1 : i32
        %get3A_210 = arith.index_cast %get3A_209 : i32 to index
        %get3A_211 = arith.index_cast %add3A_192 : i32 to index
        %get3A_212 = arith.constant 16 : index
        %get3A_213 = tpu.vector_load %arg9[%get3A_210, %get3A_211, %get3A_212] {strides = array<i32>} : memref<2x128x64xi32, #tpu.memory_space<vmem>>, vector<16xi32>,
        %bitcast3A_214 = vector.bitcast %get3A_213 : vector<16xi32> to vector<32xbf16>
        %get3A_215 = arith.constant 1 : i32
        %get3A_216 = arith.index_cast %get3A_215 : i32 to index
        %get3A_217 = arith.index_cast %add3A_192 : i32 to index
        %get3A_218 = arith.constant 16 : index
        %get3A_219 = tpu.vector_load %arg10[%get3A_216, %get3A_217, %get3A_218] {strides = array<i32>} : memref<2x128x64xi32, #tpu.memory_space<vmem>>, vector<16xi32>,
        %bitcast3A_220 = vector.bitcast %get3A_219 : vector<16xi32> to vector<32xbf16>
        %add3A_221 = arith.addf %bitcast3A_214, %bitcast3A_220 : vector<32xbf16>
        %bitcast3A_222 = vector.bitcast %add3A_221 : vector<32xbf16> to vector<16xi32>
        %swap3A_223 = arith.constant 1 : i32
        %swap3A_224 = arith.index_cast %swap3A_223 : i32 to index
        %swap3A_225 = arith.index_cast %add3A_192 : i32 to index
        %swap3A_226 = arith.constant 16 : index
        %swap3A_227 = tpu.vector_load %arg9[%swap3A_224, %swap3A_225, %swap3A_226] {strides = array<i32>} : memref<2x128x64xi32, #tpu.memory_space<vmem>>, vector<16xi32>,
        tpu.vector_store %arg9[%swap3A_224, %swap3A_225, %swap3A_226], %bitcast3A_222 {strides = array<i32>} : memref<2x128x64xi32, #tpu.memory_space<vmem>>, vector<16xi32>,
        %get3A_228 = arith.constant 1 : i32
        %get3A_229 = arith.index_cast %get3A_228 : i32 to index
        %get3A_230 = arith.index_cast %add3A_192 : i32 to index
        %get3A_231 = arith.constant 32 : index
        %get3A_232 = tpu.vector_load %arg9[%get3A_229, %get3A_230, %get3A_231] {strides = array<i32>} : memref<2x128x64xi32, #tpu.memory_space<vmem>>, vector<16xi32>,
        %bitcast3A_233 = vector.bitcast %get3A_232 : vector<16xi32> to vector<32xbf16>
        %get3A_234 = arith.constant 1 : i32
        %get3A_235 = arith.index_cast %get3A_234 : i32 to index
        %get3A_236 = arith.index_cast %add3A_192 : i32 to index
        %get3A_237 = arith.constant 32 : index
        %get3A_238 = tpu.vector_load %arg10[%get3A_235, %get3A_236, %get3A_237] {strides = array<i32>} : memref<2x128x64xi32, #tpu.memory_space<vmem>>, vector<16xi32>,
        %bitcast3A_239 = vector.bitcast %get3A_238 : vector<16xi32> to vector<32xbf16>
        %add3A_240 = arith.addf %bitcast3A_233, %bitcast3A_239 : vector<32xbf16>
        %bitcast3A_241 = vector.bitcast %add3A_240 : vector<32xbf16> to vector<16xi32>
        %swap3A_242 = arith.constant 1 : i32
        %swap3A_243 = arith.index_cast %swap3A_242 : i32 to index
        %swap3A_244 = arith.index_cast %add3A_192 : i32 to index
        %swap3A_245 = arith.constant 32 : index
        %swap3A_246 = tpu.vector_load %arg9[%swap3A_243, %swap3A_244, %swap3A_245] {strides = array<i32>} : memref<2x128x64xi32, #tpu.memory_space<vmem>>, vector<16xi32>,
        tpu.vector_store %arg9[%swap3A_243, %swap3A_244, %swap3A_245], %bitcast3A_241 {strides = array<i32>} : memref<2x128x64xi32, #tpu.memory_space<vmem>>, vector<16xi32>,
        %get3A_247 = arith.constant 1 : i32
        %get3A_248 = arith.index_cast %get3A_247 : i32 to index
        %get3A_249 = arith.index_cast %add3A_192 : i32 to index
        %get3A_250 = arith.constant 48 : index
        %get3A_251 = tpu.vector_load %arg9[%get3A_248, %get3A_249, %get3A_250] {strides = array<i32>} : memref<2x128x64xi32, #tpu.memory_space<vmem>>, vector<16xi32>,
        %bitcast3A_252 = vector.bitcast %get3A_251 : vector<16xi32> to vector<32xbf16>
        %get3A_253 = arith.constant 1 : i32
        %get3A_254 = arith.index_cast %get3A_253 : i32 to index
        %get3A_255 = arith.index_cast %add3A_192 : i32 to index
        %get3A_256 = arith.constant 48 : index
        %get3A_257 = tpu.vector_load %arg10[%get3A_254, %get3A_255, %get3A_256] {strides = array<i32>} : memref<2x128x64xi32, #tpu.memory_space<vmem>>, vector<16xi32>,
        %bitcast3A_258 = vector.bitcast %get3A_257 : vector<16xi32> to vector<32xbf16>
        %add3A_259 = arith.addf %bitcast3A_252, %bitcast3A_258 : vector<32xbf16>
        %bitcast3A_260 = vector.bitcast %add3A_259 : vector<32xbf16> to vector<16xi32>
        %swap3A_261 = arith.constant 1 : i32
        %swap3A_262 = arith.index_cast %swap3A_261 : i32 to index
        %swap3A_263 = arith.index_cast %add3A_192 : i32 to index
        %swap3A_264 = arith.constant 48 : index
        %swap3A_265 = tpu.vector_load %arg9[%swap3A_262, %swap3A_263, %swap3A_264] {strides = array<i32>} : memref<2x128x64xi32, #tpu.memory_space<vmem>>, vector<16xi32>,
        tpu.vector_store %arg9[%swap3A_262, %swap3A_263, %swap3A_264], %bitcast3A_260 {strides = array<i32>} : memref<2x128x64xi32, #tpu.memory_space<vmem>>, vector<16xi32>,
      }
      %scan3A_171 = arith.constant 128 : i32
      %add3A_172 = arith.addi %mul3A_2, %add3A_166 : i32
      %mul3A_173 = arith.constant 128 : i32
      %mul3A_174 = arith.muli %add3A_172, %mul3A_173 : i32
      %dma_start3A_175 = arith.constant 1 : i32
      %dma_start3A_176 = arith.constant 0 : i32
      %dma_start3A_177 = arith.constant 0 : i32
      %dma_start3A_178 = tpu.memref_slice %arg9[%dma_start3A_175, %dma_start3A_176, %dma_start3A_177] : memref<2x128x64xi32, #tpu.memory_space<vmem>> -> memref<1x128x64xi32, #tpu.memory_space<vmem>>
      %dma_start3A_179 = tpu.memref_squeeze %dma_start3A_178 : memref<1x128x64xi32, #tpu.memory_space<vmem>> -> memref<128x64xi32, #tpu.memory_space<vmem>>
      %dma_start3A_180 = arith.constant 0 : i32
      %dma_start3A_181 = tpu.memref_slice %arg6[%mul3A_174, %dma_start3A_180] : memref<65536x64xi32, #tpu.memory_space<hbm>> -> memref<128x64xi32, #tpu.memory_space<hbm>>
      %dma_start3A_182 = arith.constant 0 : i32
      %dma_start3A_183 = tpu.memref_slice %arg6[%mul3A_174, %dma_start3A_182] : memref<65536x64xi32, #tpu.memory_space<hbm>> -> memref<128x64xi32, #tpu.memory_space<hbm>>
      %dma_start3A_184 = arith.constant 0 : i32
      %dma_start3A_185 = arith.constant 0 : i32
      %dma_start3A_186 = tpu.memref_slice %arg9[%dma_start3A_175, %dma_start3A_184, %dma_start3A_185] : memref<2x128x64xi32, #tpu.memory_space<vmem>> -> memref<1x128x64xi32, #tpu.memory_space<vmem>>
      %dma_start3A_187 = tpu.memref_squeeze %dma_start3A_186 : memref<1x128x64xi32, #tpu.memory_space<vmem>> -> memref<128x64xi32, #tpu.memory_space<vmem>>
      tpu.enqueue_dma source(%dma_start3A_187 : memref<128x64xi32, #tpu.memory_space<vmem>>) target(%dma_start3A_183 : memref<128x64xi32, #tpu.memory_space<hbm>>) target_semaphore(%arg16 : memref<!tpu.dma_semaphore, #tpu.memory_space<semaphore_mem>>)
    }
    %scan3A_29 = arith.constant 8 : i32
    %mul3A_30 = arith.constant 128 : i32
    %mul3A_31 = arith.muli %mul3A_2, %mul3A_30 : i32
    %dma_wait3A = arith.constant 0 : i32
    %dma_wait3A_32 = arith.constant 0 : i32
    %dma_wait3A_33 = arith.constant 0 : i32
    %dma_wait3A_34 = tpu.memref_slice %arg9[%dma_wait3A, %dma_wait3A_32, %dma_wait3A_33] : memref<2x128x64xi32, #tpu.memory_space<vmem>> -> memref<1x128x64xi32, #tpu.memory_space<vmem>>
    %dma_wait3A_35 = tpu.memref_squeeze %dma_wait3A_34 : memref<1x128x64xi32, #tpu.memory_space<vmem>> -> memref<128x64xi32, #tpu.memory_space<vmem>>
    %dma_wait3A_36 = arith.constant 0 : i32
    %dma_wait3A_37 = tpu.memref_slice %arg6[%mul3A_31, %dma_wait3A_36] : memref<65536x64xi32, #tpu.memory_space<hbm>> -> memref<128x64xi32, #tpu.memory_space<hbm>>
    %dma_wait3A_38 = arith.constant 0 : i32
    %dma_wait3A_39 = tpu.memref_slice %arg6[%mul3A_31, %dma_wait3A_38] : memref<65536x64xi32, #tpu.memory_space<hbm>> -> memref<128x64xi32, #tpu.memory_space<hbm>>
    %dma_wait3A_40 = arith.constant 0 : i32
    %dma_wait3A_41 = arith.constant 0 : i32
    %dma_wait3A_42 = tpu.memref_slice %arg9[%dma_wait3A, %dma_wait3A_40, %dma_wait3A_41] : memref<2x128x64xi32, #tpu.memory_space<vmem>> -> memref<1x128x64xi32, #tpu.memory_space<vmem>>
    %dma_wait3A_43 = tpu.memref_squeeze %dma_wait3A_42 : memref<1x128x64xi32, #tpu.memory_space<vmem>> -> memref<128x64xi32, #tpu.memory_space<vmem>>
    tpu.wait_dma2 semaphore(%arg15 : memref<!tpu.dma_semaphore, #tpu.memory_space<semaphore_mem>>) src(%dma_wait3A_43 : memref<128x64xi32, #tpu.memory_space<vmem>>) dst(%dma_wait3A_39 : memref<128x64xi32, #tpu.memory_space<hbm>>)
    %mul3A_44 = arith.constant 128 : i32
    %mul3A_45 = arith.muli %mul3A_2, %mul3A_44 : i32
    %dma_wait3A_46 = arith.constant 1 : i32
    %dma_wait3A_47 = arith.constant 0 : i32
    %dma_wait3A_48 = arith.constant 0 : i32
    %dma_wait3A_49 = tpu.memref_slice %arg9[%dma_wait3A_46, %dma_wait3A_47, %dma_wait3A_48] : memref<2x128x64xi32, #tpu.memory_space<vmem>> -> memref<1x128x64xi32, #tpu.memory_space<vmem>>
    %dma_wait3A_50 = tpu.memref_squeeze %dma_wait3A_49 : memref<1x128x64xi32, #tpu.memory_space<vmem>> -> memref<128x64xi32, #tpu.memory_space<vmem>>
    %dma_wait3A_51 = arith.constant 0 : i32
    %dma_wait3A_52 = tpu.memref_slice %arg6[%mul3A_45, %dma_wait3A_51] : memref<65536x64xi32, #tpu.memory_space<hbm>> -> memref<128x64xi32, #tpu.memory_space<hbm>>
    %dma_wait3A_53 = arith.constant 0 : i32
    %dma_wait3A_54 = tpu.memref_slice %arg6[%mul3A_45, %dma_wait3A_53] : memref<65536x64xi32, #tpu.memory_space<hbm>> -> memref<128x64xi32, #tpu.memory_space<hbm>>
    %dma_wait3A_55 = arith.constant 0 : i32
    %dma_wait3A_56 = arith.constant 0 : i32
    %dma_wait3A_57 = tpu.memref_slice %arg9[%dma_wait3A_46, %dma_wait3A_55, %dma_wait3A_56] : memref<2x128x64xi32, #tpu.memory_space<vmem>> -> memref<1x128x64xi32, #tpu.memory_space<vmem>>
    %dma_wait3A_58 = tpu.memref_squeeze %dma_wait3A_57 : memref<1x128x64xi32, #tpu.memory_space<vmem>> -> memref<128x64xi32, #tpu.memory_space<vmem>>
    tpu.wait_dma2 semaphore(%arg16 : memref<!tpu.dma_semaphore, #tpu.memory_space<semaphore_mem>>) src(%dma_wait3A_58 : memref<128x64xi32, #tpu.memory_space<vmem>>) dst(%dma_wait3A_54 : memref<128x64xi32, #tpu.memory_space<hbm>>)
    return
  }
}

#map = affine_map<(d0, d1) -> (0, 0)>
module attributes {stable_mosaic.version = 14 : i64} {
  func.func @gather_sum(%arg0: i32, %arg1: i32, %arg2: memref<10000x64xi32, #tpu.memory_space<hbm>>, %arg3: memref<10000x64xi32, #tpu.memory_space<hbm>>, %arg4: memref<512x128xi32, #tpu.memory_space<hbm>>, %arg5: memref<512x128xi32, #tpu.memory_space<hbm>>, %arg6: memref<65536x64xi32, #tpu.memory_space<hbm>>, %arg7: memref<16x128xi32, #tpu.memory_space<vmem>>, %arg8: memref<16x128xi32, #tpu.memory_space<vmem>>, %arg9: memref<2x128x64xi32, #tpu.memory_space<vmem>>, %arg10: memref<2x128x64xi32, #tpu.memory_space<vmem>>, %arg11: memref<!tpu.dma_semaphore, #tpu.memory_space<semaphore_mem>>, %arg12: memref<!tpu.dma_semaphore, #tpu.memory_space<semaphore_mem>>, %arg13: memref<!tpu.dma_semaphore, #tpu.memory_space<semaphore_mem>>, %arg14: memref<!tpu.dma_semaphore, #tpu.memory_space<semaphore_mem>>, %arg15: memref<!tpu.dma_semaphore, #tpu.memory_space<semaphore_mem>>, %arg16: memref<!tpu.dma_semaphore, #tpu.memory_space<semaphore_mem>>) attributes {dimension_semantics = [#tpu.dimension_semantics<core_parallel>, #tpu.dimension_semantics<subcore_parallel>], iteration_bounds = array<i64: 2, 16>, scalar_prefetch = 0 : i64, scratch_operands = 10 : i64, tpu.core_type = #tpu.core_type<sc_vector_subcore>, window_params = [{transform_indices = #map}, {transform_indices = #map}, {transform_indices = #map}, {transform_indices = #map}, {transform_indices = #map}]} {
    %mul3A = arith.constant 16 : i32
    %mul3A_0 = arith.muli %arg0, %mul3A : i32
    %add3A = arith.addi %mul3A_0, %arg1 : i32
    %mul3A_1 = arith.constant 16 : i32
    %mul3A_2 = arith.muli %add3A, %mul3A_1 : i32
    "tpu.region"() ({
      %run_scoped3A = tpu.sem_alloc : memref<!tpu.dma_semaphore, #tpu.memory_space<semaphore_mem>>
      %dma_start3A_59 = arith.constant 0 : i32
      %dma_start3A_60 = tpu.memref_slice %arg4[%mul3A_2, %dma_start3A_59] : memref<512x128xi32, #tpu.memory_space<hbm>> -> memref<16x128xi32, #tpu.memory_space<hbm>>
      %dma_start3A_61 = arith.constant 0 : i32
      %dma_start3A_62 = tpu.memref_slice %arg4[%mul3A_2, %dma_start3A_61] : memref<512x128xi32, #tpu.memory_space<hbm>> -> memref<16x128xi32, #tpu.memory_space<hbm>>
      tpu.enqueue_dma source(%dma_start3A_62 : memref<16x128xi32, #tpu.memory_space<hbm>>) target(%arg7 : memref<16x128xi32, #tpu.memory_space<vmem>>) target_semaphore(%run_scoped3A : memref<!tpu.dma_semaphore, #tpu.memory_space<semaphore_mem>>)
      %dma_wait3A_63 = arith.constant 0 : i32
      %dma_wait3A_64 = tpu.memref_slice %arg4[%mul3A_2, %dma_wait3A_63] : memref<512x128xi32, #tpu.memory_space<hbm>> -> memref<16x128xi32, #tpu.memory_space<hbm>>
      %dma_wait3A_65 = arith.constant 0 : i32
      %dma_wait3A_66 = tpu.memref_slice %arg4[%mul3A_2, %dma_wait3A_65] : memref<512x128xi32, #tpu.memory_space<hbm>> -> memref<16x128xi32, #tpu.memory_space<hbm>>
      tpu.wait_dma2 semaphore(%run_scoped3A : memref<!tpu.dma_semaphore, #tpu.memory_space<semaphore_mem>>) src(%dma_wait3A_66 : memref<16x128xi32, #tpu.memory_space<hbm>>) dst(%arg7 : memref<16x128xi32, #tpu.memory_space<vmem>>)
      tpu.yield
    }) : () -> ()
    "tpu.region"() ({
      %run_scoped3A = tpu.sem_alloc : memref<!tpu.dma_semaphore, #tpu.memory_space<semaphore_mem>>
      %dma_start3A_59 = arith.constant 0 : i32
      %dma_start3A_60 = tpu.memref_slice %arg5[%mul3A_2, %dma_start3A_59] : memref<512x128xi32, #tpu.memory_space<hbm>> -> memref<16x128xi32, #tpu.memory_space<hbm>>
      %dma_start3A_61 = arith.constant 0 : i32
      %dma_start3A_62 = tpu.memref_slice %arg5[%mul3A_2, %dma_start3A_61] : memref<512x128xi32, #tpu.memory_space<hbm>> -> memref<16x128xi32, #tpu.memory_space<hbm>>
      tpu.enqueue_dma source(%dma_start3A_62 : memref<16x128xi32, #tpu.memory_space<hbm>>) target(%arg8 : memref<16x128xi32, #tpu.memory_space<vmem>>) target_semaphore(%run_scoped3A : memref<!tpu.dma_semaphore, #tpu.memory_space<semaphore_mem>>)
      %dma_wait3A_63 = arith.constant 0 : i32
      %dma_wait3A_64 = tpu.memref_slice %arg5[%mul3A_2, %dma_wait3A_63] : memref<512x128xi32, #tpu.memory_space<hbm>> -> memref<16x128xi32, #tpu.memory_space<hbm>>
      %dma_wait3A_65 = arith.constant 0 : i32
      %dma_wait3A_66 = tpu.memref_slice %arg5[%mul3A_2, %dma_wait3A_65] : memref<512x128xi32, #tpu.memory_space<hbm>> -> memref<16x128xi32, #tpu.memory_space<hbm>>
      tpu.wait_dma2 semaphore(%run_scoped3A : memref<!tpu.dma_semaphore, #tpu.memory_space<semaphore_mem>>) src(%dma_wait3A_66 : memref<16x128xi32, #tpu.memory_space<hbm>>) dst(%arg8 : memref<16x128xi32, #tpu.memory_space<vmem>>)
      tpu.yield
    }) : () -> ()
    %dma_start3A = arith.constant 0 : i32
    %dma_start3A_3 = arith.constant 0 : i32
    %dma_start3A_4 = arith.constant 0 : i32
    %dma_start3A_5 = arith.constant 0 : i32
    %dma_start3A_6 = tpu.memref_slice %arg9[%dma_start3A_3, %dma_start3A_4, %dma_start3A_5] : memref<2x128x64xi32, #tpu.memory_space<vmem>> -> memref<1x128x64xi32, #tpu.memory_space<vmem>>
    %dma_start3A_7 = tpu.memref_squeeze %dma_start3A_6 : memref<1x128x64xi32, #tpu.memory_space<vmem>> -> memref<128x64xi32, #tpu.memory_space<vmem>>
    %dma_start3A_8 = arith.constant 0 : i32
    %dma_start3A_9 = tpu.memref_slice %arg7[%dma_start3A, %dma_start3A_8] : memref<16x128xi32, #tpu.memory_space<vmem>> -> memref<1x128xi32, #tpu.memory_space<vmem>>
    %dma_start3A_10 = tpu.memref_squeeze %dma_start3A_9 : memref<1x128xi32, #tpu.memory_space<vmem>> -> memref<128xi32, #tpu.memory_space<vmem>>
    %dma_start3A_11 = arith.constant 0 : i32
    %dma_start3A_12 = arith.constant 0 : i32
    %dma_start3A_13 = tpu.memref_slice %arg2[%dma_start3A_11, %dma_start3A_12] : memref<10000x64xi32, #tpu.memory_space<hbm>> -> memref<10000x64xi32, #tpu.memory_space<hbm>>
    tpu.enqueue_indirect_dma source(%dma_start3A_13 : memref<10000x64xi32, #tpu.memory_space<hbm>>) target(%dma_start3A_7 : memref<128x64xi32, #tpu.memory_space<vmem>>) offsets(%dma_start3A_10 : memref<128xi32, #tpu.memory_space<vmem>>) semaphore(%arg11 : memref<!tpu.dma_semaphore, #tpu.memory_space<semaphore_mem>>)
    %dma_start3A_14 = arith.constant 0 : i32
    %dma_start3A_15 = arith.constant 0 : i32
    %dma_start3A_16 = arith.constant 0 : i32
    %dma_start3A_17 = arith.constant 0 : i32
    %dma_start3A_18 = tpu.memref_slice %arg10[%dma_start3A_15, %dma_start3A_16, %dma_start3A_17] : memref<2x128x64xi32, #tpu.memory_space<vmem>> -> memref<1x128x64xi32, #tpu.memory_space<vmem>>
    %dma_start3A_19 = tpu.memref_squeeze %dma_start3A_18 : memref<1x128x64xi32, #tpu.memory_space<vmem>> -> memref<128x64xi32, #tpu.memory_space<vmem>>
    %dma_start3A_20 = arith.constant 0 : i32
    %dma_start3A_21 = tpu.memref_slice %arg8[%dma_start3A_14, %dma_start3A_20] : memref<16x128xi32, #tpu.memory_space<vmem>> -> memref<1x128xi32, #tpu.memory_space<vmem>>
    %dma_start3A_22 = tpu.memref_squeeze %dma_start3A_21 : memref<1x128xi32, #tpu.memory_space<vmem>> -> memref<128xi32, #tpu.memory_space<vmem>>
    %dma_start3A_23 = arith.constant 0 : i32
    %dma_start3A_24 = arith.constant 0 : i32
    %dma_start3A_25 = tpu.memref_slice %arg3[%dma_start3A_23, %dma_start3A_24] : memref<10000x64xi32, #tpu.memory_space<hbm>> -> memref<10000x64xi32, #tpu.memory_space<hbm>>
    tpu.enqueue_indirect_dma source(%dma_start3A_25 : memref<10000x64xi32, #tpu.memory_space<hbm>>) target(%dma_start3A_19 : memref<128x64xi32, #tpu.memory_space<vmem>>) offsets(%dma_start3A_22 : memref<128xi32, #tpu.memory_space<vmem>>) semaphore(%arg12 : memref<!tpu.dma_semaphore, #tpu.memory_space<semaphore_mem>>)
    %scan3A = arith.constant 0 : i32
    %scan3A_26 = arith.constant 8 : i32
    %scan3A_27 = arith.addi %scan3A, %scan3A_26 : i32
    %scan3A_28 = arith.constant 1 : i32
    scf.for %scan3A_59 = %scan3A to %scan3A_27 step %scan3A_28  : i32 {
      %mul3A_60 = arith.constant 2 : i32
      %mul3A_61 = arith.muli %scan3A_59, %mul3A_60 : i32
      %add3A_62 = arith.constant 0 : i32
      %add3A_63 = arith.addi %add3A_62, %mul3A_61 : i32
      %ge3A = arith.constant 2 : i32
      %ge3A_64 = arith.cmpi sge, %add3A_63, %ge3A : i32
      %convert_element_type3A = arith.extui %ge3A_64 : i1 to i32
      %cond3A = arith.constant 0 : i32
      %cond3A_65 = arith.cmpi ne, %convert_element_type3A, %cond3A : i32
      scf.if %cond3A_65 {
        %mul3A_188 = arith.constant 128 : i32
        %mul3A_189 = arith.muli %mul3A_2, %mul3A_188 : i32
        %dma_wait3A_190 = arith.constant 1 : i32
        %dma_wait3A_191 = arith.constant 0 : i32
        %dma_wait3A_192 = arith.constant 0 : i32
        %dma_wait3A_193 = tpu.memref_slice %arg9[%dma_wait3A_190, %dma_wait3A_191, %dma_wait3A_192] : memref<2x128x64xi32, #tpu.memory_space<vmem>> -> memref<1x128x64xi32, #tpu.memory_space<vmem>>
        %dma_wait3A_194 = tpu.memref_squeeze %dma_wait3A_193 : memref<1x128x64xi32, #tpu.memory_space<vmem>> -> memref<128x64xi32, #tpu.memory_space<vmem>>
        %dma_wait3A_195 = arith.constant 0 : i32
        %dma_wait3A_196 = tpu.memref_slice %arg6[%mul3A_189, %dma_wait3A_195] : memref<65536x64xi32, #tpu.memory_space<hbm>> -> memref<128x64xi32, #tpu.memory_space<hbm>>
        %dma_wait3A_197 = arith.constant 0 : i32
        %dma_wait3A_198 = tpu.memref_slice %arg6[%mul3A_189, %dma_wait3A_197] : memref<65536x64xi32, #tpu.memory_space<hbm>> -> memref<128x64xi32, #tpu.memory_space<hbm>>
        %dma_wait3A_199 = arith.constant 0 : i32
        %dma_wait3A_200 = arith.constant 0 : i32
        %dma_wait3A_201 = tpu.memref_slice %arg9[%dma_wait3A_190, %dma_wait3A_199, %dma_wait3A_200] : memref<2x128x64xi32, #tpu.memory_space<vmem>> -> memref<1x128x64xi32, #tpu.memory_space<vmem>>
        %dma_wait3A_202 = tpu.memref_squeeze %dma_wait3A_201 : memref<1x128x64xi32, #tpu.memory_space<vmem>> -> memref<128x64xi32, #tpu.memory_space<vmem>>
        tpu.wait_dma2 semaphore(%arg16 : memref<!tpu.dma_semaphore, #tpu.memory_space<semaphore_mem>>) src(%dma_wait3A_202 : memref<128x64xi32, #tpu.memory_space<vmem>>) dst(%dma_wait3A_198 : memref<128x64xi32, #tpu.memory_space<hbm>>)
      } else {
      }
      %add3A_66 = arith.constant 1 : i32
      %add3A_67 = arith.addi %add3A_63, %add3A_66 : i32
      %dma_start3A_68 = arith.constant 1 : i32
      %dma_start3A_69 = arith.constant 0 : i32
      %dma_start3A_70 = arith.constant 0 : i32
      %dma_start3A_71 = tpu.memref_slice %arg9[%dma_start3A_68, %dma_start3A_69, %dma_start3A_70] : memref<2x128x64xi32, #tpu.memory_space<vmem>> -> memref<1x128x64xi32, #tpu.memory_space<vmem>>
      %dma_start3A_72 = tpu.memref_squeeze %dma_start3A_71 : memref<1x128x64xi32, #tpu.memory_space<vmem>> -> memref<128x64xi32, #tpu.memory_space<vmem>>
      %dma_start3A_73 = arith.constant 0 : i32
      %dma_start3A_74 = tpu.memref_slice %arg7[%add3A_67, %dma_start3A_73] : memref<16x128xi32, #tpu.memory_space<vmem>> -> memref<1x128xi32, #tpu.memory_space<vmem>>
      %dma_start3A_75 = tpu.memref_squeeze %dma_start3A_74 : memref<1x128xi32, #tpu.memory_space<vmem>> -> memref<128xi32, #tpu.memory_space<vmem>>
      %dma_start3A_76 = arith.constant 0 : i32
      %dma_start3A_77 = arith.constant 0 : i32
      %dma_start3A_78 = tpu.memref_slice %arg2[%dma_start3A_76, %dma_start3A_77] : memref<10000x64xi32, #tpu.memory_space<hbm>> -> memref<10000x64xi32, #tpu.memory_space<hbm>>
      tpu.enqueue_indirect_dma source(%dma_start3A_78 : memref<10000x64xi32, #tpu.memory_space<hbm>>) target(%dma_start3A_72 : memref<128x64xi32, #tpu.memory_space<vmem>>) offsets(%dma_start3A_75 : memref<128xi32, #tpu.memory_space<vmem>>) semaphore(%arg13 : memref<!tpu.dma_semaphore, #tpu.memory_space<semaphore_mem>>)
      %dma_start3A_79 = arith.constant 1 : i32
      %dma_start3A_80 = arith.constant 0 : i32
      %dma_start3A_81 = arith.constant 0 : i32
      %dma_start3A_82 = tpu.memref_slice %arg10[%dma_start3A_79, %dma_start3A_80, %dma_start3A_81] : memref<2x128x64xi32, #tpu.memory_space<vmem>> -> memref<1x128x64xi32, #tpu.memory_space<vmem>>
      %dma_start3A_83 = tpu.memref_squeeze %dma_start3A_82 : memref<1x128x64xi32, #tpu.memory_space<vmem>> -> memref<128x64xi32, #tpu.memory_space<vmem>>
      %dma_start3A_84 = arith.constant 0 : i32
      %dma_start3A_85 = tpu.memref_slice %arg8[%add3A_67, %dma_start3A_84] : memref<16x128xi32, #tpu.memory_space<vmem>> -> memref<1x128xi32, #tpu.memory_space<vmem>>
      %dma_start3A_86 = tpu.memref_squeeze %dma_start3A_85 : memref<1x128xi32, #tpu.memory_space<vmem>> -> memref<128xi32, #tpu.memory_space<vmem>>
      %dma_start3A_87 = arith.constant 0 : i32
      %dma_start3A_88 = arith.constant 0 : i32
      %dma_start3A_89 = tpu.memref_slice %arg3[%dma_start3A_87, %dma_start3A_88] : memref<10000x64xi32, #tpu.memory_space<hbm>> -> memref<10000x64xi32, #tpu.memory_space<hbm>>
      tpu.enqueue_indirect_dma source(%dma_start3A_89 : memref<10000x64xi32, #tpu.memory_space<hbm>>) target(%dma_start3A_83 : memref<128x64xi32, #tpu.memory_space<vmem>>) offsets(%dma_start3A_86 : memref<128xi32, #tpu.memory_space<vmem>>) semaphore(%arg14 : memref<!tpu.dma_semaphore, #tpu.memory_space<semaphore_mem>>)
      %dma_wait3A_90 = arith.constant 0 : i32
      %dma_wait3A_91 = arith.constant 0 : i32
      %dma_wait3A_92 = arith.constant 0 : i32
      %dma_wait3A_93 = arith.constant 0 : i32
      %dma_wait3A_94 = tpu.memref_slice %arg9[%dma_wait3A_91, %dma_wait3A_92, %dma_wait3A_93] : memref<2x128x64xi32, #tpu.memory_space<vmem>> -> memref<1x128x64xi32, #tpu.memory_space<vmem>>
      %dma_wait3A_95 = tpu.memref_squeeze %dma_wait3A_94 : memref<1x128x64xi32, #tpu.memory_space<vmem>> -> memref<128x64xi32, #tpu.memory_space<vmem>>
      %dma_wait3A_96 = arith.constant 0 : i32
      %dma_wait3A_97 = tpu.memref_slice %arg7[%dma_wait3A_90, %dma_wait3A_96] : memref<16x128xi32, #tpu.memory_space<vmem>> -> memref<1x128xi32, #tpu.memory_space<vmem>>
      %dma_wait3A_98 = tpu.memref_squeeze %dma_wait3A_97 : memref<1x128xi32, #tpu.memory_space<vmem>> -> memref<128xi32, #tpu.memory_space<vmem>>
      %dma_wait3A_99 = arith.constant 0 : i32
      %dma_wait3A_100 = arith.constant 0 : i32
      %dma_wait3A_101 = tpu.memref_slice %arg2[%dma_wait3A_99, %dma_wait3A_100] : memref<10000x64xi32, #tpu.memory_space<hbm>> -> memref<10000x64xi32, #tpu.memory_space<hbm>>
      tpu.wait_indirect_dma semaphore(%arg11 : memref<!tpu.dma_semaphore, #tpu.memory_space<semaphore_mem>>) src(%dma_wait3A_101 : memref<10000x64xi32, #tpu.memory_space<hbm>>) dst(%dma_wait3A_95 : memref<128x64xi32, #tpu.memory_space<vmem>>)
      %dma_wait3A_102 = arith.constant 0 : i32
      %dma_wait3A_103 = arith.constant 0 : i32
      %dma_wait3A_104 = arith.constant 0 : i32
      %dma_wait3A_105 = arith.constant 0 : i32
      %dma_wait3A_106 = tpu.memref_slice %arg10[%dma_wait3A_103, %dma_wait3A_104, %dma_wait3A_105] : memref<2x128x64xi32, #tpu.memory_space<vmem>> -> memref<1x128x64xi32, #tpu.memory_space<vmem>>
      %dma_wait3A_107 = tpu.memref_squeeze %dma_wait3A_106 : memref<1x128x64xi32, #tpu.memory_space<vmem>> -> memref<128x64xi32, #tpu.memory_space<vmem>>
      %dma_wait3A_108 = arith.constant 0 : i32
      %dma_wait3A_109 = tpu.memref_slice %arg8[%dma_wait3A_102, %dma_wait3A_108] : memref<16x128xi32, #tpu.memory_space<vmem>> -> memref<1x128xi32, #tpu.memory_space<vmem>>
      %dma_wait3A_110 = tpu.memref_squeeze %dma_wait3A_109 : memref<1x128xi32, #tpu.memory_space<vmem>> -> memref<128xi32, #tpu.memory_space<vmem>>
      %dma_wait3A_111 = arith.constant 0 : i32
      %dma_wait3A_112 = arith.constant 0 : i32
      %dma_wait3A_113 = tpu.memref_slice %arg3[%dma_wait3A_111, %dma_wait3A_112] : memref<10000x64xi32, #tpu.memory_space<hbm>> -> memref<10000x64xi32, #tpu.memory_space<hbm>>
      tpu.wait_indirect_dma semaphore(%arg12 : memref<!tpu.dma_semaphore, #tpu.memory_space<semaphore_mem>>) src(%dma_wait3A_113 : memref<10000x64xi32, #tpu.memory_space<hbm>>) dst(%dma_wait3A_107 : memref<128x64xi32, #tpu.memory_space<vmem>>)
      %scan3A_114 = arith.constant 0 : i32
      %scan3A_115 = arith.constant 128 : i32
      %scan3A_116 = arith.addi %scan3A_114, %scan3A_115 : i32
      %scan3A_117 = arith.constant 1 : i32
      scf.for %scan3A_188 = %scan3A_114 to %scan3A_116 step %scan3A_117  : i32 {
        %mul3A_189 = arith.constant 1 : i32
        %mul3A_190 = arith.muli %scan3A_188, %mul3A_189 : i32
        %add3A_191 = arith.constant 0 : i32
        %add3A_192 = arith.addi %add3A_191, %mul3A_190 : i32
        %get3A = arith.constant 0 : i32
        %get3A_193 = arith.index_cast %get3A : i32 to index
        %get3A_194 = arith.index_cast %add3A_192 : i32 to index
        %get3A_195 = arith.constant 0 : index
        %get3A_196 = tpu.vector_load %arg9[%get3A_193, %get3A_194, %get3A_195] {strides = array<i32>} : memref<2x128x64xi32, #tpu.memory_space<vmem>>, vector<16xi32>,
        %bitcast3A = vector.bitcast %get3A_196 : vector<16xi32> to vector<32xbf16>
        %get3A_197 = arith.constant 0 : i32
        %get3A_198 = arith.index_cast %get3A_197 : i32 to index
        %get3A_199 = arith.index_cast %add3A_192 : i32 to index
        %get3A_200 = arith.constant 0 : index
        %get3A_201 = tpu.vector_load %arg10[%get3A_198, %get3A_199, %get3A_200] {strides = array<i32>} : memref<2x128x64xi32, #tpu.memory_space<vmem>>, vector<16xi32>,
        %bitcast3A_202 = vector.bitcast %get3A_201 : vector<16xi32> to vector<32xbf16>
        %add3A_203 = arith.addf %bitcast3A, %bitcast3A_202 : vector<32xbf16>
        %bitcast3A_204 = vector.bitcast %add3A_203 : vector<32xbf16> to vector<16xi32>
        %swap3A = arith.constant 0 : i32
        %swap3A_205 = arith.index_cast %swap3A : i32 to index
        %swap3A_206 = arith.index_cast %add3A_192 : i32 to index
        %swap3A_207 = arith.constant 0 : index
        %swap3A_208 = tpu.vector_load %arg9[%swap3A_205, %swap3A_206, %swap3A_207] {strides = array<i32>} : memref<2x128x64xi32, #tpu.memory_space<vmem>>, vector<16xi32>,
        tpu.vector_store %arg9[%swap3A_205, %swap3A_206, %swap3A_207], %bitcast3A_204 {strides = array<i32>} : memref<2x128x64xi32, #tpu.memory_space<vmem>>, vector<16xi32>,
        %get3A_209 = arith.constant 0 : i32
        %get3A_210 = arith.index_cast %get3A_209 : i32 to index
        %get3A_211 = arith.index_cast %add3A_192 : i32 to index
        %get3A_212 = arith.constant 16 : index
        %get3A_213 = tpu.vector_load %arg9[%get3A_210, %get3A_211, %get3A_212] {strides = array<i32>} : memref<2x128x64xi32, #tpu.memory_space<vmem>>, vector<16xi32>,
        %bitcast3A_214 = vector.bitcast %get3A_213 : vector<16xi32> to vector<32xbf16>
        %get3A_215 = arith.constant 0 : i32
        %get3A_216 = arith.index_cast %get3A_215 : i32 to index
        %get3A_217 = arith.index_cast %add3A_192 : i32 to index
        %get3A_218 = arith.constant 16 : index
        %get3A_219 = tpu.vector_load %arg10[%get3A_216, %get3A_217, %get3A_218] {strides = array<i32>} : memref<2x128x64xi32, #tpu.memory_space<vmem>>, vector<16xi32>,
        %bitcast3A_220 = vector.bitcast %get3A_219 : vector<16xi32> to vector<32xbf16>
        %add3A_221 = arith.addf %bitcast3A_214, %bitcast3A_220 : vector<32xbf16>
        %bitcast3A_222 = vector.bitcast %add3A_221 : vector<32xbf16> to vector<16xi32>
        %swap3A_223 = arith.constant 0 : i32
        %swap3A_224 = arith.index_cast %swap3A_223 : i32 to index
        %swap3A_225 = arith.index_cast %add3A_192 : i32 to index
        %swap3A_226 = arith.constant 16 : index
        %swap3A_227 = tpu.vector_load %arg9[%swap3A_224, %swap3A_225, %swap3A_226] {strides = array<i32>} : memref<2x128x64xi32, #tpu.memory_space<vmem>>, vector<16xi32>,
        tpu.vector_store %arg9[%swap3A_224, %swap3A_225, %swap3A_226], %bitcast3A_222 {strides = array<i32>} : memref<2x128x64xi32, #tpu.memory_space<vmem>>, vector<16xi32>,
        %get3A_228 = arith.constant 0 : i32
        %get3A_229 = arith.index_cast %get3A_228 : i32 to index
        %get3A_230 = arith.index_cast %add3A_192 : i32 to index
        %get3A_231 = arith.constant 32 : index
        %get3A_232 = tpu.vector_load %arg9[%get3A_229, %get3A_230, %get3A_231] {strides = array<i32>} : memref<2x128x64xi32, #tpu.memory_space<vmem>>, vector<16xi32>,
        %bitcast3A_233 = vector.bitcast %get3A_232 : vector<16xi32> to vector<32xbf16>
        %get3A_234 = arith.constant 0 : i32
        %get3A_235 = arith.index_cast %get3A_234 : i32 to index
        %get3A_236 = arith.index_cast %add3A_192 : i32 to index
        %get3A_237 = arith.constant 32 : index
        %get3A_238 = tpu.vector_load %arg10[%get3A_235, %get3A_236, %get3A_237] {strides = array<i32>} : memref<2x128x64xi32, #tpu.memory_space<vmem>>, vector<16xi32>,
        %bitcast3A_239 = vector.bitcast %get3A_238 : vector<16xi32> to vector<32xbf16>
        %add3A_240 = arith.addf %bitcast3A_233, %bitcast3A_239 : vector<32xbf16>
        %bitcast3A_241 = vector.bitcast %add3A_240 : vector<32xbf16> to vector<16xi32>
        %swap3A_242 = arith.constant 0 : i32
        %swap3A_243 = arith.index_cast %swap3A_242 : i32 to index
        %swap3A_244 = arith.index_cast %add3A_192 : i32 to index
        %swap3A_245 = arith.constant 32 : index
        %swap3A_246 = tpu.vector_load %arg9[%swap3A_243, %swap3A_244, %swap3A_245] {strides = array<i32>} : memref<2x128x64xi32, #tpu.memory_space<vmem>>, vector<16xi32>,
        tpu.vector_store %arg9[%swap3A_243, %swap3A_244, %swap3A_245], %bitcast3A_241 {strides = array<i32>} : memref<2x128x64xi32, #tpu.memory_space<vmem>>, vector<16xi32>,
        %get3A_247 = arith.constant 0 : i32
        %get3A_248 = arith.index_cast %get3A_247 : i32 to index
        %get3A_249 = arith.index_cast %add3A_192 : i32 to index
        %get3A_250 = arith.constant 48 : index
        %get3A_251 = tpu.vector_load %arg9[%get3A_248, %get3A_249, %get3A_250] {strides = array<i32>} : memref<2x128x64xi32, #tpu.memory_space<vmem>>, vector<16xi32>,
        %bitcast3A_252 = vector.bitcast %get3A_251 : vector<16xi32> to vector<32xbf16>
        %get3A_253 = arith.constant 0 : i32
        %get3A_254 = arith.index_cast %get3A_253 : i32 to index
        %get3A_255 = arith.index_cast %add3A_192 : i32 to index
        %get3A_256 = arith.constant 48 : index
        %get3A_257 = tpu.vector_load %arg10[%get3A_254, %get3A_255, %get3A_256] {strides = array<i32>} : memref<2x128x64xi32, #tpu.memory_space<vmem>>, vector<16xi32>,
        %bitcast3A_258 = vector.bitcast %get3A_257 : vector<16xi32> to vector<32xbf16>
        %add3A_259 = arith.addf %bitcast3A_252, %bitcast3A_258 : vector<32xbf16>
        %bitcast3A_260 = vector.bitcast %add3A_259 : vector<32xbf16> to vector<16xi32>
        %swap3A_261 = arith.constant 0 : i32
        %swap3A_262 = arith.index_cast %swap3A_261 : i32 to index
        %swap3A_263 = arith.index_cast %add3A_192 : i32 to index
        %swap3A_264 = arith.constant 48 : index
        %swap3A_265 = tpu.vector_load %arg9[%swap3A_262, %swap3A_263, %swap3A_264] {strides = array<i32>} : memref<2x128x64xi32, #tpu.memory_space<vmem>>, vector<16xi32>,
        tpu.vector_store %arg9[%swap3A_262, %swap3A_263, %swap3A_264], %bitcast3A_260 {strides = array<i32>} : memref<2x128x64xi32, #tpu.memory_space<vmem>>, vector<16xi32>,
      }
      %scan3A_118 = arith.constant 128 : i32
      %add3A_119 = arith.addi %mul3A_2, %add3A_63 : i32
      %mul3A_120 = arith.constant 128 : i32
      %mul3A_121 = arith.muli %add3A_119, %mul3A_120 : i32
      %dma_start3A_122 = arith.constant 0 : i32
      %dma_start3A_123 = arith.constant 0 : i32
      %dma_start3A_124 = arith.constant 0 : i32
      %dma_start3A_125 = tpu.memref_slice %arg9[%dma_start3A_122, %dma_start3A_123, %dma_start3A_124] : memref<2x128x64xi32, #tpu.memory_space<vmem>> -> memref<1x128x64xi32, #tpu.memory_space<vmem>>
      %dma_start3A_126 = tpu.memref_squeeze %dma_start3A_125 : memref<1x128x64xi32, #tpu.memory_space<vmem>> -> memref<128x64xi32, #tpu.memory_space<vmem>>
      %dma_start3A_127 = arith.constant 0 : i32
      %dma_start3A_128 = tpu.memref_slice %arg6[%mul3A_121, %dma_start3A_127] : memref<65536x64xi32, #tpu.memory_space<hbm>> -> memref<128x64xi32, #tpu.memory_space<hbm>>
      %dma_start3A_129 = arith.constant 0 : i32
      %dma_start3A_130 = tpu.memref_slice %arg6[%mul3A_121, %dma_start3A_129] : memref<65536x64xi32, #tpu.memory_space<hbm>> -> memref<128x64xi32, #tpu.memory_space<hbm>>
      %dma_start3A_131 = arith.constant 0 : i32
      %dma_start3A_132 = arith.constant 0 : i32
      %dma_start3A_133 = tpu.memref_slice %arg9[%dma_start3A_122, %dma_start3A_131, %dma_start3A_132] : memref<2x128x64xi32, #tpu.memory_space<vmem>> -> memref<1x128x64xi32, #tpu.memory_space<vmem>>
      %dma_start3A_134 = tpu.memref_squeeze %dma_start3A_133 : memref<1x128x64xi32, #tpu.memory_space<vmem>> -> memref<128x64xi32, #tpu.memory_space<vmem>>
      tpu.enqueue_dma source(%dma_start3A_134 : memref<128x64xi32, #tpu.memory_space<vmem>>) target(%dma_start3A_130 : memref<128x64xi32, #tpu.memory_space<hbm>>) target_semaphore(%arg15 : memref<!tpu.dma_semaphore, #tpu.memory_space<semaphore_mem>>)
      %add3A_135 = arith.constant 2 : i32
      %add3A_136 = arith.addi %add3A_63, %add3A_135 : i32
      %lt3A = arith.constant 16 : i32
      %lt3A_137 = arith.cmpi slt, %add3A_136, %lt3A : i32
      %convert_element_type3A_138 = arith.extui %lt3A_137 : i1 to i32
      %cond3A_139 = arith.constant 0 : i32
      %cond3A_140 = arith.cmpi ne, %convert_element_type3A_138, %cond3A_139 : i32
      scf.if %cond3A_140 {
        %mul3A_188 = arith.constant 128 : i32
        %mul3A_189 = arith.muli %mul3A_2, %mul3A_188 : i32
        %dma_wait3A_190 = arith.constant 0 : i32
        %dma_wait3A_191 = arith.constant 0 : i32
        %dma_wait3A_192 = arith.constant 0 : i32
        %dma_wait3A_193 = tpu.memref_slice %arg9[%dma_wait3A_190, %dma_wait3A_191, %dma_wait3A_192] : memref<2x128x64xi32, #tpu.memory_space<vmem>> -> memref<1x128x64xi32, #tpu.memory_space<vmem>>
        %dma_wait3A_194 = tpu.memref_squeeze %dma_wait3A_193 : memref<1x128x64xi32, #tpu.memory_space<vmem>> -> memref<128x64xi32, #tpu.memory_space<vmem>>
        %dma_wait3A_195 = arith.constant 0 : i32
        %dma_wait3A_196 = tpu.memref_slice %arg6[%mul3A_189, %dma_wait3A_195] : memref<65536x64xi32, #tpu.memory_space<hbm>> -> memref<128x64xi32, #tpu.memory_space<hbm>>
        %dma_wait3A_197 = arith.constant 0 : i32
        %dma_wait3A_198 = tpu.memref_slice %arg6[%mul3A_189, %dma_wait3A_197] : memref<65536x64xi32, #tpu.memory_space<hbm>> -> memref<128x64xi32, #tpu.memory_space<hbm>>
        %dma_wait3A_199 = arith.constant 0 : i32
        %dma_wait3A_200 = arith.constant 0 : i32
        %dma_wait3A_201 = tpu.memref_slice %arg9[%dma_wait3A_190, %dma_wait3A_199, %dma_wait3A_200] : memref<2x128x64xi32, #tpu.memory_space<vmem>> -> memref<1x128x64xi32, #tpu.memory_space<vmem>>
        %dma_wait3A_202 = tpu.memref_squeeze %dma_wait3A_201 : memref<1x128x64xi32, #tpu.memory_space<vmem>> -> memref<128x64xi32, #tpu.memory_space<vmem>>
        tpu.wait_dma2 semaphore(%arg15 : memref<!tpu.dma_semaphore, #tpu.memory_space<semaphore_mem>>) src(%dma_wait3A_202 : memref<128x64xi32, #tpu.memory_space<vmem>>) dst(%dma_wait3A_198 : memref<128x64xi32, #tpu.memory_space<hbm>>)
        %add3A_203 = arith.constant 2 : i32
        %add3A_204 = arith.addi %add3A_63, %add3A_203 : i32
        %dma_start3A_205 = arith.constant 0 : i32
        %dma_start3A_206 = arith.constant 0 : i32
        %dma_start3A_207 = arith.constant 0 : i32
        %dma_start3A_208 = tpu.memref_slice %arg9[%dma_start3A_205, %dma_start3A_206, %dma_start3A_207] : memref<2x128x64xi32, #tpu.memory_space<vmem>> -> memref<1x128x64xi32, #tpu.memory_space<vmem>>
        %dma_start3A_209 = tpu.memref_squeeze %dma_start3A_208 : memref<1x128x64xi32, #tpu.memory_space<vmem>> -> memref<128x64xi32, #tpu.memory_space<vmem>>
        %dma_start3A_210 = arith.constant 0 : i32
        %dma_start3A_211 = tpu.memref_slice %arg7[%add3A_204, %dma_start3A_210] : memref<16x128xi32, #tpu.memory_space<vmem>> -> memref<1x128xi32, #tpu.memory_space<vmem>>
        %dma_start3A_212 = tpu.memref_squeeze %dma_start3A_211 : memref<1x128xi32, #tpu.memory_space<vmem>> -> memref<128xi32, #tpu.memory_space<vmem>>
        %dma_start3A_213 = arith.constant 0 : i32
        %dma_start3A_214 = arith.constant 0 : i32
        %dma_start3A_215 = tpu.memref_slice %arg2[%dma_start3A_213, %dma_start3A_214] : memref<10000x64xi32, #tpu.memory_space<hbm>> -> memref<10000x64xi32, #tpu.memory_space<hbm>>
        tpu.enqueue_indirect_dma source(%dma_start3A_215 : memref<10000x64xi32, #tpu.memory_space<hbm>>) target(%dma_start3A_209 : memref<128x64xi32, #tpu.memory_space<vmem>>) offsets(%dma_start3A_212 : memref<128xi32, #tpu.memory_space<vmem>>) semaphore(%arg11 : memref<!tpu.dma_semaphore, #tpu.memory_space<semaphore_mem>>)
        %dma_start3A_216 = arith.constant 0 : i32
        %dma_start3A_217 = arith.constant 0 : i32
        %dma_start3A_218 = arith.constant 0 : i32
        %dma_start3A_219 = tpu.memref_slice %arg10[%dma_start3A_216, %dma_start3A_217, %dma_start3A_218] : memref<2x128x64xi32, #tpu.memory_space<vmem>> -> memref<1x128x64xi32, #tpu.memory_space<vmem>>
        %dma_start3A_220 = tpu.memref_squeeze %dma_start3A_219 : memref<1x128x64xi32, #tpu.memory_space<vmem>> -> memref<128x64xi32, #tpu.memory_space<vmem>>
        %dma_start3A_221 = arith.constant 0 : i32
        %dma_start3A_222 = tpu.memref_slice %arg8[%add3A_204, %dma_start3A_221] : memref<16x128xi32, #tpu.memory_space<vmem>> -> memref<1x128xi32, #tpu.memory_space<vmem>>
        %dma_start3A_223 = tpu.memref_squeeze %dma_start3A_222 : memref<1x128xi32, #tpu.memory_space<vmem>> -> memref<128xi32, #tpu.memory_space<vmem>>
        %dma_start3A_224 = arith.constant 0 : i32
        %dma_start3A_225 = arith.constant 0 : i32
        %dma_start3A_226 = tpu.memref_slice %arg3[%dma_start3A_224, %dma_start3A_225] : memref<10000x64xi32, #tpu.memory_space<hbm>> -> memref<10000x64xi32, #tpu.memory_space<hbm>>
        tpu.enqueue_indirect_dma source(%dma_start3A_226 : memref<10000x64xi32, #tpu.memory_space<hbm>>) target(%dma_start3A_220 : memref<128x64xi32, #tpu.memory_space<vmem>>) offsets(%dma_start3A_223 : memref<128xi32, #tpu.memory_space<vmem>>) semaphore(%arg12 : memref<!tpu.dma_semaphore, #tpu.memory_space<semaphore_mem>>)
      } else {
      }
      %dma_wait3A_141 = arith.constant 0 : i32
      %dma_wait3A_142 = arith.constant 1 : i32
      %dma_wait3A_143 = arith.constant 0 : i32
      %dma_wait3A_144 = arith.constant 0 : i32
      %dma_wait3A_145 = tpu.memref_slice %arg9[%dma_wait3A_142, %dma_wait3A_143, %dma_wait3A_144] : memref<2x128x64xi32, #tpu.memory_space<vmem>> -> memref<1x128x64xi32, #tpu.memory_space<vmem>>
      %dma_wait3A_146 = tpu.memref_squeeze %dma_wait3A_145 : memref<1x128x64xi32, #tpu.memory_space<vmem>> -> memref<128x64xi32, #tpu.memory_space<vmem>>
      %dma_wait3A_147 = arith.constant 0 : i32
      %dma_wait3A_148 = tpu.memref_slice %arg7[%dma_wait3A_141, %dma_wait3A_147] : memref<16x128xi32, #tpu.memory_space<vmem>> -> memref<1x128xi32, #tpu.memory_space<vmem>>
      %dma_wait3A_149 = tpu.memref_squeeze %dma_wait3A_148 : memref<1x128xi32, #tpu.memory_space<vmem>> -> memref<128xi32, #tpu.memory_space<vmem>>
      %dma_wait3A_150 = arith.constant 0 : i32
      %dma_wait3A_151 = arith.constant 0 : i32
      %dma_wait3A_152 = tpu.memref_slice %arg2[%dma_wait3A_150, %dma_wait3A_151] : memref<10000x64xi32, #tpu.memory_space<hbm>> -> memref<10000x64xi32, #tpu.memory_space<hbm>>
      tpu.wait_indirect_dma semaphore(%arg13 : memref<!tpu.dma_semaphore, #tpu.memory_space<semaphore_mem>>) src(%dma_wait3A_152 : memref<10000x64xi32, #tpu.memory_space<hbm>>) dst(%dma_wait3A_146 : memref<128x64xi32, #tpu.memory_space<vmem>>)
      %dma_wait3A_153 = arith.constant 0 : i32
      %dma_wait3A_154 = arith.constant 1 : i32
      %dma_wait3A_155 = arith.constant 0 : i32
      %dma_wait3A_156 = arith.constant 0 : i32
      %dma_wait3A_157 = tpu.memref_slice %arg10[%dma_wait3A_154, %dma_wait3A_155, %dma_wait3A_156] : memref<2x128x64xi32, #tpu.memory_space<vmem>> -> memref<1x128x64xi32, #tpu.memory_space<vmem>>
      %dma_wait3A_158 = tpu.memref_squeeze %dma_wait3A_157 : memref<1x128x64xi32, #tpu.memory_space<vmem>> -> memref<128x64xi32, #tpu.memory_space<vmem>>
      %dma_wait3A_159 = arith.constant 0 : i32
      %dma_wait3A_160 = tpu.memref_slice %arg8[%dma_wait3A_153, %dma_wait3A_159] : memref<16x128xi32, #tpu.memory_space<vmem>> -> memref<1x128xi32, #tpu.memory_space<vmem>>
      %dma_wait3A_161 = tpu.memref_squeeze %dma_wait3A_160 : memref<1x128xi32, #tpu.memory_space<vmem>> -> memref<128xi32, #tpu.memory_space<vmem>>
      %dma_wait3A_162 = arith.constant 0 : i32
      %dma_wait3A_163 = arith.constant 0 : i32
      %dma_wait3A_164 = tpu.memref_slice %arg3[%dma_wait3A_162, %dma_wait3A_163] : memref<10000x64xi32, #tpu.memory_space<hbm>> -> memref<10000x64xi32, #tpu.memory_space<hbm>>
      tpu.wait_indirect_dma semaphore(%arg14 : memref<!tpu.dma_semaphore, #tpu.memory_space<semaphore_mem>>) src(%dma_wait3A_164 : memref<10000x64xi32, #tpu.memory_space<hbm>>) dst(%dma_wait3A_158 : memref<128x64xi32, #tpu.memory_space<vmem>>)
      %add3A_165 = arith.constant 1 : i32
      %add3A_166 = arith.addi %add3A_63, %add3A_165 : i32
      %scan3A_167 = arith.constant 0 : i32
      %scan3A_168 = arith.constant 128 : i32
      %scan3A_169 = arith.addi %scan3A_167, %scan3A_168 : i32
      %scan3A_170 = arith.constant 1 : i32
      scf.for %scan3A_188 = %scan3A_167 to %scan3A_169 step %scan3A_170  : i32 {
        %mul3A_189 = arith.constant 1 : i32
        %mul3A_190 = arith.muli %scan3A_188, %mul3A_189 : i32
        %add3A_191 = arith.constant 0 : i32
        %add3A_192 = arith.addi %add3A_191, %mul3A_190 : i32
        %get3A = arith.constant 1 : i32
        %get3A_193 = arith.index_cast %get3A : i32 to index
        %get3A_194 = arith.index_cast %add3A_192 : i32 to index
        %get3A_195 = arith.constant 0 : index
        %get3A_196 = tpu.vector_load %arg9[%get3A_193, %get3A_194, %get3A_195] {strides = array<i32>} : memref<2x128x64xi32, #tpu.memory_space<vmem>>, vector<16xi32>,
        %bitcast3A = vector.bitcast %get3A_196 : vector<16xi32> to vector<32xbf16>
        %get3A_197 = arith.constant 1 : i32
        %get3A_198 = arith.index_cast %get3A_197 : i32 to index
        %get3A_199 = arith.index_cast %add3A_192 : i32 to index
        %get3A_200 = arith.constant 0 : index
        %get3A_201 = tpu.vector_load %arg10[%get3A_198, %get3A_199, %get3A_200] {strides = array<i32>} : memref<2x128x64xi32, #tpu.memory_space<vmem>>, vector<16xi32>,
        %bitcast3A_202 = vector.bitcast %get3A_201 : vector<16xi32> to vector<32xbf16>
        %add3A_203 = arith.addf %bitcast3A, %bitcast3A_202 : vector<32xbf16>
        %bitcast3A_204 = vector.bitcast %add3A_203 : vector<32xbf16> to vector<16xi32>
        %swap3A = arith.constant 1 : i32
        %swap3A_205 = arith.index_cast %swap3A : i32 to index
        %swap3A_206 = arith.index_cast %add3A_192 : i32 to index
        %swap3A_207 = arith.constant 0 : index
        %swap3A_208 = tpu.vector_load %arg9[%swap3A_205, %swap3A_206, %swap3A_207] {strides = array<i32>} : memref<2x128x64xi32, #tpu.memory_space<vmem>>, vector<16xi32>,
        tpu.vector_store %arg9[%swap3A_205, %swap3A_206, %swap3A_207], %bitcast3A_204 {strides = array<i32>} : memref<2x128x64xi32, #tpu.memory_space<vmem>>, vector<16xi32>,
        %get3A_209 = arith.constant 1 : i32
        %get3A_210 = arith.index_cast %get3A_209 : i32 to index
        %get3A_211 = arith.index_cast %add3A_192 : i32 to index
        %get3A_212 = arith.constant 16 : index
        %get3A_213 = tpu.vector_load %arg9[%get3A_210, %get3A_211, %get3A_212] {strides = array<i32>} : memref<2x128x64xi32, #tpu.memory_space<vmem>>, vector<16xi32>,
        %bitcast3A_214 = vector.bitcast %get3A_213 : vector<16xi32> to vector<32xbf16>
        %get3A_215 = arith.constant 1 : i32
        %get3A_216 = arith.index_cast %get3A_215 : i32 to index
        %get3A_217 = arith.index_cast %add3A_192 : i32 to index
        %get3A_218 = arith.constant 16 : index
        %get3A_219 = tpu.vector_load %arg10[%get3A_216, %get3A_217, %get3A_218] {strides = array<i32>} : memref<2x128x64xi32, #tpu.memory_space<vmem>>, vector<16xi32>,
        %bitcast3A_220 = vector.bitcast %get3A_219 : vector<16xi32> to vector<32xbf16>
        %add3A_221 = arith.addf %bitcast3A_214, %bitcast3A_220 : vector<32xbf16>
        %bitcast3A_222 = vector.bitcast %add3A_221 : vector<32xbf16> to vector<16xi32>
        %swap3A_223 = arith.constant 1 : i32
        %swap3A_224 = arith.index_cast %swap3A_223 : i32 to index
        %swap3A_225 = arith.index_cast %add3A_192 : i32 to index
        %swap3A_226 = arith.constant 16 : index
        %swap3A_227 = tpu.vector_load %arg9[%swap3A_224, %swap3A_225, %swap3A_226] {strides = array<i32>} : memref<2x128x64xi32, #tpu.memory_space<vmem>>, vector<16xi32>,
        tpu.vector_store %arg9[%swap3A_224, %swap3A_225, %swap3A_226], %bitcast3A_222 {strides = array<i32>} : memref<2x128x64xi32, #tpu.memory_space<vmem>>, vector<16xi32>,
        %get3A_228 = arith.constant 1 : i32
        %get3A_229 = arith.index_cast %get3A_228 : i32 to index
        %get3A_230 = arith.index_cast %add3A_192 : i32 to index
        %get3A_231 = arith.constant 32 : index
        %get3A_232 = tpu.vector_load %arg9[%get3A_229, %get3A_230, %get3A_231] {strides = array<i32>} : memref<2x128x64xi32, #tpu.memory_space<vmem>>, vector<16xi32>,
        %bitcast3A_233 = vector.bitcast %get3A_232 : vector<16xi32> to vector<32xbf16>
        %get3A_234 = arith.constant 1 : i32
        %get3A_235 = arith.index_cast %get3A_234 : i32 to index
        %get3A_236 = arith.index_cast %add3A_192 : i32 to index
        %get3A_237 = arith.constant 32 : index
        %get3A_238 = tpu.vector_load %arg10[%get3A_235, %get3A_236, %get3A_237] {strides = array<i32>} : memref<2x128x64xi32, #tpu.memory_space<vmem>>, vector<16xi32>,
        %bitcast3A_239 = vector.bitcast %get3A_238 : vector<16xi32> to vector<32xbf16>
        %add3A_240 = arith.addf %bitcast3A_233, %bitcast3A_239 : vector<32xbf16>
        %bitcast3A_241 = vector.bitcast %add3A_240 : vector<32xbf16> to vector<16xi32>
        %swap3A_242 = arith.constant 1 : i32
        %swap3A_243 = arith.index_cast %swap3A_242 : i32 to index
        %swap3A_244 = arith.index_cast %add3A_192 : i32 to index
        %swap3A_245 = arith.constant 32 : index
        %swap3A_246 = tpu.vector_load %arg9[%swap3A_243, %swap3A_244, %swap3A_245] {strides = array<i32>} : memref<2x128x64xi32, #tpu.memory_space<vmem>>, vector<16xi32>,
        tpu.vector_store %arg9[%swap3A_243, %swap3A_244, %swap3A_245], %bitcast3A_241 {strides = array<i32>} : memref<2x128x64xi32, #tpu.memory_space<vmem>>, vector<16xi32>,
        %get3A_247 = arith.constant 1 : i32
        %get3A_248 = arith.index_cast %get3A_247 : i32 to index
        %get3A_249 = arith.index_cast %add3A_192 : i32 to index
        %get3A_250 = arith.constant 48 : index
        %get3A_251 = tpu.vector_load %arg9[%get3A_248, %get3A_249, %get3A_250] {strides = array<i32>} : memref<2x128x64xi32, #tpu.memory_space<vmem>>, vector<16xi32>,
        %bitcast3A_252 = vector.bitcast %get3A_251 : vector<16xi32> to vector<32xbf16>
        %get3A_253 = arith.constant 1 : i32
        %get3A_254 = arith.index_cast %get3A_253 : i32 to index
        %get3A_255 = arith.index_cast %add3A_192 : i32 to index
        %get3A_256 = arith.constant 48 : index
        %get3A_257 = tpu.vector_load %arg10[%get3A_254, %get3A_255, %get3A_256] {strides = array<i32>} : memref<2x128x64xi32, #tpu.memory_space<vmem>>, vector<16xi32>,
        %bitcast3A_258 = vector.bitcast %get3A_257 : vector<16xi32> to vector<32xbf16>
        %add3A_259 = arith.addf %bitcast3A_252, %bitcast3A_258 : vector<32xbf16>
        %bitcast3A_260 = vector.bitcast %add3A_259 : vector<32xbf16> to vector<16xi32>
        %swap3A_261 = arith.constant 1 : i32
        %swap3A_262 = arith.index_cast %swap3A_261 : i32 to index
        %swap3A_263 = arith.index_cast %add3A_192 : i32 to index
        %swap3A_264 = arith.constant 48 : index
        %swap3A_265 = tpu.vector_load %arg9[%swap3A_262, %swap3A_263, %swap3A_264] {strides = array<i32>} : memref<2x128x64xi32, #tpu.memory_space<vmem>>, vector<16xi32>,
        tpu.vector_store %arg9[%swap3A_262, %swap3A_263, %swap3A_264], %bitcast3A_260 {strides = array<i32>} : memref<2x128x64xi32, #tpu.memory_space<vmem>>, vector<16xi32>,
      }
      %scan3A_171 = arith.constant 128 : i32
      %add3A_172 = arith.addi %mul3A_2, %add3A_166 : i32
      %mul3A_173 = arith.constant 128 : i32
      %mul3A_174 = arith.muli %add3A_172, %mul3A_173 : i32
      %dma_start3A_175 = arith.constant 1 : i32
      %dma_start3A_176 = arith.constant 0 : i32
      %dma_start3A_177 = arith.constant 0 : i32
      %dma_start3A_178 = tpu.memref_slice %arg9[%dma_start3A_175, %dma_start3A_176, %dma_start3A_177] : memref<2x128x64xi32, #tpu.memory_space<vmem>> -> memref<1x128x64xi32, #tpu.memory_space<vmem>>
      %dma_start3A_179 = tpu.memref_squeeze %dma_start3A_178 : memref<1x128x64xi32, #tpu.memory_space<vmem>> -> memref<128x64xi32, #tpu.memory_space<vmem>>
      %dma_start3A_180 = arith.constant 0 : i32
      %dma_start3A_181 = tpu.memref_slice %arg6[%mul3A_174, %dma_start3A_180] : memref<65536x64xi32, #tpu.memory_space<hbm>> -> memref<128x64xi32, #tpu.memory_space<hbm>>
      %dma_start3A_182 = arith.constant 0 : i32
      %dma_start3A_183 = tpu.memref_slice %arg6[%mul3A_174, %dma_start3A_182] : memref<65536x64xi32, #tpu.memory_space<hbm>> -> memref<128x64xi32, #tpu.memory_space<hbm>>
      %dma_start3A_184 = arith.constant 0 : i32
      %dma_start3A_185 = arith.constant 0 : i32
      %dma_start3A_186 = tpu.memref_slice %arg9[%dma_start3A_175, %dma_start3A_184, %dma_start3A_185] : memref<2x128x64xi32, #tpu.memory_space<vmem>> -> memref<1x128x64xi32, #tpu.memory_space<vmem>>
      %dma_start3A_187 = tpu.memref_squeeze %dma_start3A_186 : memref<1x128x64xi32, #tpu.memory_space<vmem>> -> memref<128x64xi32, #tpu.memory_space<vmem>>
      tpu.enqueue_dma source(%dma_start3A_187 : memref<128x64xi32, #tpu.memory_space<vmem>>) target(%dma_start3A_183 : memref<128x64xi32, #tpu.memory_space<hbm>>) target_semaphore(%arg16 : memref<!tpu.dma_semaphore, #tpu.memory_space<semaphore_mem>>)
    }
    %scan3A_29 = arith.constant 8 : i32
    %mul3A_30 = arith.constant 128 : i32
    %mul3A_31 = arith.muli %mul3A_2, %mul3A_30 : i32
    %dma_wait3A = arith.constant 0 : i32
    %dma_wait3A_32 = arith.constant 0 : i32
    %dma_wait3A_33 = arith.constant 0 : i32
    %dma_wait3A_34 = tpu.memref_slice %arg9[%dma_wait3A, %dma_wait3A_32, %dma_wait3A_33] : memref<2x128x64xi32, #tpu.memory_space<vmem>> -> memref<1x128x64xi32, #tpu.memory_space<vmem>>
    %dma_wait3A_35 = tpu.memref_squeeze %dma_wait3A_34 : memref<1x128x64xi32, #tpu.memory_space<vmem>> -> memref<128x64xi32, #tpu.memory_space<vmem>>
    %dma_wait3A_36 = arith.constant 0 : i32
    %dma_wait3A_37 = tpu.memref_slice %arg6[%mul3A_31, %dma_wait3A_36] : memref<65536x64xi32, #tpu.memory_space<hbm>> -> memref<128x64xi32, #tpu.memory_space<hbm>>
    %dma_wait3A_38 = arith.constant 0 : i32
    %dma_wait3A_39 = tpu.memref_slice %arg6[%mul3A_31, %dma_wait3A_38] : memref<65536x64xi32, #tpu.memory_space<hbm>> -> memref<128x64xi32, #tpu.memory_space<hbm>>
    %dma_wait3A_40 = arith.constant 0 : i32
    %dma_wait3A_41 = arith.constant 0 : i32
    %dma_wait3A_42 = tpu.memref_slice %arg9[%dma_wait3A, %dma_wait3A_40, %dma_wait3A_41] : memref<2x128x64xi32, #tpu.memory_space<vmem>> -> memref<1x128x64xi32, #tpu.memory_space<vmem>>
    %dma_wait3A_43 = tpu.memref_squeeze %dma_wait3A_42 : memref<1x128x64xi32, #tpu.memory_space<vmem>> -> memref<128x64xi32, #tpu.memory_space<vmem>>
    tpu.wait_dma2 semaphore(%arg15 : memref<!tpu.dma_semaphore, #tpu.memory_space<semaphore_mem>>) src(%dma_wait3A_43 : memref<128x64xi32, #tpu.memory_space<vmem>>) dst(%dma_wait3A_39 : memref<128x64xi32, #tpu.memory_space<hbm>>)
    %mul3A_44 = arith.constant 128 : i32
    %mul3A_45 = arith.muli %mul3A_2, %mul3A_44 : i32
    %dma_wait3A_46 = arith.constant 1 : i32
    %dma_wait3A_47 = arith.constant 0 : i32
    %dma_wait3A_48 = arith.constant 0 : i32
    %dma_wait3A_49 = tpu.memref_slice %arg9[%dma_wait3A_46, %dma_wait3A_47, %dma_wait3A_48] : memref<2x128x64xi32, #tpu.memory_space<vmem>> -> memref<1x128x64xi32, #tpu.memory_space<vmem>>
    %dma_wait3A_50 = tpu.memref_squeeze %dma_wait3A_49 : memref<1x128x64xi32, #tpu.memory_space<vmem>> -> memref<128x64xi32, #tpu.memory_space<vmem>>
    %dma_wait3A_51 = arith.constant 0 : i32
    %dma_wait3A_52 = tpu.memref_slice %arg6[%mul3A_45, %dma_wait3A_51] : memref<65536x64xi32, #tpu.memory_space<hbm>> -> memref<128x64xi32, #tpu.memory_space<hbm>>
    %dma_wait3A_53 = arith.constant 0 : i32
    %dma_wait3A_54 = tpu.memref_slice %arg6[%mul3A_45, %dma_wait3A_53] : memref<65536x64xi32, #tpu.memory_space<hbm>> -> memref<128x64xi32, #tpu.memory_space<hbm>>
    %dma_wait3A_55 = arith.constant 0 : i32
    %dma_wait3A_56 = arith.constant 0 : i32
    %dma_wait3A_57 = tpu.memref_slice %arg9[%dma_wait3A_46, %dma_wait3A_55, %dma_wait3A_56] : memref<2x128x64xi32, #tpu.memory_space<vmem>> -> memref<1x128x64xi32, #tpu.memory_space<vmem>>
    %dma_wait3A_58 = tpu.memref_squeeze %dma_wait3A_57 : memref<1x128x64xi32, #tpu.memory_space<vmem>> -> memref<128x64xi32, #tpu.memory_space<vmem>>
    tpu.wait_dma2 semaphore(%arg16 : memref<!tpu.dma_semaphore, #tpu.memory_space<semaphore_mem>>) src(%dma_wait3A_58 : memref<128x64xi32, #tpu.memory_space<vmem>>) dst(%dma_wait3A_54 : memref<128x64xi32, #tpu.memory_space<hbm>>)
    return
  }
}

module attributes {stable_mosaic.version = 14 : i64} {
  func.func @_tables_body(%arg0: i32, %arg1: memref<2000x128xf32, #tpu.memory_space<vmem>>, %arg2: memref<2000x128xf32, #tpu.memory_space<vmem>>, %arg3: memref<128x128xf32, #tpu.memory_space<vmem>>, %arg4: memref<128x128xf32, #tpu.memory_space<vmem>>, %arg5: memref<1x128xf32, #tpu.memory_space<vmem>>, %arg6: memref<2000x64xi32, #tpu.memory_space<vmem>>, %arg7: memref<2000x64xi32, #tpu.memory_space<vmem>>) attributes {dimension_semantics = [#tpu.dimension_semantics<arbitrary>], iteration_bounds = array<i64: 5>, scalar_prefetch = 0 : i64, scratch_operands = 0 : i64, tpu.core_type = #tpu.core_type<tc>, window_params = [{transform_indices = @transform_0, window_bounds = array<i64: 2000, 128>}, {transform_indices = @transform_1, window_bounds = array<i64: 2000, 128>}, {pipeline_mode = #tpu.pipeline_mode<synchronous>, transform_indices = @transform_2, window_bounds = array<i64: 128, 128>}, {pipeline_mode = #tpu.pipeline_mode<synchronous>, transform_indices = @transform_3, window_bounds = array<i64: 128, 128>}, {pipeline_mode = #tpu.pipeline_mode<synchronous>, transform_indices = @transform_4, window_bounds = array<i64: 1, 128>}, {transform_indices = @transform_5, window_bounds = array<i64: 2000, 64>}, {transform_indices = @transform_6, window_bounds = array<i64: 2000, 64>}]} {
    %get3A = arith.constant 0 : index
    %get3A_0 = arith.constant 0 : index
    %get3A_1 = vector.load %arg1[%get3A, %get3A_0] : memref<2000x128xf32, #tpu.memory_space<vmem>>, vector<2000x128xf32>
    %get3A_2 = arith.constant 0 : index
    %get3A_3 = arith.constant 0 : index
    %get3A_4 = vector.load %arg3[%get3A_2, %get3A_3] : memref<128x128xf32, #tpu.memory_space<vmem>>, vector<128x128xf32>
    %dot_general3A = arith.constant dense<0.000000e+00> : vector<2000x128xf32>
    %dot_general3A_5 = tpu.matmul %get3A_1, %get3A_4, %dot_general3A {dimension_numbers = #tpu.dot_dimension_numbers<[1], [0], [0], [1], [0, 0, 1, 1], [], []>, transpose_lhs_hint = false} : vector<2000x128xf32>, vector<128x128xf32>, vector<2000x128xf32> -> vector<2000x128xf32>
    %slice3A = vector.extract_strided_slice %dot_general3A_5 {offsets = [0, 0], sizes = [2000, 64], strides = [1, 1]} : vector<2000x128xf32> to vector<2000x64xf32>
    %slice3A_6 = vector.extract_strided_slice %dot_general3A_5 {offsets = [0, 64], sizes = [2000, 64], strides = [1, 1]} : vector<2000x128xf32> to vector<2000x64xf32>
    %convert_element_type3A = arith.truncf %slice3A : vector<2000x64xf32> to vector<2000x64xbf16>
    %convert_element_type3A_7 = arith.extf %convert_element_type3A : vector<2000x64xbf16> to vector<2000x64xf32>
    %bitcast_convert_type3A = tpu.bitcast %convert_element_type3A_7 : vector<2000x64xf32> -> vector<2000x64xi32>
    %convert_element_type3A_8 = arith.truncf %slice3A_6 : vector<2000x64xf32> to vector<2000x64xbf16>
    %convert_element_type3A_9 = arith.extf %convert_element_type3A_8 : vector<2000x64xbf16> to vector<2000x64xf32>
    %bitcast_convert_type3A_10 = tpu.bitcast %convert_element_type3A_9 : vector<2000x64xf32> -> vector<2000x64xi32>
    %shift_right_logical3A = arith.constant 16 : i32
    %shift_right_logical3A_11 = vector.broadcast %shift_right_logical3A : i32 to vector<2000x64xi32>
    %shift_right_logical3A_12 = arith.shrui %bitcast_convert_type3A, %shift_right_logical3A_11 : vector<2000x64xi32>
    %and3A = arith.constant -65536 : i32
    %and3A_13 = vector.broadcast %and3A : i32 to vector<2000x64xi32>
    %and3A_14 = arith.andi %bitcast_convert_type3A_10, %and3A_13 : vector<2000x64xi32>
    %or3A = arith.ori %shift_right_logical3A_12, %and3A_14 : vector<2000x64xi32>
    %swap3A = arith.constant 0 : index
    %swap3A_15 = arith.constant 0 : index
    %swap3A_16 = vector.load %arg6[%swap3A, %swap3A_15] : memref<2000x64xi32, #tpu.memory_space<vmem>>, vector<2000x64xi32>
    tpu.vector_store %arg6[%swap3A, %swap3A_15], %or3A {strides = array<i32>} : memref<2000x64xi32, #tpu.memory_space<vmem>>, vector<2000x64xi32>,
    %get3A_17 = arith.constant 0 : index
    %get3A_18 = arith.constant 0 : index
    %get3A_19 = vector.load %arg2[%get3A_17, %get3A_18] : memref<2000x128xf32, #tpu.memory_space<vmem>>, vector<2000x128xf32>
    %get3A_20 = arith.constant 0 : index
    %get3A_21 = arith.constant 0 : index
    %get3A_22 = vector.load %arg4[%get3A_20, %get3A_21] : memref<128x128xf32, #tpu.memory_space<vmem>>, vector<128x128xf32>
    %dot_general3A_23 = arith.constant dense<0.000000e+00> : vector<2000x128xf32>
    %dot_general3A_24 = tpu.matmul %get3A_19, %get3A_22, %dot_general3A_23 {dimension_numbers = #tpu.dot_dimension_numbers<[1], [0], [0], [1], [0, 0, 1, 1], [], []>, transpose_lhs_hint = false} : vector<2000x128xf32>, vector<128x128xf32>, vector<2000x128xf32> -> vector<2000x128xf32>
    %get3A_25 = arith.constant 0 : index
    %get3A_26 = arith.constant 0 : index
    %get3A_27 = vector.load %arg5[%get3A_25, %get3A_26] : memref<1x128xf32, #tpu.memory_space<vmem>>, vector<1x128xf32>
    %add3A = vector.broadcast %get3A_27 : vector<1x128xf32> to vector<2000x128xf32>
    %add3A_28 = arith.addf %dot_general3A_24, %add3A : vector<2000x128xf32>
    %slice3A_29 = vector.extract_strided_slice %add3A_28 {offsets = [0, 0], sizes = [2000, 64], strides = [1, 1]} : vector<2000x128xf32> to vector<2000x64xf32>
    %slice3A_30 = vector.extract_strided_slice %add3A_28 {offsets = [0, 64], sizes = [2000, 64], strides = [1, 1]} : vector<2000x128xf32> to vector<2000x64xf32>
    %convert_element_type3A_31 = arith.truncf %slice3A_29 : vector<2000x64xf32> to vector<2000x64xbf16>
    %convert_element_type3A_32 = arith.extf %convert_element_type3A_31 : vector<2000x64xbf16> to vector<2000x64xf32>
    %bitcast_convert_type3A_33 = tpu.bitcast %convert_element_type3A_32 : vector<2000x64xf32> -> vector<2000x64xi32>
    %convert_element_type3A_34 = arith.truncf %slice3A_30 : vector<2000x64xf32> to vector<2000x64xbf16>
    %convert_element_type3A_35 = arith.extf %convert_element_type3A_34 : vector<2000x64xbf16> to vector<2000x64xf32>
    %bitcast_convert_type3A_36 = tpu.bitcast %convert_element_type3A_35 : vector<2000x64xf32> -> vector<2000x64xi32>
    %shift_right_logical3A_37 = arith.constant 16 : i32
    %shift_right_logical3A_38 = vector.broadcast %shift_right_logical3A_37 : i32 to vector<2000x64xi32>
    %shift_right_logical3A_39 = arith.shrui %bitcast_convert_type3A_33, %shift_right_logical3A_38 : vector<2000x64xi32>
    %and3A_40 = arith.constant -65536 : i32
    %and3A_41 = vector.broadcast %and3A_40 : i32 to vector<2000x64xi32>
    %and3A_42 = arith.andi %bitcast_convert_type3A_36, %and3A_41 : vector<2000x64xi32>
    %or3A_43 = arith.ori %shift_right_logical3A_39, %and3A_42 : vector<2000x64xi32>
    %swap3A_44 = arith.constant 0 : index
    %swap3A_45 = arith.constant 0 : index
    %swap3A_46 = vector.load %arg7[%swap3A_44, %swap3A_45] : memref<2000x64xi32, #tpu.memory_space<vmem>>, vector<2000x64xi32>
    tpu.vector_store %arg7[%swap3A_44, %swap3A_45], %or3A_43 {strides = array<i32>} : memref<2000x64xi32, #tpu.memory_space<vmem>>, vector<2000x64xi32>,
    return
  }
  func.func @transform_0(%arg0: i32) -> (i32, i32) {
    %c0_i32 = arith.constant 0 : i32
    %c0_i32_0 = arith.constant 0 : i32
    return %arg0, %c0_i32 : i32, i32
  }
  func.func @transform_1(%arg0: i32) -> (i32, i32) {
    %c0_i32 = arith.constant 0 : i32
    %c0_i32_0 = arith.constant 0 : i32
    return %arg0, %c0_i32 : i32, i32
  }
  func.func @transform_2(%arg0: i32) -> (i32, i32) {
    %c0_i32 = arith.constant 0 : i32
    %c0_i32_0 = arith.constant 0 : i32
    %c0_i32_1 = arith.constant 0 : i32
    return %c0_i32, %c0_i32_0 : i32, i32
  }
  func.func @transform_3(%arg0: i32) -> (i32, i32) {
    %c0_i32 = arith.constant 0 : i32
    %c0_i32_0 = arith.constant 0 : i32
    %c0_i32_1 = arith.constant 0 : i32
    return %c0_i32, %c0_i32_0 : i32, i32
  }
  func.func @transform_4(%arg0: i32) -> (i32, i32) {
    %c0_i32 = arith.constant 0 : i32
    %c0_i32_0 = arith.constant 0 : i32
    %c0_i32_1 = arith.constant 0 : i32
    return %c0_i32, %c0_i32_0 : i32, i32
  }
  func.func @transform_5(%arg0: i32) -> (i32, i32) {
    %c0_i32 = arith.constant 0 : i32
    %c0_i32_0 = arith.constant 0 : i32
    return %arg0, %c0_i32 : i32, i32
  }
  func.func @transform_6(%arg0: i32) -> (i32, i32) {
    %c0_i32 = arith.constant 0 : i32
    %c0_i32_0 = arith.constant 0 : i32
    return %arg0, %c0_i32 : i32, i32
  }
}

module attributes {stable_mosaic.version = 14 : i64} {
  func.func @_edge_body(%arg0: i32, %arg1: memref<16x3200xf32, #tpu.memory_space<vmem>>, %arg2: memref<3200x64xi32, #tpu.memory_space<vmem>>, %arg3: memref<16x128xf32, #tpu.memory_space<vmem>>, %arg4: memref<128x128xbf16, #tpu.memory_space<vmem>>, %arg5: memref<1x128xf32, #tpu.memory_space<vmem>>, %arg6: memref<1x128xf32, #tpu.memory_space<vmem>>, %arg7: memref<1x128xf32, #tpu.memory_space<vmem>>, %arg8: memref<3200x128xf32, #tpu.memory_space<vmem>>) attributes {dimension_semantics = [#tpu.dimension_semantics<arbitrary>], iteration_bounds = array<i64: 20>, scalar_prefetch = 0 : i64, scratch_operands = 0 : i64, tpu.core_type = #tpu.core_type<tc>, window_params = [{transform_indices = @transform_0, window_bounds = array<i64: 16, 3200>}, {transform_indices = @transform_1, window_bounds = array<i64: 3200, 64>}, {pipeline_mode = #tpu.pipeline_mode<synchronous>, transform_indices = @transform_2, window_bounds = array<i64: 16, 128>}, {pipeline_mode = #tpu.pipeline_mode<synchronous>, transform_indices = @transform_3, window_bounds = array<i64: 128, 128>}, {pipeline_mode = #tpu.pipeline_mode<synchronous>, transform_indices = @transform_4, window_bounds = array<i64: 1, 128>}, {pipeline_mode = #tpu.pipeline_mode<synchronous>, transform_indices = @transform_5, window_bounds = array<i64: 1, 128>}, {pipeline_mode = #tpu.pipeline_mode<synchronous>, transform_indices = @transform_6, window_bounds = array<i64: 1, 128>}, {transform_indices = @transform_7, window_bounds = array<i64: 3200, 128>}]} {
    %get3A = arith.constant 0 : index
    %get3A_0 = arith.constant 0 : index
    %get3A_1 = vector.load %arg2[%get3A, %get3A_0] : memref<3200x64xi32, #tpu.memory_space<vmem>>, vector<3200x64xi32>
    %shift_left3A = arith.constant 16 : i32
    %shift_left3A_2 = vector.broadcast %shift_left3A : i32 to vector<3200x64xi32>
    %shift_left3A_3 = arith.shli %get3A_1, %shift_left3A_2 : vector<3200x64xi32>
    %bitcast_convert_type3A = tpu.bitcast %shift_left3A_3 : vector<3200x64xi32> -> vector<3200x64xf32>
    %and3A = arith.constant -65536 : i32
    %and3A_4 = vector.broadcast %and3A : i32 to vector<3200x64xi32>
    %and3A_5 = arith.andi %get3A_1, %and3A_4 : vector<3200x64xi32>
    %bitcast_convert_type3A_6 = tpu.bitcast %and3A_5 : vector<3200x64xi32> -> vector<3200x64xf32>
    %concatenate3A = tpu.concatenate %bitcast_convert_type3A, %bitcast_convert_type3A_6 in 1 : vector<3200x64xf32>, vector<3200x64xf32> -> vector<3200x128xf32>
    %get3A_7 = arith.constant 0 : index
    %get3A_8 = arith.constant 0 : index
    %get3A_9 = vector.load %arg1[%get3A_7, %get3A_8] : memref<16x3200xf32, #tpu.memory_space<vmem>>, vector<16x3200xf32>
    %get3A_10 = arith.constant 0 : index
    %get3A_11 = arith.constant 0 : index
    %get3A_12 = vector.load %arg3[%get3A_10, %get3A_11] : memref<16x128xf32, #tpu.memory_space<vmem>>, vector<16x128xf32>
    %dot_general3A = arith.constant dense<0.000000e+00> : vector<3200x128xf32>
    %dot_general3A_13 = tpu.matmul %get3A_9, %get3A_12, %dot_general3A {dimension_numbers = #tpu.dot_dimension_numbers<[0], [0], [1], [1], [0, 1, 1, 1], [], []>, transpose_lhs_hint = false} : vector<16x3200xf32>, vector<16x128xf32>, vector<3200x128xf32> -> vector<3200x128xf32>
    %add3A = arith.addf %dot_general3A_13, %concatenate3A : vector<3200x128xf32>
    %logistic3A = arith.negf %add3A : vector<3200x128xf32>
    %logistic3A_14 = math.exp %logistic3A : vector<3200x128xf32>
    %logistic3A_15 = arith.constant 1.000000e+00 : f32
    %logistic3A_16 = vector.broadcast %logistic3A_15 : f32 to vector<3200x128xf32>
    %logistic3A_17 = arith.addf %logistic3A_16, %logistic3A_14 : vector<3200x128xf32>
    %logistic3A_18 = arith.divf %logistic3A_16, %logistic3A_17 : vector<3200x128xf32>
    %mul3A = arith.mulf %add3A, %logistic3A_18 : vector<3200x128xf32>
    %convert_element_type3A = arith.truncf %mul3A : vector<3200x128xf32> to vector<3200x128xbf16>
    %get3A_19 = arith.constant 0 : index
    %get3A_20 = arith.constant 0 : index
    %get3A_21 = vector.load %arg4[%get3A_19, %get3A_20] : memref<128x128xbf16, #tpu.memory_space<vmem>>, vector<128x128xbf16>
    %dot_general3A_22 = arith.constant dense<0.000000e+00> : vector<3200x128xf32>
    %dot_general3A_23 = tpu.matmul %convert_element_type3A, %get3A_21, %dot_general3A_22 {dimension_numbers = #tpu.dot_dimension_numbers<[1], [0], [0], [1], [0, 0, 1, 1], [], []>, transpose_lhs_hint = false} : vector<3200x128xbf16>, vector<128x128xbf16>, vector<3200x128xf32> -> vector<3200x128xf32>
    %get3A_24 = arith.constant 0 : index
    %get3A_25 = arith.constant 0 : index
    %get3A_26 = vector.load %arg5[%get3A_24, %get3A_25] : memref<1x128xf32, #tpu.memory_space<vmem>>, vector<1x128xf32>
    %add3A_27 = vector.broadcast %get3A_26 : vector<1x128xf32> to vector<3200x128xf32>
    %add3A_28 = arith.addf %dot_general3A_23, %add3A_27 : vector<3200x128xf32>
    %reduce_sum3A = arith.constant dense<0.000000e+00> : vector<3200xf32>
    %reduce_sum3A_29 = vector.multi_reduction <add>, %add3A_28, %reduce_sum3A [1] : vector<3200x128xf32> to vector<3200xf32>
    %broadcast_in_dim3A = vector.shape_cast %reduce_sum3A_29 : vector<3200xf32> to vector<3200x1xf32>
    %div3A = arith.constant 1.280000e+02 : f32
    %div3A_30 = vector.broadcast %div3A : f32 to vector<3200x1xf32>
    %div3A_31 = arith.divf %broadcast_in_dim3A, %div3A_30 : vector<3200x1xf32>
    %sub3A = vector.broadcast %div3A_31 : vector<3200x1xf32> to vector<3200x128xf32>
    %sub3A_32 = arith.subf %add3A_28, %sub3A : vector<3200x128xf32>
    %integer_pow3A = arith.mulf %sub3A_32, %sub3A_32 : vector<3200x128xf32>
    %reduce_sum3A_33 = arith.constant dense<0.000000e+00> : vector<3200xf32>
    %reduce_sum3A_34 = vector.multi_reduction <add>, %integer_pow3A, %reduce_sum3A_33 [1] : vector<3200x128xf32> to vector<3200xf32>
    %broadcast_in_dim3A_35 = vector.shape_cast %reduce_sum3A_34 : vector<3200xf32> to vector<3200x1xf32>
    %div3A_36 = arith.constant 1.280000e+02 : f32
    %div3A_37 = vector.broadcast %div3A_36 : f32 to vector<3200x1xf32>
    %div3A_38 = arith.divf %broadcast_in_dim3A_35, %div3A_37 : vector<3200x1xf32>
    %sub3A_39 = vector.broadcast %div3A_31 : vector<3200x1xf32> to vector<3200x128xf32>
    %sub3A_40 = arith.subf %add3A_28, %sub3A_39 : vector<3200x128xf32>
    %add3A_41 = arith.constant 9.99999974E-6 : f32
    %add3A_42 = vector.broadcast %add3A_41 : f32 to vector<3200x1xf32>
    %add3A_43 = arith.addf %div3A_38, %add3A_42 : vector<3200x1xf32>
    %rsqrt3A = math.rsqrt %add3A_43 : vector<3200x1xf32>
    %mul3A_44 = vector.broadcast %rsqrt3A : vector<3200x1xf32> to vector<3200x128xf32>
    %mul3A_45 = arith.mulf %sub3A_40, %mul3A_44 : vector<3200x128xf32>
    %get3A_46 = arith.constant 0 : index
    %get3A_47 = arith.constant 0 : index
    %get3A_48 = vector.load %arg6[%get3A_46, %get3A_47] : memref<1x128xf32, #tpu.memory_space<vmem>>, vector<1x128xf32>
    %mul3A_49 = vector.broadcast %get3A_48 : vector<1x128xf32> to vector<3200x128xf32>
    %mul3A_50 = arith.mulf %mul3A_45, %mul3A_49 : vector<3200x128xf32>
    %get3A_51 = arith.constant 0 : index
    %get3A_52 = arith.constant 0 : index
    %get3A_53 = vector.load %arg7[%get3A_51, %get3A_52] : memref<1x128xf32, #tpu.memory_space<vmem>>, vector<1x128xf32>
    %add3A_54 = vector.broadcast %get3A_53 : vector<1x128xf32> to vector<3200x128xf32>
    %add3A_55 = arith.addf %mul3A_50, %add3A_54 : vector<3200x128xf32>
    %swap3A = arith.constant 0 : index
    %swap3A_56 = arith.constant 0 : index
    %swap3A_57 = vector.load %arg8[%swap3A, %swap3A_56] : memref<3200x128xf32, #tpu.memory_space<vmem>>, vector<3200x128xf32>
    tpu.vector_store %arg8[%swap3A, %swap3A_56], %add3A_55 {strides = array<i32>} : memref<3200x128xf32, #tpu.memory_space<vmem>>, vector<3200x128xf32>,
    return
  }
  func.func @transform_0(%arg0: i32) -> (i32, i32) {
    %add3A = arith.constant 0 : i32
    %add3A_0 = arith.addi %arg0, %add3A : i32
    %c0_i32 = arith.constant 0 : i32
    %c0_i32_1 = arith.constant 0 : i32
    return %c0_i32, %add3A_0 : i32, i32
  }
  func.func @transform_1(%arg0: i32) -> (i32, i32) {
    %c0_i32 = arith.constant 0 : i32
    %c0_i32_0 = arith.constant 0 : i32
    return %arg0, %c0_i32 : i32, i32
  }
  func.func @transform_2(%arg0: i32) -> (i32, i32) {
    %c0_i32 = arith.constant 0 : i32
    %c0_i32_0 = arith.constant 0 : i32
    %c0_i32_1 = arith.constant 0 : i32
    return %c0_i32, %c0_i32_0 : i32, i32
  }
  func.func @transform_3(%arg0: i32) -> (i32, i32) {
    %c0_i32 = arith.constant 0 : i32
    %c0_i32_0 = arith.constant 0 : i32
    %c0_i32_1 = arith.constant 0 : i32
    return %c0_i32, %c0_i32_0 : i32, i32
  }
  func.func @transform_4(%arg0: i32) -> (i32, i32) {
    %c0_i32 = arith.constant 0 : i32
    %c0_i32_0 = arith.constant 0 : i32
    %c0_i32_1 = arith.constant 0 : i32
    return %c0_i32, %c0_i32_0 : i32, i32
  }
  func.func @transform_5(%arg0: i32) -> (i32, i32) {
    %c0_i32 = arith.constant 0 : i32
    %c0_i32_0 = arith.constant 0 : i32
    %c0_i32_1 = arith.constant 0 : i32
    return %c0_i32, %c0_i32_0 : i32, i32
  }
  func.func @transform_6(%arg0: i32) -> (i32, i32) {
    %c0_i32 = arith.constant 0 : i32
    %c0_i32_0 = arith.constant 0 : i32
    %c0_i32_1 = arith.constant 0 : i32
    return %c0_i32, %c0_i32_0 : i32, i32
  }
  func.func @transform_7(%arg0: i32) -> (i32, i32) {
    %add3A = arith.constant 0 : i32
    %add3A_0 = arith.addi %arg0, %add3A : i32
    %c0_i32 = arith.constant 0 : i32
    %c0_i32_1 = arith.constant 0 : i32
    return %add3A_0, %c0_i32 : i32, i32
  }
}

module attributes {stable_mosaic.version = 14 : i64} {
  func.func @edge_alias_body(%arg0: i32, %arg1: memref<320000x128xf32, #tpu.memory_space<any>>, %arg2: memref<16x3200xf32, #tpu.memory_space<vmem>>, %arg3: memref<3200x64xi32, #tpu.memory_space<vmem>>, %arg4: memref<16x128xf32, #tpu.memory_space<vmem>>, %arg5: memref<128x128xbf16, #tpu.memory_space<vmem>>, %arg6: memref<1x128xf32, #tpu.memory_space<vmem>>, %arg7: memref<1x128xf32, #tpu.memory_space<vmem>>, %arg8: memref<1x128xf32, #tpu.memory_space<vmem>>, %arg9: memref<3200x128xf32, #tpu.memory_space<vmem>>) attributes {dimension_semantics = [#tpu.dimension_semantics<arbitrary>], iteration_bounds = array<i64: 20>, scalar_prefetch = 0 : i64, scratch_operands = 0 : i64, tpu.core_type = #tpu.core_type<tc>, window_params = [{}, {transform_indices = @transform_1, window_bounds = array<i64: 16, 3200>}, {transform_indices = @transform_2, window_bounds = array<i64: 3200, 64>}, {pipeline_mode = #tpu.pipeline_mode<synchronous>, transform_indices = @transform_3, window_bounds = array<i64: 16, 128>}, {pipeline_mode = #tpu.pipeline_mode<synchronous>, transform_indices = @transform_4, window_bounds = array<i64: 128, 128>}, {pipeline_mode = #tpu.pipeline_mode<synchronous>, transform_indices = @transform_5, window_bounds = array<i64: 1, 128>}, {pipeline_mode = #tpu.pipeline_mode<synchronous>, transform_indices = @transform_6, window_bounds = array<i64: 1, 128>}, {pipeline_mode = #tpu.pipeline_mode<synchronous>, transform_indices = @transform_7, window_bounds = array<i64: 1, 128>}, {transform_indices = @transform_8, window_bounds = array<i64: 3200, 128>}]} {
    %get3A = arith.constant 0 : index
    %get3A_0 = arith.constant 0 : index
    %get3A_1 = vector.load %arg3[%get3A, %get3A_0] : memref<3200x64xi32, #tpu.memory_space<vmem>>, vector<3200x64xi32>
    %shift_left3A = arith.constant 16 : i32
    %shift_left3A_2 = vector.broadcast %shift_left3A : i32 to vector<3200x64xi32>
    %shift_left3A_3 = arith.shli %get3A_1, %shift_left3A_2 : vector<3200x64xi32>
    %bitcast_convert_type3A = tpu.bitcast %shift_left3A_3 : vector<3200x64xi32> -> vector<3200x64xf32>
    %and3A = arith.constant -65536 : i32
    %and3A_4 = vector.broadcast %and3A : i32 to vector<3200x64xi32>
    %and3A_5 = arith.andi %get3A_1, %and3A_4 : vector<3200x64xi32>
    %bitcast_convert_type3A_6 = tpu.bitcast %and3A_5 : vector<3200x64xi32> -> vector<3200x64xf32>
    %concatenate3A = tpu.concatenate %bitcast_convert_type3A, %bitcast_convert_type3A_6 in 1 : vector<3200x64xf32>, vector<3200x64xf32> -> vector<3200x128xf32>
    %get3A_7 = arith.constant 0 : index
    %get3A_8 = arith.constant 0 : index
    %get3A_9 = vector.load %arg2[%get3A_7, %get3A_8] : memref<16x3200xf32, #tpu.memory_space<vmem>>, vector<16x3200xf32>
    %get3A_10 = arith.constant 0 : index
    %get3A_11 = arith.constant 0 : index
    %get3A_12 = vector.load %arg4[%get3A_10, %get3A_11] : memref<16x128xf32, #tpu.memory_space<vmem>>, vector<16x128xf32>
    %dot_general3A = arith.constant dense<0.000000e+00> : vector<3200x128xf32>
    %dot_general3A_13 = tpu.matmul %get3A_9, %get3A_12, %dot_general3A {dimension_numbers = #tpu.dot_dimension_numbers<[0], [0], [1], [1], [0, 1, 1, 1], [], []>, transpose_lhs_hint = false} : vector<16x3200xf32>, vector<16x128xf32>, vector<3200x128xf32> -> vector<3200x128xf32>
    %add3A = arith.addf %dot_general3A_13, %concatenate3A : vector<3200x128xf32>
    %logistic3A = arith.negf %add3A : vector<3200x128xf32>
    %logistic3A_14 = math.exp %logistic3A : vector<3200x128xf32>
    %logistic3A_15 = arith.constant 1.000000e+00 : f32
    %logistic3A_16 = vector.broadcast %logistic3A_15 : f32 to vector<3200x128xf32>
    %logistic3A_17 = arith.addf %logistic3A_16, %logistic3A_14 : vector<3200x128xf32>
    %logistic3A_18 = arith.divf %logistic3A_16, %logistic3A_17 : vector<3200x128xf32>
    %mul3A = arith.mulf %add3A, %logistic3A_18 : vector<3200x128xf32>
    %convert_element_type3A = arith.truncf %mul3A : vector<3200x128xf32> to vector<3200x128xbf16>
    %get3A_19 = arith.constant 0 : index
    %get3A_20 = arith.constant 0 : index
    %get3A_21 = vector.load %arg5[%get3A_19, %get3A_20] : memref<128x128xbf16, #tpu.memory_space<vmem>>, vector<128x128xbf16>
    %dot_general3A_22 = arith.constant dense<0.000000e+00> : vector<3200x128xf32>
    %dot_general3A_23 = tpu.matmul %convert_element_type3A, %get3A_21, %dot_general3A_22 {dimension_numbers = #tpu.dot_dimension_numbers<[1], [0], [0], [1], [0, 0, 1, 1], [], []>, transpose_lhs_hint = false} : vector<3200x128xbf16>, vector<128x128xbf16>, vector<3200x128xf32> -> vector<3200x128xf32>
    %get3A_24 = arith.constant 0 : index
    %get3A_25 = arith.constant 0 : index
    %get3A_26 = vector.load %arg6[%get3A_24, %get3A_25] : memref<1x128xf32, #tpu.memory_space<vmem>>, vector<1x128xf32>
    %add3A_27 = vector.broadcast %get3A_26 : vector<1x128xf32> to vector<3200x128xf32>
    %add3A_28 = arith.addf %dot_general3A_23, %add3A_27 : vector<3200x128xf32>
    %reduce_sum3A = arith.constant dense<0.000000e+00> : vector<3200xf32>
    %reduce_sum3A_29 = vector.multi_reduction <add>, %add3A_28, %reduce_sum3A [1] : vector<3200x128xf32> to vector<3200xf32>
    %broadcast_in_dim3A = vector.shape_cast %reduce_sum3A_29 : vector<3200xf32> to vector<3200x1xf32>
    %div3A = arith.constant 1.280000e+02 : f32
    %div3A_30 = vector.broadcast %div3A : f32 to vector<3200x1xf32>
    %div3A_31 = arith.divf %broadcast_in_dim3A, %div3A_30 : vector<3200x1xf32>
    %sub3A = vector.broadcast %div3A_31 : vector<3200x1xf32> to vector<3200x128xf32>
    %sub3A_32 = arith.subf %add3A_28, %sub3A : vector<3200x128xf32>
    %integer_pow3A = arith.mulf %sub3A_32, %sub3A_32 : vector<3200x128xf32>
    %reduce_sum3A_33 = arith.constant dense<0.000000e+00> : vector<3200xf32>
    %reduce_sum3A_34 = vector.multi_reduction <add>, %integer_pow3A, %reduce_sum3A_33 [1] : vector<3200x128xf32> to vector<3200xf32>
    %broadcast_in_dim3A_35 = vector.shape_cast %reduce_sum3A_34 : vector<3200xf32> to vector<3200x1xf32>
    %div3A_36 = arith.constant 1.280000e+02 : f32
    %div3A_37 = vector.broadcast %div3A_36 : f32 to vector<3200x1xf32>
    %div3A_38 = arith.divf %broadcast_in_dim3A_35, %div3A_37 : vector<3200x1xf32>
    %sub3A_39 = vector.broadcast %div3A_31 : vector<3200x1xf32> to vector<3200x128xf32>
    %sub3A_40 = arith.subf %add3A_28, %sub3A_39 : vector<3200x128xf32>
    %add3A_41 = arith.constant 9.99999974E-6 : f32
    %add3A_42 = vector.broadcast %add3A_41 : f32 to vector<3200x1xf32>
    %add3A_43 = arith.addf %div3A_38, %add3A_42 : vector<3200x1xf32>
    %rsqrt3A = math.rsqrt %add3A_43 : vector<3200x1xf32>
    %mul3A_44 = vector.broadcast %rsqrt3A : vector<3200x1xf32> to vector<3200x128xf32>
    %mul3A_45 = arith.mulf %sub3A_40, %mul3A_44 : vector<3200x128xf32>
    %get3A_46 = arith.constant 0 : index
    %get3A_47 = arith.constant 0 : index
    %get3A_48 = vector.load %arg7[%get3A_46, %get3A_47] : memref<1x128xf32, #tpu.memory_space<vmem>>, vector<1x128xf32>
    %mul3A_49 = vector.broadcast %get3A_48 : vector<1x128xf32> to vector<3200x128xf32>
    %mul3A_50 = arith.mulf %mul3A_45, %mul3A_49 : vector<3200x128xf32>
    %get3A_51 = arith.constant 0 : index
    %get3A_52 = arith.constant 0 : index
    %get3A_53 = vector.load %arg8[%get3A_51, %get3A_52] : memref<1x128xf32, #tpu.memory_space<vmem>>, vector<1x128xf32>
    %add3A_54 = vector.broadcast %get3A_53 : vector<1x128xf32> to vector<3200x128xf32>
    %add3A_55 = arith.addf %mul3A_50, %add3A_54 : vector<3200x128xf32>
    %swap3A = arith.constant 0 : index
    %swap3A_56 = arith.constant 0 : index
    %swap3A_57 = vector.load %arg9[%swap3A, %swap3A_56] : memref<3200x128xf32, #tpu.memory_space<vmem>>, vector<3200x128xf32>
    tpu.vector_store %arg9[%swap3A, %swap3A_56], %add3A_55 {strides = array<i32>} : memref<3200x128xf32, #tpu.memory_space<vmem>>, vector<3200x128xf32>,
    return
  }
  func.func @transform_1(%arg0: i32) -> (i32, i32) {
    %add3A = arith.constant 20 : i32
    %add3A_0 = arith.addi %arg0, %add3A : i32
    %c0_i32 = arith.constant 0 : i32
    %c0_i32_1 = arith.constant 0 : i32
    return %c0_i32, %add3A_0 : i32, i32
  }
  func.func @transform_2(%arg0: i32) -> (i32, i32) {
    %c0_i32 = arith.constant 0 : i32
    %c0_i32_0 = arith.constant 0 : i32
    return %arg0, %c0_i32 : i32, i32
  }
  func.func @transform_3(%arg0: i32) -> (i32, i32) {
    %c0_i32 = arith.constant 0 : i32
    %c0_i32_0 = arith.constant 0 : i32
    %c0_i32_1 = arith.constant 0 : i32
    return %c0_i32, %c0_i32_0 : i32, i32
  }
  func.func @transform_4(%arg0: i32) -> (i32, i32) {
    %c0_i32 = arith.constant 0 : i32
    %c0_i32_0 = arith.constant 0 : i32
    %c0_i32_1 = arith.constant 0 : i32
    return %c0_i32, %c0_i32_0 : i32, i32
  }
  func.func @transform_5(%arg0: i32) -> (i32, i32) {
    %c0_i32 = arith.constant 0 : i32
    %c0_i32_0 = arith.constant 0 : i32
    %c0_i32_1 = arith.constant 0 : i32
    return %c0_i32, %c0_i32_0 : i32, i32
  }
  func.func @transform_6(%arg0: i32) -> (i32, i32) {
    %c0_i32 = arith.constant 0 : i32
    %c0_i32_0 = arith.constant 0 : i32
    %c0_i32_1 = arith.constant 0 : i32
    return %c0_i32, %c0_i32_0 : i32, i32
  }
  func.func @transform_7(%arg0: i32) -> (i32, i32) {
    %c0_i32 = arith.constant 0 : i32
    %c0_i32_0 = arith.constant 0 : i32
    %c0_i32_1 = arith.constant 0 : i32
    return %c0_i32, %c0_i32_0 : i32, i32
  }
  func.func @transform_8(%arg0: i32) -> (i32, i32) {
    %add3A = arith.constant 20 : i32
    %add3A_0 = arith.addi %arg0, %add3A : i32
    %c0_i32 = arith.constant 0 : i32
    %c0_i32_1 = arith.constant 0 : i32
    return %add3A_0, %c0_i32 : i32, i32
  }
}

module attributes {stable_mosaic.version = 14 : i64} {
  func.func @edge_alias_body(%arg0: i32, %arg1: memref<320000x128xf32, #tpu.memory_space<any>>, %arg2: memref<16x3200xf32, #tpu.memory_space<vmem>>, %arg3: memref<3200x64xi32, #tpu.memory_space<vmem>>, %arg4: memref<16x128xf32, #tpu.memory_space<vmem>>, %arg5: memref<128x128xbf16, #tpu.memory_space<vmem>>, %arg6: memref<1x128xf32, #tpu.memory_space<vmem>>, %arg7: memref<1x128xf32, #tpu.memory_space<vmem>>, %arg8: memref<1x128xf32, #tpu.memory_space<vmem>>, %arg9: memref<3200x128xf32, #tpu.memory_space<vmem>>) attributes {dimension_semantics = [#tpu.dimension_semantics<arbitrary>], iteration_bounds = array<i64: 20>, scalar_prefetch = 0 : i64, scratch_operands = 0 : i64, tpu.core_type = #tpu.core_type<tc>, window_params = [{}, {transform_indices = @transform_1, window_bounds = array<i64: 16, 3200>}, {transform_indices = @transform_2, window_bounds = array<i64: 3200, 64>}, {pipeline_mode = #tpu.pipeline_mode<synchronous>, transform_indices = @transform_3, window_bounds = array<i64: 16, 128>}, {pipeline_mode = #tpu.pipeline_mode<synchronous>, transform_indices = @transform_4, window_bounds = array<i64: 128, 128>}, {pipeline_mode = #tpu.pipeline_mode<synchronous>, transform_indices = @transform_5, window_bounds = array<i64: 1, 128>}, {pipeline_mode = #tpu.pipeline_mode<synchronous>, transform_indices = @transform_6, window_bounds = array<i64: 1, 128>}, {pipeline_mode = #tpu.pipeline_mode<synchronous>, transform_indices = @transform_7, window_bounds = array<i64: 1, 128>}, {transform_indices = @transform_8, window_bounds = array<i64: 3200, 128>}]} {
    %get3A = arith.constant 0 : index
    %get3A_0 = arith.constant 0 : index
    %get3A_1 = vector.load %arg3[%get3A, %get3A_0] : memref<3200x64xi32, #tpu.memory_space<vmem>>, vector<3200x64xi32>
    %shift_left3A = arith.constant 16 : i32
    %shift_left3A_2 = vector.broadcast %shift_left3A : i32 to vector<3200x64xi32>
    %shift_left3A_3 = arith.shli %get3A_1, %shift_left3A_2 : vector<3200x64xi32>
    %bitcast_convert_type3A = tpu.bitcast %shift_left3A_3 : vector<3200x64xi32> -> vector<3200x64xf32>
    %and3A = arith.constant -65536 : i32
    %and3A_4 = vector.broadcast %and3A : i32 to vector<3200x64xi32>
    %and3A_5 = arith.andi %get3A_1, %and3A_4 : vector<3200x64xi32>
    %bitcast_convert_type3A_6 = tpu.bitcast %and3A_5 : vector<3200x64xi32> -> vector<3200x64xf32>
    %concatenate3A = tpu.concatenate %bitcast_convert_type3A, %bitcast_convert_type3A_6 in 1 : vector<3200x64xf32>, vector<3200x64xf32> -> vector<3200x128xf32>
    %get3A_7 = arith.constant 0 : index
    %get3A_8 = arith.constant 0 : index
    %get3A_9 = vector.load %arg2[%get3A_7, %get3A_8] : memref<16x3200xf32, #tpu.memory_space<vmem>>, vector<16x3200xf32>
    %get3A_10 = arith.constant 0 : index
    %get3A_11 = arith.constant 0 : index
    %get3A_12 = vector.load %arg4[%get3A_10, %get3A_11] : memref<16x128xf32, #tpu.memory_space<vmem>>, vector<16x128xf32>
    %dot_general3A = arith.constant dense<0.000000e+00> : vector<3200x128xf32>
    %dot_general3A_13 = tpu.matmul %get3A_9, %get3A_12, %dot_general3A {dimension_numbers = #tpu.dot_dimension_numbers<[0], [0], [1], [1], [0, 1, 1, 1], [], []>, transpose_lhs_hint = false} : vector<16x3200xf32>, vector<16x128xf32>, vector<3200x128xf32> -> vector<3200x128xf32>
    %add3A = arith.addf %dot_general3A_13, %concatenate3A : vector<3200x128xf32>
    %logistic3A = arith.negf %add3A : vector<3200x128xf32>
    %logistic3A_14 = math.exp %logistic3A : vector<3200x128xf32>
    %logistic3A_15 = arith.constant 1.000000e+00 : f32
    %logistic3A_16 = vector.broadcast %logistic3A_15 : f32 to vector<3200x128xf32>
    %logistic3A_17 = arith.addf %logistic3A_16, %logistic3A_14 : vector<3200x128xf32>
    %logistic3A_18 = arith.divf %logistic3A_16, %logistic3A_17 : vector<3200x128xf32>
    %mul3A = arith.mulf %add3A, %logistic3A_18 : vector<3200x128xf32>
    %convert_element_type3A = arith.truncf %mul3A : vector<3200x128xf32> to vector<3200x128xbf16>
    %get3A_19 = arith.constant 0 : index
    %get3A_20 = arith.constant 0 : index
    %get3A_21 = vector.load %arg5[%get3A_19, %get3A_20] : memref<128x128xbf16, #tpu.memory_space<vmem>>, vector<128x128xbf16>
    %dot_general3A_22 = arith.constant dense<0.000000e+00> : vector<3200x128xf32>
    %dot_general3A_23 = tpu.matmul %convert_element_type3A, %get3A_21, %dot_general3A_22 {dimension_numbers = #tpu.dot_dimension_numbers<[1], [0], [0], [1], [0, 0, 1, 1], [], []>, transpose_lhs_hint = false} : vector<3200x128xbf16>, vector<128x128xbf16>, vector<3200x128xf32> -> vector<3200x128xf32>
    %get3A_24 = arith.constant 0 : index
    %get3A_25 = arith.constant 0 : index
    %get3A_26 = vector.load %arg6[%get3A_24, %get3A_25] : memref<1x128xf32, #tpu.memory_space<vmem>>, vector<1x128xf32>
    %add3A_27 = vector.broadcast %get3A_26 : vector<1x128xf32> to vector<3200x128xf32>
    %add3A_28 = arith.addf %dot_general3A_23, %add3A_27 : vector<3200x128xf32>
    %reduce_sum3A = arith.constant dense<0.000000e+00> : vector<3200xf32>
    %reduce_sum3A_29 = vector.multi_reduction <add>, %add3A_28, %reduce_sum3A [1] : vector<3200x128xf32> to vector<3200xf32>
    %broadcast_in_dim3A = vector.shape_cast %reduce_sum3A_29 : vector<3200xf32> to vector<3200x1xf32>
    %div3A = arith.constant 1.280000e+02 : f32
    %div3A_30 = vector.broadcast %div3A : f32 to vector<3200x1xf32>
    %div3A_31 = arith.divf %broadcast_in_dim3A, %div3A_30 : vector<3200x1xf32>
    %sub3A = vector.broadcast %div3A_31 : vector<3200x1xf32> to vector<3200x128xf32>
    %sub3A_32 = arith.subf %add3A_28, %sub3A : vector<3200x128xf32>
    %integer_pow3A = arith.mulf %sub3A_32, %sub3A_32 : vector<3200x128xf32>
    %reduce_sum3A_33 = arith.constant dense<0.000000e+00> : vector<3200xf32>
    %reduce_sum3A_34 = vector.multi_reduction <add>, %integer_pow3A, %reduce_sum3A_33 [1] : vector<3200x128xf32> to vector<3200xf32>
    %broadcast_in_dim3A_35 = vector.shape_cast %reduce_sum3A_34 : vector<3200xf32> to vector<3200x1xf32>
    %div3A_36 = arith.constant 1.280000e+02 : f32
    %div3A_37 = vector.broadcast %div3A_36 : f32 to vector<3200x1xf32>
    %div3A_38 = arith.divf %broadcast_in_dim3A_35, %div3A_37 : vector<3200x1xf32>
    %sub3A_39 = vector.broadcast %div3A_31 : vector<3200x1xf32> to vector<3200x128xf32>
    %sub3A_40 = arith.subf %add3A_28, %sub3A_39 : vector<3200x128xf32>
    %add3A_41 = arith.constant 9.99999974E-6 : f32
    %add3A_42 = vector.broadcast %add3A_41 : f32 to vector<3200x1xf32>
    %add3A_43 = arith.addf %div3A_38, %add3A_42 : vector<3200x1xf32>
    %rsqrt3A = math.rsqrt %add3A_43 : vector<3200x1xf32>
    %mul3A_44 = vector.broadcast %rsqrt3A : vector<3200x1xf32> to vector<3200x128xf32>
    %mul3A_45 = arith.mulf %sub3A_40, %mul3A_44 : vector<3200x128xf32>
    %get3A_46 = arith.constant 0 : index
    %get3A_47 = arith.constant 0 : index
    %get3A_48 = vector.load %arg7[%get3A_46, %get3A_47] : memref<1x128xf32, #tpu.memory_space<vmem>>, vector<1x128xf32>
    %mul3A_49 = vector.broadcast %get3A_48 : vector<1x128xf32> to vector<3200x128xf32>
    %mul3A_50 = arith.mulf %mul3A_45, %mul3A_49 : vector<3200x128xf32>
    %get3A_51 = arith.constant 0 : index
    %get3A_52 = arith.constant 0 : index
    %get3A_53 = vector.load %arg8[%get3A_51, %get3A_52] : memref<1x128xf32, #tpu.memory_space<vmem>>, vector<1x128xf32>
    %add3A_54 = vector.broadcast %get3A_53 : vector<1x128xf32> to vector<3200x128xf32>
    %add3A_55 = arith.addf %mul3A_50, %add3A_54 : vector<3200x128xf32>
    %swap3A = arith.constant 0 : index
    %swap3A_56 = arith.constant 0 : index
    %swap3A_57 = vector.load %arg9[%swap3A, %swap3A_56] : memref<3200x128xf32, #tpu.memory_space<vmem>>, vector<3200x128xf32>
    tpu.vector_store %arg9[%swap3A, %swap3A_56], %add3A_55 {strides = array<i32>} : memref<3200x128xf32, #tpu.memory_space<vmem>>, vector<3200x128xf32>,
    return
  }
  func.func @transform_1(%arg0: i32) -> (i32, i32) {
    %add3A = arith.constant 40 : i32
    %add3A_0 = arith.addi %arg0, %add3A : i32
    %c0_i32 = arith.constant 0 : i32
    %c0_i32_1 = arith.constant 0 : i32
    return %c0_i32, %add3A_0 : i32, i32
  }
  func.func @transform_2(%arg0: i32) -> (i32, i32) {
    %c0_i32 = arith.constant 0 : i32
    %c0_i32_0 = arith.constant 0 : i32
    return %arg0, %c0_i32 : i32, i32
  }
  func.func @transform_3(%arg0: i32) -> (i32, i32) {
    %c0_i32 = arith.constant 0 : i32
    %c0_i32_0 = arith.constant 0 : i32
    %c0_i32_1 = arith.constant 0 : i32
    return %c0_i32, %c0_i32_0 : i32, i32
  }
  func.func @transform_4(%arg0: i32) -> (i32, i32) {
    %c0_i32 = arith.constant 0 : i32
    %c0_i32_0 = arith.constant 0 : i32
    %c0_i32_1 = arith.constant 0 : i32
    return %c0_i32, %c0_i32_0 : i32, i32
  }
  func.func @transform_5(%arg0: i32) -> (i32, i32) {
    %c0_i32 = arith.constant 0 : i32
    %c0_i32_0 = arith.constant 0 : i32
    %c0_i32_1 = arith.constant 0 : i32
    return %c0_i32, %c0_i32_0 : i32, i32
  }
  func.func @transform_6(%arg0: i32) -> (i32, i32) {
    %c0_i32 = arith.constant 0 : i32
    %c0_i32_0 = arith.constant 0 : i32
    %c0_i32_1 = arith.constant 0 : i32
    return %c0_i32, %c0_i32_0 : i32, i32
  }
  func.func @transform_7(%arg0: i32) -> (i32, i32) {
    %c0_i32 = arith.constant 0 : i32
    %c0_i32_0 = arith.constant 0 : i32
    %c0_i32_1 = arith.constant 0 : i32
    return %c0_i32, %c0_i32_0 : i32, i32
  }
  func.func @transform_8(%arg0: i32) -> (i32, i32) {
    %add3A = arith.constant 40 : i32
    %add3A_0 = arith.addi %arg0, %add3A : i32
    %c0_i32 = arith.constant 0 : i32
    %c0_i32_1 = arith.constant 0 : i32
    return %add3A_0, %c0_i32 : i32, i32
  }
}

module attributes {stable_mosaic.version = 14 : i64} {
  func.func @edge_alias_body(%arg0: i32, %arg1: memref<320000x128xf32, #tpu.memory_space<any>>, %arg2: memref<16x3200xf32, #tpu.memory_space<vmem>>, %arg3: memref<3200x64xi32, #tpu.memory_space<vmem>>, %arg4: memref<16x128xf32, #tpu.memory_space<vmem>>, %arg5: memref<128x128xbf16, #tpu.memory_space<vmem>>, %arg6: memref<1x128xf32, #tpu.memory_space<vmem>>, %arg7: memref<1x128xf32, #tpu.memory_space<vmem>>, %arg8: memref<1x128xf32, #tpu.memory_space<vmem>>, %arg9: memref<3200x128xf32, #tpu.memory_space<vmem>>) attributes {dimension_semantics = [#tpu.dimension_semantics<arbitrary>], iteration_bounds = array<i64: 20>, scalar_prefetch = 0 : i64, scratch_operands = 0 : i64, tpu.core_type = #tpu.core_type<tc>, window_params = [{}, {transform_indices = @transform_1, window_bounds = array<i64: 16, 3200>}, {transform_indices = @transform_2, window_bounds = array<i64: 3200, 64>}, {pipeline_mode = #tpu.pipeline_mode<synchronous>, transform_indices = @transform_3, window_bounds = array<i64: 16, 128>}, {pipeline_mode = #tpu.pipeline_mode<synchronous>, transform_indices = @transform_4, window_bounds = array<i64: 128, 128>}, {pipeline_mode = #tpu.pipeline_mode<synchronous>, transform_indices = @transform_5, window_bounds = array<i64: 1, 128>}, {pipeline_mode = #tpu.pipeline_mode<synchronous>, transform_indices = @transform_6, window_bounds = array<i64: 1, 128>}, {pipeline_mode = #tpu.pipeline_mode<synchronous>, transform_indices = @transform_7, window_bounds = array<i64: 1, 128>}, {transform_indices = @transform_8, window_bounds = array<i64: 3200, 128>}]} {
    %get3A = arith.constant 0 : index
    %get3A_0 = arith.constant 0 : index
    %get3A_1 = vector.load %arg3[%get3A, %get3A_0] : memref<3200x64xi32, #tpu.memory_space<vmem>>, vector<3200x64xi32>
    %shift_left3A = arith.constant 16 : i32
    %shift_left3A_2 = vector.broadcast %shift_left3A : i32 to vector<3200x64xi32>
    %shift_left3A_3 = arith.shli %get3A_1, %shift_left3A_2 : vector<3200x64xi32>
    %bitcast_convert_type3A = tpu.bitcast %shift_left3A_3 : vector<3200x64xi32> -> vector<3200x64xf32>
    %and3A = arith.constant -65536 : i32
    %and3A_4 = vector.broadcast %and3A : i32 to vector<3200x64xi32>
    %and3A_5 = arith.andi %get3A_1, %and3A_4 : vector<3200x64xi32>
    %bitcast_convert_type3A_6 = tpu.bitcast %and3A_5 : vector<3200x64xi32> -> vector<3200x64xf32>
    %concatenate3A = tpu.concatenate %bitcast_convert_type3A, %bitcast_convert_type3A_6 in 1 : vector<3200x64xf32>, vector<3200x64xf32> -> vector<3200x128xf32>
    %get3A_7 = arith.constant 0 : index
    %get3A_8 = arith.constant 0 : index
    %get3A_9 = vector.load %arg2[%get3A_7, %get3A_8] : memref<16x3200xf32, #tpu.memory_space<vmem>>, vector<16x3200xf32>
    %get3A_10 = arith.constant 0 : index
    %get3A_11 = arith.constant 0 : index
    %get3A_12 = vector.load %arg4[%get3A_10, %get3A_11] : memref<16x128xf32, #tpu.memory_space<vmem>>, vector<16x128xf32>
    %dot_general3A = arith.constant dense<0.000000e+00> : vector<3200x128xf32>
    %dot_general3A_13 = tpu.matmul %get3A_9, %get3A_12, %dot_general3A {dimension_numbers = #tpu.dot_dimension_numbers<[0], [0], [1], [1], [0, 1, 1, 1], [], []>, transpose_lhs_hint = false} : vector<16x3200xf32>, vector<16x128xf32>, vector<3200x128xf32> -> vector<3200x128xf32>
    %add3A = arith.addf %dot_general3A_13, %concatenate3A : vector<3200x128xf32>
    %logistic3A = arith.negf %add3A : vector<3200x128xf32>
    %logistic3A_14 = math.exp %logistic3A : vector<3200x128xf32>
    %logistic3A_15 = arith.constant 1.000000e+00 : f32
    %logistic3A_16 = vector.broadcast %logistic3A_15 : f32 to vector<3200x128xf32>
    %logistic3A_17 = arith.addf %logistic3A_16, %logistic3A_14 : vector<3200x128xf32>
    %logistic3A_18 = arith.divf %logistic3A_16, %logistic3A_17 : vector<3200x128xf32>
    %mul3A = arith.mulf %add3A, %logistic3A_18 : vector<3200x128xf32>
    %convert_element_type3A = arith.truncf %mul3A : vector<3200x128xf32> to vector<3200x128xbf16>
    %get3A_19 = arith.constant 0 : index
    %get3A_20 = arith.constant 0 : index
    %get3A_21 = vector.load %arg5[%get3A_19, %get3A_20] : memref<128x128xbf16, #tpu.memory_space<vmem>>, vector<128x128xbf16>
    %dot_general3A_22 = arith.constant dense<0.000000e+00> : vector<3200x128xf32>
    %dot_general3A_23 = tpu.matmul %convert_element_type3A, %get3A_21, %dot_general3A_22 {dimension_numbers = #tpu.dot_dimension_numbers<[1], [0], [0], [1], [0, 0, 1, 1], [], []>, transpose_lhs_hint = false} : vector<3200x128xbf16>, vector<128x128xbf16>, vector<3200x128xf32> -> vector<3200x128xf32>
    %get3A_24 = arith.constant 0 : index
    %get3A_25 = arith.constant 0 : index
    %get3A_26 = vector.load %arg6[%get3A_24, %get3A_25] : memref<1x128xf32, #tpu.memory_space<vmem>>, vector<1x128xf32>
    %add3A_27 = vector.broadcast %get3A_26 : vector<1x128xf32> to vector<3200x128xf32>
    %add3A_28 = arith.addf %dot_general3A_23, %add3A_27 : vector<3200x128xf32>
    %reduce_sum3A = arith.constant dense<0.000000e+00> : vector<3200xf32>
    %reduce_sum3A_29 = vector.multi_reduction <add>, %add3A_28, %reduce_sum3A [1] : vector<3200x128xf32> to vector<3200xf32>
    %broadcast_in_dim3A = vector.shape_cast %reduce_sum3A_29 : vector<3200xf32> to vector<3200x1xf32>
    %div3A = arith.constant 1.280000e+02 : f32
    %div3A_30 = vector.broadcast %div3A : f32 to vector<3200x1xf32>
    %div3A_31 = arith.divf %broadcast_in_dim3A, %div3A_30 : vector<3200x1xf32>
    %sub3A = vector.broadcast %div3A_31 : vector<3200x1xf32> to vector<3200x128xf32>
    %sub3A_32 = arith.subf %add3A_28, %sub3A : vector<3200x128xf32>
    %integer_pow3A = arith.mulf %sub3A_32, %sub3A_32 : vector<3200x128xf32>
    %reduce_sum3A_33 = arith.constant dense<0.000000e+00> : vector<3200xf32>
    %reduce_sum3A_34 = vector.multi_reduction <add>, %integer_pow3A, %reduce_sum3A_33 [1] : vector<3200x128xf32> to vector<3200xf32>
    %broadcast_in_dim3A_35 = vector.shape_cast %reduce_sum3A_34 : vector<3200xf32> to vector<3200x1xf32>
    %div3A_36 = arith.constant 1.280000e+02 : f32
    %div3A_37 = vector.broadcast %div3A_36 : f32 to vector<3200x1xf32>
    %div3A_38 = arith.divf %broadcast_in_dim3A_35, %div3A_37 : vector<3200x1xf32>
    %sub3A_39 = vector.broadcast %div3A_31 : vector<3200x1xf32> to vector<3200x128xf32>
    %sub3A_40 = arith.subf %add3A_28, %sub3A_39 : vector<3200x128xf32>
    %add3A_41 = arith.constant 9.99999974E-6 : f32
    %add3A_42 = vector.broadcast %add3A_41 : f32 to vector<3200x1xf32>
    %add3A_43 = arith.addf %div3A_38, %add3A_42 : vector<3200x1xf32>
    %rsqrt3A = math.rsqrt %add3A_43 : vector<3200x1xf32>
    %mul3A_44 = vector.broadcast %rsqrt3A : vector<3200x1xf32> to vector<3200x128xf32>
    %mul3A_45 = arith.mulf %sub3A_40, %mul3A_44 : vector<3200x128xf32>
    %get3A_46 = arith.constant 0 : index
    %get3A_47 = arith.constant 0 : index
    %get3A_48 = vector.load %arg7[%get3A_46, %get3A_47] : memref<1x128xf32, #tpu.memory_space<vmem>>, vector<1x128xf32>
    %mul3A_49 = vector.broadcast %get3A_48 : vector<1x128xf32> to vector<3200x128xf32>
    %mul3A_50 = arith.mulf %mul3A_45, %mul3A_49 : vector<3200x128xf32>
    %get3A_51 = arith.constant 0 : index
    %get3A_52 = arith.constant 0 : index
    %get3A_53 = vector.load %arg8[%get3A_51, %get3A_52] : memref<1x128xf32, #tpu.memory_space<vmem>>, vector<1x128xf32>
    %add3A_54 = vector.broadcast %get3A_53 : vector<1x128xf32> to vector<3200x128xf32>
    %add3A_55 = arith.addf %mul3A_50, %add3A_54 : vector<3200x128xf32>
    %swap3A = arith.constant 0 : index
    %swap3A_56 = arith.constant 0 : index
    %swap3A_57 = vector.load %arg9[%swap3A, %swap3A_56] : memref<3200x128xf32, #tpu.memory_space<vmem>>, vector<3200x128xf32>
    tpu.vector_store %arg9[%swap3A, %swap3A_56], %add3A_55 {strides = array<i32>} : memref<3200x128xf32, #tpu.memory_space<vmem>>, vector<3200x128xf32>,
    return
  }
  func.func @transform_1(%arg0: i32) -> (i32, i32) {
    %add3A = arith.constant 60 : i32
    %add3A_0 = arith.addi %arg0, %add3A : i32
    %c0_i32 = arith.constant 0 : i32
    %c0_i32_1 = arith.constant 0 : i32
    return %c0_i32, %add3A_0 : i32, i32
  }
  func.func @transform_2(%arg0: i32) -> (i32, i32) {
    %c0_i32 = arith.constant 0 : i32
    %c0_i32_0 = arith.constant 0 : i32
    return %arg0, %c0_i32 : i32, i32
  }
  func.func @transform_3(%arg0: i32) -> (i32, i32) {
    %c0_i32 = arith.constant 0 : i32
    %c0_i32_0 = arith.constant 0 : i32
    %c0_i32_1 = arith.constant 0 : i32
    return %c0_i32, %c0_i32_0 : i32, i32
  }
  func.func @transform_4(%arg0: i32) -> (i32, i32) {
    %c0_i32 = arith.constant 0 : i32
    %c0_i32_0 = arith.constant 0 : i32
    %c0_i32_1 = arith.constant 0 : i32
    return %c0_i32, %c0_i32_0 : i32, i32
  }
  func.func @transform_5(%arg0: i32) -> (i32, i32) {
    %c0_i32 = arith.constant 0 : i32
    %c0_i32_0 = arith.constant 0 : i32
    %c0_i32_1 = arith.constant 0 : i32
    return %c0_i32, %c0_i32_0 : i32, i32
  }
  func.func @transform_6(%arg0: i32) -> (i32, i32) {
    %c0_i32 = arith.constant 0 : i32
    %c0_i32_0 = arith.constant 0 : i32
    %c0_i32_1 = arith.constant 0 : i32
    return %c0_i32, %c0_i32_0 : i32, i32
  }
  func.func @transform_7(%arg0: i32) -> (i32, i32) {
    %c0_i32 = arith.constant 0 : i32
    %c0_i32_0 = arith.constant 0 : i32
    %c0_i32_1 = arith.constant 0 : i32
    return %c0_i32, %c0_i32_0 : i32, i32
  }
  func.func @transform_8(%arg0: i32) -> (i32, i32) {
    %add3A = arith.constant 60 : i32
    %add3A_0 = arith.addi %arg0, %add3A : i32
    %c0_i32 = arith.constant 0 : i32
    %c0_i32_1 = arith.constant 0 : i32
    return %add3A_0, %c0_i32 : i32, i32
  }
}

module attributes {stable_mosaic.version = 14 : i64} {
  func.func @edge_alias_body(%arg0: i32, %arg1: memref<320000x128xf32, #tpu.memory_space<any>>, %arg2: memref<16x3200xf32, #tpu.memory_space<vmem>>, %arg3: memref<3200x64xi32, #tpu.memory_space<vmem>>, %arg4: memref<16x128xf32, #tpu.memory_space<vmem>>, %arg5: memref<128x128xbf16, #tpu.memory_space<vmem>>, %arg6: memref<1x128xf32, #tpu.memory_space<vmem>>, %arg7: memref<1x128xf32, #tpu.memory_space<vmem>>, %arg8: memref<1x128xf32, #tpu.memory_space<vmem>>, %arg9: memref<3200x128xf32, #tpu.memory_space<vmem>>) attributes {dimension_semantics = [#tpu.dimension_semantics<arbitrary>], iteration_bounds = array<i64: 20>, scalar_prefetch = 0 : i64, scratch_operands = 0 : i64, tpu.core_type = #tpu.core_type<tc>, window_params = [{}, {transform_indices = @transform_1, window_bounds = array<i64: 16, 3200>}, {transform_indices = @transform_2, window_bounds = array<i64: 3200, 64>}, {pipeline_mode = #tpu.pipeline_mode<synchronous>, transform_indices = @transform_3, window_bounds = array<i64: 16, 128>}, {pipeline_mode = #tpu.pipeline_mode<synchronous>, transform_indices = @transform_4, window_bounds = array<i64: 128, 128>}, {pipeline_mode = #tpu.pipeline_mode<synchronous>, transform_indices = @transform_5, window_bounds = array<i64: 1, 128>}, {pipeline_mode = #tpu.pipeline_mode<synchronous>, transform_indices = @transform_6, window_bounds = array<i64: 1, 128>}, {pipeline_mode = #tpu.pipeline_mode<synchronous>, transform_indices = @transform_7, window_bounds = array<i64: 1, 128>}, {transform_indices = @transform_8, window_bounds = array<i64: 3200, 128>}]} {
    %get3A = arith.constant 0 : index
    %get3A_0 = arith.constant 0 : index
    %get3A_1 = vector.load %arg3[%get3A, %get3A_0] : memref<3200x64xi32, #tpu.memory_space<vmem>>, vector<3200x64xi32>
    %shift_left3A = arith.constant 16 : i32
    %shift_left3A_2 = vector.broadcast %shift_left3A : i32 to vector<3200x64xi32>
    %shift_left3A_3 = arith.shli %get3A_1, %shift_left3A_2 : vector<3200x64xi32>
    %bitcast_convert_type3A = tpu.bitcast %shift_left3A_3 : vector<3200x64xi32> -> vector<3200x64xf32>
    %and3A = arith.constant -65536 : i32
    %and3A_4 = vector.broadcast %and3A : i32 to vector<3200x64xi32>
    %and3A_5 = arith.andi %get3A_1, %and3A_4 : vector<3200x64xi32>
    %bitcast_convert_type3A_6 = tpu.bitcast %and3A_5 : vector<3200x64xi32> -> vector<3200x64xf32>
    %concatenate3A = tpu.concatenate %bitcast_convert_type3A, %bitcast_convert_type3A_6 in 1 : vector<3200x64xf32>, vector<3200x64xf32> -> vector<3200x128xf32>
    %get3A_7 = arith.constant 0 : index
    %get3A_8 = arith.constant 0 : index
    %get3A_9 = vector.load %arg2[%get3A_7, %get3A_8] : memref<16x3200xf32, #tpu.memory_space<vmem>>, vector<16x3200xf32>
    %get3A_10 = arith.constant 0 : index
    %get3A_11 = arith.constant 0 : index
    %get3A_12 = vector.load %arg4[%get3A_10, %get3A_11] : memref<16x128xf32, #tpu.memory_space<vmem>>, vector<16x128xf32>
    %dot_general3A = arith.constant dense<0.000000e+00> : vector<3200x128xf32>
    %dot_general3A_13 = tpu.matmul %get3A_9, %get3A_12, %dot_general3A {dimension_numbers = #tpu.dot_dimension_numbers<[0], [0], [1], [1], [0, 1, 1, 1], [], []>, transpose_lhs_hint = false} : vector<16x3200xf32>, vector<16x128xf32>, vector<3200x128xf32> -> vector<3200x128xf32>
    %add3A = arith.addf %dot_general3A_13, %concatenate3A : vector<3200x128xf32>
    %logistic3A = arith.negf %add3A : vector<3200x128xf32>
    %logistic3A_14 = math.exp %logistic3A : vector<3200x128xf32>
    %logistic3A_15 = arith.constant 1.000000e+00 : f32
    %logistic3A_16 = vector.broadcast %logistic3A_15 : f32 to vector<3200x128xf32>
    %logistic3A_17 = arith.addf %logistic3A_16, %logistic3A_14 : vector<3200x128xf32>
    %logistic3A_18 = arith.divf %logistic3A_16, %logistic3A_17 : vector<3200x128xf32>
    %mul3A = arith.mulf %add3A, %logistic3A_18 : vector<3200x128xf32>
    %convert_element_type3A = arith.truncf %mul3A : vector<3200x128xf32> to vector<3200x128xbf16>
    %get3A_19 = arith.constant 0 : index
    %get3A_20 = arith.constant 0 : index
    %get3A_21 = vector.load %arg5[%get3A_19, %get3A_20] : memref<128x128xbf16, #tpu.memory_space<vmem>>, vector<128x128xbf16>
    %dot_general3A_22 = arith.constant dense<0.000000e+00> : vector<3200x128xf32>
    %dot_general3A_23 = tpu.matmul %convert_element_type3A, %get3A_21, %dot_general3A_22 {dimension_numbers = #tpu.dot_dimension_numbers<[1], [0], [0], [1], [0, 0, 1, 1], [], []>, transpose_lhs_hint = false} : vector<3200x128xbf16>, vector<128x128xbf16>, vector<3200x128xf32> -> vector<3200x128xf32>
    %get3A_24 = arith.constant 0 : index
    %get3A_25 = arith.constant 0 : index
    %get3A_26 = vector.load %arg6[%get3A_24, %get3A_25] : memref<1x128xf32, #tpu.memory_space<vmem>>, vector<1x128xf32>
    %add3A_27 = vector.broadcast %get3A_26 : vector<1x128xf32> to vector<3200x128xf32>
    %add3A_28 = arith.addf %dot_general3A_23, %add3A_27 : vector<3200x128xf32>
    %reduce_sum3A = arith.constant dense<0.000000e+00> : vector<3200xf32>
    %reduce_sum3A_29 = vector.multi_reduction <add>, %add3A_28, %reduce_sum3A [1] : vector<3200x128xf32> to vector<3200xf32>
    %broadcast_in_dim3A = vector.shape_cast %reduce_sum3A_29 : vector<3200xf32> to vector<3200x1xf32>
    %div3A = arith.constant 1.280000e+02 : f32
    %div3A_30 = vector.broadcast %div3A : f32 to vector<3200x1xf32>
    %div3A_31 = arith.divf %broadcast_in_dim3A, %div3A_30 : vector<3200x1xf32>
    %sub3A = vector.broadcast %div3A_31 : vector<3200x1xf32> to vector<3200x128xf32>
    %sub3A_32 = arith.subf %add3A_28, %sub3A : vector<3200x128xf32>
    %integer_pow3A = arith.mulf %sub3A_32, %sub3A_32 : vector<3200x128xf32>
    %reduce_sum3A_33 = arith.constant dense<0.000000e+00> : vector<3200xf32>
    %reduce_sum3A_34 = vector.multi_reduction <add>, %integer_pow3A, %reduce_sum3A_33 [1] : vector<3200x128xf32> to vector<3200xf32>
    %broadcast_in_dim3A_35 = vector.shape_cast %reduce_sum3A_34 : vector<3200xf32> to vector<3200x1xf32>
    %div3A_36 = arith.constant 1.280000e+02 : f32
    %div3A_37 = vector.broadcast %div3A_36 : f32 to vector<3200x1xf32>
    %div3A_38 = arith.divf %broadcast_in_dim3A_35, %div3A_37 : vector<3200x1xf32>
    %sub3A_39 = vector.broadcast %div3A_31 : vector<3200x1xf32> to vector<3200x128xf32>
    %sub3A_40 = arith.subf %add3A_28, %sub3A_39 : vector<3200x128xf32>
    %add3A_41 = arith.constant 9.99999974E-6 : f32
    %add3A_42 = vector.broadcast %add3A_41 : f32 to vector<3200x1xf32>
    %add3A_43 = arith.addf %div3A_38, %add3A_42 : vector<3200x1xf32>
    %rsqrt3A = math.rsqrt %add3A_43 : vector<3200x1xf32>
    %mul3A_44 = vector.broadcast %rsqrt3A : vector<3200x1xf32> to vector<3200x128xf32>
    %mul3A_45 = arith.mulf %sub3A_40, %mul3A_44 : vector<3200x128xf32>
    %get3A_46 = arith.constant 0 : index
    %get3A_47 = arith.constant 0 : index
    %get3A_48 = vector.load %arg7[%get3A_46, %get3A_47] : memref<1x128xf32, #tpu.memory_space<vmem>>, vector<1x128xf32>
    %mul3A_49 = vector.broadcast %get3A_48 : vector<1x128xf32> to vector<3200x128xf32>
    %mul3A_50 = arith.mulf %mul3A_45, %mul3A_49 : vector<3200x128xf32>
    %get3A_51 = arith.constant 0 : index
    %get3A_52 = arith.constant 0 : index
    %get3A_53 = vector.load %arg8[%get3A_51, %get3A_52] : memref<1x128xf32, #tpu.memory_space<vmem>>, vector<1x128xf32>
    %add3A_54 = vector.broadcast %get3A_53 : vector<1x128xf32> to vector<3200x128xf32>
    %add3A_55 = arith.addf %mul3A_50, %add3A_54 : vector<3200x128xf32>
    %swap3A = arith.constant 0 : index
    %swap3A_56 = arith.constant 0 : index
    %swap3A_57 = vector.load %arg9[%swap3A, %swap3A_56] : memref<3200x128xf32, #tpu.memory_space<vmem>>, vector<3200x128xf32>
    tpu.vector_store %arg9[%swap3A, %swap3A_56], %add3A_55 {strides = array<i32>} : memref<3200x128xf32, #tpu.memory_space<vmem>>, vector<3200x128xf32>,
    return
  }
  func.func @transform_1(%arg0: i32) -> (i32, i32) {
    %add3A = arith.constant 80 : i32
    %add3A_0 = arith.addi %arg0, %add3A : i32
    %c0_i32 = arith.constant 0 : i32
    %c0_i32_1 = arith.constant 0 : i32
    return %c0_i32, %add3A_0 : i32, i32
  }
  func.func @transform_2(%arg0: i32) -> (i32, i32) {
    %c0_i32 = arith.constant 0 : i32
    %c0_i32_0 = arith.constant 0 : i32
    return %arg0, %c0_i32 : i32, i32
  }
  func.func @transform_3(%arg0: i32) -> (i32, i32) {
    %c0_i32 = arith.constant 0 : i32
    %c0_i32_0 = arith.constant 0 : i32
    %c0_i32_1 = arith.constant 0 : i32
    return %c0_i32, %c0_i32_0 : i32, i32
  }
  func.func @transform_4(%arg0: i32) -> (i32, i32) {
    %c0_i32 = arith.constant 0 : i32
    %c0_i32_0 = arith.constant 0 : i32
    %c0_i32_1 = arith.constant 0 : i32
    return %c0_i32, %c0_i32_0 : i32, i32
  }
  func.func @transform_5(%arg0: i32) -> (i32, i32) {
    %c0_i32 = arith.constant 0 : i32
    %c0_i32_0 = arith.constant 0 : i32
    %c0_i32_1 = arith.constant 0 : i32
    return %c0_i32, %c0_i32_0 : i32, i32
  }
  func.func @transform_6(%arg0: i32) -> (i32, i32) {
    %c0_i32 = arith.constant 0 : i32
    %c0_i32_0 = arith.constant 0 : i32
    %c0_i32_1 = arith.constant 0 : i32
    return %c0_i32, %c0_i32_0 : i32, i32
  }
  func.func @transform_7(%arg0: i32) -> (i32, i32) {
    %c0_i32 = arith.constant 0 : i32
    %c0_i32_0 = arith.constant 0 : i32
    %c0_i32_1 = arith.constant 0 : i32
    return %c0_i32, %c0_i32_0 : i32, i32
  }
  func.func @transform_8(%arg0: i32) -> (i32, i32) {
    %add3A = arith.constant 80 : i32
    %add3A_0 = arith.addi %arg0, %add3A : i32
    %c0_i32 = arith.constant 0 : i32
    %c0_i32_1 = arith.constant 0 : i32
    return %add3A_0, %c0_i32 : i32, i32
  }
}

</mosaic_0001>

<sc_bundles>
// kernel: kernel.13.cloned.1.call-start
scs
__scs_entry_jumppad:
0x0: {  	(pc) =	sbr.rel $0x88, $3  }
0x1: {  	(tag) =	ssettag $0x0;
	lr =	simm.s32 $0x1  }
0x2: {  	[smem:$0x3F94] =	sst lr;
	_ =	strace $0xD0000000  }
0x3: {  	_ = 	snop  }
0x4: {  	_ = 	snop  }
0x5: {  	_ = 	snop  }
0x6: {  	_ = 	snop  }
0x7: {  	_ = 	snop  }
__scs_overlays_trampoline_lowered:
0x8: {  	[smem:$0x3FA3] =	sst s0  }
0x9: {  	[smem:$0x3FA4] =	sst s1  }
0xa: {  	[smem:$0x3FA5] =	sst s2  }
0xb: {  	[smem:$0x3FA6] =	sst s3  }
0xc: {  	[smem:$0x3FA7] =	sst s4  }
0xd: {  	[smem:$0x3FA8] =	sst s5  }
0xe: {  	[smem:$0x3FA9] =	sst s6  }
0xf: {  	[smem:$0x3FAA] =	sst s7  }
0x10: {  	[smem:$0x3FAB] =	sst s8  }
0x11: {  	[smem:$0x3FAC] =	sst s9;
	s0 =	simm.s32 @!p0 $0x0  }
0x12: {  	s1 =	sld [smem:$0x3F92];
	s0 =	simm.s32 @p0 $0x1  }
0x13: {  	[smem:$0x3FAD] =	sst s0;
	s0 =	simm.s32 @!p1 $0x0  }
0x14: {  	s2 =	sld [smem:$0x3F91];
	s0 =	simm.s32 @p1 $0x1  }
0x15: {  	[smem:$0x3FAE] =	sst s0;
	s0 =	simm.s32 @!p2 $0x0  }
0x16: {  	s3 =	sld [smem:$0x3FDB];
	s0 =	simm.s32 @p2 $0x1  }
0x17: {  	s4 =	simm.s32 $0x1BF5;
	[smem:$0x3FB0] =	sst s0  }
0x18: {  	s0 =	sld [smem:$0x3F93];
	_ =	swait.ge [sflag:s4], $0x0  }
0x19: {  	s7 =	sld [smem:$0x3F94]  }
0x1a: {  	s8 =	sadd.s32 $0xFFFFE003, lr  }
0x1b: {  	s9 =	sadd.s32 $0xFFFFFEF7, lr;
	s5 =	simm.s32 $0xFFFFFFFF;
	p2 =	slt.u32 s8, $0xFFFFF086  }
0x1c: {  	p1 =	slt.u32 s9, $0xF7A;
	s5 =	simm.s32 @!p2 $0x0  }
0x1d: {  	s5 =	simm.s32 @p1 $0x1;
	p0 =	seq.s32 s7, s2  }
0x1e: {  	s7 =	smul.u32 @!p0 $0xF7A, s2;
	p2 =	seq.s32 @!p0 s5, $0x0  }
0x1f: {  	s9 =	smul.u32 $0xF7A, s1;
	s8 =	simm.s32 @!p0 $0x1BF5;
	p2 =	por !p2, p0  }
0x20: {  	[sflag:s8] =	ssyncset.s32 @!p0 $0xFFFFF086;
	s6 =	sadd.s32 @!p0 s3, s7;
	s7 =	simm.s32 @!p0 $0x108  }
0x21: {  	s3 =	sadd.s32 s3, s9;
	s6 =	sadd.s32 @!p0 $0x88, s6;
	s7 =	simm.s32 @p2 $0x1082  }
0x22: {  	[simem:s7], [sflag:s8] =	dma.local @!p0 [hbm:s6], $0xF7A  }
0x23: {  	s9 =	sor.u32 $0xD0000000, s2;
	s6 =	simm.s32 $0x108;
	_ =	swait.ge @!p0 [sflag:s8], $0x0  }
0x24: {  	s3 =	sadd.s32 $0x88, s3;
	s6 =	simm.s32 @!p1 $0x1082;
	[sflag:s4] =	ssyncset.s32 $0xFFFFF086  }
0x25: {  	[simem:s6], [sflag:s4] =	dma.local [hbm:s3], $0xF7A  }
0x26: {  	[smem:$0x3F94] =	sst s1;
	(tag) =	ssettag s2;
	_ =	strace s9  }
0x27: {  	s1 =	sld [smem:$0x3FA4]  }
0x28: {  	s2 =	sld [smem:$0x3FA5]  }
0x29: {  	s4 =	sld [smem:$0x3FA7]  }
0x2a: {  	p0 =	seq.s32 s5, $0x0;
	s5 =	sld [smem:$0x3FA8]  }
0x2b: {  	s6 =	sld [smem:$0x3FA9]  }
0x2c: {  	s7 =	sld [smem:$0x3FAA]  }
0x2d: {  	s3 =	simm.s32 $0x108;
	s8 =	sld [smem:$0x3FAB]  }
0x2e: {  	s3 =	simm.s32 @!p0 $0x1082;
	s9 =	sld [smem:$0x3FAC]  }
0x2f: {  	lr =	sadd.s32 s0, s3;
	s0 =	sld [smem:$0x3FA3]  }
0x30: {  	s3 =	sld [smem:$0x3FA6]  }
0x31: {  	[smem:$0x3FAF] =	sst s10  }
0x32: {  	s10 =	sld [smem:$0x3FAD];
	_ =	sdelay $0x3  }
0x33: {  	p0 =	seq.s32 s10, $0x1;
	s10 =	sld [smem:$0x3FAF];
	_ =	sdelay $0x3  }
0x34: {  	[smem:$0x3FAF] =	sst s10  }
0x35: {  	s10 =	sld [smem:$0x3FAE];
	_ =	sdelay $0x3  }
0x36: {  	p1 =	seq.s32 s10, $0x1;
	s10 =	sld [smem:$0x3FAF];
	_ =	sdelay $0x3  }
0x37: {  	[smem:$0x3FAF] =	sst s10  }
0x38: {  	s10 =	sld [smem:$0x3FB0]  }
0x39: {  	_ = 	snop;
	(pc) =	sbr.ind lr, $3  }
0x3a: {  	_ = 	snop  }
0x3b: {  	_ = 	snop  }
0x3c: {  	p2 =	seq.s32 s10, $0x1;
	s10 =	sld [smem:$0x3FAF]  }
0x3d: {  	_ =	shalt  }
0x3e: {  	_ =	shalt  }
0x3f: {  	_ =	shalt  }
0x40: {  	_ =	shalt  }
0x41: {  	_ =	shalt  }
0x42: {  	_ =	shalt  }
0x43: {  	_ =	shalt  }
0x44: {  	_ =	shalt  }
0x45: {  	_ =	shalt  }
0x46: {  	_ =	shalt  }
0x47: {  	_ =	shalt  }
0x48: {  	_ =	shalt  }
0x49: {  	_ =	shalt  }
0x4a: {  	_ =	shalt  }
0x4b: {  	_ =	shalt  }
0x4c: {  	_ =	shalt  }
0x4d: {  	_ =	shalt  }
0x4e: {  	_ =	shalt  }
0x4f: {  	_ =	shalt  }
0x50: {  	_ =	shalt  }
0x51: {  	_ =	shalt  }
0x52: {  	_ =	shalt  }
0x53: {  	_ =	shalt  }
0x54: {  	_ =	shalt  }
0x55: {  	_ =	shalt  }
0x56: {  	_ =	shalt  }
0x57: {  	_ =	shalt  }
0x58: {  	_ =	shalt  }
0x59: {  	_ =	shalt  }
0x5a: {  	_ =	shalt  }
0x5b: {  	_ =	shalt  }
0x5c: {  	_ =	shalt  }
0x5d: {  	_ =	shalt  }
0x5e: {  	_ =	shalt  }
0x5f: {  	_ =	shalt  }
0x60: {  	_ =	shalt  }
0x61: {  	_ =	shalt  }
0x62: {  	_ =	shalt  }
0x63: {  	_ =	shalt  }
0x64: {  	_ =	shalt  }
0x65: {  	_ =	shalt  }
0x66: {  	_ =	shalt  }
0x67: {  	_ =	shalt  }
0x68: {  	_ =	shalt  }
0x69: {  	_ =	shalt  }
0x6a: {  	_ =	shalt  }
0x6b: {  	_ =	shalt  }
0x6c: {  	_ =	shalt  }
0x6d: {  	_ =	shalt  }
0x6e: {  	_ =	shalt  }
0x6f: {  	_ =	shalt  }
0x70: {  	_ =	shalt  }
0x71: {  	_ =	shalt  }
0x72: {  	_ =	shalt  }
0x73: {  	_ =	shalt  }
0x74: {  	_ =	shalt  }
0x75: {  	_ =	shalt  }
0x76: {  	_ =	shalt  }
0x77: {  	_ =	shalt  }
0x78: {  	_ =	shalt  }
0x79: {  	_ =	shalt  }
0x7a: {  	_ =	shalt  }
0x7b: {  	_ =	shalt  }
0x7c: {  	_ =	shalt  }
0x7d: {  	_ =	shalt  }
0x7e: {  	_ =	shalt  }
0x7f: {  	_ =	shalt  }
0x80: {  	_ =	shalt  }
0x81: {  	_ =	shalt  }
0x82: {  	_ =	shalt  }
0x83: {  	_ =	shalt  }
0x84: {  	_ =	shalt  }
0x85: {  	_ =	shalt  }
0x86: {  	_ =	shalt  }
0x87: {  	_ =	shalt  }
.Lfunc_end0:
.L_simem_size_0:
called_computation_lowered:
.L_overlay_start_0:
0x88: {  	s2 =	sld [smem:$0x3FD9]  }
0x89: {  	s3 =	sld [smem:$0x3FFE];
	_ =	sdelay $0x1  }
0x8a: {  	s1 =	srdreg.scid  }
0x8b: {  	s0 =	sand.u32 $0x1, s1  }
0x8c: {  	s16 =	sshll.u32 s0, $0xA;
	s2 =	sadd.s32 s3, s2  }
0x8d: {  	s2 =	sadd.s32 s2, s16  }
0x8e: {  	[smem:$0x3FBB] =	sst s2  }
0x8f: {  	_ = 	snop  }
0x90: {  	(tm) =	ssettm $0x1  }
0x91: {  	s17 =	sld [smem:$0x3FFB];
	_ =	sdelay $0x3  }
0x92: {  	_ =	strace s17  }
0x93: {  	s2 =	sld [smem:$0x3FFC];
	_ =	sdelay $0x3  }
0x94: {  	_ =	strace s2  }
0x95: {  	s2 =	sld [smem:$0x3FFD];
	_ =	sdelay $0x3  }
0x96: {  	_ =	strace s2  }
0x97: {  	_ =	strace $0x8FFFFFFF  }
0x98: {  	s18 =	sld [smem:$0x3FDB];
	_ =	sdelay $0x1  }
0x99: {  	s19 =	simm.s32 $_scs_section_size  }
0x9a: {  	s4 =	simm.s32 $_size__tile_overlayer_lowered;
	s5 =	simm.s32 $_tile_overlayer_lowered  }
0x9b: {  	s22 =	simm.s32 $0x1BFF;
	s21 =	sshll.u32 s5, $0x1;
	s2 =	sadd.s32 s19, s18  }
0x9c: {  	s6 =	simm.s32 $0x0;
	s20 =	sshll.u32 s4, $0x1;
	s4 =	sadd.s32 s21, s2  }
0x9d: {  	[timem:s6], [sflag:s22] =	dma.local [hbm:s4], s20  }
0x9e: {  	_ =	swait.ge [sflag:s22], s20  }
0x9f: {  	s3 =	ssub.s32 $0x0, s20;
	[sflag:s22] =	ssyncset.done $0x0  }
0xa0: {  	[sflag:s22] =	ssyncadd.s32 s3;
	_ =	sdelay $0x1  }
0xa1: {  	s23 =	simm.s32 $0x1B8B  }
0xa2: {  	_ =	swait.ge [sflag:s23], $0x1  }
0xa3: {  	[sflag:s23] =	ssyncset.done $0x0  }
0xa4: {  	s25 =	simm.s32 $0x1B8E;
	s24 =	sld [smem:$0x3FFE];
	[sflag:s23] =	ssyncadd.s32 $0xFFFFFFFF  }
0xa5: {  	s26 =	simm.s32 $execute0_lowered;
	[smem:$0x3FD2] =	sst s25  }
0xa6: {  	s4 =	sshll.u32 s26, $0x1;
	_ =	strace $0x80000046;
	[dreg:$0x1] =	wrdreg $0xFFFFFFFF  }
0xa7: {  	s28 =	simm.s32 $_size_execute0_lowered;
	s2 =	sadd.s32 s2, s4;
	[dreg:$0x0] =	wrdreg $0x0  }
0xa8: {  	s4 =	sshll.u32 s28, $0x1;
	[dreg:$0x2] =	wrdreg s2  }
0xa9: {  	[dreg:$0x3] =	wrdreg s4  }
0xaa: {  	[dreg:$0x4] =	wrdreg $0xC0  }
0xab: {  	_ =	task [dreg:s6], $0x5FFFF  }
0xac: {  	[dreg:$0x1] =	wrdreg $0xFFFFFFFF  }
0xad: {  	[dreg:$0x0] =	wrdreg $0x60  }
0xae: {  	[dreg:$0x2] =	wrdreg s24  }
0xaf: {  	[dreg:$0x3] =	wrdreg $0x9  }
0xb0: {  	_ =	task.clear_ibuf [dreg:s6], $0x4FFFF;
	_ =	strace $0x90000046  }
0xb1: {  	s29 =	simm.s32 $0x9;
	_ =	strace $0x80000048  }
0xb2: {  	_ =	swait.ge [sflag:s29], $0x1  }
0xb3: {  	[sflag:s29] =	ssyncadd.s32 $0xFFFFFFFF  }
0xb4: {  	_ =	strace $0x90000048  }
0xb5: {  	_ =	sfence  }
0xb6: {  	s30 =	sld [smem:$0x0];
	_ =	sdelay $0x2  }
0xb7: {  	s31 =	sshll.u32 s1, $0xD;
	s1 =	sshrl.u32 s1, $0x2  }
0xb8: {  	s3 =	sand.u32 $0x4000, s31;
	s1 =	sadd.s32 s1, s30  }
0xb9: {  	s0 =	sor.u32 s3, s0;
	s1 =	sshll.u32 s1, $0x11  }
0xba: {  	s0 =	sor.u32 s1, s0  }
0xbb: {  	s0 =	sadd.s32 $0x8F2B, s0  }
0xbc: {  	[sflag:s0] =	ssyncadd.remote.s32 $0x1  }
0xbd: {  	_ =	sfence.sel $0xFFFF  }
0xbe: {  	[dreg:$0x0] =	wrdreg $0xFFFFFFFF;
	(pc) =	sbr.abs _section_cstart, $3  }
0xbf: {  	[dreg:$0x1] =	wrdreg $0xFFFFFFFF  }
0xc0: {  	_ =	task.clear_ibuf [dreg:s6], $0x2FFFF;
	_ =	strace $0x9FFFFFFF  }
0xc1: {  	(tm) =	ssettm $0x7FFFFFFF  }
tec
execute0_lowered:
.L_overlay_start_1:
0x0: {  	(tag) =	ssettag $0x1  }
0x1: {  	s6 =	rddreg [dreg:$0x0]  }
0x2: {  	s0 =	rddreg [dreg:$0x1];
	s3 =	srdreg.scid  }
0x3: {  	s2 =	simm.s32 $0x0;
	s1 =	stileid.u32;
	s10 =	simm.s32 $0x7  }
0x4: {  	s11 =	simm.s32 $0x800;
	s12 =	simm.s32 $0x80;
	s13 =	simm.s32 $0x1000  }
0x5: {  	s14 =	simm.s32 $0x5000;
	s15 =	simm.s32 $0x3000;
	s16 =	simm.s32 $0x7000  }
0x6: {  	s17 =	simm.s32 $0x1;
	s18 =	simm.s32 $0x2;
	s19 =	simm.s32 $0x3  }
0x7: {  	s20 =	simm.s32 $0x4;
	s21 =	simm.s32 $0x5;
	s22 =	simm.s32 $0x6  }
0x8: {  	s23 =	simm.s32 $0x0;
	s7 =	sand.u32 $0x1, s3;
	[smem:$0x7FF] =	sst s2  }
0x9: {  	s5 =	sshll.u32 s1, $0x4;
	s3 =	sadd.s32 $0x17C00, s6;
	s4 =	sshll.u32 s7, $0x8  }
0xa: {  	_ =	strace $0x80000047;
	s7 =	ssub.s32 $0x2, s7;
	s4 =	sor.u32 s5, s4  }
0xb: {  	s5 =	sadd.s32 $0x4200, s6;
	s9 =	sshrl.u32 s7, $0x1;
	s8 =	sshll.u32 s4, $0x4  }
0xc: {  	s9 =	ssub.s32 s7, s9;
	s8 =	sadd.s32 s8, s6;
	s6 =	sadd.s32 $0x3F600, s6  }
0xd: {  	s9 =	smax.u32 s9, $0x1;
	s7 =	sadd.s32 $0x2B600, s8;
	s8 =	sadd.s32 $0x2D600, s8  }
.LBB2_1:
0xe: {  	[tilespmem:s2], [sflag:$0x7] =	stream.linear.gather [hbm4b:s7+s2], $0x800, $0x38;
	[tilespmem:$0x9000] =	vst v63  }
0xf: {  	_ =	swait.ge [sflag:s10], $0x800  }
0x10: {  	[sflag:s10] =	ssyncset.done $0x0  }
0x11: {  	[sflag:s10] =	ssyncadd.s32 $0xFFFFF800  }
0x12: {  	[tilespmem:s11], [sflag:$0x7] =	stream.linear.gather [hbm4b:s8+s2], $0x800, $0x38;
	[tilespmem:$0x9000] =	vst v63  }
0x13: {  	_ =	swait.ge [sflag:s10], $0x800  }
0x14: {  	[sflag:s10] =	ssyncset.done $0x0  }
0x15: {  	[sflag:s10] =	ssyncadd.s32 $0xFFFFF800  }
0x16: {  	[tilespmem:s13], [sflag:$0x1] =	stream.indirect.gather [hbm4b:s3+s12], $0x40, s2, s12, $0xb8;
	[tilespmem:$0x9000] =	vst v63  }
0x17: {  	s24 =	simm.s32 $0x0  }
0x18: {  	[tilespmem:s14], [sflag:$0x2] =	stream.indirect.gather [hbm4b:s5+s12], $0x40, s11, s12, $0xb8;
	[tilespmem:$0x9000] =	vst v63  }
.LBB2_2:
0x19: {  	p0 =	seq.s32 s24, $0x0  }
0x1a: {  	s28 =	simm.s32 @!p0 $0x6  }
0x1b: {  	s26 =	sshll.u32 s24, $0x1;
	_ =	swait.ge @!p0 [sflag:s28], $0x2000  }
0x1c: {  	s25 =	sor.u32 $0x1, s26;
	[sflag:s28] =	ssyncset.done @!p0 $0x0  }
0x1d: {  	[sflag:s28] =	ssyncadd.s32 @!p0 $0xFFFFE000;
	s28 =	sshll.u32 s25, $0x7  }
0x1e: {  	[tilespmem:s15], [sflag:$0x3] =	stream.indirect.gather [hbm4b:s3+s12], $0x40, s28, s12, $0xb8;
	[tilespmem:$0x9000] =	vst v63  }
0x1f: {  	s28 =	sadd.s32 $0x800, s28  }
0x20: {  	[tilespmem:s16], [sflag:$0x4] =	stream.indirect.gather [hbm4b:s5+s12], $0x40, s28, s12, $0xb8;
	[tilespmem:$0x9000] =	vst v63  }
0x21: {  	_ =	swait.ge [sflag:s17], $0x2000  }
0x22: {  	[sflag:s17] =	ssyncset.done $0x0  }
0x23: {  	[sflag:s17] =	ssyncadd.s32 $0xFFFFE000  }
0x24: {  	_ =	swait.ge [sflag:s18], $0x2000  }
0x25: {  	[sflag:s18] =	ssyncset.done $0x0  }
0x26: {  	s28 =	simm.s32 $0x0;
	[sflag:s18] =	ssyncadd.s32 $0xFFFFE000  }
0x27: {  	v5 =	vld [tilespmem:s28+$0x5000]  }
0x28: {  	v6 =	vld [tilespmem:s28+$0x5010]  }
0x29: {  	v1 =	vld [tilespmem:s28+$0x5020]  }
0x2a: {  	v0 =	vld [tilespmem:s28+$0x5030]  }
0x2b: {  	v2 =	vld [tilespmem:s28+$0x1000]  }
0x2c: {  	v4 =	vld [tilespmem:s28+$0x1010]  }
0x2d: {  	s29 =	simm.s32 $0x100;
	v3 =	vld [tilespmem:s28+$0x1020]  }
.LBB2_3:
0x2e: {  	s30 =	sshra.s32 s29, $0x2;
	p0 =	sne.s32 s29, $0x7F00;
	v7 =	vld [tilespmem:s28+$0x1030];
	v8 =	vmov v1  }
0x2f: {  	v9 =	vld [tilespmem:s30+$0x5000];
	v10 =	vmov v0  }
0x30: {  	v11 =	vld [tilespmem:s30+$0x5010];
	v2 =	vadd.bf16 v5, v2  }
.Ltmp0:
0x31: {  	v1 =	vld [tilespmem:s30+$0x5020];
	v4 =	vadd.bf16 v6, v4;
	(pc) =	sbr.rel @p0 .LBB2_3-.Ltmp0, $4  }
0x32: {  	v0 =	vld [tilespmem:s30+$0x5030];
	[tilespmem:s28+$0x1000] =	vst v2;
	v3 =	vadd.bf16 v8, v3  }
0x33: {  	v2 =	vld [tilespmem:s30+$0x1000];
	[tilespmem:s28+$0x1010] =	vst v4;
	v7 =	vadd.bf16 v10, v7  }
0x34: {  	v4 =	vld [tilespmem:s30+$0x1010];
	[tilespmem:s28+$0x1020] =	vst v3;
	v5 =	vmov v9  }
0x35: {  	s29 =	sadd.s32 $0x100, s29;
	v3 =	vld [tilespmem:s30+$0x1020];
	[tilespmem:s28+$0x1030] =	vst v7;
	v6 =	vmov v11;
	s28 =	smov.u32 s30  }
0x36: {  	v7 =	vld [tilespmem:s28+$0x1030];
	_ =	sdelay $0x1  }
0x37: {  	v2 =	vadd.bf16 v5, v2  }
0x38: {  	v4 =	vadd.bf16 v6, v4  }
0x39: {  	[tilespmem:s28+$0x1000] =	vst v2;
	v1 =	vadd.bf16 v1, v3  }
0x3a: {  	s26 =	sadd.s32 s4, s26;
	[tilespmem:s28+$0x1010] =	vst v4;
	v0 =	vadd.bf16 v0, v7  }
0x3b: {  	s26 =	sshll.u32 s26, $0xA;
	[tilespmem:s28+$0x1020] =	vst v1  }
0x3c: {  	p0 =	seq.s32 s24, $0x7;
	s26 =	sadd.s32 s6, s26;
	[tilespmem:s28+$0x1030] =	vst v0  }
0x3d: {  	[hbm4b:s26+s2] =	stream.linear.scatter [tilespmem:s13], [sflag:$0x5], $0x2000, $0x38;
	[tilespmem:$0x9000] =	vst v63  }
0x3e: {  	s26 =	simm.s32 @!p0 $0x5  }
0x3f: {  	_ =	swait.ge @!p0 [sflag:s26], $0x2000  }
0x40: {  	[sflag:s26] =	ssyncset.done @!p0 $0x0  }
0x41: {  	[sflag:s26] =	ssyncadd.s32 @!p0 $0xFFFFE000;
	s26 =	sshll.u32 @!p0 s24, $0x8  }
0x42: {  	s29 =	simm.s32 @!p0 $0x80;
	s30 =	simm.s32 @!p0 $0x1000;
	s28 =	sadd.s32 @!p0 $0x100, s26  }
0x43: {  	[tilespmem:s30], [sflag:$0x1] =	stream.indirect.gather @!p0 [hbm4b:s3+s29], $0x40, s28, s29, $0xb8;
	[tilespmem:$0x9000] =	vst v63  }
0x44: {  	s26 =	sadd.s32 @!p0 $0x900, s26;
	s28 =	simm.s32 @!p0 $0x5000  }
0x45: {  	[tilespmem:s28], [sflag:$0x2] =	stream.indirect.gather @!p0 [hbm4b:s5+s29], $0x40, s26, s29, $0xb8;
	[tilespmem:$0x9000] =	vst v63  }
0x46: {  	_ =	swait.ge [sflag:s19], $0x2000  }
0x47: {  	[sflag:s19] =	ssyncset.done $0x0  }
0x48: {  	[sflag:s19] =	ssyncadd.s32 $0xFFFFE000  }
0x49: {  	_ =	swait.ge [sflag:s20], $0x2000  }
0x4a: {  	[sflag:s20] =	ssyncset.done $0x0  }
0x4b: {  	s26 =	simm.s32 $0x0;
	[sflag:s20] =	ssyncadd.s32 $0xFFFFE000  }
0x4c: {  	v5 =	vld [tilespmem:s26+$0x7000]  }
0x4d: {  	v6 =	vld [tilespmem:s26+$0x7010]  }
0x4e: {  	v1 =	vld [tilespmem:s26+$0x7020]  }
0x4f: {  	v0 =	vld [tilespmem:s26+$0x7030]  }
0x50: {  	v2 =	vld [tilespmem:s26+$0x3000]  }
0x51: {  	v4 =	vld [tilespmem:s26+$0x3010]  }
0x52: {  	s28 =	simm.s32 $0x100;
	v3 =	vld [tilespmem:s26+$0x3020]  }
.LBB2_5:
0x53: {  	s29 =	sshra.s32 s28, $0x2;
	p0 =	sne.s32 s28, $0x7F00;
	v7 =	vld [tilespmem:s26+$0x3030];
	v8 =	vmov v1  }
0x54: {  	v9 =	vld [tilespmem:s29+$0x7000];
	v10 =	vmov v0  }
0x55: {  	v11 =	vld [tilespmem:s29+$0x7010];
	v2 =	vadd.bf16 v5, v2  }
.Ltmp1:
0x56: {  	v1 =	vld [tilespmem:s29+$0x7020];
	v4 =	vadd.bf16 v6, v4;
	(pc) =	sbr.rel @p0 .LBB2_5-.Ltmp1, $4  }
0x57: {  	v0 =	vld [tilespmem:s29+$0x7030];
	[tilespmem:s26+$0x3000] =	vst v2;
	v3 =	vadd.bf16 v8, v3  }
0x58: {  	v2 =	vld [tilespmem:s29+$0x3000];
	[tilespmem:s26+$0x3010] =	vst v4;
	v7 =	vadd.bf16 v10, v7  }
0x59: {  	v4 =	vld [tilespmem:s29+$0x3010];
	[tilespmem:s26+$0x3020] =	vst v3;
	v5 =	vmov v9  }
0x5a: {  	s28 =	sadd.s32 $0x100, s28;
	v3 =	vld [tilespmem:s29+$0x3020];
	[tilespmem:s26+$0x3030] =	vst v7;
	v6 =	vmov v11;
	s26 =	smov.u32 s29  }
0x5b: {  	v7 =	vld [tilespmem:s26+$0x3030];
	_ =	sdelay $0x1  }
0x5c: {  	s24 =	sadd.s32 $0x1, s24;
	v2 =	vadd.bf16 v5, v2  }
0x5d: {  	p0 =	sne.s32 s24, $0x8;
	v4 =	vadd.bf16 v6, v4  }
.Ltmp2:
0x5e: {  	[tilespmem:s26+$0x3000] =	vst v2;
	v1 =	vadd.bf16 v1, v3;
	(pc) =	sbr.rel @p0 .LBB2_2-.Ltmp2, $4  }
0x5f: {  	s25 =	sadd.s32 s4, s25;
	[tilespmem:s26+$0x3010] =	vst v4;
	v0 =	vadd.bf16 v0, v7  }
0x60: {  	s25 =	sshll.u32 s25, $0xA;
	[tilespmem:s26+$0x3020] =	vst v1  }
0x61: {  	s25 =	sadd.s32 s6, s25;
	[tilespmem:s26+$0x3030] =	vst v0  }
0x62: {  	[hbm4b:s25+s2] =	stream.linear.scatter [tilespmem:s15], [sflag:$0x6], $0x2000, $0x38;
	[tilespmem:$0x9000] =	vst v63  }
0x63: {  	s23 =	sadd.s32 $0x1, s23  }
0x64: {  	_ =	swait.ge [sflag:s21], $0x2000;
	p0 =	sne.s32 s23, s9  }
.Ltmp3:
0x65: {  	[sflag:s21] =	ssyncset.done $0x0;
	(pc) =	sbr.rel @p0 .LBB2_1-.Ltmp3, $4  }
0x66: {  	[sflag:s21] =	ssyncadd.s32 $0xFFFFE000  }
0x67: {  	_ =	swait.ge [sflag:s22], $0x2000  }
0x68: {  	[sflag:s22] =	ssyncset.done $0x0  }
0x69: {  	[sflag:s22] =	ssyncadd.s32 $0xFFFFE000  }
0x6a: {  	_ =	sfence.sel $0x180000  }
0x6b: {  	[bflag:$0x0] =	sbarrier.arrive $0xFFFF  }
0x6c: {  	p0 =	sne.s32 s1, $0x0;
	_ =	strace $0x90000047  }
0x6d: {  	s0 =	sadd.s32 @!p0 $0x100000, s0;
	[bflag:$0x2] =	sbarrier.arrive $0xFFFF  }
0x6e: {  	[sflag:s0] =	ssyncadd.tile.s32 @!p0 $0x1;
	_ =	shalt  }
.Lfunc_end2:
_tile_overlayer_lowered:
.L_overlay_start_2:
0x6f: {  	(tag) =	ssettag $0x2  }
0x70: {  	s0 =	rddreg [dreg:$0x0];
	s2 =	stileid.u32  }
0x71: {  	s1 =	rddreg [dreg:$0x1];
	p0 =	sne.s32 s2, $0x0  }
0x72: {  	s3 =	rddreg [dreg:$0x2];
	[bflag:$0x3] =	sbarrier.arrive $0xFFFF;
	s2 =	simm.s32 @!p0 $0x1C07  }
0x73: {  	[timem:s3], [sflag:s2] =	dma.local @!p0 [hbm:s0], s1  }
0x74: {  	s0 =	simm.s32 @!p0 $0x7  }
0x75: {  	_ =	swait.ge @!p0 [sflag:s0], s1  }
0x76: {  	s1 =	ssub.s32 @!p0 $0x0, s1;
	[sflag:s0] =	ssyncset.done @!p0 $0x0  }
0x77: {  	[sflag:s0] =	ssyncadd.s32 @!p0 s1  }
0x78: {  	[bflag:$0x3] =	sbarrier.arrive $0xFFFF  }
0x79: {  	_ =	shalt  }

// kernel: kernel.16.cloned.1.call-start
scs
__scs_entry_jumppad:
0x0: {  	(pc) =	sbr.rel $0x88, $3  }
0x1: {  	(tag) =	ssettag $0x0;
	lr =	simm.s32 $0x1  }
0x2: {  	[smem:$0x3F94] =	sst lr;
	_ =	strace $0xD0000000  }
0x3: {  	_ = 	snop  }
0x4: {  	_ = 	snop  }
0x5: {  	_ = 	snop  }
0x6: {  	_ = 	snop  }
0x7: {  	_ = 	snop  }
__scs_overlays_trampoline_lowered:
0x8: {  	[smem:$0x3FA3] =	sst s0  }
0x9: {  	[smem:$0x3FA4] =	sst s1  }
0xa: {  	[smem:$0x3FA5] =	sst s2  }
0xb: {  	[smem:$0x3FA6] =	sst s3  }
0xc: {  	[smem:$0x3FA7] =	sst s4  }
0xd: {  	[smem:$0x3FA8] =	sst s5  }
0xe: {  	[smem:$0x3FA9] =	sst s6  }
0xf: {  	[smem:$0x3FAA] =	sst s7  }
0x10: {  	[smem:$0x3FAB] =	sst s8  }
0x11: {  	[smem:$0x3FAC] =	sst s9;
	s0 =	simm.s32 @!p0 $0x0  }
0x12: {  	s1 =	sld [smem:$0x3F92];
	s0 =	simm.s32 @p0 $0x1  }
0x13: {  	[smem:$0x3FAD] =	sst s0;
	s0 =	simm.s32 @!p1 $0x0  }
0x14: {  	s2 =	sld [smem:$0x3F91];
	s0 =	simm.s32 @p1 $0x1  }
0x15: {  	[smem:$0x3FAE] =	sst s0;
	s0 =	simm.s32 @!p2 $0x0  }
0x16: {  	s3 =	sld [smem:$0x3FDB];
	s0 =	simm.s32 @p2 $0x1  }
0x17: {  	s4 =	simm.s32 $0x1BF5;
	[smem:$0x3FB0] =	sst s0  }
0x18: {  	s0 =	sld [smem:$0x3F93];
	_ =	swait.ge [sflag:s4], $0x0  }
0x19: {  	s7 =	sld [smem:$0x3F94]  }
0x1a: {  	s8 =	sadd.s32 $0xFFFFE003, lr  }
0x1b: {  	s9 =	sadd.s32 $0xFFFFFEF7, lr;
	s5 =	simm.s32 $0xFFFFFFFF;
	p2 =	slt.u32 s8, $0xFFFFF086  }
0x1c: {  	p1 =	slt.u32 s9, $0xF7A;
	s5 =	simm.s32 @!p2 $0x0  }
0x1d: {  	s5 =	simm.s32 @p1 $0x1;
	p0 =	seq.s32 s7, s2  }
0x1e: {  	s7 =	smul.u32 @!p0 $0xF7A, s2;
	p2 =	seq.s32 @!p0 s5, $0x0  }
0x1f: {  	s9 =	smul.u32 $0xF7A, s1;
	s8 =	simm.s32 @!p0 $0x1BF5;
	p2 =	por !p2, p0  }
0x20: {  	[sflag:s8] =	ssyncset.s32 @!p0 $0xFFFFF086;
	s6 =	sadd.s32 @!p0 s3, s7;
	s7 =	simm.s32 @!p0 $0x108  }
0x21: {  	s3 =	sadd.s32 s3, s9;
	s6 =	sadd.s32 @!p0 $0x88, s6;
	s7 =	simm.s32 @p2 $0x1082  }
0x22: {  	[simem:s7], [sflag:s8] =	dma.local @!p0 [hbm:s6], $0xF7A  }
0x23: {  	s9 =	sor.u32 $0xD0000000, s2;
	s6 =	simm.s32 $0x108;
	_ =	swait.ge @!p0 [sflag:s8], $0x0  }
0x24: {  	s3 =	sadd.s32 $0x88, s3;
	s6 =	simm.s32 @!p1 $0x1082;
	[sflag:s4] =	ssyncset.s32 $0xFFFFF086  }
0x25: {  	[simem:s6], [sflag:s4] =	dma.local [hbm:s3], $0xF7A  }
0x26: {  	[smem:$0x3F94] =	sst s1;
	(tag) =	ssettag s2;
	_ =	strace s9  }
0x27: {  	s1 =	sld [smem:$0x3FA4]  }
0x28: {  	s2 =	sld [smem:$0x3FA5]  }
0x29: {  	s4 =	sld [smem:$0x3FA7]  }
0x2a: {  	p0 =	seq.s32 s5, $0x0;
	s5 =	sld [smem:$0x3FA8]  }
0x2b: {  	s6 =	sld [smem:$0x3FA9]  }
0x2c: {  	s7 =	sld [smem:$0x3FAA]  }
0x2d: {  	s3 =	simm.s32 $0x108;
	s8 =	sld [smem:$0x3FAB]  }
0x2e: {  	s3 =	simm.s32 @!p0 $0x1082;
	s9 =	sld [smem:$0x3FAC]  }
0x2f: {  	lr =	sadd.s32 s0, s3;
	s0 =	sld [smem:$0x3FA3]  }
0x30: {  	s3 =	sld [smem:$0x3FA6]  }
0x31: {  	[smem:$0x3FAF] =	sst s10  }
0x32: {  	s10 =	sld [smem:$0x3FAD];
	_ =	sdelay $0x3  }
0x33: {  	p0 =	seq.s32 s10, $0x1;
	s10 =	sld [smem:$0x3FAF];
	_ =	sdelay $0x3  }
0x34: {  	[smem:$0x3FAF] =	sst s10  }
0x35: {  	s10 =	sld [smem:$0x3FAE];
	_ =	sdelay $0x3  }
0x36: {  	p1 =	seq.s32 s10, $0x1;
	s10 =	sld [smem:$0x3FAF];
	_ =	sdelay $0x3  }
0x37: {  	[smem:$0x3FAF] =	sst s10  }
0x38: {  	s10 =	sld [smem:$0x3FB0]  }
0x39: {  	_ = 	snop;
	(pc) =	sbr.ind lr, $3  }
0x3a: {  	_ = 	snop  }
0x3b: {  	_ = 	snop  }
0x3c: {  	p2 =	seq.s32 s10, $0x1;
	s10 =	sld [smem:$0x3FAF]  }
0x3d: {  	_ =	shalt  }
0x3e: {  	_ =	shalt  }
0x3f: {  	_ =	shalt  }
0x40: {  	_ =	shalt  }
0x41: {  	_ =	shalt  }
0x42: {  	_ =	shalt  }
0x43: {  	_ =	shalt  }
0x44: {  	_ =	shalt  }
0x45: {  	_ =	shalt  }
0x46: {  	_ =	shalt  }
0x47: {  	_ =	shalt  }
0x48: {  	_ =	shalt  }
0x49: {  	_ =	shalt  }
0x4a: {  	_ =	shalt  }
0x4b: {  	_ =	shalt  }
0x4c: {  	_ =	shalt  }
0x4d: {  	_ =	shalt  }
0x4e: {  	_ =	shalt  }
0x4f: {  	_ =	shalt  }
0x50: {  	_ =	shalt  }
0x51: {  	_ =	shalt  }
0x52: {  	_ =	shalt  }
0x53: {  	_ =	shalt  }
0x54: {  	_ =	shalt  }
0x55: {  	_ =	shalt  }
0x56: {  	_ =	shalt  }
0x57: {  	_ =	shalt  }
0x58: {  	_ =	shalt  }
0x59: {  	_ =	shalt  }
0x5a: {  	_ =	shalt  }
0x5b: {  	_ =	shalt  }
0x5c: {  	_ =	shalt  }
0x5d: {  	_ =	shalt  }
0x5e: {  	_ =	shalt  }
0x5f: {  	_ =	shalt  }
0x60: {  	_ =	shalt  }
0x61: {  	_ =	shalt  }
0x62: {  	_ =	shalt  }
0x63: {  	_ =	shalt  }
0x64: {  	_ =	shalt  }
0x65: {  	_ =	shalt  }
0x66: {  	_ =	shalt  }
0x67: {  	_ =	shalt  }
0x68: {  	_ =	shalt  }
0x69: {  	_ =	shalt  }
0x6a: {  	_ =	shalt  }
0x6b: {  	_ =	shalt  }
0x6c: {  	_ =	shalt  }
0x6d: {  	_ =	shalt  }
0x6e: {  	_ =	shalt  }
0x6f: {  	_ =	shalt  }
0x70: {  	_ =	shalt  }
0x71: {  	_ =	shalt  }
0x72: {  	_ =	shalt  }
0x73: {  	_ =	shalt  }
0x74: {  	_ =	shalt  }
0x75: {  	_ =	shalt  }
0x76: {  	_ =	shalt  }
0x77: {  	_ =	shalt  }
0x78: {  	_ =	shalt  }
0x79: {  	_ =	shalt  }
0x7a: {  	_ =	shalt  }
0x7b: {  	_ =	shalt  }
0x7c: {  	_ =	shalt  }
0x7d: {  	_ =	shalt  }
0x7e: {  	_ =	shalt  }
0x7f: {  	_ =	shalt  }
0x80: {  	_ =	shalt  }
0x81: {  	_ =	shalt  }
0x82: {  	_ =	shalt  }
0x83: {  	_ =	shalt  }
0x84: {  	_ =	shalt  }
0x85: {  	_ =	shalt  }
0x86: {  	_ =	shalt  }
0x87: {  	_ =	shalt  }
.Lfunc_end0:
.L_simem_size_0:
called_computation.1_lowered:
.L_overlay_start_0:
0x88: {  	s2 =	sld [smem:$0x3FD9]  }
0x89: {  	s3 =	sld [smem:$0x3FFE];
	_ =	sdelay $0x1  }
0x8a: {  	s1 =	srdreg.scid  }
0x8b: {  	s0 =	sand.u32 $0x1, s1  }
0x8c: {  	s17 =	sshll.u32 s0, $0xA;
	s2 =	sadd.s32 s3, s2  }
0x8d: {  	s2 =	sadd.s32 s2, s17  }
0x8e: {  	[smem:$0x3FBB] =	sst s2  }
0x8f: {  	_ = 	snop  }
0x90: {  	(tm) =	ssettm $0x1  }
0x91: {  	s18 =	sld [smem:$0x3FFB];
	_ =	sdelay $0x3  }
0x92: {  	_ =	strace s18  }
0x93: {  	s2 =	sld [smem:$0x3FFC];
	_ =	sdelay $0x3  }
0x94: {  	_ =	strace s2  }
0x95: {  	s2 =	sld [smem:$0x3FFD];
	_ =	sdelay $0x3  }
0x96: {  	_ =	strace s2  }
0x97: {  	_ =	strace $0x8FFFFFFF  }
0x98: {  	s19 =	sld [smem:$0x3FDB];
	_ =	sdelay $0x1  }
0x99: {  	s20 =	simm.s32 $_scs_section_size  }
0x9a: {  	s4 =	simm.s32 $_size__tile_overlayer_lowered;
	s5 =	simm.s32 $_tile_overlayer_lowered  }
0x9b: {  	s6 =	simm.s32 $0x1BFF;
	s21 =	sshll.u32 s5, $0x1;
	s3 =	sadd.s32 s20, s19  }
0x9c: {  	s22 =	simm.s32 $0x0;
	s4 =	sshll.u32 s4, $0x1;
	s5 =	sadd.s32 s21, s3  }
0x9d: {  	[timem:s22], [sflag:s6] =	dma.local [hbm:s5], s4  }
0x9e: {  	_ =	swait.ge [sflag:s6], s4  }
0x9f: {  	s4 =	ssub.s32 $0x0, s4;
	[sflag:s6] =	ssyncset.done $0x0  }
0xa0: {  	[sflag:s6] =	ssyncadd.s32 s4;
	_ =	sdelay $0x1  }
0xa1: {  	s23 =	simm.s32 $0x1B8B  }
0xa2: {  	_ =	swait.ge [sflag:s23], $0x1  }
0xa3: {  	[sflag:s23] =	ssyncset.done $0x0  }
0xa4: {  	[sflag:s23] =	ssyncadd.s32 $0xFFFFFFFF  }
0xa5: {  	s4 =	sld [smem:$0x0]  }
0xa6: {  	s5 =	sand.u32 $0xFFFFFFFE, s1  }
0xa7: {  	p0 =	sne.s32 s1, s5  }
0xa8: {  	s5 =	sshll.u32 @p0 s5, $0xE  }
0xa9: {  	s5 =	sadd.s32 @p0 $0x11B8D, s5;
	s6 =	sshll.u32 @p0 s4, $0x11  }
0xaa: {  	s5 =	sor.u32 @p0 s6, s5  }
0xab: {  	[sflag:s5] =	ssyncadd.remote.s32 @p0 $0x1;
	_ =	sdelay $0x1  }
0xac: {  	s5 =	simm.s32 @p0 $0x1B8D  }
0xad: {  	_ =	swait.eq @p0 [sflag:s5], $0x1  }
0xae: {  	[sflag:s5] =	ssyncadd.s32 @p0 $0xFFFFFFFF  }
0xaf: {  	s6 =	sshll.u32 @!p0 s1, $0xE  }
0xb0: {  	s6 =	sor.u32 @!p0 $0x4000, s6;
	s5 =	simm.s32 @!p0 $0x1B8D  }
0xb1: {  	s4 =	sshll.u32 @!p0 s4, $0x11;
	s6 =	sadd.s32 @!p0 $0x11B8D, s6;
	_ =	swait.eq @!p0 [sflag:s5], $0x1  }
0xb2: {  	s4 =	sor.u32 @!p0 s4, s6;
	[sflag:s5] =	ssyncadd.s32 @!p0 $0xFFFFFFFF  }
0xb3: {  	s25 =	simm.s32 $0x1B8E;
	s24 =	sld [smem:$0x3FFE];
	[sflag:s4] =	ssyncadd.remote.s32 @!p0 $0x1  }
0xb4: {  	s26 =	simm.s32 $execute0_lowered;
	[smem:$0x3FD2] =	sst s25  }
0xb5: {  	s5 =	sshll.u32 s26, $0x1;
	_ =	strace $0x80000049;
	[dreg:$0x1] =	wrdreg $0xFFFFFFFF  }
0xb6: {  	s28 =	simm.s32 $_size_execute0_lowered;
	s3 =	sadd.s32 s3, s5;
	[dreg:$0x0] =	wrdreg $0x0  }
0xb7: {  	s5 =	sshll.u32 s28, $0x1;
	[dreg:$0x2] =	wrdreg s3  }
0xb8: {  	[dreg:$0x3] =	wrdreg s5  }
0xb9: {  	[dreg:$0x4] =	wrdreg $0xC0  }
0xba: {  	_ =	task [dreg:s22], $0x5FFFF  }
0xbb: {  	[dreg:$0x1] =	wrdreg $0xFFFFFFFF  }
0xbc: {  	[dreg:$0x0] =	wrdreg $0x60  }
0xbd: {  	[dreg:$0x2] =	wrdreg s24  }
0xbe: {  	[dreg:$0x3] =	wrdreg $0xA  }
0xbf: {  	_ =	task.clear_ibuf [dreg:s22], $0x4FFFF;
	_ =	strace $0x90000049  }
0xc0: {  	s29 =	simm.s32 $0xA;
	_ =	strace $0x8000004B  }
0xc1: {  	_ =	swait.ge [sflag:s29], $0x1  }
0xc2: {  	[sflag:s29] =	ssyncadd.s32 $0xFFFFFFFF  }
0xc3: {  	_ =	strace $0x9000004B  }
0xc4: {  	_ =	sfence  }
0xc5: {  	s30 =	sld [smem:$0x0];
	_ =	sdelay $0x2  }
0xc6: {  	s31 =	sshll.u32 s1, $0xD;
	s1 =	sshrl.u32 s1, $0x2  }
0xc7: {  	s4 =	sand.u32 $0x4000, s31;
	s1 =	sadd.s32 s1, s30  }
0xc8: {  	s0 =	sor.u32 s4, s0;
	s1 =	sshll.u32 s1, $0x11  }
0xc9: {  	s0 =	sor.u32 s1, s0  }
0xca: {  	s0 =	sadd.s32 $0x8F2B, s0  }
0xcb: {  	[sflag:s0] =	ssyncadd.remote.s32 $0x1  }
0xcc: {  	_ =	sfence.sel $0xFFFF  }
0xcd: {  	[dreg:$0x0] =	wrdreg $0xFFFFFFFF;
	(pc) =	sbr.abs _section_cstart, $3  }
0xce: {  	[dreg:$0x1] =	wrdreg $0xFFFFFFFF  }
0xcf: {  	_ =	task.clear_ibuf [dreg:s22], $0x2FFFF;
	_ =	strace $0x9FFFFFFF  }
0xd0: {  	(tm) =	ssettm $0x7FFFFFFF  }
0xd1: {  	_ =	shalt  }
tec
execute0_lowered:
.L_overlay_start_1:
0x0: {  	(tag) =	ssettag $0x1  }
0x1: {  	s6 =	rddreg [dreg:$0x0]  }
0x2: {  	s0 =	rddreg [dreg:$0x1];
	s3 =	srdreg.scid  }
0x3: {  	s2 =	simm.s32 $0x0;
	s1 =	stileid.u32;
	s10 =	simm.s32 $0x7  }
0x4: {  	s11 =	simm.s32 $0x800;
	s12 =	simm.s32 $0x80;
	s13 =	simm.s32 $0x1000  }
0x5: {  	s14 =	simm.s32 $0x5000;
	s15 =	simm.s32 $0x3000;
	s16 =	simm.s32 $0x7000  }
0x6: {  	s17 =	simm.s32 $0x1;
	s18 =	simm.s32 $0x2;
	s19 =	simm.s32 $0x3  }
0x7: {  	s20 =	simm.s32 $0x4;
	s21 =	simm.s32 $0x5;
	s22 =	simm.s32 $0x6  }
0x8: {  	s23 =	simm.s32 $0x0;
	s7 =	sand.u32 $0x1, s3;
	[smem:$0x7FF] =	sst s2  }
0x9: {  	s5 =	sshll.u32 s1, $0x4;
	s3 =	sadd.s32 $0x17C00, s6;
	s4 =	sshll.u32 s7, $0x8  }
0xa: {  	_ =	strace $0x8000004A;
	s7 =	ssub.s32 $0x2, s7;
	s4 =	sor.u32 s5, s4  }
0xb: {  	s5 =	sadd.s32 $0x4200, s6;
	s9 =	sshrl.u32 s7, $0x1;
	s8 =	sshll.u32 s4, $0x4  }
0xc: {  	s9 =	ssub.s32 s7, s9;
	s8 =	sadd.s32 s8, s6;
	s6 =	sadd.s32 $0xBF600, s6  }
0xd: {  	s9 =	smax.u32 s9, $0x1;
	s7 =	sadd.s32 $0x2F600, s8;
	s8 =	sadd.s32 $0x31600, s8  }
.LBB2_1:
0xe: {  	[tilespmem:s2], [sflag:$0x7] =	stream.linear.gather [hbm4b:s7+s2], $0x800, $0x38;
	[tilespmem:$0x9000] =	vst v63  }
0xf: {  	_ =	swait.ge [sflag:s10], $0x800  }
0x10: {  	[sflag:s10] =	ssyncset.done $0x0  }
0x11: {  	[sflag:s10] =	ssyncadd.s32 $0xFFFFF800  }
0x12: {  	[tilespmem:s11], [sflag:$0x7] =	stream.linear.gather [hbm4b:s8+s2], $0x800, $0x38;
	[tilespmem:$0x9000] =	vst v63  }
0x13: {  	_ =	swait.ge [sflag:s10], $0x800  }
0x14: {  	[sflag:s10] =	ssyncset.done $0x0  }
0x15: {  	[sflag:s10] =	ssyncadd.s32 $0xFFFFF800  }
0x16: {  	[tilespmem:s13], [sflag:$0x1] =	stream.indirect.gather [hbm4b:s3+s12], $0x40, s2, s12, $0xb8;
	[tilespmem:$0x9000] =	vst v63  }
0x17: {  	s24 =	simm.s32 $0x0  }
0x18: {  	[tilespmem:s14], [sflag:$0x2] =	stream.indirect.gather [hbm4b:s5+s12], $0x40, s11, s12, $0xb8;
	[tilespmem:$0x9000] =	vst v63  }
.LBB2_2:
0x19: {  	p0 =	seq.s32 s24, $0x0  }
0x1a: {  	s28 =	simm.s32 @!p0 $0x6  }
0x1b: {  	s26 =	sshll.u32 s24, $0x1;
	_ =	swait.ge @!p0 [sflag:s28], $0x2000  }
0x1c: {  	s25 =	sor.u32 $0x1, s26;
	[sflag:s28] =	ssyncset.done @!p0 $0x0  }
0x1d: {  	[sflag:s28] =	ssyncadd.s32 @!p0 $0xFFFFE000;
	s28 =	sshll.u32 s25, $0x7  }
0x1e: {  	[tilespmem:s15], [sflag:$0x3] =	stream.indirect.gather [hbm4b:s3+s12], $0x40, s28, s12, $0xb8;
	[tilespmem:$0x9000] =	vst v63  }
0x1f: {  	s28 =	sadd.s32 $0x800, s28  }
0x20: {  	[tilespmem:s16], [sflag:$0x4] =	stream.indirect.gather [hbm4b:s5+s12], $0x40, s28, s12, $0xb8;
	[tilespmem:$0x9000] =	vst v63  }
0x21: {  	_ =	swait.ge [sflag:s17], $0x2000  }
0x22: {  	[sflag:s17] =	ssyncset.done $0x0  }
0x23: {  	[sflag:s17] =	ssyncadd.s32 $0xFFFFE000  }
0x24: {  	_ =	swait.ge [sflag:s18], $0x2000  }
0x25: {  	[sflag:s18] =	ssyncset.done $0x0  }
0x26: {  	s28 =	simm.s32 $0x0;
	[sflag:s18] =	ssyncadd.s32 $0xFFFFE000  }
0x27: {  	v5 =	vld [tilespmem:s28+$0x5000]  }
0x28: {  	v6 =	vld [tilespmem:s28+$0x5010]  }
0x29: {  	v1 =	vld [tilespmem:s28+$0x5020]  }
0x2a: {  	v0 =	vld [tilespmem:s28+$0x5030]  }
0x2b: {  	v2 =	vld [tilespmem:s28+$0x1000]  }
0x2c: {  	v4 =	vld [tilespmem:s28+$0x1010]  }
0x2d: {  	s29 =	simm.s32 $0x100;
	v3 =	vld [tilespmem:s28+$0x1020]  }
.LBB2_3:
0x2e: {  	s30 =	sshra.s32 s29, $0x2;
	p0 =	sne.s32 s29, $0x7F00;
	v7 =	vld [tilespmem:s28+$0x1030];
	v8 =	vmov v1  }
0x2f: {  	v9 =	vld [tilespmem:s30+$0x5000];
	v10 =	vmov v0  }
0x30: {  	v11 =	vld [tilespmem:s30+$0x5010];
	v2 =	vadd.bf16 v5, v2  }
.Ltmp0:
0x31: {  	v1 =	vld [tilespmem:s30+$0x5020];
	v4 =	vadd.bf16 v6, v4;
	(pc) =	sbr.rel @p0 .LBB2_3-.Ltmp0, $4  }
0x32: {  	v0 =	vld [tilespmem:s30+$0x5030];
	[tilespmem:s28+$0x1000] =	vst v2;
	v3 =	vadd.bf16 v8, v3  }
0x33: {  	v2 =	vld [tilespmem:s30+$0x1000];
	[tilespmem:s28+$0x1010] =	vst v4;
	v7 =	vadd.bf16 v10, v7  }
0x34: {  	v4 =	vld [tilespmem:s30+$0x1010];
	[tilespmem:s28+$0x1020] =	vst v3;
	v5 =	vmov v9  }
0x35: {  	s29 =	sadd.s32 $0x100, s29;
	v3 =	vld [tilespmem:s30+$0x1020];
	[tilespmem:s28+$0x1030] =	vst v7;
	v6 =	vmov v11;
	s28 =	smov.u32 s30  }
0x36: {  	v7 =	vld [tilespmem:s28+$0x1030];
	_ =	sdelay $0x1  }
0x37: {  	v2 =	vadd.bf16 v5, v2  }
0x38: {  	v4 =	vadd.bf16 v6, v4  }
0x39: {  	[tilespmem:s28+$0x1000] =	vst v2;
	v1 =	vadd.bf16 v1, v3  }
0x3a: {  	s26 =	sadd.s32 s4, s26;
	[tilespmem:s28+$0x1010] =	vst v4;
	v0 =	vadd.bf16 v0, v7  }
0x3b: {  	s26 =	sshll.u32 s26, $0xA;
	[tilespmem:s28+$0x1020] =	vst v1  }
0x3c: {  	p0 =	seq.s32 s24, $0x7;
	s26 =	sadd.s32 s6, s26;
	[tilespmem:s28+$0x1030] =	vst v0  }
0x3d: {  	[hbm4b:s26+s2] =	stream.linear.scatter [tilespmem:s13], [sflag:$0x5], $0x2000, $0x38;
	[tilespmem:$0x9000] =	vst v63  }
0x3e: {  	s26 =	simm.s32 @!p0 $0x5  }
0x3f: {  	_ =	swait.ge @!p0 [sflag:s26], $0x2000  }
0x40: {  	[sflag:s26] =	ssyncset.done @!p0 $0x0  }
0x41: {  	[sflag:s26] =	ssyncadd.s32 @!p0 $0xFFFFE000;
	s26 =	sshll.u32 @!p0 s24, $0x8  }
0x42: {  	s29 =	simm.s32 @!p0 $0x80;
	s30 =	simm.s32 @!p0 $0x1000;
	s28 =	sadd.s32 @!p0 $0x100, s26  }
0x43: {  	[tilespmem:s30], [sflag:$0x1] =	stream.indirect.gather @!p0 [hbm4b:s3+s29], $0x40, s28, s29, $0xb8;
	[tilespmem:$0x9000] =	vst v63  }
0x44: {  	s26 =	sadd.s32 @!p0 $0x900, s26;
	s28 =	simm.s32 @!p0 $0x5000  }
0x45: {  	[tilespmem:s28], [sflag:$0x2] =	stream.indirect.gather @!p0 [hbm4b:s5+s29], $0x40, s26, s29, $0xb8;
	[tilespmem:$0x9000] =	vst v63  }
0x46: {  	_ =	swait.ge [sflag:s19], $0x2000  }
0x47: {  	[sflag:s19] =	ssyncset.done $0x0  }
0x48: {  	[sflag:s19] =	ssyncadd.s32 $0xFFFFE000  }
0x49: {  	_ =	swait.ge [sflag:s20], $0x2000  }
0x4a: {  	[sflag:s20] =	ssyncset.done $0x0  }
0x4b: {  	s26 =	simm.s32 $0x0;
	[sflag:s20] =	ssyncadd.s32 $0xFFFFE000  }
0x4c: {  	v5 =	vld [tilespmem:s26+$0x7000]  }
0x4d: {  	v6 =	vld [tilespmem:s26+$0x7010]  }
0x4e: {  	v1 =	vld [tilespmem:s26+$0x7020]  }
0x4f: {  	v0 =	vld [tilespmem:s26+$0x7030]  }
0x50: {  	v2 =	vld [tilespmem:s26+$0x3000]  }
0x51: {  	v4 =	vld [tilespmem:s26+$0x3010]  }
0x52: {  	s28 =	simm.s32 $0x100;
	v3 =	vld [tilespmem:s26+$0x3020]  }
.LBB2_5:
0x53: {  	s29 =	sshra.s32 s28, $0x2;
	p0 =	sne.s32 s28, $0x7F00;
	v7 =	vld [tilespmem:s26+$0x3030];
	v8 =	vmov v1  }
0x54: {  	v9 =	vld [tilespmem:s29+$0x7000];
	v10 =	vmov v0  }
0x55: {  	v11 =	vld [tilespmem:s29+$0x7010];
	v2 =	vadd.bf16 v5, v2  }
.Ltmp1:
0x56: {  	v1 =	vld [tilespmem:s29+$0x7020];
	v4 =	vadd.bf16 v6, v4;
	(pc) =	sbr.rel @p0 .LBB2_5-.Ltmp1, $4  }
0x57: {  	v0 =	vld [tilespmem:s29+$0x7030];
	[tilespmem:s26+$0x3000] =	vst v2;
	v3 =	vadd.bf16 v8, v3  }
0x58: {  	v2 =	vld [tilespmem:s29+$0x3000];
	[tilespmem:s26+$0x3010] =	vst v4;
	v7 =	vadd.bf16 v10, v7  }
0x59: {  	v4 =	vld [tilespmem:s29+$0x3010];
	[tilespmem:s26+$0x3020] =	vst v3;
	v5 =	vmov v9  }
0x5a: {  	s28 =	sadd.s32 $0x100, s28;
	v3 =	vld [tilespmem:s29+$0x3020];
	[tilespmem:s26+$0x3030] =	vst v7;
	v6 =	vmov v11;
	s26 =	smov.u32 s29  }
0x5b: {  	v7 =	vld [tilespmem:s26+$0x3030];
	_ =	sdelay $0x1  }
0x5c: {  	s24 =	sadd.s32 $0x1, s24;
	v2 =	vadd.bf16 v5, v2  }
0x5d: {  	p0 =	sne.s32 s24, $0x8;
	v4 =	vadd.bf16 v6, v4  }
.Ltmp2:
0x5e: {  	[tilespmem:s26+$0x3000] =	vst v2;
	v1 =	vadd.bf16 v1, v3;
	(pc) =	sbr.rel @p0 .LBB2_2-.Ltmp2, $4  }
0x5f: {  	s25 =	sadd.s32 s4, s25;
	[tilespmem:s26+$0x3010] =	vst v4;
	v0 =	vadd.bf16 v0, v7  }
0x60: {  	s25 =	sshll.u32 s25, $0xA;
	[tilespmem:s26+$0x3020] =	vst v1  }
0x61: {  	s25 =	sadd.s32 s6, s25;
	[tilespmem:s26+$0x3030] =	vst v0  }
0x62: {  	[hbm4b:s25+s2] =	stream.linear.scatter [tilespmem:s15], [sflag:$0x6], $0x2000, $0x38;
	[tilespmem:$0x9000] =	vst v63  }
0x63: {  	s23 =	sadd.s32 $0x1, s23  }
0x64: {  	_ =	swait.ge [sflag:s21], $0x2000;
	p0 =	sne.s32 s23, s9  }
.Ltmp3:
0x65: {  	[sflag:s21] =	ssyncset.done $0x0;
	(pc) =	sbr.rel @p0 .LBB2_1-.Ltmp3, $4  }
0x66: {  	[sflag:s21] =	ssyncadd.s32 $0xFFFFE000  }
0x67: {  	_ =	swait.ge [sflag:s22], $0x2000  }
0x68: {  	[sflag:s22] =	ssyncset.done $0x0  }
0x69: {  	[sflag:s22] =	ssyncadd.s32 $0xFFFFE000  }
0x6a: {  	_ =	sfence.sel $0x180000  }
0x6b: {  	[bflag:$0x0] =	sbarrier.arrive $0xFFFF  }
0x6c: {  	p0 =	sne.s32 s1, $0x0;
	_ =	strace $0x9000004A  }
0x6d: {  	s0 =	sadd.s32 @!p0 $0x100000, s0;
	[bflag:$0x2] =	sbarrier.arrive $0xFFFF  }
0x6e: {  	[sflag:s0] =	ssyncadd.tile.s32 @!p0 $0x1;
	_ =	shalt  }
.Lfunc_end2:
_tile_overlayer_lowered:
.L_overlay_start_2:
0x6f: {  	(tag) =	ssettag $0x2  }
0x70: {  	s0 =	rddreg [dreg:$0x0];
	s2 =	stileid.u32  }
0x71: {  	s1 =	rddreg [dreg:$0x1];
	p0 =	sne.s32 s2, $0x0  }
0x72: {  	s3 =	rddreg [dreg:$0x2];
	[bflag:$0x3] =	sbarrier.arrive $0xFFFF;
	s2 =	simm.s32 @!p0 $0x1C07  }
0x73: {  	[timem:s3], [sflag:s2] =	dma.local @!p0 [hbm:s0], s1  }
0x74: {  	s0 =	simm.s32 @!p0 $0x7  }
0x75: {  	_ =	swait.ge @!p0 [sflag:s0], s1  }
0x76: {  	s1 =	ssub.s32 @!p0 $0x0, s1;
	[sflag:s0] =	ssyncset.done @!p0 $0x0  }
0x77: {  	[sflag:s0] =	ssyncadd.s32 @!p0 s1  }
0x78: {  	[bflag:$0x3] =	sbarrier.arrive $0xFFFF  }
0x79: {  	_ =	shalt  }

// kernel: kernel.19.cloned.1.call-start
scs
__scs_entry_jumppad:
0x0: {  	(pc) =	sbr.rel $0x88, $3  }
0x1: {  	(tag) =	ssettag $0x0;
	lr =	simm.s32 $0x1  }
0x2: {  	[smem:$0x3F94] =	sst lr;
	_ =	strace $0xD0000000  }
0x3: {  	_ = 	snop  }
0x4: {  	_ = 	snop  }
0x5: {  	_ = 	snop  }
0x6: {  	_ = 	snop  }
0x7: {  	_ = 	snop  }
__scs_overlays_trampoline_lowered:
0x8: {  	[smem:$0x3FA3] =	sst s0  }
0x9: {  	[smem:$0x3FA4] =	sst s1  }
0xa: {  	[smem:$0x3FA5] =	sst s2  }
0xb: {  	[smem:$0x3FA6] =	sst s3  }
0xc: {  	[smem:$0x3FA7] =	sst s4  }
0xd: {  	[smem:$0x3FA8] =	sst s5  }
0xe: {  	[smem:$0x3FA9] =	sst s6  }
0xf: {  	[smem:$0x3FAA] =	sst s7  }
0x10: {  	[smem:$0x3FAB] =	sst s8  }
0x11: {  	[smem:$0x3FAC] =	sst s9;
	s0 =	simm.s32 @!p0 $0x0  }
0x12: {  	s1 =	sld [smem:$0x3F92];
	s0 =	simm.s32 @p0 $0x1  }
0x13: {  	[smem:$0x3FAD] =	sst s0;
	s0 =	simm.s32 @!p1 $0x0  }
0x14: {  	s2 =	sld [smem:$0x3F91];
	s0 =	simm.s32 @p1 $0x1  }
0x15: {  	[smem:$0x3FAE] =	sst s0;
	s0 =	simm.s32 @!p2 $0x0  }
0x16: {  	s3 =	sld [smem:$0x3FDB];
	s0 =	simm.s32 @p2 $0x1  }
0x17: {  	s4 =	simm.s32 $0x1BF5;
	[smem:$0x3FB0] =	sst s0  }
0x18: {  	s0 =	sld [smem:$0x3F93];
	_ =	swait.ge [sflag:s4], $0x0  }
0x19: {  	s7 =	sld [smem:$0x3F94]  }
0x1a: {  	s8 =	sadd.s32 $0xFFFFE003, lr  }
0x1b: {  	s9 =	sadd.s32 $0xFFFFFEF7, lr;
	s5 =	simm.s32 $0xFFFFFFFF;
	p2 =	slt.u32 s8, $0xFFFFF086  }
0x1c: {  	p1 =	slt.u32 s9, $0xF7A;
	s5 =	simm.s32 @!p2 $0x0  }
0x1d: {  	s5 =	simm.s32 @p1 $0x1;
	p0 =	seq.s32 s7, s2  }
0x1e: {  	s7 =	smul.u32 @!p0 $0xF7A, s2;
	p2 =	seq.s32 @!p0 s5, $0x0  }
0x1f: {  	s9 =	smul.u32 $0xF7A, s1;
	s8 =	simm.s32 @!p0 $0x1BF5;
	p2 =	por !p2, p0  }
0x20: {  	[sflag:s8] =	ssyncset.s32 @!p0 $0xFFFFF086;
	s6 =	sadd.s32 @!p0 s3, s7;
	s7 =	simm.s32 @!p0 $0x108  }
0x21: {  	s3 =	sadd.s32 s3, s9;
	s6 =	sadd.s32 @!p0 $0x88, s6;
	s7 =	simm.s32 @p2 $0x1082  }
0x22: {  	[simem:s7], [sflag:s8] =	dma.local @!p0 [hbm:s6], $0xF7A  }
0x23: {  	s9 =	sor.u32 $0xD0000000, s2;
	s6 =	simm.s32 $0x108;
	_ =	swait.ge @!p0 [sflag:s8], $0x0  }
0x24: {  	s3 =	sadd.s32 $0x88, s3;
	s6 =	simm.s32 @!p1 $0x1082;
	[sflag:s4] =	ssyncset.s32 $0xFFFFF086  }
0x25: {  	[simem:s6], [sflag:s4] =	dma.local [hbm:s3], $0xF7A  }
0x26: {  	[smem:$0x3F94] =	sst s1;
	(tag) =	ssettag s2;
	_ =	strace s9  }
0x27: {  	s1 =	sld [smem:$0x3FA4]  }
0x28: {  	s2 =	sld [smem:$0x3FA5]  }
0x29: {  	s4 =	sld [smem:$0x3FA7]  }
0x2a: {  	p0 =	seq.s32 s5, $0x0;
	s5 =	sld [smem:$0x3FA8]  }
0x2b: {  	s6 =	sld [smem:$0x3FA9]  }
0x2c: {  	s7 =	sld [smem:$0x3FAA]  }
0x2d: {  	s3 =	simm.s32 $0x108;
	s8 =	sld [smem:$0x3FAB]  }
0x2e: {  	s3 =	simm.s32 @!p0 $0x1082;
	s9 =	sld [smem:$0x3FAC]  }
0x2f: {  	lr =	sadd.s32 s0, s3;
	s0 =	sld [smem:$0x3FA3]  }
0x30: {  	s3 =	sld [smem:$0x3FA6]  }
0x31: {  	[smem:$0x3FAF] =	sst s10  }
0x32: {  	s10 =	sld [smem:$0x3FAD];
	_ =	sdelay $0x3  }
0x33: {  	p0 =	seq.s32 s10, $0x1;
	s10 =	sld [smem:$0x3FAF];
	_ =	sdelay $0x3  }
0x34: {  	[smem:$0x3FAF] =	sst s10  }
0x35: {  	s10 =	sld [smem:$0x3FAE];
	_ =	sdelay $0x3  }
0x36: {  	p1 =	seq.s32 s10, $0x1;
	s10 =	sld [smem:$0x3FAF];
	_ =	sdelay $0x3  }
0x37: {  	[smem:$0x3FAF] =	sst s10  }
0x38: {  	s10 =	sld [smem:$0x3FB0]  }
0x39: {  	_ = 	snop;
	(pc) =	sbr.ind lr, $3  }
0x3a: {  	_ = 	snop  }
0x3b: {  	_ = 	snop  }
0x3c: {  	p2 =	seq.s32 s10, $0x1;
	s10 =	sld [smem:$0x3FAF]  }
0x3d: {  	_ =	shalt  }
0x3e: {  	_ =	shalt  }
0x3f: {  	_ =	shalt  }
0x40: {  	_ =	shalt  }
0x41: {  	_ =	shalt  }
0x42: {  	_ =	shalt  }
0x43: {  	_ =	shalt  }
0x44: {  	_ =	shalt  }
0x45: {  	_ =	shalt  }
0x46: {  	_ =	shalt  }
0x47: {  	_ =	shalt  }
0x48: {  	_ =	shalt  }
0x49: {  	_ =	shalt  }
0x4a: {  	_ =	shalt  }
0x4b: {  	_ =	shalt  }
0x4c: {  	_ =	shalt  }
0x4d: {  	_ =	shalt  }
0x4e: {  	_ =	shalt  }
0x4f: {  	_ =	shalt  }
0x50: {  	_ =	shalt  }
0x51: {  	_ =	shalt  }
0x52: {  	_ =	shalt  }
0x53: {  	_ =	shalt  }
0x54: {  	_ =	shalt  }
0x55: {  	_ =	shalt  }
0x56: {  	_ =	shalt  }
0x57: {  	_ =	shalt  }
0x58: {  	_ =	shalt  }
0x59: {  	_ =	shalt  }
0x5a: {  	_ =	shalt  }
0x5b: {  	_ =	shalt  }
0x5c: {  	_ =	shalt  }
0x5d: {  	_ =	shalt  }
0x5e: {  	_ =	shalt  }
0x5f: {  	_ =	shalt  }
0x60: {  	_ =	shalt  }
0x61: {  	_ =	shalt  }
0x62: {  	_ =	shalt  }
0x63: {  	_ =	shalt  }
0x64: {  	_ =	shalt  }
0x65: {  	_ =	shalt  }
0x66: {  	_ =	shalt  }
0x67: {  	_ =	shalt  }
0x68: {  	_ =	shalt  }
0x69: {  	_ =	shalt  }
0x6a: {  	_ =	shalt  }
0x6b: {  	_ =	shalt  }
0x6c: {  	_ =	shalt  }
0x6d: {  	_ =	shalt  }
0x6e: {  	_ =	shalt  }
0x6f: {  	_ =	shalt  }
0x70: {  	_ =	shalt  }
0x71: {  	_ =	shalt  }
0x72: {  	_ =	shalt  }
0x73: {  	_ =	shalt  }
0x74: {  	_ =	shalt  }
0x75: {  	_ =	shalt  }
0x76: {  	_ =	shalt  }
0x77: {  	_ =	shalt  }
0x78: {  	_ =	shalt  }
0x79: {  	_ =	shalt  }
0x7a: {  	_ =	shalt  }
0x7b: {  	_ =	shalt  }
0x7c: {  	_ =	shalt  }
0x7d: {  	_ =	shalt  }
0x7e: {  	_ =	shalt  }
0x7f: {  	_ =	shalt  }
0x80: {  	_ =	shalt  }
0x81: {  	_ =	shalt  }
0x82: {  	_ =	shalt  }
0x83: {  	_ =	shalt  }
0x84: {  	_ =	shalt  }
0x85: {  	_ =	shalt  }
0x86: {  	_ =	shalt  }
0x87: {  	_ =	shalt  }
.Lfunc_end0:
.L_simem_size_0:
called_computation.2_lowered:
.L_overlay_start_0:
0x88: {  	s2 =	sld [smem:$0x3FD9]  }
0x89: {  	s3 =	sld [smem:$0x3FFE];
	_ =	sdelay $0x1  }
0x8a: {  	s1 =	srdreg.scid  }
0x8b: {  	s0 =	sand.u32 $0x1, s1  }
0x8c: {  	s17 =	sshll.u32 s0, $0xA;
	s2 =	sadd.s32 s3, s2  }
0x8d: {  	s2 =	sadd.s32 s2, s17  }
0x8e: {  	[smem:$0x3FBB] =	sst s2  }
0x8f: {  	_ = 	snop  }
0x90: {  	(tm) =	ssettm $0x1  }
0x91: {  	s18 =	sld [smem:$0x3FFB];
	_ =	sdelay $0x3  }
0x92: {  	_ =	strace s18  }
0x93: {  	s2 =	sld [smem:$0x3FFC];
	_ =	sdelay $0x3  }
0x94: {  	_ =	strace s2  }
0x95: {  	s2 =	sld [smem:$0x3FFD];
	_ =	sdelay $0x3  }
0x96: {  	_ =	strace s2  }
0x97: {  	_ =	strace $0x8FFFFFFF  }
0x98: {  	s19 =	sld [smem:$0x3FDB];
	_ =	sdelay $0x1  }
0x99: {  	s20 =	simm.s32 $_scs_section_size  }
0x9a: {  	s4 =	simm.s32 $_size__tile_overlayer_lowered;
	s5 =	simm.s32 $_tile_overlayer_lowered  }
0x9b: {  	s6 =	simm.s32 $0x1BFF;
	s21 =	sshll.u32 s5, $0x1;
	s3 =	sadd.s32 s20, s19  }
0x9c: {  	s22 =	simm.s32 $0x0;
	s4 =	sshll.u32 s4, $0x1;
	s5 =	sadd.s32 s21, s3  }
0x9d: {  	[timem:s22], [sflag:s6] =	dma.local [hbm:s5], s4  }
0x9e: {  	_ =	swait.ge [sflag:s6], s4  }
0x9f: {  	s4 =	ssub.s32 $0x0, s4;
	[sflag:s6] =	ssyncset.done $0x0  }
0xa0: {  	[sflag:s6] =	ssyncadd.s32 s4;
	_ =	sdelay $0x1  }
0xa1: {  	s23 =	simm.s32 $0x1B8B  }
0xa2: {  	_ =	swait.ge [sflag:s23], $0x1  }
0xa3: {  	[sflag:s23] =	ssyncset.done $0x0  }
0xa4: {  	[sflag:s23] =	ssyncadd.s32 $0xFFFFFFFF  }
0xa5: {  	s4 =	sld [smem:$0x0]  }
0xa6: {  	s5 =	sand.u32 $0xFFFFFFFE, s1  }
0xa7: {  	p0 =	sne.s32 s1, s5  }
0xa8: {  	s5 =	sshll.u32 @p0 s5, $0xE  }
0xa9: {  	s5 =	sadd.s32 @p0 $0x11B8D, s5;
	s6 =	sshll.u32 @p0 s4, $0x11  }
0xaa: {  	s5 =	sor.u32 @p0 s6, s5  }
0xab: {  	[sflag:s5] =	ssyncadd.remote.s32 @p0 $0x1;
	_ =	sdelay $0x1  }
0xac: {  	s5 =	simm.s32 @p0 $0x1B8D  }
0xad: {  	_ =	swait.eq @p0 [sflag:s5], $0x1  }
0xae: {  	[sflag:s5] =	ssyncadd.s32 @p0 $0xFFFFFFFF  }
0xaf: {  	s6 =	sshll.u32 @!p0 s1, $0xE  }
0xb0: {  	s6 =	sor.u32 @!p0 $0x4000, s6;
	s5 =	simm.s32 @!p0 $0x1B8D  }
0xb1: {  	s4 =	sshll.u32 @!p0 s4, $0x11;
	s6 =	sadd.s32 @!p0 $0x11B8D, s6;
	_ =	swait.eq @!p0 [sflag:s5], $0x1  }
0xb2: {  	s4 =	sor.u32 @!p0 s4, s6;
	[sflag:s5] =	ssyncadd.s32 @!p0 $0xFFFFFFFF  }
0xb3: {  	s25 =	simm.s32 $0x1B8E;
	s24 =	sld [smem:$0x3FFE];
	[sflag:s4] =	ssyncadd.remote.s32 @!p0 $0x1  }
0xb4: {  	s26 =	simm.s32 $execute0_lowered;
	[smem:$0x3FD2] =	sst s25  }
0xb5: {  	s5 =	sshll.u32 s26, $0x1;
	_ =	strace $0x8000004C;
	[dreg:$0x1] =	wrdreg $0xFFFFFFFF  }
0xb6: {  	s28 =	simm.s32 $_size_execute0_lowered;
	s3 =	sadd.s32 s3, s5;
	[dreg:$0x0] =	wrdreg $0x0  }
0xb7: {  	s5 =	sshll.u32 s28, $0x1;
	[dreg:$0x2] =	wrdreg s3  }
0xb8: {  	[dreg:$0x3] =	wrdreg s5  }
0xb9: {  	[dreg:$0x4] =	wrdreg $0xC0  }
0xba: {  	_ =	task [dreg:s22], $0x5FFFF  }
0xbb: {  	[dreg:$0x1] =	wrdreg $0xFFFFFFFF  }
0xbc: {  	[dreg:$0x0] =	wrdreg $0x60  }
0xbd: {  	[dreg:$0x2] =	wrdreg s24  }
0xbe: {  	[dreg:$0x3] =	wrdreg $0xB  }
0xbf: {  	_ =	task.clear_ibuf [dreg:s22], $0x4FFFF;
	_ =	strace $0x9000004C  }
0xc0: {  	s29 =	simm.s32 $0xB;
	_ =	strace $0x8000004E  }
0xc1: {  	_ =	swait.ge [sflag:s29], $0x1  }
0xc2: {  	[sflag:s29] =	ssyncadd.s32 $0xFFFFFFFF  }
0xc3: {  	_ =	strace $0x9000004E  }
0xc4: {  	_ =	sfence  }
0xc5: {  	s30 =	sld [smem:$0x0];
	_ =	sdelay $0x2  }
0xc6: {  	s31 =	sshll.u32 s1, $0xD;
	s1 =	sshrl.u32 s1, $0x2  }
0xc7: {  	s4 =	sand.u32 $0x4000, s31;
	s1 =	sadd.s32 s1, s30  }
0xc8: {  	s0 =	sor.u32 s4, s0;
	s1 =	sshll.u32 s1, $0x11  }
0xc9: {  	s0 =	sor.u32 s1, s0  }
0xca: {  	s0 =	sadd.s32 $0x8F2B, s0  }
0xcb: {  	[sflag:s0] =	ssyncadd.remote.s32 $0x1  }
0xcc: {  	_ =	sfence.sel $0xFFFF  }
0xcd: {  	[dreg:$0x0] =	wrdreg $0xFFFFFFFF;
	(pc) =	sbr.abs _section_cstart, $3  }
0xce: {  	[dreg:$0x1] =	wrdreg $0xFFFFFFFF  }
0xcf: {  	_ =	task.clear_ibuf [dreg:s22], $0x2FFFF;
	_ =	strace $0x9FFFFFFF  }
0xd0: {  	(tm) =	ssettm $0x7FFFFFFF  }
0xd1: {  	_ =	shalt  }
tec
execute0_lowered:
.L_overlay_start_1:
0x0: {  	(tag) =	ssettag $0x1  }
0x1: {  	s6 =	rddreg [dreg:$0x0]  }
0x2: {  	s0 =	rddreg [dreg:$0x1];
	s3 =	srdreg.scid  }
0x3: {  	s2 =	simm.s32 $0x0;
	s1 =	stileid.u32;
	s10 =	simm.s32 $0x7  }
0x4: {  	s11 =	simm.s32 $0x800;
	s12 =	simm.s32 $0x80;
	s13 =	simm.s32 $0x1000  }
0x5: {  	s14 =	simm.s32 $0x5000;
	s15 =	simm.s32 $0x3000;
	s16 =	simm.s32 $0x7000  }
0x6: {  	s17 =	simm.s32 $0x1;
	s18 =	simm.s32 $0x2;
	s19 =	simm.s32 $0x3  }
0x7: {  	s20 =	simm.s32 $0x4;
	s21 =	simm.s32 $0x5;
	s22 =	simm.s32 $0x6  }
0x8: {  	s23 =	simm.s32 $0x0;
	s7 =	sand.u32 $0x1, s3;
	[smem:$0x7FF] =	sst s2  }
0x9: {  	s5 =	sshll.u32 s1, $0x4;
	s3 =	sadd.s32 $0x17C00, s6;
	s4 =	sshll.u32 s7, $0x8  }
0xa: {  	_ =	strace $0x8000004D;
	s7 =	ssub.s32 $0x2, s7;
	s4 =	sor.u32 s5, s4  }
0xb: {  	s5 =	sadd.s32 $0x4200, s6;
	s9 =	sshrl.u32 s7, $0x1;
	s8 =	sshll.u32 s4, $0x4  }
0xc: {  	s9 =	ssub.s32 s7, s9;
	s8 =	sadd.s32 s8, s6;
	s6 =	sadd.s32 $0x13F600, s6  }
0xd: {  	s9 =	smax.u32 s9, $0x1;
	s7 =	sadd.s32 $0x33600, s8;
	s8 =	sadd.s32 $0x35600, s8  }
.LBB2_1:
0xe: {  	[tilespmem:s2], [sflag:$0x7] =	stream.linear.gather [hbm4b:s7+s2], $0x800, $0x38;
	[tilespmem:$0x9000] =	vst v63  }
0xf: {  	_ =	swait.ge [sflag:s10], $0x800  }
0x10: {  	[sflag:s10] =	ssyncset.done $0x0  }
0x11: {  	[sflag:s10] =	ssyncadd.s32 $0xFFFFF800  }
0x12: {  	[tilespmem:s11], [sflag:$0x7] =	stream.linear.gather [hbm4b:s8+s2], $0x800, $0x38;
	[tilespmem:$0x9000] =	vst v63  }
0x13: {  	_ =	swait.ge [sflag:s10], $0x800  }
0x14: {  	[sflag:s10] =	ssyncset.done $0x0  }
0x15: {  	[sflag:s10] =	ssyncadd.s32 $0xFFFFF800  }
0x16: {  	[tilespmem:s13], [sflag:$0x1] =	stream.indirect.gather [hbm4b:s3+s12], $0x40, s2, s12, $0xb8;
	[tilespmem:$0x9000] =	vst v63  }
0x17: {  	s24 =	simm.s32 $0x0  }
0x18: {  	[tilespmem:s14], [sflag:$0x2] =	stream.indirect.gather [hbm4b:s5+s12], $0x40, s11, s12, $0xb8;
	[tilespmem:$0x9000] =	vst v63  }
.LBB2_2:
0x19: {  	p0 =	seq.s32 s24, $0x0  }
0x1a: {  	s28 =	simm.s32 @!p0 $0x6  }
0x1b: {  	s26 =	sshll.u32 s24, $0x1;
	_ =	swait.ge @!p0 [sflag:s28], $0x2000  }
0x1c: {  	s25 =	sor.u32 $0x1, s26;
	[sflag:s28] =	ssyncset.done @!p0 $0x0  }
0x1d: {  	[sflag:s28] =	ssyncadd.s32 @!p0 $0xFFFFE000;
	s28 =	sshll.u32 s25, $0x7  }
0x1e: {  	[tilespmem:s15], [sflag:$0x3] =	stream.indirect.gather [hbm4b:s3+s12], $0x40, s28, s12, $0xb8;
	[tilespmem:$0x9000] =	vst v63  }
0x1f: {  	s28 =	sadd.s32 $0x800, s28  }
0x20: {  	[tilespmem:s16], [sflag:$0x4] =	stream.indirect.gather [hbm4b:s5+s12], $0x40, s28, s12, $0xb8;
	[tilespmem:$0x9000] =	vst v63  }
0x21: {  	_ =	swait.ge [sflag:s17], $0x2000  }
0x22: {  	[sflag:s17] =	ssyncset.done $0x0  }
0x23: {  	[sflag:s17] =	ssyncadd.s32 $0xFFFFE000  }
0x24: {  	_ =	swait.ge [sflag:s18], $0x2000  }
0x25: {  	[sflag:s18] =	ssyncset.done $0x0  }
0x26: {  	s28 =	simm.s32 $0x0;
	[sflag:s18] =	ssyncadd.s32 $0xFFFFE000  }
0x27: {  	v5 =	vld [tilespmem:s28+$0x5000]  }
0x28: {  	v6 =	vld [tilespmem:s28+$0x5010]  }
0x29: {  	v1 =	vld [tilespmem:s28+$0x5020]  }
0x2a: {  	v0 =	vld [tilespmem:s28+$0x5030]  }
0x2b: {  	v2 =	vld [tilespmem:s28+$0x1000]  }
0x2c: {  	v4 =	vld [tilespmem:s28+$0x1010]  }
0x2d: {  	s29 =	simm.s32 $0x100;
	v3 =	vld [tilespmem:s28+$0x1020]  }
.LBB2_3:
0x2e: {  	s30 =	sshra.s32 s29, $0x2;
	p0 =	sne.s32 s29, $0x7F00;
	v7 =	vld [tilespmem:s28+$0x1030];
	v8 =	vmov v1  }
0x2f: {  	v9 =	vld [tilespmem:s30+$0x5000];
	v10 =	vmov v0  }
0x30: {  	v11 =	vld [tilespmem:s30+$0x5010];
	v2 =	vadd.bf16 v5, v2  }
.Ltmp0:
0x31: {  	v1 =	vld [tilespmem:s30+$0x5020];
	v4 =	vadd.bf16 v6, v4;
	(pc) =	sbr.rel @p0 .LBB2_3-.Ltmp0, $4  }
0x32: {  	v0 =	vld [tilespmem:s30+$0x5030];
	[tilespmem:s28+$0x1000] =	vst v2;
	v3 =	vadd.bf16 v8, v3  }
0x33: {  	v2 =	vld [tilespmem:s30+$0x1000];
	[tilespmem:s28+$0x1010] =	vst v4;
	v7 =	vadd.bf16 v10, v7  }
0x34: {  	v4 =	vld [tilespmem:s30+$0x1010];
	[tilespmem:s28+$0x1020] =	vst v3;
	v5 =	vmov v9  }
0x35: {  	s29 =	sadd.s32 $0x100, s29;
	v3 =	vld [tilespmem:s30+$0x1020];
	[tilespmem:s28+$0x1030] =	vst v7;
	v6 =	vmov v11;
	s28 =	smov.u32 s30  }
0x36: {  	v7 =	vld [tilespmem:s28+$0x1030];
	_ =	sdelay $0x1  }
0x37: {  	v2 =	vadd.bf16 v5, v2  }
0x38: {  	v4 =	vadd.bf16 v6, v4  }
0x39: {  	[tilespmem:s28+$0x1000] =	vst v2;
	v1 =	vadd.bf16 v1, v3  }
0x3a: {  	s26 =	sadd.s32 s4, s26;
	[tilespmem:s28+$0x1010] =	vst v4;
	v0 =	vadd.bf16 v0, v7  }
0x3b: {  	s26 =	sshll.u32 s26, $0xA;
	[tilespmem:s28+$0x1020] =	vst v1  }
0x3c: {  	p0 =	seq.s32 s24, $0x7;
	s26 =	sadd.s32 s6, s26;
	[tilespmem:s28+$0x1030] =	vst v0  }
0x3d: {  	[hbm4b:s26+s2] =	stream.linear.scatter [tilespmem:s13], [sflag:$0x5], $0x2000, $0x38;
	[tilespmem:$0x9000] =	vst v63  }
0x3e: {  	s26 =	simm.s32 @!p0 $0x5  }
0x3f: {  	_ =	swait.ge @!p0 [sflag:s26], $0x2000  }
0x40: {  	[sflag:s26] =	ssyncset.done @!p0 $0x0  }
0x41: {  	[sflag:s26] =	ssyncadd.s32 @!p0 $0xFFFFE000;
	s26 =	sshll.u32 @!p0 s24, $0x8  }
0x42: {  	s29 =	simm.s32 @!p0 $0x80;
	s30 =	simm.s32 @!p0 $0x1000;
	s28 =	sadd.s32 @!p0 $0x100, s26  }
0x43: {  	[tilespmem:s30], [sflag:$0x1] =	stream.indirect.gather @!p0 [hbm4b:s3+s29], $0x40, s28, s29, $0xb8;
	[tilespmem:$0x9000] =	vst v63  }
0x44: {  	s26 =	sadd.s32 @!p0 $0x900, s26;
	s28 =	simm.s32 @!p0 $0x5000  }
0x45: {  	[tilespmem:s28], [sflag:$0x2] =	stream.indirect.gather @!p0 [hbm4b:s5+s29], $0x40, s26, s29, $0xb8;
	[tilespmem:$0x9000] =	vst v63  }
0x46: {  	_ =	swait.ge [sflag:s19], $0x2000  }
0x47: {  	[sflag:s19] =	ssyncset.done $0x0  }
0x48: {  	[sflag:s19] =	ssyncadd.s32 $0xFFFFE000  }
0x49: {  	_ =	swait.ge [sflag:s20], $0x2000  }
0x4a: {  	[sflag:s20] =	ssyncset.done $0x0  }
0x4b: {  	s26 =	simm.s32 $0x0;
	[sflag:s20] =	ssyncadd.s32 $0xFFFFE000  }
0x4c: {  	v5 =	vld [tilespmem:s26+$0x7000]  }
0x4d: {  	v6 =	vld [tilespmem:s26+$0x7010]  }
0x4e: {  	v1 =	vld [tilespmem:s26+$0x7020]  }
0x4f: {  	v0 =	vld [tilespmem:s26+$0x7030]  }
0x50: {  	v2 =	vld [tilespmem:s26+$0x3000]  }
0x51: {  	v4 =	vld [tilespmem:s26+$0x3010]  }
0x52: {  	s28 =	simm.s32 $0x100;
	v3 =	vld [tilespmem:s26+$0x3020]  }
.LBB2_5:
0x53: {  	s29 =	sshra.s32 s28, $0x2;
	p0 =	sne.s32 s28, $0x7F00;
	v7 =	vld [tilespmem:s26+$0x3030];
	v8 =	vmov v1  }
0x54: {  	v9 =	vld [tilespmem:s29+$0x7000];
	v10 =	vmov v0  }
0x55: {  	v11 =	vld [tilespmem:s29+$0x7010];
	v2 =	vadd.bf16 v5, v2  }
.Ltmp1:
0x56: {  	v1 =	vld [tilespmem:s29+$0x7020];
	v4 =	vadd.bf16 v6, v4;
	(pc) =	sbr.rel @p0 .LBB2_5-.Ltmp1, $4  }
0x57: {  	v0 =	vld [tilespmem:s29+$0x7030];
	[tilespmem:s26+$0x3000] =	vst v2;
	v3 =	vadd.bf16 v8, v3  }
0x58: {  	v2 =	vld [tilespmem:s29+$0x3000];
	[tilespmem:s26+$0x3010] =	vst v4;
	v7 =	vadd.bf16 v10, v7  }
0x59: {  	v4 =	vld [tilespmem:s29+$0x3010];
	[tilespmem:s26+$0x3020] =	vst v3;
	v5 =	vmov v9  }
0x5a: {  	s28 =	sadd.s32 $0x100, s28;
	v3 =	vld [tilespmem:s29+$0x3020];
	[tilespmem:s26+$0x3030] =	vst v7;
	v6 =	vmov v11;
	s26 =	smov.u32 s29  }
0x5b: {  	v7 =	vld [tilespmem:s26+$0x3030];
	_ =	sdelay $0x1  }
0x5c: {  	s24 =	sadd.s32 $0x1, s24;
	v2 =	vadd.bf16 v5, v2  }
0x5d: {  	p0 =	sne.s32 s24, $0x8;
	v4 =	vadd.bf16 v6, v4  }
.Ltmp2:
0x5e: {  	[tilespmem:s26+$0x3000] =	vst v2;
	v1 =	vadd.bf16 v1, v3;
	(pc) =	sbr.rel @p0 .LBB2_2-.Ltmp2, $4  }
0x5f: {  	s25 =	sadd.s32 s4, s25;
	[tilespmem:s26+$0x3010] =	vst v4;
	v0 =	vadd.bf16 v0, v7  }
0x60: {  	s25 =	sshll.u32 s25, $0xA;
	[tilespmem:s26+$0x3020] =	vst v1  }
0x61: {  	s25 =	sadd.s32 s6, s25;
	[tilespmem:s26+$0x3030] =	vst v0  }
0x62: {  	[hbm4b:s25+s2] =	stream.linear.scatter [tilespmem:s15], [sflag:$0x6], $0x2000, $0x38;
	[tilespmem:$0x9000] =	vst v63  }
0x63: {  	s23 =	sadd.s32 $0x1, s23  }
0x64: {  	_ =	swait.ge [sflag:s21], $0x2000;
	p0 =	sne.s32 s23, s9  }
.Ltmp3:
0x65: {  	[sflag:s21] =	ssyncset.done $0x0;
	(pc) =	sbr.rel @p0 .LBB2_1-.Ltmp3, $4  }
0x66: {  	[sflag:s21] =	ssyncadd.s32 $0xFFFFE000  }
0x67: {  	_ =	swait.ge [sflag:s22], $0x2000  }
0x68: {  	[sflag:s22] =	ssyncset.done $0x0  }
0x69: {  	[sflag:s22] =	ssyncadd.s32 $0xFFFFE000  }
0x6a: {  	_ =	sfence.sel $0x180000  }
0x6b: {  	[bflag:$0x0] =	sbarrier.arrive $0xFFFF  }
0x6c: {  	p0 =	sne.s32 s1, $0x0;
	_ =	strace $0x9000004D  }
0x6d: {  	s0 =	sadd.s32 @!p0 $0x100000, s0;
	[bflag:$0x2] =	sbarrier.arrive $0xFFFF  }
0x6e: {  	[sflag:s0] =	ssyncadd.tile.s32 @!p0 $0x1;
	_ =	shalt  }
.Lfunc_end2:
_tile_overlayer_lowered:
.L_overlay_start_2:
0x6f: {  	(tag) =	ssettag $0x2  }
0x70: {  	s0 =	rddreg [dreg:$0x0];
	s2 =	stileid.u32  }
0x71: {  	s1 =	rddreg [dreg:$0x1];
	p0 =	sne.s32 s2, $0x0  }
0x72: {  	s3 =	rddreg [dreg:$0x2];
	[bflag:$0x3] =	sbarrier.arrive $0xFFFF;
	s2 =	simm.s32 @!p0 $0x1C07  }
0x73: {  	[timem:s3], [sflag:s2] =	dma.local @!p0 [hbm:s0], s1  }
0x74: {  	s0 =	simm.s32 @!p0 $0x7  }
0x75: {  	_ =	swait.ge @!p0 [sflag:s0], s1  }
0x76: {  	s1 =	ssub.s32 @!p0 $0x0, s1;
	[sflag:s0] =	ssyncset.done @!p0 $0x0  }
0x77: {  	[sflag:s0] =	ssyncadd.s32 @!p0 s1  }
0x78: {  	[bflag:$0x3] =	sbarrier.arrive $0xFFFF  }
0x79: {  	_ =	shalt  }

// kernel: kernel.22.cloned.1.call-start
scs
__scs_entry_jumppad:
0x0: {  	(pc) =	sbr.rel $0x88, $3  }
0x1: {  	(tag) =	ssettag $0x0;
	lr =	simm.s32 $0x1  }
0x2: {  	[smem:$0x3F94] =	sst lr;
	_ =	strace $0xD0000000  }
0x3: {  	_ = 	snop  }
0x4: {  	_ = 	snop  }
0x5: {  	_ = 	snop  }
0x6: {  	_ = 	snop  }
0x7: {  	_ = 	snop  }
__scs_overlays_trampoline_lowered:
0x8: {  	[smem:$0x3FA3] =	sst s0  }
0x9: {  	[smem:$0x3FA4] =	sst s1  }
0xa: {  	[smem:$0x3FA5] =	sst s2  }
0xb: {  	[smem:$0x3FA6] =	sst s3  }
0xc: {  	[smem:$0x3FA7] =	sst s4  }
0xd: {  	[smem:$0x3FA8] =	sst s5  }
0xe: {  	[smem:$0x3FA9] =	sst s6  }
0xf: {  	[smem:$0x3FAA] =	sst s7  }
0x10: {  	[smem:$0x3FAB] =	sst s8  }
0x11: {  	[smem:$0x3FAC] =	sst s9;
	s0 =	simm.s32 @!p0 $0x0  }
0x12: {  	s1 =	sld [smem:$0x3F92];
	s0 =	simm.s32 @p0 $0x1  }
0x13: {  	[smem:$0x3FAD] =	sst s0;
	s0 =	simm.s32 @!p1 $0x0  }
0x14: {  	s2 =	sld [smem:$0x3F91];
	s0 =	simm.s32 @p1 $0x1  }
0x15: {  	[smem:$0x3FAE] =	sst s0;
	s0 =	simm.s32 @!p2 $0x0  }
0x16: {  	s3 =	sld [smem:$0x3FDB];
	s0 =	simm.s32 @p2 $0x1  }
0x17: {  	s4 =	simm.s32 $0x1BF5;
	[smem:$0x3FB0] =	sst s0  }
0x18: {  	s0 =	sld [smem:$0x3F93];
	_ =	swait.ge [sflag:s4], $0x0  }
0x19: {  	s7 =	sld [smem:$0x3F94]  }
0x1a: {  	s8 =	sadd.s32 $0xFFFFE003, lr  }
0x1b: {  	s9 =	sadd.s32 $0xFFFFFEF7, lr;
	s5 =	simm.s32 $0xFFFFFFFF;
	p2 =	slt.u32 s8, $0xFFFFF086  }
0x1c: {  	p1 =	slt.u32 s9, $0xF7A;
	s5 =	simm.s32 @!p2 $0x0  }
0x1d: {  	s5 =	simm.s32 @p1 $0x1;
	p0 =	seq.s32 s7, s2  }
0x1e: {  	s7 =	smul.u32 @!p0 $0xF7A, s2;
	p2 =	seq.s32 @!p0 s5, $0x0  }
0x1f: {  	s9 =	smul.u32 $0xF7A, s1;
	s8 =	simm.s32 @!p0 $0x1BF5;
	p2 =	por !p2, p0  }
0x20: {  	[sflag:s8] =	ssyncset.s32 @!p0 $0xFFFFF086;
	s6 =	sadd.s32 @!p0 s3, s7;
	s7 =	simm.s32 @!p0 $0x108  }
0x21: {  	s3 =	sadd.s32 s3, s9;
	s6 =	sadd.s32 @!p0 $0x88, s6;
	s7 =	simm.s32 @p2 $0x1082  }
0x22: {  	[simem:s7], [sflag:s8] =	dma.local @!p0 [hbm:s6], $0xF7A  }
0x23: {  	s9 =	sor.u32 $0xD0000000, s2;
	s6 =	simm.s32 $0x108;
	_ =	swait.ge @!p0 [sflag:s8], $0x0  }
0x24: {  	s3 =	sadd.s32 $0x88, s3;
	s6 =	simm.s32 @!p1 $0x1082;
	[sflag:s4] =	ssyncset.s32 $0xFFFFF086  }
0x25: {  	[simem:s6], [sflag:s4] =	dma.local [hbm:s3], $0xF7A  }
0x26: {  	[smem:$0x3F94] =	sst s1;
	(tag) =	ssettag s2;
	_ =	strace s9  }
0x27: {  	s1 =	sld [smem:$0x3FA4]  }
0x28: {  	s2 =	sld [smem:$0x3FA5]  }
0x29: {  	s4 =	sld [smem:$0x3FA7]  }
0x2a: {  	p0 =	seq.s32 s5, $0x0;
	s5 =	sld [smem:$0x3FA8]  }
0x2b: {  	s6 =	sld [smem:$0x3FA9]  }
0x2c: {  	s7 =	sld [smem:$0x3FAA]  }
0x2d: {  	s3 =	simm.s32 $0x108;
	s8 =	sld [smem:$0x3FAB]  }
0x2e: {  	s3 =	simm.s32 @!p0 $0x1082;
	s9 =	sld [smem:$0x3FAC]  }
0x2f: {  	lr =	sadd.s32 s0, s3;
	s0 =	sld [smem:$0x3FA3]  }
0x30: {  	s3 =	sld [smem:$0x3FA6]  }
0x31: {  	[smem:$0x3FAF] =	sst s10  }
0x32: {  	s10 =	sld [smem:$0x3FAD];
	_ =	sdelay $0x3  }
0x33: {  	p0 =	seq.s32 s10, $0x1;
	s10 =	sld [smem:$0x3FAF];
	_ =	sdelay $0x3  }
0x34: {  	[smem:$0x3FAF] =	sst s10  }
0x35: {  	s10 =	sld [smem:$0x3FAE];
	_ =	sdelay $0x3  }
0x36: {  	p1 =	seq.s32 s10, $0x1;
	s10 =	sld [smem:$0x3FAF];
	_ =	sdelay $0x3  }
0x37: {  	[smem:$0x3FAF] =	sst s10  }
0x38: {  	s10 =	sld [smem:$0x3FB0]  }
0x39: {  	_ = 	snop;
	(pc) =	sbr.ind lr, $3  }
0x3a: {  	_ = 	snop  }
0x3b: {  	_ = 	snop  }
0x3c: {  	p2 =	seq.s32 s10, $0x1;
	s10 =	sld [smem:$0x3FAF]  }
0x3d: {  	_ =	shalt  }
0x3e: {  	_ =	shalt  }
0x3f: {  	_ =	shalt  }
0x40: {  	_ =	shalt  }
0x41: {  	_ =	shalt  }
0x42: {  	_ =	shalt  }
0x43: {  	_ =	shalt  }
0x44: {  	_ =	shalt  }
0x45: {  	_ =	shalt  }
0x46: {  	_ =	shalt  }
0x47: {  	_ =	shalt  }
0x48: {  	_ =	shalt  }
0x49: {  	_ =	shalt  }
0x4a: {  	_ =	shalt  }
0x4b: {  	_ =	shalt  }
0x4c: {  	_ =	shalt  }
0x4d: {  	_ =	shalt  }
0x4e: {  	_ =	shalt  }
0x4f: {  	_ =	shalt  }
0x50: {  	_ =	shalt  }
0x51: {  	_ =	shalt  }
0x52: {  	_ =	shalt  }
0x53: {  	_ =	shalt  }
0x54: {  	_ =	shalt  }
0x55: {  	_ =	shalt  }
0x56: {  	_ =	shalt  }
0x57: {  	_ =	shalt  }
0x58: {  	_ =	shalt  }
0x59: {  	_ =	shalt  }
0x5a: {  	_ =	shalt  }
0x5b: {  	_ =	shalt  }
0x5c: {  	_ =	shalt  }
0x5d: {  	_ =	shalt  }
0x5e: {  	_ =	shalt  }
0x5f: {  	_ =	shalt  }
0x60: {  	_ =	shalt  }
0x61: {  	_ =	shalt  }
0x62: {  	_ =	shalt  }
0x63: {  	_ =	shalt  }
0x64: {  	_ =	shalt  }
0x65: {  	_ =	shalt  }
0x66: {  	_ =	shalt  }
0x67: {  	_ =	shalt  }
0x68: {  	_ =	shalt  }
0x69: {  	_ =	shalt  }
0x6a: {  	_ =	shalt  }
0x6b: {  	_ =	shalt  }
0x6c: {  	_ =	shalt  }
0x6d: {  	_ =	shalt  }
0x6e: {  	_ =	shalt  }
0x6f: {  	_ =	shalt  }
0x70: {  	_ =	shalt  }
0x71: {  	_ =	shalt  }
0x72: {  	_ =	shalt  }
0x73: {  	_ =	shalt  }
0x74: {  	_ =	shalt  }
0x75: {  	_ =	shalt  }
0x76: {  	_ =	shalt  }
0x77: {  	_ =	shalt  }
0x78: {  	_ =	shalt  }
0x79: {  	_ =	shalt  }
0x7a: {  	_ =	shalt  }
0x7b: {  	_ =	shalt  }
0x7c: {  	_ =	shalt  }
0x7d: {  	_ =	shalt  }
0x7e: {  	_ =	shalt  }
0x7f: {  	_ =	shalt  }
0x80: {  	_ =	shalt  }
0x81: {  	_ =	shalt  }
0x82: {  	_ =	shalt  }
0x83: {  	_ =	shalt  }
0x84: {  	_ =	shalt  }
0x85: {  	_ =	shalt  }
0x86: {  	_ =	shalt  }
0x87: {  	_ =	shalt  }
.Lfunc_end0:
.L_simem_size_0:
called_computation.3_lowered:
.L_overlay_start_0:
0x88: {  	s2 =	sld [smem:$0x3FD9]  }
0x89: {  	s3 =	sld [smem:$0x3FFE];
	_ =	sdelay $0x1  }
0x8a: {  	s1 =	srdreg.scid  }
0x8b: {  	s0 =	sand.u32 $0x1, s1  }
0x8c: {  	s17 =	sshll.u32 s0, $0xA;
	s2 =	sadd.s32 s3, s2  }
0x8d: {  	s2 =	sadd.s32 s2, s17  }
0x8e: {  	[smem:$0x3FBB] =	sst s2  }
0x8f: {  	_ = 	snop  }
0x90: {  	(tm) =	ssettm $0x1  }
0x91: {  	s18 =	sld [smem:$0x3FFB];
	_ =	sdelay $0x3  }
0x92: {  	_ =	strace s18  }
0x93: {  	s2 =	sld [smem:$0x3FFC];
	_ =	sdelay $0x3  }
0x94: {  	_ =	strace s2  }
0x95: {  	s2 =	sld [smem:$0x3FFD];
	_ =	sdelay $0x3  }
0x96: {  	_ =	strace s2  }
0x97: {  	_ =	strace $0x8FFFFFFF  }
0x98: {  	s19 =	sld [smem:$0x3FDB];
	_ =	sdelay $0x1  }
0x99: {  	s20 =	simm.s32 $_scs_section_size  }
0x9a: {  	s4 =	simm.s32 $_size__tile_overlayer_lowered;
	s5 =	simm.s32 $_tile_overlayer_lowered  }
0x9b: {  	s6 =	simm.s32 $0x1BFF;
	s21 =	sshll.u32 s5, $0x1;
	s3 =	sadd.s32 s20, s19  }
0x9c: {  	s22 =	simm.s32 $0x0;
	s4 =	sshll.u32 s4, $0x1;
	s5 =	sadd.s32 s21, s3  }
0x9d: {  	[timem:s22], [sflag:s6] =	dma.local [hbm:s5], s4  }
0x9e: {  	_ =	swait.ge [sflag:s6], s4  }
0x9f: {  	s4 =	ssub.s32 $0x0, s4;
	[sflag:s6] =	ssyncset.done $0x0  }
0xa0: {  	[sflag:s6] =	ssyncadd.s32 s4;
	_ =	sdelay $0x1  }
0xa1: {  	s23 =	simm.s32 $0x1B8B  }
0xa2: {  	_ =	swait.ge [sflag:s23], $0x1  }
0xa3: {  	[sflag:s23] =	ssyncset.done $0x0  }
0xa4: {  	[sflag:s23] =	ssyncadd.s32 $0xFFFFFFFF  }
0xa5: {  	s4 =	sld [smem:$0x0]  }
0xa6: {  	s5 =	sand.u32 $0xFFFFFFFE, s1  }
0xa7: {  	p0 =	sne.s32 s1, s5  }
0xa8: {  	s5 =	sshll.u32 @p0 s5, $0xE  }
0xa9: {  	s5 =	sadd.s32 @p0 $0x11B8D, s5;
	s6 =	sshll.u32 @p0 s4, $0x11  }
0xaa: {  	s5 =	sor.u32 @p0 s6, s5  }
0xab: {  	[sflag:s5] =	ssyncadd.remote.s32 @p0 $0x1;
	_ =	sdelay $0x1  }
0xac: {  	s5 =	simm.s32 @p0 $0x1B8D  }
0xad: {  	_ =	swait.eq @p0 [sflag:s5], $0x1  }
0xae: {  	[sflag:s5] =	ssyncadd.s32 @p0 $0xFFFFFFFF  }
0xaf: {  	s6 =	sshll.u32 @!p0 s1, $0xE  }
0xb0: {  	s6 =	sor.u32 @!p0 $0x4000, s6;
	s5 =	simm.s32 @!p0 $0x1B8D  }
0xb1: {  	s4 =	sshll.u32 @!p0 s4, $0x11;
	s6 =	sadd.s32 @!p0 $0x11B8D, s6;
	_ =	swait.eq @!p0 [sflag:s5], $0x1  }
0xb2: {  	s4 =	sor.u32 @!p0 s4, s6;
	[sflag:s5] =	ssyncadd.s32 @!p0 $0xFFFFFFFF  }
0xb3: {  	s25 =	simm.s32 $0x1B8E;
	s24 =	sld [smem:$0x3FFE];
	[sflag:s4] =	ssyncadd.remote.s32 @!p0 $0x1  }
0xb4: {  	s26 =	simm.s32 $execute0_lowered;
	[smem:$0x3FD2] =	sst s25  }
0xb5: {  	s5 =	sshll.u32 s26, $0x1;
	_ =	strace $0x8000004F;
	[dreg:$0x1] =	wrdreg $0xFFFFFFFF  }
0xb6: {  	s28 =	simm.s32 $_size_execute0_lowered;
	s3 =	sadd.s32 s3, s5;
	[dreg:$0x0] =	wrdreg $0x0  }
0xb7: {  	s5 =	sshll.u32 s28, $0x1;
	[dreg:$0x2] =	wrdreg s3  }
0xb8: {  	[dreg:$0x3] =	wrdreg s5  }
0xb9: {  	[dreg:$0x4] =	wrdreg $0xC0  }
0xba: {  	_ =	task [dreg:s22], $0x5FFFF  }
0xbb: {  	[dreg:$0x1] =	wrdreg $0xFFFFFFFF  }
0xbc: {  	[dreg:$0x0] =	wrdreg $0x60  }
0xbd: {  	[dreg:$0x2] =	wrdreg s24  }
0xbe: {  	[dreg:$0x3] =	wrdreg $0xC  }
0xbf: {  	_ =	task.clear_ibuf [dreg:s22], $0x4FFFF;
	_ =	strace $0x9000004F  }
0xc0: {  	s29 =	simm.s32 $0xC;
	_ =	strace $0x80000051  }
0xc1: {  	_ =	swait.ge [sflag:s29], $0x1  }
0xc2: {  	[sflag:s29] =	ssyncadd.s32 $0xFFFFFFFF  }
0xc3: {  	_ =	strace $0x90000051  }
0xc4: {  	_ =	sfence  }
0xc5: {  	s30 =	sld [smem:$0x0];
	_ =	sdelay $0x2  }
0xc6: {  	s31 =	sshll.u32 s1, $0xD;
	s1 =	sshrl.u32 s1, $0x2  }
0xc7: {  	s4 =	sand.u32 $0x4000, s31;
	s1 =	sadd.s32 s1, s30  }
0xc8: {  	s0 =	sor.u32 s4, s0;
	s1 =	sshll.u32 s1, $0x11  }
0xc9: {  	s0 =	sor.u32 s1, s0  }
0xca: {  	s0 =	sadd.s32 $0x8F2B, s0  }
0xcb: {  	[sflag:s0] =	ssyncadd.remote.s32 $0x1  }
0xcc: {  	_ =	sfence.sel $0xFFFF  }
0xcd: {  	[dreg:$0x0] =	wrdreg $0xFFFFFFFF;
	(pc) =	sbr.abs _section_cstart, $3  }
0xce: {  	[dreg:$0x1] =	wrdreg $0xFFFFFFFF  }
0xcf: {  	_ =	task.clear_ibuf [dreg:s22], $0x2FFFF;
	_ =	strace $0x9FFFFFFF  }
0xd0: {  	(tm) =	ssettm $0x7FFFFFFF  }
0xd1: {  	_ =	shalt  }
tec
execute0_lowered:
.L_overlay_start_1:
0x0: {  	(tag) =	ssettag $0x1  }
0x1: {  	s6 =	rddreg [dreg:$0x0]  }
0x2: {  	s0 =	rddreg [dreg:$0x1];
	s3 =	srdreg.scid  }
0x3: {  	s2 =	simm.s32 $0x0;
	s1 =	stileid.u32;
	s10 =	simm.s32 $0x7  }
0x4: {  	s11 =	simm.s32 $0x800;
	s12 =	simm.s32 $0x80;
	s13 =	simm.s32 $0x1000  }
0x5: {  	s14 =	simm.s32 $0x5000;
	s15 =	simm.s32 $0x3000;
	s16 =	simm.s32 $0x7000  }
0x6: {  	s17 =	simm.s32 $0x1;
	s18 =	simm.s32 $0x2;
	s19 =	simm.s32 $0x3  }
0x7: {  	s20 =	simm.s32 $0x4;
	s21 =	simm.s32 $0x5;
	s22 =	simm.s32 $0x6  }
0x8: {  	s23 =	simm.s32 $0x0;
	s7 =	sand.u32 $0x1, s3;
	[smem:$0x7FF] =	sst s2  }
0x9: {  	s5 =	sshll.u32 s1, $0x4;
	s3 =	sadd.s32 $0x17C00, s6;
	s4 =	sshll.u32 s7, $0x8  }
0xa: {  	_ =	strace $0x80000050;
	s7 =	ssub.s32 $0x2, s7;
	s4 =	sor.u32 s5, s4  }
0xb: {  	s5 =	sadd.s32 $0x4200, s6;
	s9 =	sshrl.u32 s7, $0x1;
	s8 =	sshll.u32 s4, $0x4  }
0xc: {  	s9 =	ssub.s32 s7, s9;
	s8 =	sadd.s32 s8, s6;
	s6 =	sadd.s32 $0x1BF600, s6  }
0xd: {  	s9 =	smax.u32 s9, $0x1;
	s7 =	sadd.s32 $0x37600, s8;
	s8 =	sadd.s32 $0x39600, s8  }
.LBB2_1:
0xe: {  	[tilespmem:s2], [sflag:$0x7] =	stream.linear.gather [hbm4b:s7+s2], $0x800, $0x38;
	[tilespmem:$0x9000] =	vst v63  }
0xf: {  	_ =	swait.ge [sflag:s10], $0x800  }
0x10: {  	[sflag:s10] =	ssyncset.done $0x0  }
0x11: {  	[sflag:s10] =	ssyncadd.s32 $0xFFFFF800  }
0x12: {  	[tilespmem:s11], [sflag:$0x7] =	stream.linear.gather [hbm4b:s8+s2], $0x800, $0x38;
	[tilespmem:$0x9000] =	vst v63  }
0x13: {  	_ =	swait.ge [sflag:s10], $0x800  }
0x14: {  	[sflag:s10] =	ssyncset.done $0x0  }
0x15: {  	[sflag:s10] =	ssyncadd.s32 $0xFFFFF800  }
0x16: {  	[tilespmem:s13], [sflag:$0x1] =	stream.indirect.gather [hbm4b:s3+s12], $0x40, s2, s12, $0xb8;
	[tilespmem:$0x9000] =	vst v63  }
0x17: {  	s24 =	simm.s32 $0x0  }
0x18: {  	[tilespmem:s14], [sflag:$0x2] =	stream.indirect.gather [hbm4b:s5+s12], $0x40, s11, s12, $0xb8;
	[tilespmem:$0x9000] =	vst v63  }
.LBB2_2:
0x19: {  	p0 =	seq.s32 s24, $0x0  }
0x1a: {  	s28 =	simm.s32 @!p0 $0x6  }
0x1b: {  	s26 =	sshll.u32 s24, $0x1;
	_ =	swait.ge @!p0 [sflag:s28], $0x2000  }
0x1c: {  	s25 =	sor.u32 $0x1, s26;
	[sflag:s28] =	ssyncset.done @!p0 $0x0  }
0x1d: {  	[sflag:s28] =	ssyncadd.s32 @!p0 $0xFFFFE000;
	s28 =	sshll.u32 s25, $0x7  }
0x1e: {  	[tilespmem:s15], [sflag:$0x3] =	stream.indirect.gather [hbm4b:s3+s12], $0x40, s28, s12, $0xb8;
	[tilespmem:$0x9000] =	vst v63  }
0x1f: {  	s28 =	sadd.s32 $0x800, s28  }
0x20: {  	[tilespmem:s16], [sflag:$0x4] =	stream.indirect.gather [hbm4b:s5+s12], $0x40, s28, s12, $0xb8;
	[tilespmem:$0x9000] =	vst v63  }
0x21: {  	_ =	swait.ge [sflag:s17], $0x2000  }
0x22: {  	[sflag:s17] =	ssyncset.done $0x0  }
0x23: {  	[sflag:s17] =	ssyncadd.s32 $0xFFFFE000  }
0x24: {  	_ =	swait.ge [sflag:s18], $0x2000  }
0x25: {  	[sflag:s18] =	ssyncset.done $0x0  }
0x26: {  	s28 =	simm.s32 $0x0;
	[sflag:s18] =	ssyncadd.s32 $0xFFFFE000  }
0x27: {  	v5 =	vld [tilespmem:s28+$0x5000]  }
0x28: {  	v6 =	vld [tilespmem:s28+$0x5010]  }
0x29: {  	v1 =	vld [tilespmem:s28+$0x5020]  }
0x2a: {  	v0 =	vld [tilespmem:s28+$0x5030]  }
0x2b: {  	v2 =	vld [tilespmem:s28+$0x1000]  }
0x2c: {  	v4 =	vld [tilespmem:s28+$0x1010]  }
0x2d: {  	s29 =	simm.s32 $0x100;
	v3 =	vld [tilespmem:s28+$0x1020]  }
.LBB2_3:
0x2e: {  	s30 =	sshra.s32 s29, $0x2;
	p0 =	sne.s32 s29, $0x7F00;
	v7 =	vld [tilespmem:s28+$0x1030];
	v8 =	vmov v1  }
0x2f: {  	v9 =	vld [tilespmem:s30+$0x5000];
	v10 =	vmov v0  }
0x30: {  	v11 =	vld [tilespmem:s30+$0x5010];
	v2 =	vadd.bf16 v5, v2  }
.Ltmp0:
0x31: {  	v1 =	vld [tilespmem:s30+$0x5020];
	v4 =	vadd.bf16 v6, v4;
	(pc) =	sbr.rel @p0 .LBB2_3-.Ltmp0, $4  }
0x32: {  	v0 =	vld [tilespmem:s30+$0x5030];
	[tilespmem:s28+$0x1000] =	vst v2;
	v3 =	vadd.bf16 v8, v3  }
0x33: {  	v2 =	vld [tilespmem:s30+$0x1000];
	[tilespmem:s28+$0x1010] =	vst v4;
	v7 =	vadd.bf16 v10, v7  }
0x34: {  	v4 =	vld [tilespmem:s30+$0x1010];
	[tilespmem:s28+$0x1020] =	vst v3;
	v5 =	vmov v9  }
0x35: {  	s29 =	sadd.s32 $0x100, s29;
	v3 =	vld [tilespmem:s30+$0x1020];
	[tilespmem:s28+$0x1030] =	vst v7;
	v6 =	vmov v11;
	s28 =	smov.u32 s30  }
0x36: {  	v7 =	vld [tilespmem:s28+$0x1030];
	_ =	sdelay $0x1  }
0x37: {  	v2 =	vadd.bf16 v5, v2  }
0x38: {  	v4 =	vadd.bf16 v6, v4  }
0x39: {  	[tilespmem:s28+$0x1000] =	vst v2;
	v1 =	vadd.bf16 v1, v3  }
0x3a: {  	s26 =	sadd.s32 s4, s26;
	[tilespmem:s28+$0x1010] =	vst v4;
	v0 =	vadd.bf16 v0, v7  }
0x3b: {  	s26 =	sshll.u32 s26, $0xA;
	[tilespmem:s28+$0x1020] =	vst v1  }
0x3c: {  	p0 =	seq.s32 s24, $0x7;
	s26 =	sadd.s32 s6, s26;
	[tilespmem:s28+$0x1030] =	vst v0  }
0x3d: {  	[hbm4b:s26+s2] =	stream.linear.scatter [tilespmem:s13], [sflag:$0x5], $0x2000, $0x38;
	[tilespmem:$0x9000] =	vst v63  }
0x3e: {  	s26 =	simm.s32 @!p0 $0x5  }
0x3f: {  	_ =	swait.ge @!p0 [sflag:s26], $0x2000  }
0x40: {  	[sflag:s26] =	ssyncset.done @!p0 $0x0  }
0x41: {  	[sflag:s26] =	ssyncadd.s32 @!p0 $0xFFFFE000;
	s26 =	sshll.u32 @!p0 s24, $0x8  }
0x42: {  	s29 =	simm.s32 @!p0 $0x80;
	s30 =	simm.s32 @!p0 $0x1000;
	s28 =	sadd.s32 @!p0 $0x100, s26  }
0x43: {  	[tilespmem:s30], [sflag:$0x1] =	stream.indirect.gather @!p0 [hbm4b:s3+s29], $0x40, s28, s29, $0xb8;
	[tilespmem:$0x9000] =	vst v63  }
0x44: {  	s26 =	sadd.s32 @!p0 $0x900, s26;
	s28 =	simm.s32 @!p0 $0x5000  }
0x45: {  	[tilespmem:s28], [sflag:$0x2] =	stream.indirect.gather @!p0 [hbm4b:s5+s29], $0x40, s26, s29, $0xb8;
	[tilespmem:$0x9000] =	vst v63  }
0x46: {  	_ =	swait.ge [sflag:s19], $0x2000  }
0x47: {  	[sflag:s19] =	ssyncset.done $0x0  }
0x48: {  	[sflag:s19] =	ssyncadd.s32 $0xFFFFE000  }
0x49: {  	_ =	swait.ge [sflag:s20], $0x2000  }
0x4a: {  	[sflag:s20] =	ssyncset.done $0x0  }
0x4b: {  	s26 =	simm.s32 $0x0;
	[sflag:s20] =	ssyncadd.s32 $0xFFFFE000  }
0x4c: {  	v5 =	vld [tilespmem:s26+$0x7000]  }
0x4d: {  	v6 =	vld [tilespmem:s26+$0x7010]  }
0x4e: {  	v1 =	vld [tilespmem:s26+$0x7020]  }
0x4f: {  	v0 =	vld [tilespmem:s26+$0x7030]  }
0x50: {  	v2 =	vld [tilespmem:s26+$0x3000]  }
0x51: {  	v4 =	vld [tilespmem:s26+$0x3010]  }
0x52: {  	s28 =	simm.s32 $0x100;
	v3 =	vld [tilespmem:s26+$0x3020]  }
.LBB2_5:
0x53: {  	s29 =	sshra.s32 s28, $0x2;
	p0 =	sne.s32 s28, $0x7F00;
	v7 =	vld [tilespmem:s26+$0x3030];
	v8 =	vmov v1  }
0x54: {  	v9 =	vld [tilespmem:s29+$0x7000];
	v10 =	vmov v0  }
0x55: {  	v11 =	vld [tilespmem:s29+$0x7010];
	v2 =	vadd.bf16 v5, v2  }
.Ltmp1:
0x56: {  	v1 =	vld [tilespmem:s29+$0x7020];
	v4 =	vadd.bf16 v6, v4;
	(pc) =	sbr.rel @p0 .LBB2_5-.Ltmp1, $4  }
0x57: {  	v0 =	vld [tilespmem:s29+$0x7030];
	[tilespmem:s26+$0x3000] =	vst v2;
	v3 =	vadd.bf16 v8, v3  }
0x58: {  	v2 =	vld [tilespmem:s29+$0x3000];
	[tilespmem:s26+$0x3010] =	vst v4;
	v7 =	vadd.bf16 v10, v7  }
0x59: {  	v4 =	vld [tilespmem:s29+$0x3010];
	[tilespmem:s26+$0x3020] =	vst v3;
	v5 =	vmov v9  }
0x5a: {  	s28 =	sadd.s32 $0x100, s28;
	v3 =	vld [tilespmem:s29+$0x3020];
	[tilespmem:s26+$0x3030] =	vst v7;
	v6 =	vmov v11;
	s26 =	smov.u32 s29  }
0x5b: {  	v7 =	vld [tilespmem:s26+$0x3030];
	_ =	sdelay $0x1  }
0x5c: {  	s24 =	sadd.s32 $0x1, s24;
	v2 =	vadd.bf16 v5, v2  }
0x5d: {  	p0 =	sne.s32 s24, $0x8;
	v4 =	vadd.bf16 v6, v4  }
.Ltmp2:
0x5e: {  	[tilespmem:s26+$0x3000] =	vst v2;
	v1 =	vadd.bf16 v1, v3;
	(pc) =	sbr.rel @p0 .LBB2_2-.Ltmp2, $4  }
0x5f: {  	s25 =	sadd.s32 s4, s25;
	[tilespmem:s26+$0x3010] =	vst v4;
	v0 =	vadd.bf16 v0, v7  }
0x60: {  	s25 =	sshll.u32 s25, $0xA;
	[tilespmem:s26+$0x3020] =	vst v1  }
0x61: {  	s25 =	sadd.s32 s6, s25;
	[tilespmem:s26+$0x3030] =	vst v0  }
0x62: {  	[hbm4b:s25+s2] =	stream.linear.scatter [tilespmem:s15], [sflag:$0x6], $0x2000, $0x38;
	[tilespmem:$0x9000] =	vst v63  }
0x63: {  	s23 =	sadd.s32 $0x1, s23  }
0x64: {  	_ =	swait.ge [sflag:s21], $0x2000;
	p0 =	sne.s32 s23, s9  }
.Ltmp3:
0x65: {  	[sflag:s21] =	ssyncset.done $0x0;
	(pc) =	sbr.rel @p0 .LBB2_1-.Ltmp3, $4  }
0x66: {  	[sflag:s21] =	ssyncadd.s32 $0xFFFFE000  }
0x67: {  	_ =	swait.ge [sflag:s22], $0x2000  }
0x68: {  	[sflag:s22] =	ssyncset.done $0x0  }
0x69: {  	[sflag:s22] =	ssyncadd.s32 $0xFFFFE000  }
0x6a: {  	_ =	sfence.sel $0x180000  }
0x6b: {  	[bflag:$0x0] =	sbarrier.arrive $0xFFFF  }
0x6c: {  	p0 =	sne.s32 s1, $0x0;
	_ =	strace $0x90000050  }
0x6d: {  	s0 =	sadd.s32 @!p0 $0x100000, s0;
	[bflag:$0x2] =	sbarrier.arrive $0xFFFF  }
0x6e: {  	[sflag:s0] =	ssyncadd.tile.s32 @!p0 $0x1;
	_ =	shalt  }
.Lfunc_end2:
_tile_overlayer_lowered:
.L_overlay_start_2:
0x6f: {  	(tag) =	ssettag $0x2  }
0x70: {  	s0 =	rddreg [dreg:$0x0];
	s2 =	stileid.u32  }
0x71: {  	s1 =	rddreg [dreg:$0x1];
	p0 =	sne.s32 s2, $0x0  }
0x72: {  	s3 =	rddreg [dreg:$0x2];
	[bflag:$0x3] =	sbarrier.arrive $0xFFFF;
	s2 =	simm.s32 @!p0 $0x1C07  }
0x73: {  	[timem:s3], [sflag:s2] =	dma.local @!p0 [hbm:s0], s1  }
0x74: {  	s0 =	simm.s32 @!p0 $0x7  }
0x75: {  	_ =	swait.ge @!p0 [sflag:s0], s1  }
0x76: {  	s1 =	ssub.s32 @!p0 $0x0, s1;
	[sflag:s0] =	ssyncset.done @!p0 $0x0  }
0x77: {  	[sflag:s0] =	ssyncadd.s32 @!p0 s1  }
0x78: {  	[bflag:$0x3] =	sbarrier.arrive $0xFFFF  }
0x79: {  	_ =	shalt  }

// kernel: kernel.25.cloned.1.call-start
scs
__scs_entry_jumppad:
0x0: {  	(pc) =	sbr.rel $0x88, $3  }
0x1: {  	(tag) =	ssettag $0x0;
	lr =	simm.s32 $0x1  }
0x2: {  	[smem:$0x3F94] =	sst lr;
	_ =	strace $0xD0000000  }
0x3: {  	_ = 	snop  }
0x4: {  	_ = 	snop  }
0x5: {  	_ = 	snop  }
0x6: {  	_ = 	snop  }
0x7: {  	_ = 	snop  }
__scs_overlays_trampoline_lowered:
0x8: {  	[smem:$0x3FA3] =	sst s0  }
0x9: {  	[smem:$0x3FA4] =	sst s1  }
0xa: {  	[smem:$0x3FA5] =	sst s2  }
0xb: {  	[smem:$0x3FA6] =	sst s3  }
0xc: {  	[smem:$0x3FA7] =	sst s4  }
0xd: {  	[smem:$0x3FA8] =	sst s5  }
0xe: {  	[smem:$0x3FA9] =	sst s6  }
0xf: {  	[smem:$0x3FAA] =	sst s7  }
0x10: {  	[smem:$0x3FAB] =	sst s8  }
0x11: {  	[smem:$0x3FAC] =	sst s9;
	s0 =	simm.s32 @!p0 $0x0  }
0x12: {  	s1 =	sld [smem:$0x3F92];
	s0 =	simm.s32 @p0 $0x1  }
0x13: {  	[smem:$0x3FAD] =	sst s0;
	s0 =	simm.s32 @!p1 $0x0  }
0x14: {  	s2 =	sld [smem:$0x3F91];
	s0 =	simm.s32 @p1 $0x1  }
0x15: {  	[smem:$0x3FAE] =	sst s0;
	s0 =	simm.s32 @!p2 $0x0  }
0x16: {  	s3 =	sld [smem:$0x3FDB];
	s0 =	simm.s32 @p2 $0x1  }
0x17: {  	s4 =	simm.s32 $0x1BF5;
	[smem:$0x3FB0] =	sst s0  }
0x18: {  	s0 =	sld [smem:$0x3F93];
	_ =	swait.ge [sflag:s4], $0x0  }
0x19: {  	s7 =	sld [smem:$0x3F94]  }
0x1a: {  	s8 =	sadd.s32 $0xFFFFE003, lr  }
0x1b: {  	s9 =	sadd.s32 $0xFFFFFEF7, lr;
	s5 =	simm.s32 $0xFFFFFFFF;
	p2 =	slt.u32 s8, $0xFFFFF086  }
0x1c: {  	p1 =	slt.u32 s9, $0xF7A;
	s5 =	simm.s32 @!p2 $0x0  }
0x1d: {  	s5 =	simm.s32 @p1 $0x1;
	p0 =	seq.s32 s7, s2  }
0x1e: {  	s7 =	smul.u32 @!p0 $0xF7A, s2;
	p2 =	seq.s32 @!p0 s5, $0x0  }
0x1f: {  	s9 =	smul.u32 $0xF7A, s1;
	s8 =	simm.s32 @!p0 $0x1BF5;
	p2 =	por !p2, p0  }
0x20: {  	[sflag:s8] =	ssyncset.s32 @!p0 $0xFFFFF086;
	s6 =	sadd.s32 @!p0 s3, s7;
	s7 =	simm.s32 @!p0 $0x108  }
0x21: {  	s3 =	sadd.s32 s3, s9;
	s6 =	sadd.s32 @!p0 $0x88, s6;
	s7 =	simm.s32 @p2 $0x1082  }
0x22: {  	[simem:s7], [sflag:s8] =	dma.local @!p0 [hbm:s6], $0xF7A  }
0x23: {  	s9 =	sor.u32 $0xD0000000, s2;
	s6 =	simm.s32 $0x108;
	_ =	swait.ge @!p0 [sflag:s8], $0x0  }
0x24: {  	s3 =	sadd.s32 $0x88, s3;
	s6 =	simm.s32 @!p1 $0x1082;
	[sflag:s4] =	ssyncset.s32 $0xFFFFF086  }
0x25: {  	[simem:s6], [sflag:s4] =	dma.local [hbm:s3], $0xF7A  }
0x26: {  	[smem:$0x3F94] =	sst s1;
	(tag) =	ssettag s2;
	_ =	strace s9  }
0x27: {  	s1 =	sld [smem:$0x3FA4]  }
0x28: {  	s2 =	sld [smem:$0x3FA5]  }
0x29: {  	s4 =	sld [smem:$0x3FA7]  }
0x2a: {  	p0 =	seq.s32 s5, $0x0;
	s5 =	sld [smem:$0x3FA8]  }
0x2b: {  	s6 =	sld [smem:$0x3FA9]  }
0x2c: {  	s7 =	sld [smem:$0x3FAA]  }
0x2d: {  	s3 =	simm.s32 $0x108;
	s8 =	sld [smem:$0x3FAB]  }
0x2e: {  	s3 =	simm.s32 @!p0 $0x1082;
	s9 =	sld [smem:$0x3FAC]  }
0x2f: {  	lr =	sadd.s32 s0, s3;
	s0 =	sld [smem:$0x3FA3]  }
0x30: {  	s3 =	sld [smem:$0x3FA6]  }
0x31: {  	[smem:$0x3FAF] =	sst s10  }
0x32: {  	s10 =	sld [smem:$0x3FAD];
	_ =	sdelay $0x3  }
0x33: {  	p0 =	seq.s32 s10, $0x1;
	s10 =	sld [smem:$0x3FAF];
	_ =	sdelay $0x3  }
0x34: {  	[smem:$0x3FAF] =	sst s10  }
0x35: {  	s10 =	sld [smem:$0x3FAE];
	_ =	sdelay $0x3  }
0x36: {  	p1 =	seq.s32 s10, $0x1;
	s10 =	sld [smem:$0x3FAF];
	_ =	sdelay $0x3  }
0x37: {  	[smem:$0x3FAF] =	sst s10  }
0x38: {  	s10 =	sld [smem:$0x3FB0]  }
0x39: {  	_ = 	snop;
	(pc) =	sbr.ind lr, $3  }
0x3a: {  	_ = 	snop  }
0x3b: {  	_ = 	snop  }
0x3c: {  	p2 =	seq.s32 s10, $0x1;
	s10 =	sld [smem:$0x3FAF]  }
0x3d: {  	_ =	shalt  }
0x3e: {  	_ =	shalt  }
0x3f: {  	_ =	shalt  }
0x40: {  	_ =	shalt  }
0x41: {  	_ =	shalt  }
0x42: {  	_ =	shalt  }
0x43: {  	_ =	shalt  }
0x44: {  	_ =	shalt  }
0x45: {  	_ =	shalt  }
0x46: {  	_ =	shalt  }
0x47: {  	_ =	shalt  }
0x48: {  	_ =	shalt  }
0x49: {  	_ =	shalt  }
0x4a: {  	_ =	shalt  }
0x4b: {  	_ =	shalt  }
0x4c: {  	_ =	shalt  }
0x4d: {  	_ =	shalt  }
0x4e: {  	_ =	shalt  }
0x4f: {  	_ =	shalt  }
0x50: {  	_ =	shalt  }
0x51: {  	_ =	shalt  }
0x52: {  	_ =	shalt  }
0x53: {  	_ =	shalt  }
0x54: {  	_ =	shalt  }
0x55: {  	_ =	shalt  }
0x56: {  	_ =	shalt  }
0x57: {  	_ =	shalt  }
0x58: {  	_ =	shalt  }
0x59: {  	_ =	shalt  }
0x5a: {  	_ =	shalt  }
0x5b: {  	_ =	shalt  }
0x5c: {  	_ =	shalt  }
0x5d: {  	_ =	shalt  }
0x5e: {  	_ =	shalt  }
0x5f: {  	_ =	shalt  }
0x60: {  	_ =	shalt  }
0x61: {  	_ =	shalt  }
0x62: {  	_ =	shalt  }
0x63: {  	_ =	shalt  }
0x64: {  	_ =	shalt  }
0x65: {  	_ =	shalt  }
0x66: {  	_ =	shalt  }
0x67: {  	_ =	shalt  }
0x68: {  	_ =	shalt  }
0x69: {  	_ =	shalt  }
0x6a: {  	_ =	shalt  }
0x6b: {  	_ =	shalt  }
0x6c: {  	_ =	shalt  }
0x6d: {  	_ =	shalt  }
0x6e: {  	_ =	shalt  }
0x6f: {  	_ =	shalt  }
0x70: {  	_ =	shalt  }
0x71: {  	_ =	shalt  }
0x72: {  	_ =	shalt  }
0x73: {  	_ =	shalt  }
0x74: {  	_ =	shalt  }
0x75: {  	_ =	shalt  }
0x76: {  	_ =	shalt  }
0x77: {  	_ =	shalt  }
0x78: {  	_ =	shalt  }
0x79: {  	_ =	shalt  }
0x7a: {  	_ =	shalt  }
0x7b: {  	_ =	shalt  }
0x7c: {  	_ =	shalt  }
0x7d: {  	_ =	shalt  }
0x7e: {  	_ =	shalt  }
0x7f: {  	_ =	shalt  }
0x80: {  	_ =	shalt  }
0x81: {  	_ =	shalt  }
0x82: {  	_ =	shalt  }
0x83: {  	_ =	shalt  }
0x84: {  	_ =	shalt  }
0x85: {  	_ =	shalt  }
0x86: {  	_ =	shalt  }
0x87: {  	_ =	shalt  }
.Lfunc_end0:
.L_simem_size_0:
called_computation.4_lowered:
.L_overlay_start_0:
0x88: {  	s2 =	sld [smem:$0x3FD9]  }
0x89: {  	s3 =	sld [smem:$0x3FFE];
	_ =	sdelay $0x1  }
0x8a: {  	s1 =	srdreg.scid  }
0x8b: {  	s0 =	sand.u32 $0x1, s1  }
0x8c: {  	s17 =	sshll.u32 s0, $0xA;
	s2 =	sadd.s32 s3, s2  }
0x8d: {  	s2 =	sadd.s32 s2, s17  }
0x8e: {  	[smem:$0x3FBB] =	sst s2  }
0x8f: {  	_ = 	snop  }
0x90: {  	s18 =	sld [smem:$0x3FD0];
	(tm) =	ssettm $0x1  }
0x91: {  	s19 =	sld [smem:$0x3FFB];
	_ =	sdelay $0x3  }
0x92: {  	_ =	strace s19  }
0x93: {  	s2 =	sld [smem:$0x3FFC];
	_ =	sdelay $0x3  }
0x94: {  	_ =	strace s2  }
0x95: {  	s2 =	sld [smem:$0x3FFD];
	_ =	sdelay $0x3  }
0x96: {  	_ =	strace s2  }
0x97: {  	_ =	strace $0x8FFFFFFF  }
0x98: {  	s20 =	sld [smem:$0x3FDB];
	_ =	sdelay $0x1  }
0x99: {  	s4 =	simm.s32 $_scs_section_size  }
0x9a: {  	s5 =	simm.s32 $_size__tile_overlayer_lowered;
	s6 =	simm.s32 $_tile_overlayer_lowered  }
0x9b: {  	s7 =	simm.s32 $0x1BFF;
	s21 =	sshll.u32 s6, $0x1;
	s4 =	sadd.s32 s4, s20  }
0x9c: {  	s22 =	simm.s32 $0x0;
	s5 =	sshll.u32 s5, $0x1;
	s6 =	sadd.s32 s21, s4  }
0x9d: {  	[timem:s22], [sflag:s7] =	dma.local [hbm:s6], s5  }
0x9e: {  	_ =	swait.ge [sflag:s7], s5  }
0x9f: {  	s5 =	ssub.s32 $0x0, s5;
	[sflag:s7] =	ssyncset.done $0x0  }
0xa0: {  	[sflag:s7] =	ssyncadd.s32 s5;
	_ =	sdelay $0x1  }
0xa1: {  	s23 =	simm.s32 $0x1B8B  }
0xa2: {  	_ =	swait.ge [sflag:s23], $0x1  }
0xa3: {  	[sflag:s23] =	ssyncset.done $0x0  }
0xa4: {  	[sflag:s23] =	ssyncadd.s32 $0xFFFFFFFF  }
0xa5: {  	s5 =	sld [smem:$0x0]  }
0xa6: {  	s6 =	sand.u32 $0xFFFFFFFE, s1  }
0xa7: {  	p0 =	sne.s32 s1, s6  }
0xa8: {  	s6 =	sshll.u32 @p0 s6, $0xE  }
0xa9: {  	s6 =	sadd.s32 @p0 $0x11B8D, s6;
	s7 =	sshll.u32 @p0 s5, $0x11  }
0xaa: {  	s6 =	sor.u32 @p0 s7, s6  }
0xab: {  	[sflag:s6] =	ssyncadd.remote.s32 @p0 $0x1;
	_ =	sdelay $0x1  }
0xac: {  	s6 =	simm.s32 @p0 $0x1B8D  }
0xad: {  	_ =	swait.eq @p0 [sflag:s6], $0x1  }
0xae: {  	[sflag:s6] =	ssyncadd.s32 @p0 $0xFFFFFFFF  }
0xaf: {  	s7 =	sshll.u32 @!p0 s1, $0xE  }
0xb0: {  	s7 =	sor.u32 @!p0 $0x4000, s7;
	s6 =	simm.s32 @!p0 $0x1B8D  }
0xb1: {  	s5 =	sshll.u32 @!p0 s5, $0x11;
	s7 =	sadd.s32 @!p0 $0x11B8D, s7;
	_ =	swait.eq @!p0 [sflag:s6], $0x1  }
0xb2: {  	s5 =	sor.u32 @!p0 s5, s7;
	[sflag:s6] =	ssyncadd.s32 @!p0 $0xFFFFFFFF  }
0xb3: {  	s25 =	simm.s32 $0x1B8E;
	s24 =	sld [smem:$0x3FFE];
	[sflag:s5] =	ssyncadd.remote.s32 @!p0 $0x1  }
0xb4: {  	s26 =	simm.s32 $execute0_lowered;
	[smem:$0x3FD2] =	sst s25  }
0xb5: {  	s6 =	sshll.u32 s26, $0x1;
	_ =	strace $0x80000052;
	[dreg:$0x1] =	wrdreg $0xFFFFFFFF  }
0xb6: {  	s28 =	simm.s32 $_size_execute0_lowered;
	s4 =	sadd.s32 s4, s6;
	[dreg:$0x0] =	wrdreg $0x0  }
0xb7: {  	s6 =	sshll.u32 s28, $0x1;
	[dreg:$0x2] =	wrdreg s4  }
0xb8: {  	[dreg:$0x3] =	wrdreg s6  }
0xb9: {  	[dreg:$0x4] =	wrdreg $0xC0  }
0xba: {  	_ =	task [dreg:s22], $0x5FFFF  }
0xbb: {  	[dreg:$0x1] =	wrdreg $0xFFFFFFFF  }
0xbc: {  	[dreg:$0x0] =	wrdreg $0x60  }
0xbd: {  	[dreg:$0x2] =	wrdreg s24  }
0xbe: {  	[dreg:$0x3] =	wrdreg s18  }
0xbf: {  	[dreg:$0x4] =	wrdreg $0xD  }
0xc0: {  	_ =	task.clear_ibuf [dreg:s22], $0x5FFFF;
	_ =	strace $0x90000052  }
0xc1: {  	s29 =	simm.s32 $0xD;
	_ =	strace $0x80000054  }
0xc2: {  	_ =	swait.ge [sflag:s29], $0x1  }
0xc3: {  	[sflag:s29] =	ssyncadd.s32 $0xFFFFFFFF  }
0xc4: {  	_ =	strace $0x90000054  }
0xc5: {  	_ =	sfence  }
0xc6: {  	s30 =	sld [smem:$0x0];
	_ =	sdelay $0x2  }
0xc7: {  	s31 =	sshll.u32 s1, $0xD;
	s1 =	sshrl.u32 s1, $0x2  }
0xc8: {  	s4 =	sand.u32 $0x4000, s31;
	s1 =	sadd.s32 s1, s30  }
0xc9: {  	s0 =	sor.u32 s4, s0;
	s1 =	sshll.u32 s1, $0x11  }
0xca: {  	s0 =	sor.u32 s1, s0  }
0xcb: {  	s0 =	sadd.s32 $0x8F2B, s0  }
0xcc: {  	[sflag:s0] =	ssyncadd.remote.s32 $0x1  }
0xcd: {  	_ =	sfence.sel $0xFFFF  }
0xce: {  	[dreg:$0x0] =	wrdreg $0xFFFFFFFF;
	(pc) =	sbr.abs _section_cstart, $3  }
0xcf: {  	[dreg:$0x1] =	wrdreg $0xFFFFFFFF  }
0xd0: {  	_ =	task.clear_ibuf [dreg:s22], $0x2FFFF;
	_ =	strace $0x9FFFFFFF  }
0xd1: {  	(tm) =	ssettm $0x7FFFFFFF  }
tec
execute0_lowered:
.L_overlay_start_1:
0x0: {  	(tag) =	ssettag $0x1  }
0x1: {  	s7 =	rddreg [dreg:$0x0]  }
0x2: {  	s2 =	rddreg [dreg:$0x1]  }
0x3: {  	s0 =	rddreg [dreg:$0x2]  }
0x4: {  	s4 =	srdreg.scid;
	s3 =	simm.s32 $0x0;
	s1 =	stileid.u32  }
0x5: {  	s10 =	simm.s32 $0x7;
	s11 =	simm.s32 $0x800;
	s12 =	simm.s32 $0x80  }
0x6: {  	s13 =	simm.s32 $0x1000;
	s14 =	simm.s32 $0x5000;
	s15 =	simm.s32 $0x3000  }
0x7: {  	s16 =	simm.s32 $0x7000;
	s17 =	simm.s32 $0x1;
	s18 =	simm.s32 $0x2  }
0x8: {  	s19 =	simm.s32 $0x3;
	s20 =	simm.s32 $0x4;
	s21 =	simm.s32 $0x5  }
0x9: {  	s22 =	simm.s32 $0x6;
	s23 =	simm.s32 $0x0;
	s6 =	sand.u32 $0x1, s4  }
0xa: {  	[smem:$0x7FF] =	sst s3;
	s5 =	sshll.u32 s1, $0x4;
	s4 =	sshll.u32 s6, $0x8  }
0xb: {  	_ =	strace $0x80000053;
	s9 =	ssub.s32 $0x2, s6;
	s4 =	sor.u32 s5, s4  }
0xc: {  	s6 =	sadd.s32 $0x4200, s7;
	s31 =	sshrl.u32 s9, $0x1;
	s8 =	sshll.u32 s4, $0x4  }
0xd: {  	s5 =	sadd.s32 $0x17C00, s7;
	s9 =	ssub.s32 s9, s31;
	s8 =	sadd.s32 s8, s7  }
0xe: {  	s9 =	smax.u32 s9, $0x1;
	s7 =	sadd.s32 $0x3D600, s8;
	s8 =	sadd.s32 $0x3B600, s8  }
.LBB2_1:
0xf: {  	[tilespmem:s3], [sflag:$0x7] =	stream.linear.gather [hbm4b:s7+s3], $0x800, $0x38;
	[tilespmem:$0x9000] =	vst v63  }
0x10: {  	_ =	swait.ge [sflag:s10], $0x800  }
0x11: {  	[sflag:s10] =	ssyncset.done $0x0  }
0x12: {  	[sflag:s10] =	ssyncadd.s32 $0xFFFFF800  }
0x13: {  	[tilespmem:s11], [sflag:$0x7] =	stream.linear.gather [hbm4b:s8+s3], $0x800, $0x38;
	[tilespmem:$0x9000] =	vst v63  }
0x14: {  	_ =	swait.ge [sflag:s10], $0x800  }
0x15: {  	[sflag:s10] =	ssyncset.done $0x0  }
0x16: {  	[sflag:s10] =	ssyncadd.s32 $0xFFFFF800  }
0x17: {  	[tilespmem:s13], [sflag:$0x1] =	stream.indirect.gather [hbm4b:s5+s12], $0x40, s3, s12, $0xb8;
	[tilespmem:$0x9000] =	vst v63  }
0x18: {  	s24 =	simm.s32 $0x0  }
0x19: {  	[tilespmem:s14], [sflag:$0x2] =	stream.indirect.gather [hbm4b:s6+s12], $0x40, s11, s12, $0xb8;
	[tilespmem:$0x9000] =	vst v63  }
.LBB2_2:
0x1a: {  	p0 =	seq.s32 s24, $0x0  }
0x1b: {  	s28 =	simm.s32 @!p0 $0x6  }
0x1c: {  	s26 =	sshll.u32 s24, $0x1;
	_ =	swait.ge @!p0 [sflag:s28], $0x2000  }
0x1d: {  	s25 =	sor.u32 $0x1, s26;
	[sflag:s28] =	ssyncset.done @!p0 $0x0  }
0x1e: {  	[sflag:s28] =	ssyncadd.s32 @!p0 $0xFFFFE000;
	s28 =	sshll.u32 s25, $0x7  }
0x1f: {  	[tilespmem:s15], [sflag:$0x3] =	stream.indirect.gather [hbm4b:s5+s12], $0x40, s28, s12, $0xb8;
	[tilespmem:$0x9000] =	vst v63  }
0x20: {  	s28 =	sadd.s32 $0x800, s28  }
0x21: {  	[tilespmem:s16], [sflag:$0x4] =	stream.indirect.gather [hbm4b:s6+s12], $0x40, s28, s12, $0xb8;
	[tilespmem:$0x9000] =	vst v63  }
0x22: {  	_ =	swait.ge [sflag:s17], $0x2000  }
0x23: {  	[sflag:s17] =	ssyncset.done $0x0  }
0x24: {  	[sflag:s17] =	ssyncadd.s32 $0xFFFFE000  }
0x25: {  	_ =	swait.ge [sflag:s18], $0x2000  }
0x26: {  	[sflag:s18] =	ssyncset.done $0x0  }
0x27: {  	s28 =	simm.s32 $0x0;
	[sflag:s18] =	ssyncadd.s32 $0xFFFFE000  }
0x28: {  	v5 =	vld [tilespmem:s28+$0x5000]  }
0x29: {  	v6 =	vld [tilespmem:s28+$0x5010]  }
0x2a: {  	v1 =	vld [tilespmem:s28+$0x5020]  }
0x2b: {  	v0 =	vld [tilespmem:s28+$0x5030]  }
0x2c: {  	v2 =	vld [tilespmem:s28+$0x1000]  }
0x2d: {  	v4 =	vld [tilespmem:s28+$0x1010]  }
0x2e: {  	s29 =	simm.s32 $0x100;
	v3 =	vld [tilespmem:s28+$0x1020]  }
.LBB2_3:
0x2f: {  	s30 =	sshra.s32 s29, $0x2;
	p0 =	sne.s32 s29, $0x7F00;
	v7 =	vld [tilespmem:s28+$0x1030];
	v8 =	vmov v1  }
0x30: {  	v9 =	vld [tilespmem:s30+$0x5000];
	v10 =	vmov v0  }
0x31: {  	v11 =	vld [tilespmem:s30+$0x5010];
	v2 =	vadd.bf16 v5, v2  }
.Ltmp0:
0x32: {  	v1 =	vld [tilespmem:s30+$0x5020];
	v4 =	vadd.bf16 v6, v4;
	(pc) =	sbr.rel @p0 .LBB2_3-.Ltmp0, $4  }
0x33: {  	v0 =	vld [tilespmem:s30+$0x5030];
	[tilespmem:s28+$0x1000] =	vst v2;
	v3 =	vadd.bf16 v8, v3  }
0x34: {  	v2 =	vld [tilespmem:s30+$0x1000];
	[tilespmem:s28+$0x1010] =	vst v4;
	v7 =	vadd.bf16 v10, v7  }
0x35: {  	v4 =	vld [tilespmem:s30+$0x1010];
	[tilespmem:s28+$0x1020] =	vst v3;
	v5 =	vmov v9  }
0x36: {  	s29 =	sadd.s32 $0x100, s29;
	v3 =	vld [tilespmem:s30+$0x1020];
	[tilespmem:s28+$0x1030] =	vst v7;
	v6 =	vmov v11;
	s28 =	smov.u32 s30  }
0x37: {  	v7 =	vld [tilespmem:s28+$0x1030];
	_ =	sdelay $0x1  }
0x38: {  	v2 =	vadd.bf16 v5, v2  }
0x39: {  	v4 =	vadd.bf16 v6, v4  }
0x3a: {  	[tilespmem:s28+$0x1000] =	vst v2;
	v1 =	vadd.bf16 v1, v3  }
0x3b: {  	s26 =	sadd.s32 s4, s26;
	[tilespmem:s28+$0x1010] =	vst v4;
	v0 =	vadd.bf16 v0, v7  }
0x3c: {  	s26 =	sshll.u32 s26, $0xA;
	[tilespmem:s28+$0x1020] =	vst v1  }
0x3d: {  	p0 =	seq.s32 s24, $0x7;
	s26 =	sadd.s32 s2, s26;
	[tilespmem:s28+$0x1030] =	vst v0  }
0x3e: {  	[hbm4b:s26+s3] =	stream.linear.scatter [tilespmem:s13], [sflag:$0x5], $0x2000, $0x38;
	[tilespmem:$0x9000] =	vst v63  }
0x3f: {  	s26 =	simm.s32 @!p0 $0x5  }
0x40: {  	_ =	swait.ge @!p0 [sflag:s26], $0x2000  }
0x41: {  	[sflag:s26] =	ssyncset.done @!p0 $0x0  }
0x42: {  	[sflag:s26] =	ssyncadd.s32 @!p0 $0xFFFFE000;
	s26 =	sshll.u32 @!p0 s24, $0x8  }
0x43: {  	s29 =	simm.s32 @!p0 $0x80;
	s30 =	simm.s32 @!p0 $0x1000;
	s28 =	sadd.s32 @!p0 $0x100, s26  }
0x44: {  	[tilespmem:s30], [sflag:$0x1] =	stream.indirect.gather @!p0 [hbm4b:s5+s29], $0x40, s28, s29, $0xb8;
	[tilespmem:$0x9000] =	vst v63  }
0x45: {  	s26 =	sadd.s32 @!p0 $0x900, s26;
	s28 =	simm.s32 @!p0 $0x5000  }
0x46: {  	[tilespmem:s28], [sflag:$0x2] =	stream.indirect.gather @!p0 [hbm4b:s6+s29], $0x40, s26, s29, $0xb8;
	[tilespmem:$0x9000] =	vst v63  }
0x47: {  	_ =	swait.ge [sflag:s19], $0x2000  }
0x48: {  	[sflag:s19] =	ssyncset.done $0x0  }
0x49: {  	[sflag:s19] =	ssyncadd.s32 $0xFFFFE000  }
0x4a: {  	_ =	swait.ge [sflag:s20], $0x2000  }
0x4b: {  	[sflag:s20] =	ssyncset.done $0x0  }
0x4c: {  	s26 =	simm.s32 $0x0;
	[sflag:s20] =	ssyncadd.s32 $0xFFFFE000  }
0x4d: {  	v5 =	vld [tilespmem:s26+$0x7000]  }
0x4e: {  	v6 =	vld [tilespmem:s26+$0x7010]  }
0x4f: {  	v1 =	vld [tilespmem:s26+$0x7020]  }
0x50: {  	v0 =	vld [tilespmem:s26+$0x7030]  }
0x51: {  	v2 =	vld [tilespmem:s26+$0x3000]  }
0x52: {  	v4 =	vld [tilespmem:s26+$0x3010]  }
0x53: {  	s28 =	simm.s32 $0x100;
	v3 =	vld [tilespmem:s26+$0x3020]  }
.LBB2_5:
0x54: {  	s29 =	sshra.s32 s28, $0x2;
	p0 =	sne.s32 s28, $0x7F00;
	v7 =	vld [tilespmem:s26+$0x3030];
	v8 =	vmov v1  }
0x55: {  	v9 =	vld [tilespmem:s29+$0x7000];
	v10 =	vmov v0  }
0x56: {  	v11 =	vld [tilespmem:s29+$0x7010];
	v2 =	vadd.bf16 v5, v2  }
.Ltmp1:
0x57: {  	v1 =	vld [tilespmem:s29+$0x7020];
	v4 =	vadd.bf16 v6, v4;
	(pc) =	sbr.rel @p0 .LBB2_5-.Ltmp1, $4  }
0x58: {  	v0 =	vld [tilespmem:s29+$0x7030];
	[tilespmem:s26+$0x3000] =	vst v2;
	v3 =	vadd.bf16 v8, v3  }
0x59: {  	v2 =	vld [tilespmem:s29+$0x3000];
	[tilespmem:s26+$0x3010] =	vst v4;
	v7 =	vadd.bf16 v10, v7  }
0x5a: {  	v4 =	vld [tilespmem:s29+$0x3010];
	[tilespmem:s26+$0x3020] =	vst v3;
	v5 =	vmov v9  }
0x5b: {  	s28 =	sadd.s32 $0x100, s28;
	v3 =	vld [tilespmem:s29+$0x3020];
	[tilespmem:s26+$0x3030] =	vst v7;
	v6 =	vmov v11;
	s26 =	smov.u32 s29  }
0x5c: {  	v7 =	vld [tilespmem:s26+$0x3030];
	_ =	sdelay $0x1  }
0x5d: {  	s24 =	sadd.s32 $0x1, s24;
	v2 =	vadd.bf16 v5, v2  }
0x5e: {  	p0 =	sne.s32 s24, $0x8;
	v4 =	vadd.bf16 v6, v4  }
.Ltmp2:
0x5f: {  	[tilespmem:s26+$0x3000] =	vst v2;
	v1 =	vadd.bf16 v1, v3;
	(pc) =	sbr.rel @p0 .LBB2_2-.Ltmp2, $4  }
0x60: {  	s25 =	sadd.s32 s4, s25;
	[tilespmem:s26+$0x3010] =	vst v4;
	v0 =	vadd.bf16 v0, v7  }
0x61: {  	s25 =	sshll.u32 s25, $0xA;
	[tilespmem:s26+$0x3020] =	vst v1  }
0x62: {  	s25 =	sadd.s32 s2, s25;
	[tilespmem:s26+$0x3030] =	vst v0  }
0x63: {  	[hbm4b:s25+s3] =	stream.linear.scatter [tilespmem:s15], [sflag:$0x6], $0x2000, $0x38;
	[tilespmem:$0x9000] =	vst v63  }
0x64: {  	s23 =	sadd.s32 $0x1, s23  }
0x65: {  	_ =	swait.ge [sflag:s21], $0x2000;
	p0 =	sne.s32 s23, s9  }
.Ltmp3:
0x66: {  	[sflag:s21] =	ssyncset.done $0x0;
	(pc) =	sbr.rel @p0 .LBB2_1-.Ltmp3, $4  }
0x67: {  	[sflag:s21] =	ssyncadd.s32 $0xFFFFE000  }
0x68: {  	_ =	swait.ge [sflag:s22], $0x2000  }
0x69: {  	[sflag:s22] =	ssyncset.done $0x0  }
0x6a: {  	[sflag:s22] =	ssyncadd.s32 $0xFFFFE000  }
0x6b: {  	_ =	sfence.sel $0x180000  }
0x6c: {  	[bflag:$0x0] =	sbarrier.arrive $0xFFFF  }
0x6d: {  	p0 =	sne.s32 s1, $0x0;
	_ =	strace $0x90000053  }
0x6e: {  	s0 =	sadd.s32 @!p0 $0x100000, s0;
	[bflag:$0x2] =	sbarrier.arrive $0xFFFF  }
0x6f: {  	[sflag:s0] =	ssyncadd.tile.s32 @!p0 $0x1;
	_ =	shalt  }
.Lfunc_end2:
_tile_overlayer_lowered:
.L_overlay_start_2:
0x70: {  	(tag) =	ssettag $0x2  }
0x71: {  	s0 =	rddreg [dreg:$0x0];
	s2 =	stileid.u32  }
0x72: {  	s1 =	rddreg [dreg:$0x1];
	p0 =	sne.s32 s2, $0x0  }
0x73: {  	s3 =	rddreg [dreg:$0x2];
	[bflag:$0x3] =	sbarrier.arrive $0xFFFF;
	s2 =	simm.s32 @!p0 $0x1C07  }
0x74: {  	[timem:s3], [sflag:s2] =	dma.local @!p0 [hbm:s0], s1  }
0x75: {  	s0 =	simm.s32 @!p0 $0x7  }
0x76: {  	_ =	swait.ge @!p0 [sflag:s0], s1  }
0x77: {  	s1 =	ssub.s32 @!p0 $0x0, s1;
	[sflag:s0] =	ssyncset.done @!p0 $0x0  }
0x78: {  	[sflag:s0] =	ssyncadd.s32 @!p0 s1  }
0x79: {  	[bflag:$0x3] =	sbarrier.arrive $0xFFFF  }
0x7a: {  	_ =	shalt  }

</sc_bundles>
